<compile_context>
chip_gen: v7x
topology: tpu7x:2x2x1
jax: 0.10.2.dev20260603
libtpu: 0.0.44.dev20260713+nightly
codegen_flags: <defaults>
</compile_context>

<pallas_src>
import functools

import jax
import jax.numpy as jnp
from jax import lax
from jax.experimental import pallas as pl
from jax.experimental.pallas import tpu as pltpu
from jax.experimental.pallas import tpu_sc as plsc

B = 128
V = 100000
L = 16
NC = 2
NS = 16
NW = NC * NS
ROWS_PER_W = B // NW
NVEC = V // L
VPW = 50
NWIN = NVEC // VPW
NEG_INF = float("-inf")

W1_OFF, B1_OFF, W2_OFF, B2_OFF, W3_OFF, B3_OFF, W_PAD = 0, 50, 55, 80, 85, 90, 96


def _sc_body(inp_hbm, tok_hbm, w_hbm, out_hbm,
             row_v, tok_v, stage_v, w_v):
    c = lax.axis_index("c")
    s = lax.axis_index("s")
    wid = s * NC + c
    base_row = wid * ROWS_PER_W
    tok_base = (wid // 4) * 16
    pltpu.sync_copy(tok_hbm.at[pl.ds(tok_base, 16)], tok_v)
    pltpu.sync_copy(w_hbm, w_v)
    iota = lax.iota(jnp.int32, L)
    lane5 = iota < 5

    for r in range(ROWS_PER_W):
        row = base_row + r
        pltpu.sync_copy(inp_hbm.at[row], row_v)

        def win_body(g, carry):
            Rk, Rv = carry
            base = pl.multiple_of(g * (VPW * L), L)
            m = row_v[pl.ds(base, L)]
            for cc in range(1, VPW):
                m = jnp.maximum(m, row_v[pl.ds(base + cc * L, L)])
            vals = g * L + iota
            sk, sv = plsc.sort_key_val(m, vals, descending=False)
            take = Rk >= sk
            mk = jnp.where(take, Rk, sk)
            mv = jnp.where(take, Rv, sv)
            return tuple(plsc.sort_key_val(mk, mv, descending=True))

        Rk0 = jnp.full((L,), NEG_INF, jnp.float32)
        Rv0 = jnp.zeros((L,), jnp.int32)
        _, Rv = lax.fori_loop(0, NWIN, win_body, (Rk0, Rv0))

        win_id = lax.shift_right_logical(Rv, 4)
        lane = jnp.bitwise_and(Rv, L - 1)
        gbase = win_id * (VPW * L) + lane

        def c_body(cc, RT):
            gath = plsc.load_gather(row_v, [gbase + cc * L])
            merged = jnp.maximum(RT, jnp.sort(gath))
            return lax.rev(jnp.sort(merged), (0,))

        RT = lax.fori_loop(0, VPW, c_body,
                           jnp.full((L,), NEG_INF, jnp.float32))
        m_s = lax.reduce_max(RT, (0,))

        def lane_extract(vec, i):
            return lax.reduce_max(
                jnp.where(iota == i, vec, NEG_INF), (0,))

        acc1 = plsc.load_gather(w_v, [B1_OFF + iota])
        for i in range(10):
            ti = lane_extract(RT, i)
            col = plsc.load_gather(
                w_v, [jnp.where(lane5, W1_OFF + 10 * iota + i, 0)])
            acc1 = acc1 + ti * col
        h1 = jnp.maximum(jnp.where(lane5, acc1, 0.0), 0.0)

        acc2 = plsc.load_gather(w_v, [B2_OFF + iota])
        for i in range(5):
            hi = lane_extract(h1, i)
            col = plsc.load_gather(
                w_v, [jnp.where(lane5, W2_OFF + 5 * iota + i, 0)])
            acc2 = acc2 + hi * col
        h2 = jnp.maximum(jnp.where(lane5, acc2, 0.0), 0.0)

        w3 = plsc.load_gather(w_v, [jnp.where(lane5, W3_OFF + iota, 0)])
        s3 = jnp.sum(jnp.where(lane5, h2 * w3, 0.0))
        b3v = plsc.load_gather(w_v, [jnp.full((L,), B3_OFF, jnp.int32)])
        temp = jnp.clip(jnp.abs(s3 + b3v), 1e-8, 1e8)
        inv_t = 1.0 / temp

        tok_splat = plsc.load_gather(
            tok_v, [jnp.full((L,), (wid % 4) * 4 + r, jnp.int32)])
        gval = plsc.load_gather(row_v, [tok_splat])
        num = jnp.exp((gval - m_s) * inv_t)

        def e_body(q, accs):
            a0, a1, a2, a3 = accs
            ebase = pl.multiple_of(q * (10 * L), L)
            chains = [a0, a1, a2, a3]
            for u in range(10):
                v = row_v[pl.ds(ebase + u * L, L)]
                chains[u % 4] = chains[u % 4] + jnp.exp((v - m_s) * inv_t)
            return tuple(chains)

        z = jnp.zeros((L,), jnp.float32)
        a0, a1, a2, a3 = lax.fori_loop(0, NVEC // 10, e_body, (z, z, z, z))
        den = jnp.sum((a0 + a1) + (a2 + a3))

        stage_v[...] = jnp.where(iota == 0, num / den, 0.0)
        pltpu.sync_copy(stage_v, out_hbm.at[row])


@functools.cache
def _sc_topk():
    return functools.partial(
        pl.kernel,
        mesh=plsc.VectorSubcoreMesh(core_axis_name="c", subcore_axis_name="s"),
        compiler_params=pltpu.CompilerParams(needs_layout_passes=False),
        out_type=jax.ShapeDtypeStruct((B, L), jnp.float32),
        scratch_types=[
            pltpu.VMEM((V,), jnp.float32),
            pltpu.VMEM((16,), jnp.int32),
            pltpu.VMEM((L,), jnp.float32),
            pltpu.VMEM((W_PAD,), jnp.float32),
        ],
    )(_sc_body)


CW = 8192
NCH = -(-V // CW)


def _tc_body(sc_ref, inp_ref, out_ref, acc_ref):
    j = pl.program_id(0)
    m = sc_ref[:, 0:1]
    it = sc_ref[:, 1:2]
    e = jnp.exp((inp_ref[...] - m) * it)

    @pl.when(j == 0)
    def _():
        acc_ref[...] = jnp.zeros_like(acc_ref)

    @pl.when(j < NCH - 1)
    def _():
        acc_ref[...] = acc_ref[...] + jnp.sum(e, axis=1, keepdims=True)

    @pl.when(j == NCH - 1)
    def _():
        cols = j * CW + lax.broadcasted_iota(jnp.int32, (B, CW), 1)
        e0 = jnp.where(cols < V, e, 0.0)
        den = acc_ref[...] + jnp.sum(e0, axis=1, keepdims=True)
        out_ref[...] = sc_ref[:, 2:3] / den


_tc_softmax = pl.pallas_call(
    _tc_body,
    grid=(NCH,),
    in_specs=[
        pl.BlockSpec((B, L), lambda j: (0, 0)),
        pl.BlockSpec((B, CW), lambda j: (0, j)),
    ],
    out_specs=pl.BlockSpec((B, 1), lambda j: (0, 0)),
    out_shape=jax.ShapeDtypeStruct((B, 1), jnp.float32),
    scratch_shapes=[pltpu.VMEM((B, 1), jnp.float32)],
    compiler_params=pltpu.CompilerParams(
        dimension_semantics=("arbitrary",)),
)


def kernel(inp, tokens, W1, b1, W2, b2, W3, b3):
    tokens = tokens.astype(jnp.int32)
    wflat = jnp.concatenate([
        W1.reshape(-1), b1, W2.reshape(-1), b2, W3.reshape(-1), b3,
        jnp.zeros((W_PAD - 91,), jnp.float32)])
    scv = _sc_topk()(inp, tokens, wflat)
    return scv[:, 0]

# --- scband reference (transcript-rebuilt; emitter-appended) ---
"""Pipeline reference for scband-ptsmodel-47278999994569 (READ-ONLY COPY).

The authoritative reference and input builder live on the scoring server;
editing this copy changes nothing except your own understanding.
"""

import jax, jax.numpy as jnp
import numpy as np

B = 128
V = 100000
LAYER_SIZES = (10, 5, 5)


def setup_inputs(seed: int = 0) -> dict:
    key = jax.random.key(seed)
    k_inp, k_tok, k1, k2, k3, k4, k5, k6 = jax.random.split(key, 8)
    inp = jax.random.normal(k_inp, (B, V), dtype=jnp.float32)
    tokens = jax.random.randint(k_tok, (B,), 0, V, dtype=jnp.int64)
    # PTS MLP params: Linear(10->5), ReLU, Linear(5->5), ReLU, Linear(5->1), Abs
    W1 = jax.random.normal(k1, (5, 10), dtype=jnp.float32) * 0.1
    b1 = jax.random.normal(k2, (5,), dtype=jnp.float32) * 0.1
    W2 = jax.random.normal(k3, (5, 5), dtype=jnp.float32) * 0.1
    b2 = jax.random.normal(k4, (5,), dtype=jnp.float32) * 0.1
    W3 = jax.random.normal(k5, (1, 5), dtype=jnp.float32) * 0.1
    b3 = jax.random.normal(k6, (1,), dtype=jnp.float32) * 0.1
    return {"inp": inp, "tokens": tokens, "W1": W1, "b1": b1, "W2": W2, "b2": b2, "W3": W3, "b3": b3}


def reference(inp, tokens, W1, b1, W2, b2, W3, b3):
    k = LAYER_SIZES[0]
    # top-k values over vocab, sorted descending
    tv, _ = jax.lax.top_k(inp, k)
    t = -jnp.sort(-tv, axis=1)
    # temperature MLP: Linear -> ReLU -> Linear -> ReLU -> Linear -> Abs
    h = jnp.maximum(t @ W1.T + b1, 0.0)
    h = jnp.maximum(h @ W2.T + b2, 0.0)
    h = jnp.abs(h @ W3.T + b3)  # [B, 1]
    temp = jnp.clip(h, 1e-08, 100000000.0)
    x = inp / temp
    x = jax.nn.softmax(x, axis=1)
    out = jnp.take_along_axis(x, tokens[:, None], axis=1).squeeze(1)
    return out

if __name__ == "__main__":
    import jax
    _d = setup_inputs()
    print(jax.jit(kernel)(*tuple(_d.values())))

</pallas_src>

<mosaic_0001>
#map = affine_map<(d0, d1) -> (0, 0)>
#map1 = affine_map<(d0, d1) -> (0)>
module attributes {stable_mosaic.version = 14 : i64} {
  func.func @_sc_body(%arg0: i32, %arg1: i32, %arg2: memref<128x100000xf32, #tpu.memory_space<hbm>>, %arg3: memref<128xi32, #tpu.memory_space<hbm>>, %arg4: memref<96xf32, #tpu.memory_space<hbm>>, %arg5: memref<128x16xf32, #tpu.memory_space<hbm>>, %arg6: memref<100000xf32, #tpu.memory_space<vmem>>, %arg7: memref<16xi32, #tpu.memory_space<vmem>>, %arg8: memref<16xf32, #tpu.memory_space<vmem>>, %arg9: memref<96xf32, #tpu.memory_space<vmem>>) attributes {dimension_semantics = [#tpu.dimension_semantics<core_parallel>, #tpu.dimension_semantics<subcore_parallel>], iteration_bounds = array<i64: 2, 16>, scalar_prefetch = 0 : i64, scratch_operands = 4 : i64, tpu.core_type = #tpu.core_type<sc_vector_subcore>, window_params = [{transform_indices = #map}, {transform_indices = #map1}, {transform_indices = #map1}, {transform_indices = #map}]} {
    %mul3A = arith.constant 2 : i32
    %mul3A_0 = arith.muli %arg1, %mul3A : i32
    %add3A = arith.addi %mul3A_0, %arg0 : i32
    %mul3A_1 = arith.constant 4 : i32
    %mul3A_2 = arith.muli %add3A, %mul3A_1 : i32
    %jit3A = arith.constant 4 : i32
    %div3A = arith.divsi %add3A, %jit3A : i32
    %sign3A = arith.constant 0 : i32
    %sign3A_3 = arith.cmpi sgt, %add3A, %sign3A : i32
    %sign3A_4 = arith.extui %sign3A_3 : i1 to i32
    %sign3A_5 = arith.constant 0 : i32
    %sign3A_6 = arith.cmpi slt, %add3A, %sign3A_5 : i32
    %sign3A_7 = arith.extui %sign3A_6 : i1 to i32
    %sign3A_8 = arith.subi %sign3A_4, %sign3A_7 : i32
    %sign3A_9 = arith.constant 0 : i32
    %sign3A_10 = arith.cmpi sgt, %jit3A, %sign3A_9 : i32
    %sign3A_11 = arith.extui %sign3A_10 : i1 to i32
    %sign3A_12 = arith.constant 0 : i32
    %sign3A_13 = arith.cmpi slt, %jit3A, %sign3A_12 : i32
    %sign3A_14 = arith.extui %sign3A_13 : i1 to i32
    %sign3A_15 = arith.subi %sign3A_11, %sign3A_14 : i32
    %ne3A = arith.cmpi ne, %sign3A_8, %sign3A_15 : i32
    %rem3A = arith.remsi %add3A, %jit3A : i32
    %ne3A_16 = arith.constant 0 : i32
    %ne3A_17 = arith.cmpi ne, %rem3A, %ne3A_16 : i32
    %and3A = arith.andi %ne3A, %ne3A_17 : i1
    %sub3A = arith.constant 1 : i32
    %sub3A_18 = arith.subi %div3A, %sub3A : i32
    %select_n3A = arith.select %and3A, %sub3A_18, %div3A : i32
    %mul3A_19 = arith.constant 16 : i32
    %mul3A_20 = arith.muli %select_n3A, %mul3A_19 : i32
    "tpu.region"() ({
      %run_scoped3A = tpu.sem_alloc : memref<!tpu.dma_semaphore, #tpu.memory_space<semaphore_mem>>
      %dma_start3A = tpu.memref_slice %arg3[%mul3A_20] : memref<128xi32, #tpu.memory_space<hbm>> -> memref<16xi32, #tpu.memory_space<hbm>>
      %dma_start3A_2115 = tpu.memref_slice %arg3[%mul3A_20] : memref<128xi32, #tpu.memory_space<hbm>> -> memref<16xi32, #tpu.memory_space<hbm>>
      tpu.enqueue_dma source(%dma_start3A_2115 : memref<16xi32, #tpu.memory_space<hbm>>) target(%arg7 : memref<16xi32, #tpu.memory_space<vmem>>) target_semaphore(%run_scoped3A : memref<!tpu.dma_semaphore, #tpu.memory_space<semaphore_mem>>)
      %dma_wait3A = tpu.memref_slice %arg3[%mul3A_20] : memref<128xi32, #tpu.memory_space<hbm>> -> memref<16xi32, #tpu.memory_space<hbm>>
      %dma_wait3A_2116 = tpu.memref_slice %arg3[%mul3A_20] : memref<128xi32, #tpu.memory_space<hbm>> -> memref<16xi32, #tpu.memory_space<hbm>>
      tpu.wait_dma2 semaphore(%run_scoped3A : memref<!tpu.dma_semaphore, #tpu.memory_space<semaphore_mem>>) src(%dma_wait3A_2116 : memref<16xi32, #tpu.memory_space<hbm>>) dst(%arg7 : memref<16xi32, #tpu.memory_space<vmem>>)
      tpu.yield
    }) : () -> ()
    "tpu.region"() ({
      %run_scoped3A = tpu.sem_alloc : memref<!tpu.dma_semaphore, #tpu.memory_space<semaphore_mem>>
      tpu.enqueue_dma source(%arg4 : memref<96xf32, #tpu.memory_space<hbm>>) target(%arg9 : memref<96xf32, #tpu.memory_space<vmem>>) target_semaphore(%run_scoped3A : memref<!tpu.dma_semaphore, #tpu.memory_space<semaphore_mem>>)
      tpu.wait_dma2 semaphore(%run_scoped3A : memref<!tpu.dma_semaphore, #tpu.memory_space<semaphore_mem>>) src(%arg4 : memref<96xf32, #tpu.memory_space<hbm>>) dst(%arg9 : memref<96xf32, #tpu.memory_space<vmem>>)
      tpu.yield
    }) : () -> ()
    %iota3A = tpu.iota {dimensions = array<i32: 0>} : vector<16xi32>
    %lt3A = arith.constant 5 : i32
    %lt3A_21 = vector.broadcast %lt3A : i32 to vector<16xi32>
    %lt3A_22 = arith.cmpi slt, %iota3A, %lt3A_21 : vector<16xi32>
    %add3A_23 = arith.constant 0 : i32
    %add3A_24 = arith.addi %mul3A_2, %add3A_23 : i32
    "tpu.region"() ({
      %run_scoped3A = tpu.sem_alloc : memref<!tpu.dma_semaphore, #tpu.memory_space<semaphore_mem>>
      %dma_start3A = arith.constant 0 : i32
      %dma_start3A_2115 = tpu.memref_slice %arg2[%add3A_24, %dma_start3A] : memref<128x100000xf32, #tpu.memory_space<hbm>> -> memref<1x100000xf32, #tpu.memory_space<hbm>>
      %dma_start3A_2116 = tpu.memref_squeeze %dma_start3A_2115 : memref<1x100000xf32, #tpu.memory_space<hbm>> -> memref<100000xf32, #tpu.memory_space<hbm>>
      %dma_start3A_2117 = arith.constant 0 : i32
      %dma_start3A_2118 = tpu.memref_slice %arg2[%add3A_24, %dma_start3A_2117] : memref<128x100000xf32, #tpu.memory_space<hbm>> -> memref<1x100000xf32, #tpu.memory_space<hbm>>
      %dma_start3A_2119 = tpu.memref_squeeze %dma_start3A_2118 : memref<1x100000xf32, #tpu.memory_space<hbm>> -> memref<100000xf32, #tpu.memory_space<hbm>>
      tpu.enqueue_dma source(%dma_start3A_2119 : memref<100000xf32, #tpu.memory_space<hbm>>) target(%arg6 : memref<100000xf32, #tpu.memory_space<vmem>>) target_semaphore(%run_scoped3A : memref<!tpu.dma_semaphore, #tpu.memory_space<semaphore_mem>>)
      %dma_wait3A = arith.constant 0 : i32
      %dma_wait3A_2120 = tpu.memref_slice %arg2[%add3A_24, %dma_wait3A] : memref<128x100000xf32, #tpu.memory_space<hbm>> -> memref<1x100000xf32, #tpu.memory_space<hbm>>
      %dma_wait3A_2121 = tpu.memref_squeeze %dma_wait3A_2120 : memref<1x100000xf32, #tpu.memory_space<hbm>> -> memref<100000xf32, #tpu.memory_space<hbm>>
      %dma_wait3A_2122 = arith.constant 0 : i32
      %dma_wait3A_2123 = tpu.memref_slice %arg2[%add3A_24, %dma_wait3A_2122] : memref<128x100000xf32, #tpu.memory_space<hbm>> -> memref<1x100000xf32, #tpu.memory_space<hbm>>
      %dma_wait3A_2124 = tpu.memref_squeeze %dma_wait3A_2123 : memref<1x100000xf32, #tpu.memory_space<hbm>> -> memref<100000xf32, #tpu.memory_space<hbm>>
      tpu.wait_dma2 semaphore(%run_scoped3A : memref<!tpu.dma_semaphore, #tpu.memory_space<semaphore_mem>>) src(%dma_wait3A_2124 : memref<100000xf32, #tpu.memory_space<hbm>>) dst(%arg6 : memref<100000xf32, #tpu.memory_space<vmem>>)
      tpu.yield
    }) : () -> ()
    %broadcast_in_dim3A = arith.constant 0xFF800000 : f32
    %broadcast_in_dim3A_25 = vector.broadcast %broadcast_in_dim3A : f32 to vector<16xf32>
    %broadcast_in_dim3A_26 = arith.constant 0 : i32
    %broadcast_in_dim3A_27 = vector.broadcast %broadcast_in_dim3A_26 : i32 to vector<16xi32>
    %scan3A = arith.constant 0 : i32
    %scan3A_28 = arith.constant 125 : i32
    %scan3A_29 = arith.addi %scan3A, %scan3A_28 : i32
    %scan3A_30 = arith.constant 1 : i32
    %scan3A_31:2 = scf.for %scan3A_2115 = %scan3A to %scan3A_29 step %scan3A_30 iter_args(%scan3A_2116 = %broadcast_in_dim3A_25, %scan3A_2117 = %broadcast_in_dim3A_27) -> (vector<16xf32>, vector<16xi32>)  : i32 {
      %mul3A_2118 = arith.constant 800 : i32
      %mul3A_2119 = arith.muli %scan3A_2115, %mul3A_2118 : i32
      %multiple_of3A = tpu.assume_multiple %mul3A_2119, 16 : i32
      %get3A = arith.index_cast %multiple_of3A : i32 to index
      %get3A_2120 = tpu.vector_load %arg6[%get3A] {strides = array<i32>} : memref<100000xf32, #tpu.memory_space<vmem>>, vector<16xf32>,
      %add3A_2121 = arith.constant 16 : i32
      %add3A_2122 = arith.addi %multiple_of3A, %add3A_2121 : i32
      %get3A_2123 = arith.index_cast %add3A_2122 : i32 to index
      %get3A_2124 = tpu.vector_load %arg6[%get3A_2123] {strides = array<i32>} : memref<100000xf32, #tpu.memory_space<vmem>>, vector<16xf32>,
      %max3A_2125 = arith.maximumf %get3A_2120, %get3A_2124 : vector<16xf32>
      %add3A_2126 = arith.constant 32 : i32
      %add3A_2127 = arith.addi %multiple_of3A, %add3A_2126 : i32
      %get3A_2128 = arith.index_cast %add3A_2127 : i32 to index
      %get3A_2129 = tpu.vector_load %arg6[%get3A_2128] {strides = array<i32>} : memref<100000xf32, #tpu.memory_space<vmem>>, vector<16xf32>,
      %max3A_2130 = arith.maximumf %max3A_2125, %get3A_2129 : vector<16xf32>
      %add3A_2131 = arith.constant 48 : i32
      %add3A_2132 = arith.addi %multiple_of3A, %add3A_2131 : i32
      %get3A_2133 = arith.index_cast %add3A_2132 : i32 to index
      %get3A_2134 = tpu.vector_load %arg6[%get3A_2133] {strides = array<i32>} : memref<100000xf32, #tpu.memory_space<vmem>>, vector<16xf32>,
      %max3A_2135 = arith.maximumf %max3A_2130, %get3A_2134 : vector<16xf32>
      %add3A_2136 = arith.constant 64 : i32
      %add3A_2137 = arith.addi %multiple_of3A, %add3A_2136 : i32
      %get3A_2138 = arith.index_cast %add3A_2137 : i32 to index
      %get3A_2139 = tpu.vector_load %arg6[%get3A_2138] {strides = array<i32>} : memref<100000xf32, #tpu.memory_space<vmem>>, vector<16xf32>,
      %max3A_2140 = arith.maximumf %max3A_2135, %get3A_2139 : vector<16xf32>
      %add3A_2141 = arith.constant 80 : i32
      %add3A_2142 = arith.addi %multiple_of3A, %add3A_2141 : i32
      %get3A_2143 = arith.index_cast %add3A_2142 : i32 to index
      %get3A_2144 = tpu.vector_load %arg6[%get3A_2143] {strides = array<i32>} : memref<100000xf32, #tpu.memory_space<vmem>>, vector<16xf32>,
      %max3A_2145 = arith.maximumf %max3A_2140, %get3A_2144 : vector<16xf32>
      %add3A_2146 = arith.constant 96 : i32
      %add3A_2147 = arith.addi %multiple_of3A, %add3A_2146 : i32
      %get3A_2148 = arith.index_cast %add3A_2147 : i32 to index
      %get3A_2149 = tpu.vector_load %arg6[%get3A_2148] {strides = array<i32>} : memref<100000xf32, #tpu.memory_space<vmem>>, vector<16xf32>,
      %max3A_2150 = arith.maximumf %max3A_2145, %get3A_2149 : vector<16xf32>
      %add3A_2151 = arith.constant 112 : i32
      %add3A_2152 = arith.addi %multiple_of3A, %add3A_2151 : i32
      %get3A_2153 = arith.index_cast %add3A_2152 : i32 to index
      %get3A_2154 = tpu.vector_load %arg6[%get3A_2153] {strides = array<i32>} : memref<100000xf32, #tpu.memory_space<vmem>>, vector<16xf32>,
      %max3A_2155 = arith.maximumf %max3A_2150, %get3A_2154 : vector<16xf32>
      %add3A_2156 = arith.constant 128 : i32
      %add3A_2157 = arith.addi %multiple_of3A, %add3A_2156 : i32
      %get3A_2158 = arith.index_cast %add3A_2157 : i32 to index
      %get3A_2159 = tpu.vector_load %arg6[%get3A_2158] {strides = array<i32>} : memref<100000xf32, #tpu.memory_space<vmem>>, vector<16xf32>,
      %max3A_2160 = arith.maximumf %max3A_2155, %get3A_2159 : vector<16xf32>
      %add3A_2161 = arith.constant 144 : i32
      %add3A_2162 = arith.addi %multiple_of3A, %add3A_2161 : i32
      %get3A_2163 = arith.index_cast %add3A_2162 : i32 to index
      %get3A_2164 = tpu.vector_load %arg6[%get3A_2163] {strides = array<i32>} : memref<100000xf32, #tpu.memory_space<vmem>>, vector<16xf32>,
      %max3A_2165 = arith.maximumf %max3A_2160, %get3A_2164 : vector<16xf32>
      %add3A_2166 = arith.constant 160 : i32
      %add3A_2167 = arith.addi %multiple_of3A, %add3A_2166 : i32
      %get3A_2168 = arith.index_cast %add3A_2167 : i32 to index
      %get3A_2169 = tpu.vector_load %arg6[%get3A_2168] {strides = array<i32>} : memref<100000xf32, #tpu.memory_space<vmem>>, vector<16xf32>,
      %max3A_2170 = arith.maximumf %max3A_2165, %get3A_2169 : vector<16xf32>
      %add3A_2171 = arith.constant 176 : i32
      %add3A_2172 = arith.addi %multiple_of3A, %add3A_2171 : i32
      %get3A_2173 = arith.index_cast %add3A_2172 : i32 to index
      %get3A_2174 = tpu.vector_load %arg6[%get3A_2173] {strides = array<i32>} : memref<100000xf32, #tpu.memory_space<vmem>>, vector<16xf32>,
      %max3A_2175 = arith.maximumf %max3A_2170, %get3A_2174 : vector<16xf32>
      %add3A_2176 = arith.constant 192 : i32
      %add3A_2177 = arith.addi %multiple_of3A, %add3A_2176 : i32
      %get3A_2178 = arith.index_cast %add3A_2177 : i32 to index
      %get3A_2179 = tpu.vector_load %arg6[%get3A_2178] {strides = array<i32>} : memref<100000xf32, #tpu.memory_space<vmem>>, vector<16xf32>,
      %max3A_2180 = arith.maximumf %max3A_2175, %get3A_2179 : vector<16xf32>
      %add3A_2181 = arith.constant 208 : i32
      %add3A_2182 = arith.addi %multiple_of3A, %add3A_2181 : i32
      %get3A_2183 = arith.index_cast %add3A_2182 : i32 to index
      %get3A_2184 = tpu.vector_load %arg6[%get3A_2183] {strides = array<i32>} : memref<100000xf32, #tpu.memory_space<vmem>>, vector<16xf32>,
      %max3A_2185 = arith.maximumf %max3A_2180, %get3A_2184 : vector<16xf32>
      %add3A_2186 = arith.constant 224 : i32
      %add3A_2187 = arith.addi %multiple_of3A, %add3A_2186 : i32
      %get3A_2188 = arith.index_cast %add3A_2187 : i32 to index
      %get3A_2189 = tpu.vector_load %arg6[%get3A_2188] {strides = array<i32>} : memref<100000xf32, #tpu.memory_space<vmem>>, vector<16xf32>,
      %max3A_2190 = arith.maximumf %max3A_2185, %get3A_2189 : vector<16xf32>
      %add3A_2191 = arith.constant 240 : i32
      %add3A_2192 = arith.addi %multiple_of3A, %add3A_2191 : i32
      %get3A_2193 = arith.index_cast %add3A_2192 : i32 to index
      %get3A_2194 = tpu.vector_load %arg6[%get3A_2193] {strides = array<i32>} : memref<100000xf32, #tpu.memory_space<vmem>>, vector<16xf32>,
      %max3A_2195 = arith.maximumf %max3A_2190, %get3A_2194 : vector<16xf32>
      %add3A_2196 = arith.constant 256 : i32
      %add3A_2197 = arith.addi %multiple_of3A, %add3A_2196 : i32
      %get3A_2198 = arith.index_cast %add3A_2197 : i32 to index
      %get3A_2199 = tpu.vector_load %arg6[%get3A_2198] {strides = array<i32>} : memref<100000xf32, #tpu.memory_space<vmem>>, vector<16xf32>,
      %max3A_2200 = arith.maximumf %max3A_2195, %get3A_2199 : vector<16xf32>
      %add3A_2201 = arith.constant 272 : i32
      %add3A_2202 = arith.addi %multiple_of3A, %add3A_2201 : i32
      %get3A_2203 = arith.index_cast %add3A_2202 : i32 to index
      %get3A_2204 = tpu.vector_load %arg6[%get3A_2203] {strides = array<i32>} : memref<100000xf32, #tpu.memory_space<vmem>>, vector<16xf32>,
      %max3A_2205 = arith.maximumf %max3A_2200, %get3A_2204 : vector<16xf32>
      %add3A_2206 = arith.constant 288 : i32
      %add3A_2207 = arith.addi %multiple_of3A, %add3A_2206 : i32
      %get3A_2208 = arith.index_cast %add3A_2207 : i32 to index
      %get3A_2209 = tpu.vector_load %arg6[%get3A_2208] {strides = array<i32>} : memref<100000xf32, #tpu.memory_space<vmem>>, vector<16xf32>,
      %max3A_2210 = arith.maximumf %max3A_2205, %get3A_2209 : vector<16xf32>
      %add3A_2211 = arith.constant 304 : i32
      %add3A_2212 = arith.addi %multiple_of3A, %add3A_2211 : i32
      %get3A_2213 = arith.index_cast %add3A_2212 : i32 to index
      %get3A_2214 = tpu.vector_load %arg6[%get3A_2213] {strides = array<i32>} : memref<100000xf32, #tpu.memory_space<vmem>>, vector<16xf32>,
      %max3A_2215 = arith.maximumf %max3A_2210, %get3A_2214 : vector<16xf32>
      %add3A_2216 = arith.constant 320 : i32
      %add3A_2217 = arith.addi %multiple_of3A, %add3A_2216 : i32
      %get3A_2218 = arith.index_cast %add3A_2217 : i32 to index
      %get3A_2219 = tpu.vector_load %arg6[%get3A_2218] {strides = array<i32>} : memref<100000xf32, #tpu.memory_space<vmem>>, vector<16xf32>,
      %max3A_2220 = arith.maximumf %max3A_2215, %get3A_2219 : vector<16xf32>
      %add3A_2221 = arith.constant 336 : i32
      %add3A_2222 = arith.addi %multiple_of3A, %add3A_2221 : i32
      %get3A_2223 = arith.index_cast %add3A_2222 : i32 to index
      %get3A_2224 = tpu.vector_load %arg6[%get3A_2223] {strides = array<i32>} : memref<100000xf32, #tpu.memory_space<vmem>>, vector<16xf32>,
      %max3A_2225 = arith.maximumf %max3A_2220, %get3A_2224 : vector<16xf32>
      %add3A_2226 = arith.constant 352 : i32
      %add3A_2227 = arith.addi %multiple_of3A, %add3A_2226 : i32
      %get3A_2228 = arith.index_cast %add3A_2227 : i32 to index
      %get3A_2229 = tpu.vector_load %arg6[%get3A_2228] {strides = array<i32>} : memref<100000xf32, #tpu.memory_space<vmem>>, vector<16xf32>,
      %max3A_2230 = arith.maximumf %max3A_2225, %get3A_2229 : vector<16xf32>
      %add3A_2231 = arith.constant 368 : i32
      %add3A_2232 = arith.addi %multiple_of3A, %add3A_2231 : i32
      %get3A_2233 = arith.index_cast %add3A_2232 : i32 to index
      %get3A_2234 = tpu.vector_load %arg6[%get3A_2233] {strides = array<i32>} : memref<100000xf32, #tpu.memory_space<vmem>>, vector<16xf32>,
      %max3A_2235 = arith.maximumf %max3A_2230, %get3A_2234 : vector<16xf32>
      %add3A_2236 = arith.constant 384 : i32
      %add3A_2237 = arith.addi %multiple_of3A, %add3A_2236 : i32
      %get3A_2238 = arith.index_cast %add3A_2237 : i32 to index
      %get3A_2239 = tpu.vector_load %arg6[%get3A_2238] {strides = array<i32>} : memref<100000xf32, #tpu.memory_space<vmem>>, vector<16xf32>,
      %max3A_2240 = arith.maximumf %max3A_2235, %get3A_2239 : vector<16xf32>
      %add3A_2241 = arith.constant 400 : i32
      %add3A_2242 = arith.addi %multiple_of3A, %add3A_2241 : i32
      %get3A_2243 = arith.index_cast %add3A_2242 : i32 to index
      %get3A_2244 = tpu.vector_load %arg6[%get3A_2243] {strides = array<i32>} : memref<100000xf32, #tpu.memory_space<vmem>>, vector<16xf32>,
      %max3A_2245 = arith.maximumf %max3A_2240, %get3A_2244 : vector<16xf32>
      %add3A_2246 = arith.constant 416 : i32
      %add3A_2247 = arith.addi %multiple_of3A, %add3A_2246 : i32
      %get3A_2248 = arith.index_cast %add3A_2247 : i32 to index
      %get3A_2249 = tpu.vector_load %arg6[%get3A_2248] {strides = array<i32>} : memref<100000xf32, #tpu.memory_space<vmem>>, vector<16xf32>,
      %max3A_2250 = arith.maximumf %max3A_2245, %get3A_2249 : vector<16xf32>
      %add3A_2251 = arith.constant 432 : i32
      %add3A_2252 = arith.addi %multiple_of3A, %add3A_2251 : i32
      %get3A_2253 = arith.index_cast %add3A_2252 : i32 to index
      %get3A_2254 = tpu.vector_load %arg6[%get3A_2253] {strides = array<i32>} : memref<100000xf32, #tpu.memory_space<vmem>>, vector<16xf32>,
      %max3A_2255 = arith.maximumf %max3A_2250, %get3A_2254 : vector<16xf32>
      %add3A_2256 = arith.constant 448 : i32
      %add3A_2257 = arith.addi %multiple_of3A, %add3A_2256 : i32
      %get3A_2258 = arith.index_cast %add3A_2257 : i32 to index
      %get3A_2259 = tpu.vector_load %arg6[%get3A_2258] {strides = array<i32>} : memref<100000xf32, #tpu.memory_space<vmem>>, vector<16xf32>,
      %max3A_2260 = arith.maximumf %max3A_2255, %get3A_2259 : vector<16xf32>
      %add3A_2261 = arith.constant 464 : i32
      %add3A_2262 = arith.addi %multiple_of3A, %add3A_2261 : i32
      %get3A_2263 = arith.index_cast %add3A_2262 : i32 to index
      %get3A_2264 = tpu.vector_load %arg6[%get3A_2263] {strides = array<i32>} : memref<100000xf32, #tpu.memory_space<vmem>>, vector<16xf32>,
      %max3A_2265 = arith.maximumf %max3A_2260, %get3A_2264 : vector<16xf32>
      %add3A_2266 = arith.constant 480 : i32
      %add3A_2267 = arith.addi %multiple_of3A, %add3A_2266 : i32
      %get3A_2268 = arith.index_cast %add3A_2267 : i32 to index
      %get3A_2269 = tpu.vector_load %arg6[%get3A_2268] {strides = array<i32>} : memref<100000xf32, #tpu.memory_space<vmem>>, vector<16xf32>,
      %max3A_2270 = arith.maximumf %max3A_2265, %get3A_2269 : vector<16xf32>
      %add3A_2271 = arith.constant 496 : i32
      %add3A_2272 = arith.addi %multiple_of3A, %add3A_2271 : i32
      %get3A_2273 = arith.index_cast %add3A_2272 : i32 to index
      %get3A_2274 = tpu.vector_load %arg6[%get3A_2273] {strides = array<i32>} : memref<100000xf32, #tpu.memory_space<vmem>>, vector<16xf32>,
      %max3A_2275 = arith.maximumf %max3A_2270, %get3A_2274 : vector<16xf32>
      %add3A_2276 = arith.constant 512 : i32
      %add3A_2277 = arith.addi %multiple_of3A, %add3A_2276 : i32
      %get3A_2278 = arith.index_cast %add3A_2277 : i32 to index
      %get3A_2279 = tpu.vector_load %arg6[%get3A_2278] {strides = array<i32>} : memref<100000xf32, #tpu.memory_space<vmem>>, vector<16xf32>,
      %max3A_2280 = arith.maximumf %max3A_2275, %get3A_2279 : vector<16xf32>
      %add3A_2281 = arith.constant 528 : i32
      %add3A_2282 = arith.addi %multiple_of3A, %add3A_2281 : i32
      %get3A_2283 = arith.index_cast %add3A_2282 : i32 to index
      %get3A_2284 = tpu.vector_load %arg6[%get3A_2283] {strides = array<i32>} : memref<100000xf32, #tpu.memory_space<vmem>>, vector<16xf32>,
      %max3A_2285 = arith.maximumf %max3A_2280, %get3A_2284 : vector<16xf32>
      %add3A_2286 = arith.constant 544 : i32
      %add3A_2287 = arith.addi %multiple_of3A, %add3A_2286 : i32
      %get3A_2288 = arith.index_cast %add3A_2287 : i32 to index
      %get3A_2289 = tpu.vector_load %arg6[%get3A_2288] {strides = array<i32>} : memref<100000xf32, #tpu.memory_space<vmem>>, vector<16xf32>,
      %max3A_2290 = arith.maximumf %max3A_2285, %get3A_2289 : vector<16xf32>
      %add3A_2291 = arith.constant 560 : i32
      %add3A_2292 = arith.addi %multiple_of3A, %add3A_2291 : i32
      %get3A_2293 = arith.index_cast %add3A_2292 : i32 to index
      %get3A_2294 = tpu.vector_load %arg6[%get3A_2293] {strides = array<i32>} : memref<100000xf32, #tpu.memory_space<vmem>>, vector<16xf32>,
      %max3A_2295 = arith.maximumf %max3A_2290, %get3A_2294 : vector<16xf32>
      %add3A_2296 = arith.constant 576 : i32
      %add3A_2297 = arith.addi %multiple_of3A, %add3A_2296 : i32
      %get3A_2298 = arith.index_cast %add3A_2297 : i32 to index
      %get3A_2299 = tpu.vector_load %arg6[%get3A_2298] {strides = array<i32>} : memref<100000xf32, #tpu.memory_space<vmem>>, vector<16xf32>,
      %max3A_2300 = arith.maximumf %max3A_2295, %get3A_2299 : vector<16xf32>
      %add3A_2301 = arith.constant 592 : i32
      %add3A_2302 = arith.addi %multiple_of3A, %add3A_2301 : i32
      %get3A_2303 = arith.index_cast %add3A_2302 : i32 to index
      %get3A_2304 = tpu.vector_load %arg6[%get3A_2303] {strides = array<i32>} : memref<100000xf32, #tpu.memory_space<vmem>>, vector<16xf32>,
      %max3A_2305 = arith.maximumf %max3A_2300, %get3A_2304 : vector<16xf32>
      %add3A_2306 = arith.constant 608 : i32
      %add3A_2307 = arith.addi %multiple_of3A, %add3A_2306 : i32
      %get3A_2308 = arith.index_cast %add3A_2307 : i32 to index
      %get3A_2309 = tpu.vector_load %arg6[%get3A_2308] {strides = array<i32>} : memref<100000xf32, #tpu.memory_space<vmem>>, vector<16xf32>,
      %max3A_2310 = arith.maximumf %max3A_2305, %get3A_2309 : vector<16xf32>
      %add3A_2311 = arith.constant 624 : i32
      %add3A_2312 = arith.addi %multiple_of3A, %add3A_2311 : i32
      %get3A_2313 = arith.index_cast %add3A_2312 : i32 to index
      %get3A_2314 = tpu.vector_load %arg6[%get3A_2313] {strides = array<i32>} : memref<100000xf32, #tpu.memory_space<vmem>>, vector<16xf32>,
      %max3A_2315 = arith.maximumf %max3A_2310, %get3A_2314 : vector<16xf32>
      %add3A_2316 = arith.constant 640 : i32
      %add3A_2317 = arith.addi %multiple_of3A, %add3A_2316 : i32
      %get3A_2318 = arith.index_cast %add3A_2317 : i32 to index
      %get3A_2319 = tpu.vector_load %arg6[%get3A_2318] {strides = array<i32>} : memref<100000xf32, #tpu.memory_space<vmem>>, vector<16xf32>,
      %max3A_2320 = arith.maximumf %max3A_2315, %get3A_2319 : vector<16xf32>
      %add3A_2321 = arith.constant 656 : i32
      %add3A_2322 = arith.addi %multiple_of3A, %add3A_2321 : i32
      %get3A_2323 = arith.index_cast %add3A_2322 : i32 to index
      %get3A_2324 = tpu.vector_load %arg6[%get3A_2323] {strides = array<i32>} : memref<100000xf32, #tpu.memory_space<vmem>>, vector<16xf32>,
      %max3A_2325 = arith.maximumf %max3A_2320, %get3A_2324 : vector<16xf32>
      %add3A_2326 = arith.constant 672 : i32
      %add3A_2327 = arith.addi %multiple_of3A, %add3A_2326 : i32
      %get3A_2328 = arith.index_cast %add3A_2327 : i32 to index
      %get3A_2329 = tpu.vector_load %arg6[%get3A_2328] {strides = array<i32>} : memref<100000xf32, #tpu.memory_space<vmem>>, vector<16xf32>,
      %max3A_2330 = arith.maximumf %max3A_2325, %get3A_2329 : vector<16xf32>
      %add3A_2331 = arith.constant 688 : i32
      %add3A_2332 = arith.addi %multiple_of3A, %add3A_2331 : i32
      %get3A_2333 = arith.index_cast %add3A_2332 : i32 to index
      %get3A_2334 = tpu.vector_load %arg6[%get3A_2333] {strides = array<i32>} : memref<100000xf32, #tpu.memory_space<vmem>>, vector<16xf32>,
      %max3A_2335 = arith.maximumf %max3A_2330, %get3A_2334 : vector<16xf32>
      %add3A_2336 = arith.constant 704 : i32
      %add3A_2337 = arith.addi %multiple_of3A, %add3A_2336 : i32
      %get3A_2338 = arith.index_cast %add3A_2337 : i32 to index
      %get3A_2339 = tpu.vector_load %arg6[%get3A_2338] {strides = array<i32>} : memref<100000xf32, #tpu.memory_space<vmem>>, vector<16xf32>,
      %max3A_2340 = arith.maximumf %max3A_2335, %get3A_2339 : vector<16xf32>
      %add3A_2341 = arith.constant 720 : i32
      %add3A_2342 = arith.addi %multiple_of3A, %add3A_2341 : i32
      %get3A_2343 = arith.index_cast %add3A_2342 : i32 to index
      %get3A_2344 = tpu.vector_load %arg6[%get3A_2343] {strides = array<i32>} : memref<100000xf32, #tpu.memory_space<vmem>>, vector<16xf32>,
      %max3A_2345 = arith.maximumf %max3A_2340, %get3A_2344 : vector<16xf32>
      %add3A_2346 = arith.constant 736 : i32
      %add3A_2347 = arith.addi %multiple_of3A, %add3A_2346 : i32
      %get3A_2348 = arith.index_cast %add3A_2347 : i32 to index
      %get3A_2349 = tpu.vector_load %arg6[%get3A_2348] {strides = array<i32>} : memref<100000xf32, #tpu.memory_space<vmem>>, vector<16xf32>,
      %max3A_2350 = arith.maximumf %max3A_2345, %get3A_2349 : vector<16xf32>
      %add3A_2351 = arith.constant 752 : i32
      %add3A_2352 = arith.addi %multiple_of3A, %add3A_2351 : i32
      %get3A_2353 = arith.index_cast %add3A_2352 : i32 to index
      %get3A_2354 = tpu.vector_load %arg6[%get3A_2353] {strides = array<i32>} : memref<100000xf32, #tpu.memory_space<vmem>>, vector<16xf32>,
      %max3A_2355 = arith.maximumf %max3A_2350, %get3A_2354 : vector<16xf32>
      %add3A_2356 = arith.constant 768 : i32
      %add3A_2357 = arith.addi %multiple_of3A, %add3A_2356 : i32
      %get3A_2358 = arith.index_cast %add3A_2357 : i32 to index
      %get3A_2359 = tpu.vector_load %arg6[%get3A_2358] {strides = array<i32>} : memref<100000xf32, #tpu.memory_space<vmem>>, vector<16xf32>,
      %max3A_2360 = arith.maximumf %max3A_2355, %get3A_2359 : vector<16xf32>
      %add3A_2361 = arith.constant 784 : i32
      %add3A_2362 = arith.addi %multiple_of3A, %add3A_2361 : i32
      %get3A_2363 = arith.index_cast %add3A_2362 : i32 to index
      %get3A_2364 = tpu.vector_load %arg6[%get3A_2363] {strides = array<i32>} : memref<100000xf32, #tpu.memory_space<vmem>>, vector<16xf32>,
      %max3A_2365 = arith.maximumf %max3A_2360, %get3A_2364 : vector<16xf32>
      %mul3A_2366 = arith.constant 16 : i32
      %mul3A_2367 = arith.muli %scan3A_2115, %mul3A_2366 : i32
      %add3A_2368 = vector.broadcast %mul3A_2367 : i32 to vector<16xi32>
      %add3A_2369 = arith.addi %add3A_2368, %iota3A : vector<16xi32>
      %masked_sort3A = arith.constant dense<true> : vector<16xi1>
      %masked_sort3A_2370, %masked_sort3A_2371, %masked_sort3A_2372 = tpu.sort %max3A_2365, %add3A_2369 masked %masked_sort3A : (vector<16xf32>, vector<16xi32>, vector<16xi1>) -> (vector<16xi1>, vector<16xf32>, vector<16xi32>)
      %ge3A = arith.cmpf oge, %scan3A_2116, %masked_sort3A_2371 : vector<16xf32>
      %select_n3A_2373 = arith.select %ge3A, %scan3A_2116, %masked_sort3A_2371 : vector<16xi1>, vector<16xf32>
      %select_n3A_2374 = arith.select %ge3A, %scan3A_2117, %masked_sort3A_2372 : vector<16xi1>, vector<16xi32>
      %masked_sort3A_2375 = arith.constant dense<true> : vector<16xi1>
      %masked_sort3A_2376, %masked_sort3A_2377, %masked_sort3A_2378 = tpu.sort %select_n3A_2373, %select_n3A_2374 masked %masked_sort3A_2375 {descending = true} : (vector<16xf32>, vector<16xi32>, vector<16xi1>) -> (vector<16xi1>, vector<16xf32>, vector<16xi32>)
      scf.yield %masked_sort3A_2377, %masked_sort3A_2378 : vector<16xf32>, vector<16xi32>
    }
    %scan3A_32 = arith.constant 125 : i32
    %shift_right_logical3A = arith.constant 4 : i32
    %shift_right_logical3A_33 = vector.broadcast %shift_right_logical3A : i32 to vector<16xi32>
    %shift_right_logical3A_34 = arith.shrui %scan3A_31#1, %shift_right_logical3A_33 : vector<16xi32>
    %and3A_35 = arith.constant 15 : i32
    %and3A_36 = vector.broadcast %and3A_35 : i32 to vector<16xi32>
    %and3A_37 = arith.andi %scan3A_31#1, %and3A_36 : vector<16xi32>
    %mul3A_38 = arith.constant 800 : i32
    %mul3A_39 = vector.broadcast %mul3A_38 : i32 to vector<16xi32>
    %mul3A_40 = arith.muli %shift_right_logical3A_34, %mul3A_39 : vector<16xi32>
    %add3A_41 = arith.addi %mul3A_40, %and3A_37 : vector<16xi32>
    %broadcast_in_dim3A_42 = arith.constant 0xFF800000 : f32
    %broadcast_in_dim3A_43 = vector.broadcast %broadcast_in_dim3A_42 : f32 to vector<16xf32>
    %scan3A_44 = arith.constant 0 : i32
    %scan3A_45 = arith.constant 50 : i32
    %scan3A_46 = arith.addi %scan3A_44, %scan3A_45 : i32
    %scan3A_47 = arith.constant 1 : i32
    %scan3A_48 = scf.for %scan3A_2115 = %scan3A_44 to %scan3A_46 step %scan3A_47 iter_args(%scan3A_2116 = %broadcast_in_dim3A_43) -> (vector<16xf32>)  : i32 {
      %mul3A_2117 = arith.constant 16 : i32
      %mul3A_2118 = arith.muli %scan3A_2115, %mul3A_2117 : i32
      %add3A_2119 = vector.broadcast %mul3A_2118 : i32 to vector<16xi32>
      %add3A_2120 = arith.addi %add3A_41, %add3A_2119 : vector<16xi32>
      %gather3A_2121 = tpu.vector_load_idx %arg6[%add3A_2120] : memref<100000xf32, #tpu.memory_space<vmem>>[vector<16xi32>], vector<16xf32>,
      %sort3A = arith.constant dense<true> : vector<16xi1>
      %sort3A_2122, %sort3A_2123, %sort3A_2124 = tpu.sort %gather3A_2121, %gather3A_2121 masked %sort3A : (vector<16xf32>, vector<16xf32>, vector<16xi1>) -> (vector<16xi1>, vector<16xf32>, vector<16xf32>)
      %max3A_2125 = arith.maximumf %scan3A_2116, %sort3A_2123 : vector<16xf32>
      %sort3A_2126 = arith.constant dense<true> : vector<16xi1>
      %sort3A_2127, %sort3A_2128, %sort3A_2129 = tpu.sort %max3A_2125, %max3A_2125 masked %sort3A_2126 : (vector<16xf32>, vector<16xf32>, vector<16xi1>) -> (vector<16xi1>, vector<16xf32>, vector<16xf32>)
      %rev3A = arith.constant 15 : i32
      %rev3A_2130 = vector.broadcast %rev3A : i32 to vector<16xi32>
      %rev3A_2131 = tpu.iota {dimensions = array<i32: 0>} : vector<16xi32>
      %rev3A_2132 = arith.subi %rev3A_2130, %rev3A_2131 : vector<16xi32>
      %rev3A_2133 = tpu.dynamic_gather %sort3A_2128[%rev3A_2132] in [0] : vector<16xf32>, vector<16xi32> -> vector<16xf32>
      scf.yield %rev3A_2133 : vector<16xf32>
    }
    %scan3A_49 = arith.constant 50 : i32
    %reduce_max3A = arith.constant true
    %reduce_max3A_50 = vector.broadcast %reduce_max3A : i1 to vector<16xi1>
    %reduce_max3A_51 = tpu.scan <max>, %scan3A_48 masked %reduce_max3A_50 : vector<16xf32>, vector<16xi1> -> vector<16xf32>
    %reduce_max3A_52 = vector.extract %reduce_max3A_51[15] : f32 from vector<16xf32>
    %add3A_53 = arith.constant 50 : i32
    %add3A_54 = vector.broadcast %add3A_53 : i32 to vector<16xi32>
    %add3A_55 = arith.addi %add3A_54, %iota3A : vector<16xi32>
    %gather3A = tpu.vector_load_idx %arg9[%add3A_55] : memref<96xf32, #tpu.memory_space<vmem>>[vector<16xi32>], vector<16xf32>,
    %eq3A = arith.constant 0 : i32
    %eq3A_56 = vector.broadcast %eq3A : i32 to vector<16xi32>
    %eq3A_57 = arith.cmpi eq, %iota3A, %eq3A_56 : vector<16xi32>
    %jit3A_58 = arith.constant 0xFF800000 : f32
    %broadcast_in_dim3A_59 = vector.broadcast %jit3A_58 : f32 to vector<16xf32>
    %select_n3A_60 = arith.select %eq3A_57, %scan3A_48, %broadcast_in_dim3A_59 : vector<16xi1>, vector<16xf32>
    %reduce_max3A_61 = arith.constant true
    %reduce_max3A_62 = vector.broadcast %reduce_max3A_61 : i1 to vector<16xi1>
    %reduce_max3A_63 = tpu.scan <max>, %select_n3A_60 masked %reduce_max3A_62 : vector<16xf32>, vector<16xi1> -> vector<16xf32>
    %reduce_max3A_64 = vector.extract %reduce_max3A_63[15] : f32 from vector<16xf32>
    %mul3A_65 = arith.constant 10 : i32
    %mul3A_66 = vector.broadcast %mul3A_65 : i32 to vector<16xi32>
    %mul3A_67 = arith.muli %mul3A_66, %iota3A : vector<16xi32>
    %add3A_68 = arith.constant 0 : i32
    %add3A_69 = vector.broadcast %add3A_68 : i32 to vector<16xi32>
    %add3A_70 = arith.addi %add3A_69, %mul3A_67 : vector<16xi32>
    %add3A_71 = arith.constant 0 : i32
    %add3A_72 = vector.broadcast %add3A_71 : i32 to vector<16xi32>
    %add3A_73 = arith.addi %add3A_70, %add3A_72 : vector<16xi32>
    %jit3A_74 = arith.constant 0 : i32
    %broadcast_in_dim3A_75 = vector.broadcast %jit3A_74 : i32 to vector<16xi32>
    %select_n3A_76 = arith.select %lt3A_22, %add3A_73, %broadcast_in_dim3A_75 : vector<16xi1>, vector<16xi32>
    %gather3A_77 = tpu.vector_load_idx %arg9[%select_n3A_76] : memref<96xf32, #tpu.memory_space<vmem>>[vector<16xi32>], vector<16xf32>,
    %mul3A_78 = vector.broadcast %reduce_max3A_64 : f32 to vector<16xf32>
    %mul3A_79 = arith.mulf %mul3A_78, %gather3A_77 : vector<16xf32>
    %add3A_80 = arith.addf %gather3A, %mul3A_79 : vector<16xf32>
    %eq3A_81 = arith.constant 1 : i32
    %eq3A_82 = vector.broadcast %eq3A_81 : i32 to vector<16xi32>
    %eq3A_83 = arith.cmpi eq, %iota3A, %eq3A_82 : vector<16xi32>
    %jit3A_84 = arith.constant 0xFF800000 : f32
    %broadcast_in_dim3A_85 = vector.broadcast %jit3A_84 : f32 to vector<16xf32>
    %select_n3A_86 = arith.select %eq3A_83, %scan3A_48, %broadcast_in_dim3A_85 : vector<16xi1>, vector<16xf32>
    %reduce_max3A_87 = arith.constant true
    %reduce_max3A_88 = vector.broadcast %reduce_max3A_87 : i1 to vector<16xi1>
    %reduce_max3A_89 = tpu.scan <max>, %select_n3A_86 masked %reduce_max3A_88 : vector<16xf32>, vector<16xi1> -> vector<16xf32>
    %reduce_max3A_90 = vector.extract %reduce_max3A_89[15] : f32 from vector<16xf32>
    %mul3A_91 = arith.constant 10 : i32
    %mul3A_92 = vector.broadcast %mul3A_91 : i32 to vector<16xi32>
    %mul3A_93 = arith.muli %mul3A_92, %iota3A : vector<16xi32>
    %add3A_94 = arith.constant 0 : i32
    %add3A_95 = vector.broadcast %add3A_94 : i32 to vector<16xi32>
    %add3A_96 = arith.addi %add3A_95, %mul3A_93 : vector<16xi32>
    %add3A_97 = arith.constant 1 : i32
    %add3A_98 = vector.broadcast %add3A_97 : i32 to vector<16xi32>
    %add3A_99 = arith.addi %add3A_96, %add3A_98 : vector<16xi32>
    %jit3A_100 = arith.constant 0 : i32
    %broadcast_in_dim3A_101 = vector.broadcast %jit3A_100 : i32 to vector<16xi32>
    %select_n3A_102 = arith.select %lt3A_22, %add3A_99, %broadcast_in_dim3A_101 : vector<16xi1>, vector<16xi32>
    %gather3A_103 = tpu.vector_load_idx %arg9[%select_n3A_102] : memref<96xf32, #tpu.memory_space<vmem>>[vector<16xi32>], vector<16xf32>,
    %mul3A_104 = vector.broadcast %reduce_max3A_90 : f32 to vector<16xf32>
    %mul3A_105 = arith.mulf %mul3A_104, %gather3A_103 : vector<16xf32>
    %add3A_106 = arith.addf %add3A_80, %mul3A_105 : vector<16xf32>
    %eq3A_107 = arith.constant 2 : i32
    %eq3A_108 = vector.broadcast %eq3A_107 : i32 to vector<16xi32>
    %eq3A_109 = arith.cmpi eq, %iota3A, %eq3A_108 : vector<16xi32>
    %jit3A_110 = arith.constant 0xFF800000 : f32
    %broadcast_in_dim3A_111 = vector.broadcast %jit3A_110 : f32 to vector<16xf32>
    %select_n3A_112 = arith.select %eq3A_109, %scan3A_48, %broadcast_in_dim3A_111 : vector<16xi1>, vector<16xf32>
    %reduce_max3A_113 = arith.constant true
    %reduce_max3A_114 = vector.broadcast %reduce_max3A_113 : i1 to vector<16xi1>
    %reduce_max3A_115 = tpu.scan <max>, %select_n3A_112 masked %reduce_max3A_114 : vector<16xf32>, vector<16xi1> -> vector<16xf32>
    %reduce_max3A_116 = vector.extract %reduce_max3A_115[15] : f32 from vector<16xf32>
    %mul3A_117 = arith.constant 10 : i32
    %mul3A_118 = vector.broadcast %mul3A_117 : i32 to vector<16xi32>
    %mul3A_119 = arith.muli %mul3A_118, %iota3A : vector<16xi32>
    %add3A_120 = arith.constant 0 : i32
    %add3A_121 = vector.broadcast %add3A_120 : i32 to vector<16xi32>
    %add3A_122 = arith.addi %add3A_121, %mul3A_119 : vector<16xi32>
    %add3A_123 = arith.constant 2 : i32
    %add3A_124 = vector.broadcast %add3A_123 : i32 to vector<16xi32>
    %add3A_125 = arith.addi %add3A_122, %add3A_124 : vector<16xi32>
    %jit3A_126 = arith.constant 0 : i32
    %broadcast_in_dim3A_127 = vector.broadcast %jit3A_126 : i32 to vector<16xi32>
    %select_n3A_128 = arith.select %lt3A_22, %add3A_125, %broadcast_in_dim3A_127 : vector<16xi1>, vector<16xi32>
    %gather3A_129 = tpu.vector_load_idx %arg9[%select_n3A_128] : memref<96xf32, #tpu.memory_space<vmem>>[vector<16xi32>], vector<16xf32>,
    %mul3A_130 = vector.broadcast %reduce_max3A_116 : f32 to vector<16xf32>
    %mul3A_131 = arith.mulf %mul3A_130, %gather3A_129 : vector<16xf32>
    %add3A_132 = arith.addf %add3A_106, %mul3A_131 : vector<16xf32>
    %eq3A_133 = arith.constant 3 : i32
    %eq3A_134 = vector.broadcast %eq3A_133 : i32 to vector<16xi32>
    %eq3A_135 = arith.cmpi eq, %iota3A, %eq3A_134 : vector<16xi32>
    %jit3A_136 = arith.constant 0xFF800000 : f32
    %broadcast_in_dim3A_137 = vector.broadcast %jit3A_136 : f32 to vector<16xf32>
    %select_n3A_138 = arith.select %eq3A_135, %scan3A_48, %broadcast_in_dim3A_137 : vector<16xi1>, vector<16xf32>
    %reduce_max3A_139 = arith.constant true
    %reduce_max3A_140 = vector.broadcast %reduce_max3A_139 : i1 to vector<16xi1>
    %reduce_max3A_141 = tpu.scan <max>, %select_n3A_138 masked %reduce_max3A_140 : vector<16xf32>, vector<16xi1> -> vector<16xf32>
    %reduce_max3A_142 = vector.extract %reduce_max3A_141[15] : f32 from vector<16xf32>
    %mul3A_143 = arith.constant 10 : i32
    %mul3A_144 = vector.broadcast %mul3A_143 : i32 to vector<16xi32>
    %mul3A_145 = arith.muli %mul3A_144, %iota3A : vector<16xi32>
    %add3A_146 = arith.constant 0 : i32
    %add3A_147 = vector.broadcast %add3A_146 : i32 to vector<16xi32>
    %add3A_148 = arith.addi %add3A_147, %mul3A_145 : vector<16xi32>
    %add3A_149 = arith.constant 3 : i32
    %add3A_150 = vector.broadcast %add3A_149 : i32 to vector<16xi32>
    %add3A_151 = arith.addi %add3A_148, %add3A_150 : vector<16xi32>
    %jit3A_152 = arith.constant 0 : i32
    %broadcast_in_dim3A_153 = vector.broadcast %jit3A_152 : i32 to vector<16xi32>
    %select_n3A_154 = arith.select %lt3A_22, %add3A_151, %broadcast_in_dim3A_153 : vector<16xi1>, vector<16xi32>
    %gather3A_155 = tpu.vector_load_idx %arg9[%select_n3A_154] : memref<96xf32, #tpu.memory_space<vmem>>[vector<16xi32>], vector<16xf32>,
    %mul3A_156 = vector.broadcast %reduce_max3A_142 : f32 to vector<16xf32>
    %mul3A_157 = arith.mulf %mul3A_156, %gather3A_155 : vector<16xf32>
    %add3A_158 = arith.addf %add3A_132, %mul3A_157 : vector<16xf32>
    %eq3A_159 = arith.constant 4 : i32
    %eq3A_160 = vector.broadcast %eq3A_159 : i32 to vector<16xi32>
    %eq3A_161 = arith.cmpi eq, %iota3A, %eq3A_160 : vector<16xi32>
    %jit3A_162 = arith.constant 0xFF800000 : f32
    %broadcast_in_dim3A_163 = vector.broadcast %jit3A_162 : f32 to vector<16xf32>
    %select_n3A_164 = arith.select %eq3A_161, %scan3A_48, %broadcast_in_dim3A_163 : vector<16xi1>, vector<16xf32>
    %reduce_max3A_165 = arith.constant true
    %reduce_max3A_166 = vector.broadcast %reduce_max3A_165 : i1 to vector<16xi1>
    %reduce_max3A_167 = tpu.scan <max>, %select_n3A_164 masked %reduce_max3A_166 : vector<16xf32>, vector<16xi1> -> vector<16xf32>
    %reduce_max3A_168 = vector.extract %reduce_max3A_167[15] : f32 from vector<16xf32>
    %mul3A_169 = arith.constant 10 : i32
    %mul3A_170 = vector.broadcast %mul3A_169 : i32 to vector<16xi32>
    %mul3A_171 = arith.muli %mul3A_170, %iota3A : vector<16xi32>
    %add3A_172 = arith.constant 0 : i32
    %add3A_173 = vector.broadcast %add3A_172 : i32 to vector<16xi32>
    %add3A_174 = arith.addi %add3A_173, %mul3A_171 : vector<16xi32>
    %add3A_175 = arith.constant 4 : i32
    %add3A_176 = vector.broadcast %add3A_175 : i32 to vector<16xi32>
    %add3A_177 = arith.addi %add3A_174, %add3A_176 : vector<16xi32>
    %jit3A_178 = arith.constant 0 : i32
    %broadcast_in_dim3A_179 = vector.broadcast %jit3A_178 : i32 to vector<16xi32>
    %select_n3A_180 = arith.select %lt3A_22, %add3A_177, %broadcast_in_dim3A_179 : vector<16xi1>, vector<16xi32>
    %gather3A_181 = tpu.vector_load_idx %arg9[%select_n3A_180] : memref<96xf32, #tpu.memory_space<vmem>>[vector<16xi32>], vector<16xf32>,
    %mul3A_182 = vector.broadcast %reduce_max3A_168 : f32 to vector<16xf32>
    %mul3A_183 = arith.mulf %mul3A_182, %gather3A_181 : vector<16xf32>
    %add3A_184 = arith.addf %add3A_158, %mul3A_183 : vector<16xf32>
    %eq3A_185 = arith.constant 5 : i32
    %eq3A_186 = vector.broadcast %eq3A_185 : i32 to vector<16xi32>
    %eq3A_187 = arith.cmpi eq, %iota3A, %eq3A_186 : vector<16xi32>
    %jit3A_188 = arith.constant 0xFF800000 : f32
    %broadcast_in_dim3A_189 = vector.broadcast %jit3A_188 : f32 to vector<16xf32>
    %select_n3A_190 = arith.select %eq3A_187, %scan3A_48, %broadcast_in_dim3A_189 : vector<16xi1>, vector<16xf32>
    %reduce_max3A_191 = arith.constant true
    %reduce_max3A_192 = vector.broadcast %reduce_max3A_191 : i1 to vector<16xi1>
    %reduce_max3A_193 = tpu.scan <max>, %select_n3A_190 masked %reduce_max3A_192 : vector<16xf32>, vector<16xi1> -> vector<16xf32>
    %reduce_max3A_194 = vector.extract %reduce_max3A_193[15] : f32 from vector<16xf32>
    %mul3A_195 = arith.constant 10 : i32
    %mul3A_196 = vector.broadcast %mul3A_195 : i32 to vector<16xi32>
    %mul3A_197 = arith.muli %mul3A_196, %iota3A : vector<16xi32>
    %add3A_198 = arith.constant 0 : i32
    %add3A_199 = vector.broadcast %add3A_198 : i32 to vector<16xi32>
    %add3A_200 = arith.addi %add3A_199, %mul3A_197 : vector<16xi32>
    %add3A_201 = arith.constant 5 : i32
    %add3A_202 = vector.broadcast %add3A_201 : i32 to vector<16xi32>
    %add3A_203 = arith.addi %add3A_200, %add3A_202 : vector<16xi32>
    %jit3A_204 = arith.constant 0 : i32
    %broadcast_in_dim3A_205 = vector.broadcast %jit3A_204 : i32 to vector<16xi32>
    %select_n3A_206 = arith.select %lt3A_22, %add3A_203, %broadcast_in_dim3A_205 : vector<16xi1>, vector<16xi32>
    %gather3A_207 = tpu.vector_load_idx %arg9[%select_n3A_206] : memref<96xf32, #tpu.memory_space<vmem>>[vector<16xi32>], vector<16xf32>,
    %mul3A_208 = vector.broadcast %reduce_max3A_194 : f32 to vector<16xf32>
    %mul3A_209 = arith.mulf %mul3A_208, %gather3A_207 : vector<16xf32>
    %add3A_210 = arith.addf %add3A_184, %mul3A_209 : vector<16xf32>
    %eq3A_211 = arith.constant 6 : i32
    %eq3A_212 = vector.broadcast %eq3A_211 : i32 to vector<16xi32>
    %eq3A_213 = arith.cmpi eq, %iota3A, %eq3A_212 : vector<16xi32>
    %jit3A_214 = arith.constant 0xFF800000 : f32
    %broadcast_in_dim3A_215 = vector.broadcast %jit3A_214 : f32 to vector<16xf32>
    %select_n3A_216 = arith.select %eq3A_213, %scan3A_48, %broadcast_in_dim3A_215 : vector<16xi1>, vector<16xf32>
    %reduce_max3A_217 = arith.constant true
    %reduce_max3A_218 = vector.broadcast %reduce_max3A_217 : i1 to vector<16xi1>
    %reduce_max3A_219 = tpu.scan <max>, %select_n3A_216 masked %reduce_max3A_218 : vector<16xf32>, vector<16xi1> -> vector<16xf32>
    %reduce_max3A_220 = vector.extract %reduce_max3A_219[15] : f32 from vector<16xf32>
    %mul3A_221 = arith.constant 10 : i32
    %mul3A_222 = vector.broadcast %mul3A_221 : i32 to vector<16xi32>
    %mul3A_223 = arith.muli %mul3A_222, %iota3A : vector<16xi32>
    %add3A_224 = arith.constant 0 : i32
    %add3A_225 = vector.broadcast %add3A_224 : i32 to vector<16xi32>
    %add3A_226 = arith.addi %add3A_225, %mul3A_223 : vector<16xi32>
    %add3A_227 = arith.constant 6 : i32
    %add3A_228 = vector.broadcast %add3A_227 : i32 to vector<16xi32>
    %add3A_229 = arith.addi %add3A_226, %add3A_228 : vector<16xi32>
    %jit3A_230 = arith.constant 0 : i32
    %broadcast_in_dim3A_231 = vector.broadcast %jit3A_230 : i32 to vector<16xi32>
    %select_n3A_232 = arith.select %lt3A_22, %add3A_229, %broadcast_in_dim3A_231 : vector<16xi1>, vector<16xi32>
    %gather3A_233 = tpu.vector_load_idx %arg9[%select_n3A_232] : memref<96xf32, #tpu.memory_space<vmem>>[vector<16xi32>], vector<16xf32>,
    %mul3A_234 = vector.broadcast %reduce_max3A_220 : f32 to vector<16xf32>
    %mul3A_235 = arith.mulf %mul3A_234, %gather3A_233 : vector<16xf32>
    %add3A_236 = arith.addf %add3A_210, %mul3A_235 : vector<16xf32>
    %eq3A_237 = arith.constant 7 : i32
    %eq3A_238 = vector.broadcast %eq3A_237 : i32 to vector<16xi32>
    %eq3A_239 = arith.cmpi eq, %iota3A, %eq3A_238 : vector<16xi32>
    %jit3A_240 = arith.constant 0xFF800000 : f32
    %broadcast_in_dim3A_241 = vector.broadcast %jit3A_240 : f32 to vector<16xf32>
    %select_n3A_242 = arith.select %eq3A_239, %scan3A_48, %broadcast_in_dim3A_241 : vector<16xi1>, vector<16xf32>
    %reduce_max3A_243 = arith.constant true
    %reduce_max3A_244 = vector.broadcast %reduce_max3A_243 : i1 to vector<16xi1>
    %reduce_max3A_245 = tpu.scan <max>, %select_n3A_242 masked %reduce_max3A_244 : vector<16xf32>, vector<16xi1> -> vector<16xf32>
    %reduce_max3A_246 = vector.extract %reduce_max3A_245[15] : f32 from vector<16xf32>
    %mul3A_247 = arith.constant 10 : i32
    %mul3A_248 = vector.broadcast %mul3A_247 : i32 to vector<16xi32>
    %mul3A_249 = arith.muli %mul3A_248, %iota3A : vector<16xi32>
    %add3A_250 = arith.constant 0 : i32
    %add3A_251 = vector.broadcast %add3A_250 : i32 to vector<16xi32>
    %add3A_252 = arith.addi %add3A_251, %mul3A_249 : vector<16xi32>
    %add3A_253 = arith.constant 7 : i32
    %add3A_254 = vector.broadcast %add3A_253 : i32 to vector<16xi32>
    %add3A_255 = arith.addi %add3A_252, %add3A_254 : vector<16xi32>
    %jit3A_256 = arith.constant 0 : i32
    %broadcast_in_dim3A_257 = vector.broadcast %jit3A_256 : i32 to vector<16xi32>
    %select_n3A_258 = arith.select %lt3A_22, %add3A_255, %broadcast_in_dim3A_257 : vector<16xi1>, vector<16xi32>
    %gather3A_259 = tpu.vector_load_idx %arg9[%select_n3A_258] : memref<96xf32, #tpu.memory_space<vmem>>[vector<16xi32>], vector<16xf32>,
    %mul3A_260 = vector.broadcast %reduce_max3A_246 : f32 to vector<16xf32>
    %mul3A_261 = arith.mulf %mul3A_260, %gather3A_259 : vector<16xf32>
    %add3A_262 = arith.addf %add3A_236, %mul3A_261 : vector<16xf32>
    %eq3A_263 = arith.constant 8 : i32
    %eq3A_264 = vector.broadcast %eq3A_263 : i32 to vector<16xi32>
    %eq3A_265 = arith.cmpi eq, %iota3A, %eq3A_264 : vector<16xi32>
    %jit3A_266 = arith.constant 0xFF800000 : f32
    %broadcast_in_dim3A_267 = vector.broadcast %jit3A_266 : f32 to vector<16xf32>
    %select_n3A_268 = arith.select %eq3A_265, %scan3A_48, %broadcast_in_dim3A_267 : vector<16xi1>, vector<16xf32>
    %reduce_max3A_269 = arith.constant true
    %reduce_max3A_270 = vector.broadcast %reduce_max3A_269 : i1 to vector<16xi1>
    %reduce_max3A_271 = tpu.scan <max>, %select_n3A_268 masked %reduce_max3A_270 : vector<16xf32>, vector<16xi1> -> vector<16xf32>
    %reduce_max3A_272 = vector.extract %reduce_max3A_271[15] : f32 from vector<16xf32>
    %mul3A_273 = arith.constant 10 : i32
    %mul3A_274 = vector.broadcast %mul3A_273 : i32 to vector<16xi32>
    %mul3A_275 = arith.muli %mul3A_274, %iota3A : vector<16xi32>
    %add3A_276 = arith.constant 0 : i32
    %add3A_277 = vector.broadcast %add3A_276 : i32 to vector<16xi32>
    %add3A_278 = arith.addi %add3A_277, %mul3A_275 : vector<16xi32>
    %add3A_279 = arith.constant 8 : i32
    %add3A_280 = vector.broadcast %add3A_279 : i32 to vector<16xi32>
    %add3A_281 = arith.addi %add3A_278, %add3A_280 : vector<16xi32>
    %jit3A_282 = arith.constant 0 : i32
    %broadcast_in_dim3A_283 = vector.broadcast %jit3A_282 : i32 to vector<16xi32>
    %select_n3A_284 = arith.select %lt3A_22, %add3A_281, %broadcast_in_dim3A_283 : vector<16xi1>, vector<16xi32>
    %gather3A_285 = tpu.vector_load_idx %arg9[%select_n3A_284] : memref<96xf32, #tpu.memory_space<vmem>>[vector<16xi32>], vector<16xf32>,
    %mul3A_286 = vector.broadcast %reduce_max3A_272 : f32 to vector<16xf32>
    %mul3A_287 = arith.mulf %mul3A_286, %gather3A_285 : vector<16xf32>
    %add3A_288 = arith.addf %add3A_262, %mul3A_287 : vector<16xf32>
    %eq3A_289 = arith.constant 9 : i32
    %eq3A_290 = vector.broadcast %eq3A_289 : i32 to vector<16xi32>
    %eq3A_291 = arith.cmpi eq, %iota3A, %eq3A_290 : vector<16xi32>
    %jit3A_292 = arith.constant 0xFF800000 : f32
    %broadcast_in_dim3A_293 = vector.broadcast %jit3A_292 : f32 to vector<16xf32>
    %select_n3A_294 = arith.select %eq3A_291, %scan3A_48, %broadcast_in_dim3A_293 : vector<16xi1>, vector<16xf32>
    %reduce_max3A_295 = arith.constant true
    %reduce_max3A_296 = vector.broadcast %reduce_max3A_295 : i1 to vector<16xi1>
    %reduce_max3A_297 = tpu.scan <max>, %select_n3A_294 masked %reduce_max3A_296 : vector<16xf32>, vector<16xi1> -> vector<16xf32>
    %reduce_max3A_298 = vector.extract %reduce_max3A_297[15] : f32 from vector<16xf32>
    %mul3A_299 = arith.constant 10 : i32
    %mul3A_300 = vector.broadcast %mul3A_299 : i32 to vector<16xi32>
    %mul3A_301 = arith.muli %mul3A_300, %iota3A : vector<16xi32>
    %add3A_302 = arith.constant 0 : i32
    %add3A_303 = vector.broadcast %add3A_302 : i32 to vector<16xi32>
    %add3A_304 = arith.addi %add3A_303, %mul3A_301 : vector<16xi32>
    %add3A_305 = arith.constant 9 : i32
    %add3A_306 = vector.broadcast %add3A_305 : i32 to vector<16xi32>
    %add3A_307 = arith.addi %add3A_304, %add3A_306 : vector<16xi32>
    %jit3A_308 = arith.constant 0 : i32
    %broadcast_in_dim3A_309 = vector.broadcast %jit3A_308 : i32 to vector<16xi32>
    %select_n3A_310 = arith.select %lt3A_22, %add3A_307, %broadcast_in_dim3A_309 : vector<16xi1>, vector<16xi32>
    %gather3A_311 = tpu.vector_load_idx %arg9[%select_n3A_310] : memref<96xf32, #tpu.memory_space<vmem>>[vector<16xi32>], vector<16xf32>,
    %mul3A_312 = vector.broadcast %reduce_max3A_298 : f32 to vector<16xf32>
    %mul3A_313 = arith.mulf %mul3A_312, %gather3A_311 : vector<16xf32>
    %add3A_314 = arith.addf %add3A_288, %mul3A_313 : vector<16xf32>
    %jit3A_315 = arith.constant 0.000000e+00 : f32
    %broadcast_in_dim3A_316 = vector.broadcast %jit3A_315 : f32 to vector<16xf32>
    %select_n3A_317 = arith.select %lt3A_22, %add3A_314, %broadcast_in_dim3A_316 : vector<16xi1>, vector<16xf32>
    %max3A = arith.constant 0.000000e+00 : f32
    %max3A_318 = vector.broadcast %max3A : f32 to vector<16xf32>
    %max3A_319 = arith.maximumf %select_n3A_317, %max3A_318 : vector<16xf32>
    %add3A_320 = arith.constant 80 : i32
    %add3A_321 = vector.broadcast %add3A_320 : i32 to vector<16xi32>
    %add3A_322 = arith.addi %add3A_321, %iota3A : vector<16xi32>
    %gather3A_323 = tpu.vector_load_idx %arg9[%add3A_322] : memref<96xf32, #tpu.memory_space<vmem>>[vector<16xi32>], vector<16xf32>,
    %eq3A_324 = arith.constant 0 : i32
    %eq3A_325 = vector.broadcast %eq3A_324 : i32 to vector<16xi32>
    %eq3A_326 = arith.cmpi eq, %iota3A, %eq3A_325 : vector<16xi32>
    %jit3A_327 = arith.constant 0xFF800000 : f32
    %broadcast_in_dim3A_328 = vector.broadcast %jit3A_327 : f32 to vector<16xf32>
    %select_n3A_329 = arith.select %eq3A_326, %max3A_319, %broadcast_in_dim3A_328 : vector<16xi1>, vector<16xf32>
    %reduce_max3A_330 = arith.constant true
    %reduce_max3A_331 = vector.broadcast %reduce_max3A_330 : i1 to vector<16xi1>
    %reduce_max3A_332 = tpu.scan <max>, %select_n3A_329 masked %reduce_max3A_331 : vector<16xf32>, vector<16xi1> -> vector<16xf32>
    %reduce_max3A_333 = vector.extract %reduce_max3A_332[15] : f32 from vector<16xf32>
    %mul3A_334 = arith.constant 5 : i32
    %mul3A_335 = vector.broadcast %mul3A_334 : i32 to vector<16xi32>
    %mul3A_336 = arith.muli %mul3A_335, %iota3A : vector<16xi32>
    %add3A_337 = arith.constant 55 : i32
    %add3A_338 = vector.broadcast %add3A_337 : i32 to vector<16xi32>
    %add3A_339 = arith.addi %add3A_338, %mul3A_336 : vector<16xi32>
    %add3A_340 = arith.constant 0 : i32
    %add3A_341 = vector.broadcast %add3A_340 : i32 to vector<16xi32>
    %add3A_342 = arith.addi %add3A_339, %add3A_341 : vector<16xi32>
    %jit3A_343 = arith.constant 0 : i32
    %broadcast_in_dim3A_344 = vector.broadcast %jit3A_343 : i32 to vector<16xi32>
    %select_n3A_345 = arith.select %lt3A_22, %add3A_342, %broadcast_in_dim3A_344 : vector<16xi1>, vector<16xi32>
    %gather3A_346 = tpu.vector_load_idx %arg9[%select_n3A_345] : memref<96xf32, #tpu.memory_space<vmem>>[vector<16xi32>], vector<16xf32>,
    %mul3A_347 = vector.broadcast %reduce_max3A_333 : f32 to vector<16xf32>
    %mul3A_348 = arith.mulf %mul3A_347, %gather3A_346 : vector<16xf32>
    %add3A_349 = arith.addf %gather3A_323, %mul3A_348 : vector<16xf32>
    %eq3A_350 = arith.constant 1 : i32
    %eq3A_351 = vector.broadcast %eq3A_350 : i32 to vector<16xi32>
    %eq3A_352 = arith.cmpi eq, %iota3A, %eq3A_351 : vector<16xi32>
    %jit3A_353 = arith.constant 0xFF800000 : f32
    %broadcast_in_dim3A_354 = vector.broadcast %jit3A_353 : f32 to vector<16xf32>
    %select_n3A_355 = arith.select %eq3A_352, %max3A_319, %broadcast_in_dim3A_354 : vector<16xi1>, vector<16xf32>
    %reduce_max3A_356 = arith.constant true
    %reduce_max3A_357 = vector.broadcast %reduce_max3A_356 : i1 to vector<16xi1>
    %reduce_max3A_358 = tpu.scan <max>, %select_n3A_355 masked %reduce_max3A_357 : vector<16xf32>, vector<16xi1> -> vector<16xf32>
    %reduce_max3A_359 = vector.extract %reduce_max3A_358[15] : f32 from vector<16xf32>
    %mul3A_360 = arith.constant 5 : i32
    %mul3A_361 = vector.broadcast %mul3A_360 : i32 to vector<16xi32>
    %mul3A_362 = arith.muli %mul3A_361, %iota3A : vector<16xi32>
    %add3A_363 = arith.constant 55 : i32
    %add3A_364 = vector.broadcast %add3A_363 : i32 to vector<16xi32>
    %add3A_365 = arith.addi %add3A_364, %mul3A_362 : vector<16xi32>
    %add3A_366 = arith.constant 1 : i32
    %add3A_367 = vector.broadcast %add3A_366 : i32 to vector<16xi32>
    %add3A_368 = arith.addi %add3A_365, %add3A_367 : vector<16xi32>
    %jit3A_369 = arith.constant 0 : i32
    %broadcast_in_dim3A_370 = vector.broadcast %jit3A_369 : i32 to vector<16xi32>
    %select_n3A_371 = arith.select %lt3A_22, %add3A_368, %broadcast_in_dim3A_370 : vector<16xi1>, vector<16xi32>
    %gather3A_372 = tpu.vector_load_idx %arg9[%select_n3A_371] : memref<96xf32, #tpu.memory_space<vmem>>[vector<16xi32>], vector<16xf32>,
    %mul3A_373 = vector.broadcast %reduce_max3A_359 : f32 to vector<16xf32>
    %mul3A_374 = arith.mulf %mul3A_373, %gather3A_372 : vector<16xf32>
    %add3A_375 = arith.addf %add3A_349, %mul3A_374 : vector<16xf32>
    %eq3A_376 = arith.constant 2 : i32
    %eq3A_377 = vector.broadcast %eq3A_376 : i32 to vector<16xi32>
    %eq3A_378 = arith.cmpi eq, %iota3A, %eq3A_377 : vector<16xi32>
    %jit3A_379 = arith.constant 0xFF800000 : f32
    %broadcast_in_dim3A_380 = vector.broadcast %jit3A_379 : f32 to vector<16xf32>
    %select_n3A_381 = arith.select %eq3A_378, %max3A_319, %broadcast_in_dim3A_380 : vector<16xi1>, vector<16xf32>
    %reduce_max3A_382 = arith.constant true
    %reduce_max3A_383 = vector.broadcast %reduce_max3A_382 : i1 to vector<16xi1>
    %reduce_max3A_384 = tpu.scan <max>, %select_n3A_381 masked %reduce_max3A_383 : vector<16xf32>, vector<16xi1> -> vector<16xf32>
    %reduce_max3A_385 = vector.extract %reduce_max3A_384[15] : f32 from vector<16xf32>
    %mul3A_386 = arith.constant 5 : i32
    %mul3A_387 = vector.broadcast %mul3A_386 : i32 to vector<16xi32>
    %mul3A_388 = arith.muli %mul3A_387, %iota3A : vector<16xi32>
    %add3A_389 = arith.constant 55 : i32
    %add3A_390 = vector.broadcast %add3A_389 : i32 to vector<16xi32>
    %add3A_391 = arith.addi %add3A_390, %mul3A_388 : vector<16xi32>
    %add3A_392 = arith.constant 2 : i32
    %add3A_393 = vector.broadcast %add3A_392 : i32 to vector<16xi32>
    %add3A_394 = arith.addi %add3A_391, %add3A_393 : vector<16xi32>
    %jit3A_395 = arith.constant 0 : i32
    %broadcast_in_dim3A_396 = vector.broadcast %jit3A_395 : i32 to vector<16xi32>
    %select_n3A_397 = arith.select %lt3A_22, %add3A_394, %broadcast_in_dim3A_396 : vector<16xi1>, vector<16xi32>
    %gather3A_398 = tpu.vector_load_idx %arg9[%select_n3A_397] : memref<96xf32, #tpu.memory_space<vmem>>[vector<16xi32>], vector<16xf32>,
    %mul3A_399 = vector.broadcast %reduce_max3A_385 : f32 to vector<16xf32>
    %mul3A_400 = arith.mulf %mul3A_399, %gather3A_398 : vector<16xf32>
    %add3A_401 = arith.addf %add3A_375, %mul3A_400 : vector<16xf32>
    %eq3A_402 = arith.constant 3 : i32
    %eq3A_403 = vector.broadcast %eq3A_402 : i32 to vector<16xi32>
    %eq3A_404 = arith.cmpi eq, %iota3A, %eq3A_403 : vector<16xi32>
    %jit3A_405 = arith.constant 0xFF800000 : f32
    %broadcast_in_dim3A_406 = vector.broadcast %jit3A_405 : f32 to vector<16xf32>
    %select_n3A_407 = arith.select %eq3A_404, %max3A_319, %broadcast_in_dim3A_406 : vector<16xi1>, vector<16xf32>
    %reduce_max3A_408 = arith.constant true
    %reduce_max3A_409 = vector.broadcast %reduce_max3A_408 : i1 to vector<16xi1>
    %reduce_max3A_410 = tpu.scan <max>, %select_n3A_407 masked %reduce_max3A_409 : vector<16xf32>, vector<16xi1> -> vector<16xf32>
    %reduce_max3A_411 = vector.extract %reduce_max3A_410[15] : f32 from vector<16xf32>
    %mul3A_412 = arith.constant 5 : i32
    %mul3A_413 = vector.broadcast %mul3A_412 : i32 to vector<16xi32>
    %mul3A_414 = arith.muli %mul3A_413, %iota3A : vector<16xi32>
    %add3A_415 = arith.constant 55 : i32
    %add3A_416 = vector.broadcast %add3A_415 : i32 to vector<16xi32>
    %add3A_417 = arith.addi %add3A_416, %mul3A_414 : vector<16xi32>
    %add3A_418 = arith.constant 3 : i32
    %add3A_419 = vector.broadcast %add3A_418 : i32 to vector<16xi32>
    %add3A_420 = arith.addi %add3A_417, %add3A_419 : vector<16xi32>
    %jit3A_421 = arith.constant 0 : i32
    %broadcast_in_dim3A_422 = vector.broadcast %jit3A_421 : i32 to vector<16xi32>
    %select_n3A_423 = arith.select %lt3A_22, %add3A_420, %broadcast_in_dim3A_422 : vector<16xi1>, vector<16xi32>
    %gather3A_424 = tpu.vector_load_idx %arg9[%select_n3A_423] : memref<96xf32, #tpu.memory_space<vmem>>[vector<16xi32>], vector<16xf32>,
    %mul3A_425 = vector.broadcast %reduce_max3A_411 : f32 to vector<16xf32>
    %mul3A_426 = arith.mulf %mul3A_425, %gather3A_424 : vector<16xf32>
    %add3A_427 = arith.addf %add3A_401, %mul3A_426 : vector<16xf32>
    %eq3A_428 = arith.constant 4 : i32
    %eq3A_429 = vector.broadcast %eq3A_428 : i32 to vector<16xi32>
    %eq3A_430 = arith.cmpi eq, %iota3A, %eq3A_429 : vector<16xi32>
    %jit3A_431 = arith.constant 0xFF800000 : f32
    %broadcast_in_dim3A_432 = vector.broadcast %jit3A_431 : f32 to vector<16xf32>
    %select_n3A_433 = arith.select %eq3A_430, %max3A_319, %broadcast_in_dim3A_432 : vector<16xi1>, vector<16xf32>
    %reduce_max3A_434 = arith.constant true
    %reduce_max3A_435 = vector.broadcast %reduce_max3A_434 : i1 to vector<16xi1>
    %reduce_max3A_436 = tpu.scan <max>, %select_n3A_433 masked %reduce_max3A_435 : vector<16xf32>, vector<16xi1> -> vector<16xf32>
    %reduce_max3A_437 = vector.extract %reduce_max3A_436[15] : f32 from vector<16xf32>
    %mul3A_438 = arith.constant 5 : i32
    %mul3A_439 = vector.broadcast %mul3A_438 : i32 to vector<16xi32>
    %mul3A_440 = arith.muli %mul3A_439, %iota3A : vector<16xi32>
    %add3A_441 = arith.constant 55 : i32
    %add3A_442 = vector.broadcast %add3A_441 : i32 to vector<16xi32>
    %add3A_443 = arith.addi %add3A_442, %mul3A_440 : vector<16xi32>
    %add3A_444 = arith.constant 4 : i32
    %add3A_445 = vector.broadcast %add3A_444 : i32 to vector<16xi32>
    %add3A_446 = arith.addi %add3A_443, %add3A_445 : vector<16xi32>
    %jit3A_447 = arith.constant 0 : i32
    %broadcast_in_dim3A_448 = vector.broadcast %jit3A_447 : i32 to vector<16xi32>
    %select_n3A_449 = arith.select %lt3A_22, %add3A_446, %broadcast_in_dim3A_448 : vector<16xi1>, vector<16xi32>
    %gather3A_450 = tpu.vector_load_idx %arg9[%select_n3A_449] : memref<96xf32, #tpu.memory_space<vmem>>[vector<16xi32>], vector<16xf32>,
    %mul3A_451 = vector.broadcast %reduce_max3A_437 : f32 to vector<16xf32>
    %mul3A_452 = arith.mulf %mul3A_451, %gather3A_450 : vector<16xf32>
    %add3A_453 = arith.addf %add3A_427, %mul3A_452 : vector<16xf32>
    %jit3A_454 = arith.constant 0.000000e+00 : f32
    %broadcast_in_dim3A_455 = vector.broadcast %jit3A_454 : f32 to vector<16xf32>
    %select_n3A_456 = arith.select %lt3A_22, %add3A_453, %broadcast_in_dim3A_455 : vector<16xi1>, vector<16xf32>
    %max3A_457 = arith.constant 0.000000e+00 : f32
    %max3A_458 = vector.broadcast %max3A_457 : f32 to vector<16xf32>
    %max3A_459 = arith.maximumf %select_n3A_456, %max3A_458 : vector<16xf32>
    %add3A_460 = arith.constant 85 : i32
    %add3A_461 = vector.broadcast %add3A_460 : i32 to vector<16xi32>
    %add3A_462 = arith.addi %add3A_461, %iota3A : vector<16xi32>
    %jit3A_463 = arith.constant 0 : i32
    %broadcast_in_dim3A_464 = vector.broadcast %jit3A_463 : i32 to vector<16xi32>
    %select_n3A_465 = arith.select %lt3A_22, %add3A_462, %broadcast_in_dim3A_464 : vector<16xi1>, vector<16xi32>
    %gather3A_466 = tpu.vector_load_idx %arg9[%select_n3A_465] : memref<96xf32, #tpu.memory_space<vmem>>[vector<16xi32>], vector<16xf32>,
    %mul3A_467 = arith.mulf %max3A_459, %gather3A_466 : vector<16xf32>
    %jit3A_468 = arith.constant 0.000000e+00 : f32
    %broadcast_in_dim3A_469 = vector.broadcast %jit3A_468 : f32 to vector<16xf32>
    %select_n3A_470 = arith.select %lt3A_22, %mul3A_467, %broadcast_in_dim3A_469 : vector<16xi1>, vector<16xf32>
    %reduce_sum3A = arith.constant true
    %reduce_sum3A_471 = vector.broadcast %reduce_sum3A : i1 to vector<16xi1>
    %reduce_sum3A_472 = tpu.scan <sum>, %select_n3A_470 masked %reduce_sum3A_471 : vector<16xf32>, vector<16xi1> -> vector<16xf32>
    %reduce_sum3A_473 = vector.extract %reduce_sum3A_472[15] : f32 from vector<16xf32>
    %broadcast_in_dim3A_474 = arith.constant 90 : i32
    %broadcast_in_dim3A_475 = vector.broadcast %broadcast_in_dim3A_474 : i32 to vector<16xi32>
    %gather3A_476 = tpu.vector_load_idx %arg9[%broadcast_in_dim3A_475] : memref<96xf32, #tpu.memory_space<vmem>>[vector<16xi32>], vector<16xf32>,
    %add3A_477 = vector.broadcast %reduce_sum3A_473 : f32 to vector<16xf32>
    %add3A_478 = arith.addf %add3A_477, %gather3A_476 : vector<16xf32>
    %abs3A = math.absf %add3A_478 : vector<16xf32>
    %jit3A_479 = arith.constant 9.99999993E-9 : f32
    %jit3A_480 = arith.constant 1.000000e+08 : f32
    %max3A_481 = vector.broadcast %jit3A_479 : f32 to vector<16xf32>
    %max3A_482 = arith.maximumf %max3A_481, %abs3A : vector<16xf32>
    %min3A = vector.broadcast %jit3A_480 : f32 to vector<16xf32>
    %min3A_483 = arith.minimumf %min3A, %max3A_482 : vector<16xf32>
    %div3A_484 = arith.constant 1.000000e+00 : f32
    %div3A_485 = vector.broadcast %div3A_484 : f32 to vector<16xf32>
    %div3A_486 = arith.divf %div3A_485, %min3A_483 : vector<16xf32>
    %jit3A_487 = arith.constant 4 : i32
    %eq3A_488 = arith.constant 0 : i32
    %eq3A_489 = arith.cmpi eq, %jit3A_487, %eq3A_488 : i32
    %jit3A_490 = arith.constant 1 : i32
    %select_n3A_491 = arith.select %eq3A_489, %jit3A_490, %jit3A_487 : i32
    %rem3A_492 = arith.remsi %add3A, %select_n3A_491 : i32
    %ne3A_493 = arith.constant 0 : i32
    %ne3A_494 = arith.cmpi ne, %rem3A_492, %ne3A_493 : i32
    %lt3A_495 = arith.constant 0 : i32
    %lt3A_496 = arith.cmpi slt, %rem3A_492, %lt3A_495 : i32
    %lt3A_497 = arith.constant 0 : i32
    %lt3A_498 = arith.cmpi slt, %select_n3A_491, %lt3A_497 : i32
    %ne3A_499 = arith.xori %lt3A_496, %lt3A_498 : i1
    %and3A_500 = arith.andi %ne3A_499, %ne3A_494 : i1
    %add3A_501 = arith.addi %rem3A_492, %select_n3A_491 : i32
    %select_n3A_502 = arith.select %and3A_500, %add3A_501, %rem3A_492 : i32
    %mul3A_503 = arith.constant 4 : i32
    %mul3A_504 = arith.muli %select_n3A_502, %mul3A_503 : i32
    %add3A_505 = arith.constant 0 : i32
    %add3A_506 = arith.addi %mul3A_504, %add3A_505 : i32
    %broadcast_in_dim3A_507 = vector.broadcast %add3A_506 : i32 to vector<16xi32>
    %gather3A_508 = tpu.vector_load_idx %arg7[%broadcast_in_dim3A_507] : memref<16xi32, #tpu.memory_space<vmem>>[vector<16xi32>], vector<16xi32>,
    %gather3A_509 = tpu.vector_load_idx %arg6[%gather3A_508] : memref<100000xf32, #tpu.memory_space<vmem>>[vector<16xi32>], vector<16xf32>,
    %sub3A_510 = vector.broadcast %reduce_max3A_52 : f32 to vector<16xf32>
    %sub3A_511 = arith.subf %gather3A_509, %sub3A_510 : vector<16xf32>
    %mul3A_512 = arith.mulf %sub3A_511, %div3A_486 : vector<16xf32>
    %exp3A = math.exp %mul3A_512 : vector<16xf32>
    %broadcast_in_dim3A_513 = arith.constant 0.000000e+00 : f32
    %broadcast_in_dim3A_514 = vector.broadcast %broadcast_in_dim3A_513 : f32 to vector<16xf32>
    %scan3A_515 = arith.constant 0 : i32
    %scan3A_516 = arith.constant 625 : i32
    %scan3A_517 = arith.addi %scan3A_515, %scan3A_516 : i32
    %scan3A_518 = arith.constant 1 : i32
    %scan3A_519:4 = scf.for %scan3A_2115 = %scan3A_515 to %scan3A_517 step %scan3A_518 iter_args(%scan3A_2116 = %broadcast_in_dim3A_514, %scan3A_2117 = %broadcast_in_dim3A_514, %scan3A_2118 = %broadcast_in_dim3A_514, %scan3A_2119 = %broadcast_in_dim3A_514) -> (vector<16xf32>, vector<16xf32>, vector<16xf32>, vector<16xf32>)  : i32 {
      %mul3A_2120 = arith.constant 160 : i32
      %mul3A_2121 = arith.muli %scan3A_2115, %mul3A_2120 : i32
      %multiple_of3A = tpu.assume_multiple %mul3A_2121, 16 : i32
      %add3A_2122 = arith.constant 0 : i32
      %add3A_2123 = arith.addi %multiple_of3A, %add3A_2122 : i32
      %get3A = arith.index_cast %add3A_2123 : i32 to index
      %get3A_2124 = tpu.vector_load %arg6[%get3A] {strides = array<i32>} : memref<100000xf32, #tpu.memory_space<vmem>>, vector<16xf32>,
      %sub3A_2125 = vector.broadcast %reduce_max3A_52 : f32 to vector<16xf32>
      %sub3A_2126 = arith.subf %get3A_2124, %sub3A_2125 : vector<16xf32>
      %mul3A_2127 = arith.mulf %sub3A_2126, %div3A_486 : vector<16xf32>
      %exp3A_2128 = math.exp %mul3A_2127 : vector<16xf32>
      %add3A_2129 = arith.addf %scan3A_2116, %exp3A_2128 : vector<16xf32>
      %add3A_2130 = arith.constant 16 : i32
      %add3A_2131 = arith.addi %multiple_of3A, %add3A_2130 : i32
      %get3A_2132 = arith.index_cast %add3A_2131 : i32 to index
      %get3A_2133 = tpu.vector_load %arg6[%get3A_2132] {strides = array<i32>} : memref<100000xf32, #tpu.memory_space<vmem>>, vector<16xf32>,
      %sub3A_2134 = vector.broadcast %reduce_max3A_52 : f32 to vector<16xf32>
      %sub3A_2135 = arith.subf %get3A_2133, %sub3A_2134 : vector<16xf32>
      %mul3A_2136 = arith.mulf %sub3A_2135, %div3A_486 : vector<16xf32>
      %exp3A_2137 = math.exp %mul3A_2136 : vector<16xf32>
      %add3A_2138 = arith.addf %scan3A_2117, %exp3A_2137 : vector<16xf32>
      %add3A_2139 = arith.constant 32 : i32
      %add3A_2140 = arith.addi %multiple_of3A, %add3A_2139 : i32
      %get3A_2141 = arith.index_cast %add3A_2140 : i32 to index
      %get3A_2142 = tpu.vector_load %arg6[%get3A_2141] {strides = array<i32>} : memref<100000xf32, #tpu.memory_space<vmem>>, vector<16xf32>,
      %sub3A_2143 = vector.broadcast %reduce_max3A_52 : f32 to vector<16xf32>
      %sub3A_2144 = arith.subf %get3A_2142, %sub3A_2143 : vector<16xf32>
      %mul3A_2145 = arith.mulf %sub3A_2144, %div3A_486 : vector<16xf32>
      %exp3A_2146 = math.exp %mul3A_2145 : vector<16xf32>
      %add3A_2147 = arith.addf %scan3A_2118, %exp3A_2146 : vector<16xf32>
      %add3A_2148 = arith.constant 48 : i32
      %add3A_2149 = arith.addi %multiple_of3A, %add3A_2148 : i32
      %get3A_2150 = arith.index_cast %add3A_2149 : i32 to index
      %get3A_2151 = tpu.vector_load %arg6[%get3A_2150] {strides = array<i32>} : memref<100000xf32, #tpu.memory_space<vmem>>, vector<16xf32>,
      %sub3A_2152 = vector.broadcast %reduce_max3A_52 : f32 to vector<16xf32>
      %sub3A_2153 = arith.subf %get3A_2151, %sub3A_2152 : vector<16xf32>
      %mul3A_2154 = arith.mulf %sub3A_2153, %div3A_486 : vector<16xf32>
      %exp3A_2155 = math.exp %mul3A_2154 : vector<16xf32>
      %add3A_2156 = arith.addf %scan3A_2119, %exp3A_2155 : vector<16xf32>
      %add3A_2157 = arith.constant 64 : i32
      %add3A_2158 = arith.addi %multiple_of3A, %add3A_2157 : i32
      %get3A_2159 = arith.index_cast %add3A_2158 : i32 to index
      %get3A_2160 = tpu.vector_load %arg6[%get3A_2159] {strides = array<i32>} : memref<100000xf32, #tpu.memory_space<vmem>>, vector<16xf32>,
      %sub3A_2161 = vector.broadcast %reduce_max3A_52 : f32 to vector<16xf32>
      %sub3A_2162 = arith.subf %get3A_2160, %sub3A_2161 : vector<16xf32>
      %mul3A_2163 = arith.mulf %sub3A_2162, %div3A_486 : vector<16xf32>
      %exp3A_2164 = math.exp %mul3A_2163 : vector<16xf32>
      %add3A_2165 = arith.addf %add3A_2129, %exp3A_2164 : vector<16xf32>
      %add3A_2166 = arith.constant 80 : i32
      %add3A_2167 = arith.addi %multiple_of3A, %add3A_2166 : i32
      %get3A_2168 = arith.index_cast %add3A_2167 : i32 to index
      %get3A_2169 = tpu.vector_load %arg6[%get3A_2168] {strides = array<i32>} : memref<100000xf32, #tpu.memory_space<vmem>>, vector<16xf32>,
      %sub3A_2170 = vector.broadcast %reduce_max3A_52 : f32 to vector<16xf32>
      %sub3A_2171 = arith.subf %get3A_2169, %sub3A_2170 : vector<16xf32>
      %mul3A_2172 = arith.mulf %sub3A_2171, %div3A_486 : vector<16xf32>
      %exp3A_2173 = math.exp %mul3A_2172 : vector<16xf32>
      %add3A_2174 = arith.addf %add3A_2138, %exp3A_2173 : vector<16xf32>
      %add3A_2175 = arith.constant 96 : i32
      %add3A_2176 = arith.addi %multiple_of3A, %add3A_2175 : i32
      %get3A_2177 = arith.index_cast %add3A_2176 : i32 to index
      %get3A_2178 = tpu.vector_load %arg6[%get3A_2177] {strides = array<i32>} : memref<100000xf32, #tpu.memory_space<vmem>>, vector<16xf32>,
      %sub3A_2179 = vector.broadcast %reduce_max3A_52 : f32 to vector<16xf32>
      %sub3A_2180 = arith.subf %get3A_2178, %sub3A_2179 : vector<16xf32>
      %mul3A_2181 = arith.mulf %sub3A_2180, %div3A_486 : vector<16xf32>
      %exp3A_2182 = math.exp %mul3A_2181 : vector<16xf32>
      %add3A_2183 = arith.addf %add3A_2147, %exp3A_2182 : vector<16xf32>
      %add3A_2184 = arith.constant 112 : i32
      %add3A_2185 = arith.addi %multiple_of3A, %add3A_2184 : i32
      %get3A_2186 = arith.index_cast %add3A_2185 : i32 to index
      %get3A_2187 = tpu.vector_load %arg6[%get3A_2186] {strides = array<i32>} : memref<100000xf32, #tpu.memory_space<vmem>>, vector<16xf32>,
      %sub3A_2188 = vector.broadcast %reduce_max3A_52 : f32 to vector<16xf32>
      %sub3A_2189 = arith.subf %get3A_2187, %sub3A_2188 : vector<16xf32>
      %mul3A_2190 = arith.mulf %sub3A_2189, %div3A_486 : vector<16xf32>
      %exp3A_2191 = math.exp %mul3A_2190 : vector<16xf32>
      %add3A_2192 = arith.addf %add3A_2156, %exp3A_2191 : vector<16xf32>
      %add3A_2193 = arith.constant 128 : i32
      %add3A_2194 = arith.addi %multiple_of3A, %add3A_2193 : i32
      %get3A_2195 = arith.index_cast %add3A_2194 : i32 to index
      %get3A_2196 = tpu.vector_load %arg6[%get3A_2195] {strides = array<i32>} : memref<100000xf32, #tpu.memory_space<vmem>>, vector<16xf32>,
      %sub3A_2197 = vector.broadcast %reduce_max3A_52 : f32 to vector<16xf32>
      %sub3A_2198 = arith.subf %get3A_2196, %sub3A_2197 : vector<16xf32>
      %mul3A_2199 = arith.mulf %sub3A_2198, %div3A_486 : vector<16xf32>
      %exp3A_2200 = math.exp %mul3A_2199 : vector<16xf32>
      %add3A_2201 = arith.addf %add3A_2165, %exp3A_2200 : vector<16xf32>
      %add3A_2202 = arith.constant 144 : i32
      %add3A_2203 = arith.addi %multiple_of3A, %add3A_2202 : i32
      %get3A_2204 = arith.index_cast %add3A_2203 : i32 to index
      %get3A_2205 = tpu.vector_load %arg6[%get3A_2204] {strides = array<i32>} : memref<100000xf32, #tpu.memory_space<vmem>>, vector<16xf32>,
      %sub3A_2206 = vector.broadcast %reduce_max3A_52 : f32 to vector<16xf32>
      %sub3A_2207 = arith.subf %get3A_2205, %sub3A_2206 : vector<16xf32>
      %mul3A_2208 = arith.mulf %sub3A_2207, %div3A_486 : vector<16xf32>
      %exp3A_2209 = math.exp %mul3A_2208 : vector<16xf32>
      %add3A_2210 = arith.addf %add3A_2174, %exp3A_2209 : vector<16xf32>
      scf.yield %add3A_2201, %add3A_2210, %add3A_2183, %add3A_2192 : vector<16xf32>, vector<16xf32>, vector<16xf32>, vector<16xf32>
    }
    %scan3A_520 = arith.constant 625 : i32
    %add3A_521 = arith.addf %scan3A_519#0, %scan3A_519#1 : vector<16xf32>
    %add3A_522 = arith.addf %scan3A_519#2, %scan3A_519#3 : vector<16xf32>
    %add3A_523 = arith.addf %add3A_521, %add3A_522 : vector<16xf32>
    %reduce_sum3A_524 = arith.constant true
    %reduce_sum3A_525 = vector.broadcast %reduce_sum3A_524 : i1 to vector<16xi1>
    %reduce_sum3A_526 = tpu.scan <sum>, %add3A_523 masked %reduce_sum3A_525 : vector<16xf32>, vector<16xi1> -> vector<16xf32>
    %reduce_sum3A_527 = vector.extract %reduce_sum3A_526[15] : f32 from vector<16xf32>
    %eq3A_528 = arith.constant 0 : i32
    %eq3A_529 = vector.broadcast %eq3A_528 : i32 to vector<16xi32>
    %eq3A_530 = arith.cmpi eq, %iota3A, %eq3A_529 : vector<16xi32>
    %div3A_531 = vector.broadcast %reduce_sum3A_527 : f32 to vector<16xf32>
    %div3A_532 = arith.divf %exp3A, %div3A_531 : vector<16xf32>
    %jit3A_533 = arith.constant 0.000000e+00 : f32
    %broadcast_in_dim3A_534 = vector.broadcast %jit3A_533 : f32 to vector<16xf32>
    %select_n3A_535 = arith.select %eq3A_530, %div3A_532, %broadcast_in_dim3A_534 : vector<16xi1>, vector<16xf32>
    %swap3A = arith.constant 0 : index
    %swap3A_536 = tpu.vector_load %arg8[%swap3A] {strides = array<i32>} : memref<16xf32, #tpu.memory_space<vmem>>, vector<16xf32>,
    tpu.vector_store %arg8[%swap3A], %select_n3A_535 {strides = array<i32>} : memref<16xf32, #tpu.memory_space<vmem>>, vector<16xf32>,
    "tpu.region"() ({
      %run_scoped3A = tpu.sem_alloc : memref<!tpu.dma_semaphore, #tpu.memory_space<semaphore_mem>>
      %dma_start3A = arith.constant 0 : i32
      %dma_start3A_2115 = tpu.memref_slice %arg5[%add3A_24, %dma_start3A] : memref<128x16xf32, #tpu.memory_space<hbm>> -> memref<1x16xf32, #tpu.memory_space<hbm>>
      %dma_start3A_2116 = tpu.memref_squeeze %dma_start3A_2115 : memref<1x16xf32, #tpu.memory_space<hbm>> -> memref<16xf32, #tpu.memory_space<hbm>>
      %dma_start3A_2117 = arith.constant 0 : i32
      %dma_start3A_2118 = tpu.memref_slice %arg5[%add3A_24, %dma_start3A_2117] : memref<128x16xf32, #tpu.memory_space<hbm>> -> memref<1x16xf32, #tpu.memory_space<hbm>>
      %dma_start3A_2119 = tpu.memref_squeeze %dma_start3A_2118 : memref<1x16xf32, #tpu.memory_space<hbm>> -> memref<16xf32, #tpu.memory_space<hbm>>
      tpu.enqueue_dma source(%arg8 : memref<16xf32, #tpu.memory_space<vmem>>) target(%dma_start3A_2119 : memref<16xf32, #tpu.memory_space<hbm>>) target_semaphore(%run_scoped3A : memref<!tpu.dma_semaphore, #tpu.memory_space<semaphore_mem>>)
      %dma_wait3A = arith.constant 0 : i32
      %dma_wait3A_2120 = tpu.memref_slice %arg5[%add3A_24, %dma_wait3A] : memref<128x16xf32, #tpu.memory_space<hbm>> -> memref<1x16xf32, #tpu.memory_space<hbm>>
      %dma_wait3A_2121 = tpu.memref_squeeze %dma_wait3A_2120 : memref<1x16xf32, #tpu.memory_space<hbm>> -> memref<16xf32, #tpu.memory_space<hbm>>
      %dma_wait3A_2122 = arith.constant 0 : i32
      %dma_wait3A_2123 = tpu.memref_slice %arg5[%add3A_24, %dma_wait3A_2122] : memref<128x16xf32, #tpu.memory_space<hbm>> -> memref<1x16xf32, #tpu.memory_space<hbm>>
      %dma_wait3A_2124 = tpu.memref_squeeze %dma_wait3A_2123 : memref<1x16xf32, #tpu.memory_space<hbm>> -> memref<16xf32, #tpu.memory_space<hbm>>
      tpu.wait_dma2 semaphore(%run_scoped3A : memref<!tpu.dma_semaphore, #tpu.memory_space<semaphore_mem>>) src(%arg8 : memref<16xf32, #tpu.memory_space<vmem>>) dst(%dma_wait3A_2124 : memref<16xf32, #tpu.memory_space<hbm>>)
      tpu.yield
    }) : () -> ()
    %add3A_537 = arith.constant 1 : i32
    %add3A_538 = arith.addi %mul3A_2, %add3A_537 : i32
    "tpu.region"() ({
      %run_scoped3A = tpu.sem_alloc : memref<!tpu.dma_semaphore, #tpu.memory_space<semaphore_mem>>
      %dma_start3A = arith.constant 0 : i32
      %dma_start3A_2115 = tpu.memref_slice %arg2[%add3A_538, %dma_start3A] : memref<128x100000xf32, #tpu.memory_space<hbm>> -> memref<1x100000xf32, #tpu.memory_space<hbm>>
      %dma_start3A_2116 = tpu.memref_squeeze %dma_start3A_2115 : memref<1x100000xf32, #tpu.memory_space<hbm>> -> memref<100000xf32, #tpu.memory_space<hbm>>
      %dma_start3A_2117 = arith.constant 0 : i32
      %dma_start3A_2118 = tpu.memref_slice %arg2[%add3A_538, %dma_start3A_2117] : memref<128x100000xf32, #tpu.memory_space<hbm>> -> memref<1x100000xf32, #tpu.memory_space<hbm>>
      %dma_start3A_2119 = tpu.memref_squeeze %dma_start3A_2118 : memref<1x100000xf32, #tpu.memory_space<hbm>> -> memref<100000xf32, #tpu.memory_space<hbm>>
      tpu.enqueue_dma source(%dma_start3A_2119 : memref<100000xf32, #tpu.memory_space<hbm>>) target(%arg6 : memref<100000xf32, #tpu.memory_space<vmem>>) target_semaphore(%run_scoped3A : memref<!tpu.dma_semaphore, #tpu.memory_space<semaphore_mem>>)
      %dma_wait3A = arith.constant 0 : i32
      %dma_wait3A_2120 = tpu.memref_slice %arg2[%add3A_538, %dma_wait3A] : memref<128x100000xf32, #tpu.memory_space<hbm>> -> memref<1x100000xf32, #tpu.memory_space<hbm>>
      %dma_wait3A_2121 = tpu.memref_squeeze %dma_wait3A_2120 : memref<1x100000xf32, #tpu.memory_space<hbm>> -> memref<100000xf32, #tpu.memory_space<hbm>>
      %dma_wait3A_2122 = arith.constant 0 : i32
      %dma_wait3A_2123 = tpu.memref_slice %arg2[%add3A_538, %dma_wait3A_2122] : memref<128x100000xf32, #tpu.memory_space<hbm>> -> memref<1x100000xf32, #tpu.memory_space<hbm>>
      %dma_wait3A_2124 = tpu.memref_squeeze %dma_wait3A_2123 : memref<1x100000xf32, #tpu.memory_space<hbm>> -> memref<100000xf32, #tpu.memory_space<hbm>>
      tpu.wait_dma2 semaphore(%run_scoped3A : memref<!tpu.dma_semaphore, #tpu.memory_space<semaphore_mem>>) src(%dma_wait3A_2124 : memref<100000xf32, #tpu.memory_space<hbm>>) dst(%arg6 : memref<100000xf32, #tpu.memory_space<vmem>>)
      tpu.yield
    }) : () -> ()
    %broadcast_in_dim3A_539 = arith.constant 0xFF800000 : f32
    %broadcast_in_dim3A_540 = vector.broadcast %broadcast_in_dim3A_539 : f32 to vector<16xf32>
    %broadcast_in_dim3A_541 = arith.constant 0 : i32
    %broadcast_in_dim3A_542 = vector.broadcast %broadcast_in_dim3A_541 : i32 to vector<16xi32>
    %scan3A_543 = arith.constant 0 : i32
    %scan3A_544 = arith.constant 125 : i32
    %scan3A_545 = arith.addi %scan3A_543, %scan3A_544 : i32
    %scan3A_546 = arith.constant 1 : i32
    %scan3A_547:2 = scf.for %scan3A_2115 = %scan3A_543 to %scan3A_545 step %scan3A_546 iter_args(%scan3A_2116 = %broadcast_in_dim3A_540, %scan3A_2117 = %broadcast_in_dim3A_542) -> (vector<16xf32>, vector<16xi32>)  : i32 {
      %mul3A_2118 = arith.constant 800 : i32
      %mul3A_2119 = arith.muli %scan3A_2115, %mul3A_2118 : i32
      %multiple_of3A = tpu.assume_multiple %mul3A_2119, 16 : i32
      %get3A = arith.index_cast %multiple_of3A : i32 to index
      %get3A_2120 = tpu.vector_load %arg6[%get3A] {strides = array<i32>} : memref<100000xf32, #tpu.memory_space<vmem>>, vector<16xf32>,
      %add3A_2121 = arith.constant 16 : i32
      %add3A_2122 = arith.addi %multiple_of3A, %add3A_2121 : i32
      %get3A_2123 = arith.index_cast %add3A_2122 : i32 to index
      %get3A_2124 = tpu.vector_load %arg6[%get3A_2123] {strides = array<i32>} : memref<100000xf32, #tpu.memory_space<vmem>>, vector<16xf32>,
      %max3A_2125 = arith.maximumf %get3A_2120, %get3A_2124 : vector<16xf32>
      %add3A_2126 = arith.constant 32 : i32
      %add3A_2127 = arith.addi %multiple_of3A, %add3A_2126 : i32
      %get3A_2128 = arith.index_cast %add3A_2127 : i32 to index
      %get3A_2129 = tpu.vector_load %arg6[%get3A_2128] {strides = array<i32>} : memref<100000xf32, #tpu.memory_space<vmem>>, vector<16xf32>,
      %max3A_2130 = arith.maximumf %max3A_2125, %get3A_2129 : vector<16xf32>
      %add3A_2131 = arith.constant 48 : i32
      %add3A_2132 = arith.addi %multiple_of3A, %add3A_2131 : i32
      %get3A_2133 = arith.index_cast %add3A_2132 : i32 to index
      %get3A_2134 = tpu.vector_load %arg6[%get3A_2133] {strides = array<i32>} : memref<100000xf32, #tpu.memory_space<vmem>>, vector<16xf32>,
      %max3A_2135 = arith.maximumf %max3A_2130, %get3A_2134 : vector<16xf32>
      %add3A_2136 = arith.constant 64 : i32
      %add3A_2137 = arith.addi %multiple_of3A, %add3A_2136 : i32
      %get3A_2138 = arith.index_cast %add3A_2137 : i32 to index
      %get3A_2139 = tpu.vector_load %arg6[%get3A_2138] {strides = array<i32>} : memref<100000xf32, #tpu.memory_space<vmem>>, vector<16xf32>,
      %max3A_2140 = arith.maximumf %max3A_2135, %get3A_2139 : vector<16xf32>
      %add3A_2141 = arith.constant 80 : i32
      %add3A_2142 = arith.addi %multiple_of3A, %add3A_2141 : i32
      %get3A_2143 = arith.index_cast %add3A_2142 : i32 to index
      %get3A_2144 = tpu.vector_load %arg6[%get3A_2143] {strides = array<i32>} : memref<100000xf32, #tpu.memory_space<vmem>>, vector<16xf32>,
      %max3A_2145 = arith.maximumf %max3A_2140, %get3A_2144 : vector<16xf32>
      %add3A_2146 = arith.constant 96 : i32
      %add3A_2147 = arith.addi %multiple_of3A, %add3A_2146 : i32
      %get3A_2148 = arith.index_cast %add3A_2147 : i32 to index
      %get3A_2149 = tpu.vector_load %arg6[%get3A_2148] {strides = array<i32>} : memref<100000xf32, #tpu.memory_space<vmem>>, vector<16xf32>,
      %max3A_2150 = arith.maximumf %max3A_2145, %get3A_2149 : vector<16xf32>
      %add3A_2151 = arith.constant 112 : i32
      %add3A_2152 = arith.addi %multiple_of3A, %add3A_2151 : i32
      %get3A_2153 = arith.index_cast %add3A_2152 : i32 to index
      %get3A_2154 = tpu.vector_load %arg6[%get3A_2153] {strides = array<i32>} : memref<100000xf32, #tpu.memory_space<vmem>>, vector<16xf32>,
      %max3A_2155 = arith.maximumf %max3A_2150, %get3A_2154 : vector<16xf32>
      %add3A_2156 = arith.constant 128 : i32
      %add3A_2157 = arith.addi %multiple_of3A, %add3A_2156 : i32
      %get3A_2158 = arith.index_cast %add3A_2157 : i32 to index
      %get3A_2159 = tpu.vector_load %arg6[%get3A_2158] {strides = array<i32>} : memref<100000xf32, #tpu.memory_space<vmem>>, vector<16xf32>,
      %max3A_2160 = arith.maximumf %max3A_2155, %get3A_2159 : vector<16xf32>
      %add3A_2161 = arith.constant 144 : i32
      %add3A_2162 = arith.addi %multiple_of3A, %add3A_2161 : i32
      %get3A_2163 = arith.index_cast %add3A_2162 : i32 to index
      %get3A_2164 = tpu.vector_load %arg6[%get3A_2163] {strides = array<i32>} : memref<100000xf32, #tpu.memory_space<vmem>>, vector<16xf32>,
      %max3A_2165 = arith.maximumf %max3A_2160, %get3A_2164 : vector<16xf32>
      %add3A_2166 = arith.constant 160 : i32
      %add3A_2167 = arith.addi %multiple_of3A, %add3A_2166 : i32
      %get3A_2168 = arith.index_cast %add3A_2167 : i32 to index
      %get3A_2169 = tpu.vector_load %arg6[%get3A_2168] {strides = array<i32>} : memref<100000xf32, #tpu.memory_space<vmem>>, vector<16xf32>,
      %max3A_2170 = arith.maximumf %max3A_2165, %get3A_2169 : vector<16xf32>
      %add3A_2171 = arith.constant 176 : i32
      %add3A_2172 = arith.addi %multiple_of3A, %add3A_2171 : i32
      %get3A_2173 = arith.index_cast %add3A_2172 : i32 to index
      %get3A_2174 = tpu.vector_load %arg6[%get3A_2173] {strides = array<i32>} : memref<100000xf32, #tpu.memory_space<vmem>>, vector<16xf32>,
      %max3A_2175 = arith.maximumf %max3A_2170, %get3A_2174 : vector<16xf32>
      %add3A_2176 = arith.constant 192 : i32
      %add3A_2177 = arith.addi %multiple_of3A, %add3A_2176 : i32
      %get3A_2178 = arith.index_cast %add3A_2177 : i32 to index
      %get3A_2179 = tpu.vector_load %arg6[%get3A_2178] {strides = array<i32>} : memref<100000xf32, #tpu.memory_space<vmem>>, vector<16xf32>,
      %max3A_2180 = arith.maximumf %max3A_2175, %get3A_2179 : vector<16xf32>
      %add3A_2181 = arith.constant 208 : i32
      %add3A_2182 = arith.addi %multiple_of3A, %add3A_2181 : i32
      %get3A_2183 = arith.index_cast %add3A_2182 : i32 to index
      %get3A_2184 = tpu.vector_load %arg6[%get3A_2183] {strides = array<i32>} : memref<100000xf32, #tpu.memory_space<vmem>>, vector<16xf32>,
      %max3A_2185 = arith.maximumf %max3A_2180, %get3A_2184 : vector<16xf32>
      %add3A_2186 = arith.constant 224 : i32
      %add3A_2187 = arith.addi %multiple_of3A, %add3A_2186 : i32
      %get3A_2188 = arith.index_cast %add3A_2187 : i32 to index
      %get3A_2189 = tpu.vector_load %arg6[%get3A_2188] {strides = array<i32>} : memref<100000xf32, #tpu.memory_space<vmem>>, vector<16xf32>,
      %max3A_2190 = arith.maximumf %max3A_2185, %get3A_2189 : vector<16xf32>
      %add3A_2191 = arith.constant 240 : i32
      %add3A_2192 = arith.addi %multiple_of3A, %add3A_2191 : i32
      %get3A_2193 = arith.index_cast %add3A_2192 : i32 to index
      %get3A_2194 = tpu.vector_load %arg6[%get3A_2193] {strides = array<i32>} : memref<100000xf32, #tpu.memory_space<vmem>>, vector<16xf32>,
      %max3A_2195 = arith.maximumf %max3A_2190, %get3A_2194 : vector<16xf32>
      %add3A_2196 = arith.constant 256 : i32
      %add3A_2197 = arith.addi %multiple_of3A, %add3A_2196 : i32
      %get3A_2198 = arith.index_cast %add3A_2197 : i32 to index
      %get3A_2199 = tpu.vector_load %arg6[%get3A_2198] {strides = array<i32>} : memref<100000xf32, #tpu.memory_space<vmem>>, vector<16xf32>,
      %max3A_2200 = arith.maximumf %max3A_2195, %get3A_2199 : vector<16xf32>
      %add3A_2201 = arith.constant 272 : i32
      %add3A_2202 = arith.addi %multiple_of3A, %add3A_2201 : i32
      %get3A_2203 = arith.index_cast %add3A_2202 : i32 to index
      %get3A_2204 = tpu.vector_load %arg6[%get3A_2203] {strides = array<i32>} : memref<100000xf32, #tpu.memory_space<vmem>>, vector<16xf32>,
      %max3A_2205 = arith.maximumf %max3A_2200, %get3A_2204 : vector<16xf32>
      %add3A_2206 = arith.constant 288 : i32
      %add3A_2207 = arith.addi %multiple_of3A, %add3A_2206 : i32
      %get3A_2208 = arith.index_cast %add3A_2207 : i32 to index
      %get3A_2209 = tpu.vector_load %arg6[%get3A_2208] {strides = array<i32>} : memref<100000xf32, #tpu.memory_space<vmem>>, vector<16xf32>,
      %max3A_2210 = arith.maximumf %max3A_2205, %get3A_2209 : vector<16xf32>
      %add3A_2211 = arith.constant 304 : i32
      %add3A_2212 = arith.addi %multiple_of3A, %add3A_2211 : i32
      %get3A_2213 = arith.index_cast %add3A_2212 : i32 to index
      %get3A_2214 = tpu.vector_load %arg6[%get3A_2213] {strides = array<i32>} : memref<100000xf32, #tpu.memory_space<vmem>>, vector<16xf32>,
      %max3A_2215 = arith.maximumf %max3A_2210, %get3A_2214 : vector<16xf32>
      %add3A_2216 = arith.constant 320 : i32
      %add3A_2217 = arith.addi %multiple_of3A, %add3A_2216 : i32
      %get3A_2218 = arith.index_cast %add3A_2217 : i32 to index
      %get3A_2219 = tpu.vector_load %arg6[%get3A_2218] {strides = array<i32>} : memref<100000xf32, #tpu.memory_space<vmem>>, vector<16xf32>,
      %max3A_2220 = arith.maximumf %max3A_2215, %get3A_2219 : vector<16xf32>
      %add3A_2221 = arith.constant 336 : i32
      %add3A_2222 = arith.addi %multiple_of3A, %add3A_2221 : i32
      %get3A_2223 = arith.index_cast %add3A_2222 : i32 to index
      %get3A_2224 = tpu.vector_load %arg6[%get3A_2223] {strides = array<i32>} : memref<100000xf32, #tpu.memory_space<vmem>>, vector<16xf32>,
      %max3A_2225 = arith.maximumf %max3A_2220, %get3A_2224 : vector<16xf32>
      %add3A_2226 = arith.constant 352 : i32
      %add3A_2227 = arith.addi %multiple_of3A, %add3A_2226 : i32
      %get3A_2228 = arith.index_cast %add3A_2227 : i32 to index
      %get3A_2229 = tpu.vector_load %arg6[%get3A_2228] {strides = array<i32>} : memref<100000xf32, #tpu.memory_space<vmem>>, vector<16xf32>,
      %max3A_2230 = arith.maximumf %max3A_2225, %get3A_2229 : vector<16xf32>
      %add3A_2231 = arith.constant 368 : i32
      %add3A_2232 = arith.addi %multiple_of3A, %add3A_2231 : i32
      %get3A_2233 = arith.index_cast %add3A_2232 : i32 to index
      %get3A_2234 = tpu.vector_load %arg6[%get3A_2233] {strides = array<i32>} : memref<100000xf32, #tpu.memory_space<vmem>>, vector<16xf32>,
      %max3A_2235 = arith.maximumf %max3A_2230, %get3A_2234 : vector<16xf32>
      %add3A_2236 = arith.constant 384 : i32
      %add3A_2237 = arith.addi %multiple_of3A, %add3A_2236 : i32
      %get3A_2238 = arith.index_cast %add3A_2237 : i32 to index
      %get3A_2239 = tpu.vector_load %arg6[%get3A_2238] {strides = array<i32>} : memref<100000xf32, #tpu.memory_space<vmem>>, vector<16xf32>,
      %max3A_2240 = arith.maximumf %max3A_2235, %get3A_2239 : vector<16xf32>
      %add3A_2241 = arith.constant 400 : i32
      %add3A_2242 = arith.addi %multiple_of3A, %add3A_2241 : i32
      %get3A_2243 = arith.index_cast %add3A_2242 : i32 to index
      %get3A_2244 = tpu.vector_load %arg6[%get3A_2243] {strides = array<i32>} : memref<100000xf32, #tpu.memory_space<vmem>>, vector<16xf32>,
      %max3A_2245 = arith.maximumf %max3A_2240, %get3A_2244 : vector<16xf32>
      %add3A_2246 = arith.constant 416 : i32
      %add3A_2247 = arith.addi %multiple_of3A, %add3A_2246 : i32
      %get3A_2248 = arith.index_cast %add3A_2247 : i32 to index
      %get3A_2249 = tpu.vector_load %arg6[%get3A_2248] {strides = array<i32>} : memref<100000xf32, #tpu.memory_space<vmem>>, vector<16xf32>,
      %max3A_2250 = arith.maximumf %max3A_2245, %get3A_2249 : vector<16xf32>
      %add3A_2251 = arith.constant 432 : i32
      %add3A_2252 = arith.addi %multiple_of3A, %add3A_2251 : i32
      %get3A_2253 = arith.index_cast %add3A_2252 : i32 to index
      %get3A_2254 = tpu.vector_load %arg6[%get3A_2253] {strides = array<i32>} : memref<100000xf32, #tpu.memory_space<vmem>>, vector<16xf32>,
      %max3A_2255 = arith.maximumf %max3A_2250, %get3A_2254 : vector<16xf32>
      %add3A_2256 = arith.constant 448 : i32
      %add3A_2257 = arith.addi %multiple_of3A, %add3A_2256 : i32
      %get3A_2258 = arith.index_cast %add3A_2257 : i32 to index
      %get3A_2259 = tpu.vector_load %arg6[%get3A_2258] {strides = array<i32>} : memref<100000xf32, #tpu.memory_space<vmem>>, vector<16xf32>,
      %max3A_2260 = arith.maximumf %max3A_2255, %get3A_2259 : vector<16xf32>
      %add3A_2261 = arith.constant 464 : i32
      %add3A_2262 = arith.addi %multiple_of3A, %add3A_2261 : i32
      %get3A_2263 = arith.index_cast %add3A_2262 : i32 to index
      %get3A_2264 = tpu.vector_load %arg6[%get3A_2263] {strides = array<i32>} : memref<100000xf32, #tpu.memory_space<vmem>>, vector<16xf32>,
      %max3A_2265 = arith.maximumf %max3A_2260, %get3A_2264 : vector<16xf32>
      %add3A_2266 = arith.constant 480 : i32
      %add3A_2267 = arith.addi %multiple_of3A, %add3A_2266 : i32
      %get3A_2268 = arith.index_cast %add3A_2267 : i32 to index
      %get3A_2269 = tpu.vector_load %arg6[%get3A_2268] {strides = array<i32>} : memref<100000xf32, #tpu.memory_space<vmem>>, vector<16xf32>,
      %max3A_2270 = arith.maximumf %max3A_2265, %get3A_2269 : vector<16xf32>
      %add3A_2271 = arith.constant 496 : i32
      %add3A_2272 = arith.addi %multiple_of3A, %add3A_2271 : i32
      %get3A_2273 = arith.index_cast %add3A_2272 : i32 to index
      %get3A_2274 = tpu.vector_load %arg6[%get3A_2273] {strides = array<i32>} : memref<100000xf32, #tpu.memory_space<vmem>>, vector<16xf32>,
      %max3A_2275 = arith.maximumf %max3A_2270, %get3A_2274 : vector<16xf32>
      %add3A_2276 = arith.constant 512 : i32
      %add3A_2277 = arith.addi %multiple_of3A, %add3A_2276 : i32
      %get3A_2278 = arith.index_cast %add3A_2277 : i32 to index
      %get3A_2279 = tpu.vector_load %arg6[%get3A_2278] {strides = array<i32>} : memref<100000xf32, #tpu.memory_space<vmem>>, vector<16xf32>,
      %max3A_2280 = arith.maximumf %max3A_2275, %get3A_2279 : vector<16xf32>
      %add3A_2281 = arith.constant 528 : i32
      %add3A_2282 = arith.addi %multiple_of3A, %add3A_2281 : i32
      %get3A_2283 = arith.index_cast %add3A_2282 : i32 to index
      %get3A_2284 = tpu.vector_load %arg6[%get3A_2283] {strides = array<i32>} : memref<100000xf32, #tpu.memory_space<vmem>>, vector<16xf32>,
      %max3A_2285 = arith.maximumf %max3A_2280, %get3A_2284 : vector<16xf32>
      %add3A_2286 = arith.constant 544 : i32
      %add3A_2287 = arith.addi %multiple_of3A, %add3A_2286 : i32
      %get3A_2288 = arith.index_cast %add3A_2287 : i32 to index
      %get3A_2289 = tpu.vector_load %arg6[%get3A_2288] {strides = array<i32>} : memref<100000xf32, #tpu.memory_space<vmem>>, vector<16xf32>,
      %max3A_2290 = arith.maximumf %max3A_2285, %get3A_2289 : vector<16xf32>
      %add3A_2291 = arith.constant 560 : i32
      %add3A_2292 = arith.addi %multiple_of3A, %add3A_2291 : i32
      %get3A_2293 = arith.index_cast %add3A_2292 : i32 to index
      %get3A_2294 = tpu.vector_load %arg6[%get3A_2293] {strides = array<i32>} : memref<100000xf32, #tpu.memory_space<vmem>>, vector<16xf32>,
      %max3A_2295 = arith.maximumf %max3A_2290, %get3A_2294 : vector<16xf32>
      %add3A_2296 = arith.constant 576 : i32
      %add3A_2297 = arith.addi %multiple_of3A, %add3A_2296 : i32
      %get3A_2298 = arith.index_cast %add3A_2297 : i32 to index
      %get3A_2299 = tpu.vector_load %arg6[%get3A_2298] {strides = array<i32>} : memref<100000xf32, #tpu.memory_space<vmem>>, vector<16xf32>,
      %max3A_2300 = arith.maximumf %max3A_2295, %get3A_2299 : vector<16xf32>
      %add3A_2301 = arith.constant 592 : i32
      %add3A_2302 = arith.addi %multiple_of3A, %add3A_2301 : i32
      %get3A_2303 = arith.index_cast %add3A_2302 : i32 to index
      %get3A_2304 = tpu.vector_load %arg6[%get3A_2303] {strides = array<i32>} : memref<100000xf32, #tpu.memory_space<vmem>>, vector<16xf32>,
      %max3A_2305 = arith.maximumf %max3A_2300, %get3A_2304 : vector<16xf32>
      %add3A_2306 = arith.constant 608 : i32
      %add3A_2307 = arith.addi %multiple_of3A, %add3A_2306 : i32
      %get3A_2308 = arith.index_cast %add3A_2307 : i32 to index
      %get3A_2309 = tpu.vector_load %arg6[%get3A_2308] {strides = array<i32>} : memref<100000xf32, #tpu.memory_space<vmem>>, vector<16xf32>,
      %max3A_2310 = arith.maximumf %max3A_2305, %get3A_2309 : vector<16xf32>
      %add3A_2311 = arith.constant 624 : i32
      %add3A_2312 = arith.addi %multiple_of3A, %add3A_2311 : i32
      %get3A_2313 = arith.index_cast %add3A_2312 : i32 to index
      %get3A_2314 = tpu.vector_load %arg6[%get3A_2313] {strides = array<i32>} : memref<100000xf32, #tpu.memory_space<vmem>>, vector<16xf32>,
      %max3A_2315 = arith.maximumf %max3A_2310, %get3A_2314 : vector<16xf32>
      %add3A_2316 = arith.constant 640 : i32
      %add3A_2317 = arith.addi %multiple_of3A, %add3A_2316 : i32
      %get3A_2318 = arith.index_cast %add3A_2317 : i32 to index
      %get3A_2319 = tpu.vector_load %arg6[%get3A_2318] {strides = array<i32>} : memref<100000xf32, #tpu.memory_space<vmem>>, vector<16xf32>,
      %max3A_2320 = arith.maximumf %max3A_2315, %get3A_2319 : vector<16xf32>
      %add3A_2321 = arith.constant 656 : i32
      %add3A_2322 = arith.addi %multiple_of3A, %add3A_2321 : i32
      %get3A_2323 = arith.index_cast %add3A_2322 : i32 to index
      %get3A_2324 = tpu.vector_load %arg6[%get3A_2323] {strides = array<i32>} : memref<100000xf32, #tpu.memory_space<vmem>>, vector<16xf32>,
      %max3A_2325 = arith.maximumf %max3A_2320, %get3A_2324 : vector<16xf32>
      %add3A_2326 = arith.constant 672 : i32
      %add3A_2327 = arith.addi %multiple_of3A, %add3A_2326 : i32
      %get3A_2328 = arith.index_cast %add3A_2327 : i32 to index
      %get3A_2329 = tpu.vector_load %arg6[%get3A_2328] {strides = array<i32>} : memref<100000xf32, #tpu.memory_space<vmem>>, vector<16xf32>,
      %max3A_2330 = arith.maximumf %max3A_2325, %get3A_2329 : vector<16xf32>
      %add3A_2331 = arith.constant 688 : i32
      %add3A_2332 = arith.addi %multiple_of3A, %add3A_2331 : i32
      %get3A_2333 = arith.index_cast %add3A_2332 : i32 to index
      %get3A_2334 = tpu.vector_load %arg6[%get3A_2333] {strides = array<i32>} : memref<100000xf32, #tpu.memory_space<vmem>>, vector<16xf32>,
      %max3A_2335 = arith.maximumf %max3A_2330, %get3A_2334 : vector<16xf32>
      %add3A_2336 = arith.constant 704 : i32
      %add3A_2337 = arith.addi %multiple_of3A, %add3A_2336 : i32
      %get3A_2338 = arith.index_cast %add3A_2337 : i32 to index
      %get3A_2339 = tpu.vector_load %arg6[%get3A_2338] {strides = array<i32>} : memref<100000xf32, #tpu.memory_space<vmem>>, vector<16xf32>,
      %max3A_2340 = arith.maximumf %max3A_2335, %get3A_2339 : vector<16xf32>
      %add3A_2341 = arith.constant 720 : i32
      %add3A_2342 = arith.addi %multiple_of3A, %add3A_2341 : i32
      %get3A_2343 = arith.index_cast %add3A_2342 : i32 to index
      %get3A_2344 = tpu.vector_load %arg6[%get3A_2343] {strides = array<i32>} : memref<100000xf32, #tpu.memory_space<vmem>>, vector<16xf32>,
      %max3A_2345 = arith.maximumf %max3A_2340, %get3A_2344 : vector<16xf32>
      %add3A_2346 = arith.constant 736 : i32
      %add3A_2347 = arith.addi %multiple_of3A, %add3A_2346 : i32
      %get3A_2348 = arith.index_cast %add3A_2347 : i32 to index
      %get3A_2349 = tpu.vector_load %arg6[%get3A_2348] {strides = array<i32>} : memref<100000xf32, #tpu.memory_space<vmem>>, vector<16xf32>,
      %max3A_2350 = arith.maximumf %max3A_2345, %get3A_2349 : vector<16xf32>
      %add3A_2351 = arith.constant 752 : i32
      %add3A_2352 = arith.addi %multiple_of3A, %add3A_2351 : i32
      %get3A_2353 = arith.index_cast %add3A_2352 : i32 to index
      %get3A_2354 = tpu.vector_load %arg6[%get3A_2353] {strides = array<i32>} : memref<100000xf32, #tpu.memory_space<vmem>>, vector<16xf32>,
      %max3A_2355 = arith.maximumf %max3A_2350, %get3A_2354 : vector<16xf32>
      %add3A_2356 = arith.constant 768 : i32
      %add3A_2357 = arith.addi %multiple_of3A, %add3A_2356 : i32
      %get3A_2358 = arith.index_cast %add3A_2357 : i32 to index
      %get3A_2359 = tpu.vector_load %arg6[%get3A_2358] {strides = array<i32>} : memref<100000xf32, #tpu.memory_space<vmem>>, vector<16xf32>,
      %max3A_2360 = arith.maximumf %max3A_2355, %get3A_2359 : vector<16xf32>
      %add3A_2361 = arith.constant 784 : i32
      %add3A_2362 = arith.addi %multiple_of3A, %add3A_2361 : i32
      %get3A_2363 = arith.index_cast %add3A_2362 : i32 to index
      %get3A_2364 = tpu.vector_load %arg6[%get3A_2363] {strides = array<i32>} : memref<100000xf32, #tpu.memory_space<vmem>>, vector<16xf32>,
      %max3A_2365 = arith.maximumf %max3A_2360, %get3A_2364 : vector<16xf32>
      %mul3A_2366 = arith.constant 16 : i32
      %mul3A_2367 = arith.muli %scan3A_2115, %mul3A_2366 : i32
      %add3A_2368 = vector.broadcast %mul3A_2367 : i32 to vector<16xi32>
      %add3A_2369 = arith.addi %add3A_2368, %iota3A : vector<16xi32>
      %masked_sort3A = arith.constant dense<true> : vector<16xi1>
      %masked_sort3A_2370, %masked_sort3A_2371, %masked_sort3A_2372 = tpu.sort %max3A_2365, %add3A_2369 masked %masked_sort3A : (vector<16xf32>, vector<16xi32>, vector<16xi1>) -> (vector<16xi1>, vector<16xf32>, vector<16xi32>)
      %ge3A = arith.cmpf oge, %scan3A_2116, %masked_sort3A_2371 : vector<16xf32>
      %select_n3A_2373 = arith.select %ge3A, %scan3A_2116, %masked_sort3A_2371 : vector<16xi1>, vector<16xf32>
      %select_n3A_2374 = arith.select %ge3A, %scan3A_2117, %masked_sort3A_2372 : vector<16xi1>, vector<16xi32>
      %masked_sort3A_2375 = arith.constant dense<true> : vector<16xi1>
      %masked_sort3A_2376, %masked_sort3A_2377, %masked_sort3A_2378 = tpu.sort %select_n3A_2373, %select_n3A_2374 masked %masked_sort3A_2375 {descending = true} : (vector<16xf32>, vector<16xi32>, vector<16xi1>) -> (vector<16xi1>, vector<16xf32>, vector<16xi32>)
      scf.yield %masked_sort3A_2377, %masked_sort3A_2378 : vector<16xf32>, vector<16xi32>
    }
    %scan3A_548 = arith.constant 125 : i32
    %shift_right_logical3A_549 = arith.constant 4 : i32
    %shift_right_logical3A_550 = vector.broadcast %shift_right_logical3A_549 : i32 to vector<16xi32>
    %shift_right_logical3A_551 = arith.shrui %scan3A_547#1, %shift_right_logical3A_550 : vector<16xi32>
    %and3A_552 = arith.constant 15 : i32
    %and3A_553 = vector.broadcast %and3A_552 : i32 to vector<16xi32>
    %and3A_554 = arith.andi %scan3A_547#1, %and3A_553 : vector<16xi32>
    %mul3A_555 = arith.constant 800 : i32
    %mul3A_556 = vector.broadcast %mul3A_555 : i32 to vector<16xi32>
    %mul3A_557 = arith.muli %shift_right_logical3A_551, %mul3A_556 : vector<16xi32>
    %add3A_558 = arith.addi %mul3A_557, %and3A_554 : vector<16xi32>
    %broadcast_in_dim3A_559 = arith.constant 0xFF800000 : f32
    %broadcast_in_dim3A_560 = vector.broadcast %broadcast_in_dim3A_559 : f32 to vector<16xf32>
    %scan3A_561 = arith.constant 0 : i32
    %scan3A_562 = arith.constant 50 : i32
    %scan3A_563 = arith.addi %scan3A_561, %scan3A_562 : i32
    %scan3A_564 = arith.constant 1 : i32
    %scan3A_565 = scf.for %scan3A_2115 = %scan3A_561 to %scan3A_563 step %scan3A_564 iter_args(%scan3A_2116 = %broadcast_in_dim3A_560) -> (vector<16xf32>)  : i32 {
      %mul3A_2117 = arith.constant 16 : i32
      %mul3A_2118 = arith.muli %scan3A_2115, %mul3A_2117 : i32
      %add3A_2119 = vector.broadcast %mul3A_2118 : i32 to vector<16xi32>
      %add3A_2120 = arith.addi %add3A_558, %add3A_2119 : vector<16xi32>
      %gather3A_2121 = tpu.vector_load_idx %arg6[%add3A_2120] : memref<100000xf32, #tpu.memory_space<vmem>>[vector<16xi32>], vector<16xf32>,
      %sort3A = arith.constant dense<true> : vector<16xi1>
      %sort3A_2122, %sort3A_2123, %sort3A_2124 = tpu.sort %gather3A_2121, %gather3A_2121 masked %sort3A : (vector<16xf32>, vector<16xf32>, vector<16xi1>) -> (vector<16xi1>, vector<16xf32>, vector<16xf32>)
      %max3A_2125 = arith.maximumf %scan3A_2116, %sort3A_2123 : vector<16xf32>
      %sort3A_2126 = arith.constant dense<true> : vector<16xi1>
      %sort3A_2127, %sort3A_2128, %sort3A_2129 = tpu.sort %max3A_2125, %max3A_2125 masked %sort3A_2126 : (vector<16xf32>, vector<16xf32>, vector<16xi1>) -> (vector<16xi1>, vector<16xf32>, vector<16xf32>)
      %rev3A = arith.constant 15 : i32
      %rev3A_2130 = vector.broadcast %rev3A : i32 to vector<16xi32>
      %rev3A_2131 = tpu.iota {dimensions = array<i32: 0>} : vector<16xi32>
      %rev3A_2132 = arith.subi %rev3A_2130, %rev3A_2131 : vector<16xi32>
      %rev3A_2133 = tpu.dynamic_gather %sort3A_2128[%rev3A_2132] in [0] : vector<16xf32>, vector<16xi32> -> vector<16xf32>
      scf.yield %rev3A_2133 : vector<16xf32>
    }
    %scan3A_566 = arith.constant 50 : i32
    %reduce_max3A_567 = arith.constant true
    %reduce_max3A_568 = vector.broadcast %reduce_max3A_567 : i1 to vector<16xi1>
    %reduce_max3A_569 = tpu.scan <max>, %scan3A_565 masked %reduce_max3A_568 : vector<16xf32>, vector<16xi1> -> vector<16xf32>
    %reduce_max3A_570 = vector.extract %reduce_max3A_569[15] : f32 from vector<16xf32>
    %add3A_571 = arith.constant 50 : i32
    %add3A_572 = vector.broadcast %add3A_571 : i32 to vector<16xi32>
    %add3A_573 = arith.addi %add3A_572, %iota3A : vector<16xi32>
    %gather3A_574 = tpu.vector_load_idx %arg9[%add3A_573] : memref<96xf32, #tpu.memory_space<vmem>>[vector<16xi32>], vector<16xf32>,
    %eq3A_575 = arith.constant 0 : i32
    %eq3A_576 = vector.broadcast %eq3A_575 : i32 to vector<16xi32>
    %eq3A_577 = arith.cmpi eq, %iota3A, %eq3A_576 : vector<16xi32>
    %jit3A_578 = arith.constant 0xFF800000 : f32
    %broadcast_in_dim3A_579 = vector.broadcast %jit3A_578 : f32 to vector<16xf32>
    %select_n3A_580 = arith.select %eq3A_577, %scan3A_565, %broadcast_in_dim3A_579 : vector<16xi1>, vector<16xf32>
    %reduce_max3A_581 = arith.constant true
    %reduce_max3A_582 = vector.broadcast %reduce_max3A_581 : i1 to vector<16xi1>
    %reduce_max3A_583 = tpu.scan <max>, %select_n3A_580 masked %reduce_max3A_582 : vector<16xf32>, vector<16xi1> -> vector<16xf32>
    %reduce_max3A_584 = vector.extract %reduce_max3A_583[15] : f32 from vector<16xf32>
    %mul3A_585 = arith.constant 10 : i32
    %mul3A_586 = vector.broadcast %mul3A_585 : i32 to vector<16xi32>
    %mul3A_587 = arith.muli %mul3A_586, %iota3A : vector<16xi32>
    %add3A_588 = arith.constant 0 : i32
    %add3A_589 = vector.broadcast %add3A_588 : i32 to vector<16xi32>
    %add3A_590 = arith.addi %add3A_589, %mul3A_587 : vector<16xi32>
    %add3A_591 = arith.constant 0 : i32
    %add3A_592 = vector.broadcast %add3A_591 : i32 to vector<16xi32>
    %add3A_593 = arith.addi %add3A_590, %add3A_592 : vector<16xi32>
    %jit3A_594 = arith.constant 0 : i32
    %broadcast_in_dim3A_595 = vector.broadcast %jit3A_594 : i32 to vector<16xi32>
    %select_n3A_596 = arith.select %lt3A_22, %add3A_593, %broadcast_in_dim3A_595 : vector<16xi1>, vector<16xi32>
    %gather3A_597 = tpu.vector_load_idx %arg9[%select_n3A_596] : memref<96xf32, #tpu.memory_space<vmem>>[vector<16xi32>], vector<16xf32>,
    %mul3A_598 = vector.broadcast %reduce_max3A_584 : f32 to vector<16xf32>
    %mul3A_599 = arith.mulf %mul3A_598, %gather3A_597 : vector<16xf32>
    %add3A_600 = arith.addf %gather3A_574, %mul3A_599 : vector<16xf32>
    %eq3A_601 = arith.constant 1 : i32
    %eq3A_602 = vector.broadcast %eq3A_601 : i32 to vector<16xi32>
    %eq3A_603 = arith.cmpi eq, %iota3A, %eq3A_602 : vector<16xi32>
    %jit3A_604 = arith.constant 0xFF800000 : f32
    %broadcast_in_dim3A_605 = vector.broadcast %jit3A_604 : f32 to vector<16xf32>
    %select_n3A_606 = arith.select %eq3A_603, %scan3A_565, %broadcast_in_dim3A_605 : vector<16xi1>, vector<16xf32>
    %reduce_max3A_607 = arith.constant true
    %reduce_max3A_608 = vector.broadcast %reduce_max3A_607 : i1 to vector<16xi1>
    %reduce_max3A_609 = tpu.scan <max>, %select_n3A_606 masked %reduce_max3A_608 : vector<16xf32>, vector<16xi1> -> vector<16xf32>
    %reduce_max3A_610 = vector.extract %reduce_max3A_609[15] : f32 from vector<16xf32>
    %mul3A_611 = arith.constant 10 : i32
    %mul3A_612 = vector.broadcast %mul3A_611 : i32 to vector<16xi32>
    %mul3A_613 = arith.muli %mul3A_612, %iota3A : vector<16xi32>
    %add3A_614 = arith.constant 0 : i32
    %add3A_615 = vector.broadcast %add3A_614 : i32 to vector<16xi32>
    %add3A_616 = arith.addi %add3A_615, %mul3A_613 : vector<16xi32>
    %add3A_617 = arith.constant 1 : i32
    %add3A_618 = vector.broadcast %add3A_617 : i32 to vector<16xi32>
    %add3A_619 = arith.addi %add3A_616, %add3A_618 : vector<16xi32>
    %jit3A_620 = arith.constant 0 : i32
    %broadcast_in_dim3A_621 = vector.broadcast %jit3A_620 : i32 to vector<16xi32>
    %select_n3A_622 = arith.select %lt3A_22, %add3A_619, %broadcast_in_dim3A_621 : vector<16xi1>, vector<16xi32>
    %gather3A_623 = tpu.vector_load_idx %arg9[%select_n3A_622] : memref<96xf32, #tpu.memory_space<vmem>>[vector<16xi32>], vector<16xf32>,
    %mul3A_624 = vector.broadcast %reduce_max3A_610 : f32 to vector<16xf32>
    %mul3A_625 = arith.mulf %mul3A_624, %gather3A_623 : vector<16xf32>
    %add3A_626 = arith.addf %add3A_600, %mul3A_625 : vector<16xf32>
    %eq3A_627 = arith.constant 2 : i32
    %eq3A_628 = vector.broadcast %eq3A_627 : i32 to vector<16xi32>
    %eq3A_629 = arith.cmpi eq, %iota3A, %eq3A_628 : vector<16xi32>
    %jit3A_630 = arith.constant 0xFF800000 : f32
    %broadcast_in_dim3A_631 = vector.broadcast %jit3A_630 : f32 to vector<16xf32>
    %select_n3A_632 = arith.select %eq3A_629, %scan3A_565, %broadcast_in_dim3A_631 : vector<16xi1>, vector<16xf32>
    %reduce_max3A_633 = arith.constant true
    %reduce_max3A_634 = vector.broadcast %reduce_max3A_633 : i1 to vector<16xi1>
    %reduce_max3A_635 = tpu.scan <max>, %select_n3A_632 masked %reduce_max3A_634 : vector<16xf32>, vector<16xi1> -> vector<16xf32>
    %reduce_max3A_636 = vector.extract %reduce_max3A_635[15] : f32 from vector<16xf32>
    %mul3A_637 = arith.constant 10 : i32
    %mul3A_638 = vector.broadcast %mul3A_637 : i32 to vector<16xi32>
    %mul3A_639 = arith.muli %mul3A_638, %iota3A : vector<16xi32>
    %add3A_640 = arith.constant 0 : i32
    %add3A_641 = vector.broadcast %add3A_640 : i32 to vector<16xi32>
    %add3A_642 = arith.addi %add3A_641, %mul3A_639 : vector<16xi32>
    %add3A_643 = arith.constant 2 : i32
    %add3A_644 = vector.broadcast %add3A_643 : i32 to vector<16xi32>
    %add3A_645 = arith.addi %add3A_642, %add3A_644 : vector<16xi32>
    %jit3A_646 = arith.constant 0 : i32
    %broadcast_in_dim3A_647 = vector.broadcast %jit3A_646 : i32 to vector<16xi32>
    %select_n3A_648 = arith.select %lt3A_22, %add3A_645, %broadcast_in_dim3A_647 : vector<16xi1>, vector<16xi32>
    %gather3A_649 = tpu.vector_load_idx %arg9[%select_n3A_648] : memref<96xf32, #tpu.memory_space<vmem>>[vector<16xi32>], vector<16xf32>,
    %mul3A_650 = vector.broadcast %reduce_max3A_636 : f32 to vector<16xf32>
    %mul3A_651 = arith.mulf %mul3A_650, %gather3A_649 : vector<16xf32>
    %add3A_652 = arith.addf %add3A_626, %mul3A_651 : vector<16xf32>
    %eq3A_653 = arith.constant 3 : i32
    %eq3A_654 = vector.broadcast %eq3A_653 : i32 to vector<16xi32>
    %eq3A_655 = arith.cmpi eq, %iota3A, %eq3A_654 : vector<16xi32>
    %jit3A_656 = arith.constant 0xFF800000 : f32
    %broadcast_in_dim3A_657 = vector.broadcast %jit3A_656 : f32 to vector<16xf32>
    %select_n3A_658 = arith.select %eq3A_655, %scan3A_565, %broadcast_in_dim3A_657 : vector<16xi1>, vector<16xf32>
    %reduce_max3A_659 = arith.constant true
    %reduce_max3A_660 = vector.broadcast %reduce_max3A_659 : i1 to vector<16xi1>
    %reduce_max3A_661 = tpu.scan <max>, %select_n3A_658 masked %reduce_max3A_660 : vector<16xf32>, vector<16xi1> -> vector<16xf32>
    %reduce_max3A_662 = vector.extract %reduce_max3A_661[15] : f32 from vector<16xf32>
    %mul3A_663 = arith.constant 10 : i32
    %mul3A_664 = vector.broadcast %mul3A_663 : i32 to vector<16xi32>
    %mul3A_665 = arith.muli %mul3A_664, %iota3A : vector<16xi32>
    %add3A_666 = arith.constant 0 : i32
    %add3A_667 = vector.broadcast %add3A_666 : i32 to vector<16xi32>
    %add3A_668 = arith.addi %add3A_667, %mul3A_665 : vector<16xi32>
    %add3A_669 = arith.constant 3 : i32
    %add3A_670 = vector.broadcast %add3A_669 : i32 to vector<16xi32>
    %add3A_671 = arith.addi %add3A_668, %add3A_670 : vector<16xi32>
    %jit3A_672 = arith.constant 0 : i32
    %broadcast_in_dim3A_673 = vector.broadcast %jit3A_672 : i32 to vector<16xi32>
    %select_n3A_674 = arith.select %lt3A_22, %add3A_671, %broadcast_in_dim3A_673 : vector<16xi1>, vector<16xi32>
    %gather3A_675 = tpu.vector_load_idx %arg9[%select_n3A_674] : memref<96xf32, #tpu.memory_space<vmem>>[vector<16xi32>], vector<16xf32>,
    %mul3A_676 = vector.broadcast %reduce_max3A_662 : f32 to vector<16xf32>
    %mul3A_677 = arith.mulf %mul3A_676, %gather3A_675 : vector<16xf32>
    %add3A_678 = arith.addf %add3A_652, %mul3A_677 : vector<16xf32>
    %eq3A_679 = arith.constant 4 : i32
    %eq3A_680 = vector.broadcast %eq3A_679 : i32 to vector<16xi32>
    %eq3A_681 = arith.cmpi eq, %iota3A, %eq3A_680 : vector<16xi32>
    %jit3A_682 = arith.constant 0xFF800000 : f32
    %broadcast_in_dim3A_683 = vector.broadcast %jit3A_682 : f32 to vector<16xf32>
    %select_n3A_684 = arith.select %eq3A_681, %scan3A_565, %broadcast_in_dim3A_683 : vector<16xi1>, vector<16xf32>
    %reduce_max3A_685 = arith.constant true
    %reduce_max3A_686 = vector.broadcast %reduce_max3A_685 : i1 to vector<16xi1>
    %reduce_max3A_687 = tpu.scan <max>, %select_n3A_684 masked %reduce_max3A_686 : vector<16xf32>, vector<16xi1> -> vector<16xf32>
    %reduce_max3A_688 = vector.extract %reduce_max3A_687[15] : f32 from vector<16xf32>
    %mul3A_689 = arith.constant 10 : i32
    %mul3A_690 = vector.broadcast %mul3A_689 : i32 to vector<16xi32>
    %mul3A_691 = arith.muli %mul3A_690, %iota3A : vector<16xi32>
    %add3A_692 = arith.constant 0 : i32
    %add3A_693 = vector.broadcast %add3A_692 : i32 to vector<16xi32>
    %add3A_694 = arith.addi %add3A_693, %mul3A_691 : vector<16xi32>
    %add3A_695 = arith.constant 4 : i32
    %add3A_696 = vector.broadcast %add3A_695 : i32 to vector<16xi32>
    %add3A_697 = arith.addi %add3A_694, %add3A_696 : vector<16xi32>
    %jit3A_698 = arith.constant 0 : i32
    %broadcast_in_dim3A_699 = vector.broadcast %jit3A_698 : i32 to vector<16xi32>
    %select_n3A_700 = arith.select %lt3A_22, %add3A_697, %broadcast_in_dim3A_699 : vector<16xi1>, vector<16xi32>
    %gather3A_701 = tpu.vector_load_idx %arg9[%select_n3A_700] : memref<96xf32, #tpu.memory_space<vmem>>[vector<16xi32>], vector<16xf32>,
    %mul3A_702 = vector.broadcast %reduce_max3A_688 : f32 to vector<16xf32>
    %mul3A_703 = arith.mulf %mul3A_702, %gather3A_701 : vector<16xf32>
    %add3A_704 = arith.addf %add3A_678, %mul3A_703 : vector<16xf32>
    %eq3A_705 = arith.constant 5 : i32
    %eq3A_706 = vector.broadcast %eq3A_705 : i32 to vector<16xi32>
    %eq3A_707 = arith.cmpi eq, %iota3A, %eq3A_706 : vector<16xi32>
    %jit3A_708 = arith.constant 0xFF800000 : f32
    %broadcast_in_dim3A_709 = vector.broadcast %jit3A_708 : f32 to vector<16xf32>
    %select_n3A_710 = arith.select %eq3A_707, %scan3A_565, %broadcast_in_dim3A_709 : vector<16xi1>, vector<16xf32>
    %reduce_max3A_711 = arith.constant true
    %reduce_max3A_712 = vector.broadcast %reduce_max3A_711 : i1 to vector<16xi1>
    %reduce_max3A_713 = tpu.scan <max>, %select_n3A_710 masked %reduce_max3A_712 : vector<16xf32>, vector<16xi1> -> vector<16xf32>
    %reduce_max3A_714 = vector.extract %reduce_max3A_713[15] : f32 from vector<16xf32>
    %mul3A_715 = arith.constant 10 : i32
    %mul3A_716 = vector.broadcast %mul3A_715 : i32 to vector<16xi32>
    %mul3A_717 = arith.muli %mul3A_716, %iota3A : vector<16xi32>
    %add3A_718 = arith.constant 0 : i32
    %add3A_719 = vector.broadcast %add3A_718 : i32 to vector<16xi32>
    %add3A_720 = arith.addi %add3A_719, %mul3A_717 : vector<16xi32>
    %add3A_721 = arith.constant 5 : i32
    %add3A_722 = vector.broadcast %add3A_721 : i32 to vector<16xi32>
    %add3A_723 = arith.addi %add3A_720, %add3A_722 : vector<16xi32>
    %jit3A_724 = arith.constant 0 : i32
    %broadcast_in_dim3A_725 = vector.broadcast %jit3A_724 : i32 to vector<16xi32>
    %select_n3A_726 = arith.select %lt3A_22, %add3A_723, %broadcast_in_dim3A_725 : vector<16xi1>, vector<16xi32>
    %gather3A_727 = tpu.vector_load_idx %arg9[%select_n3A_726] : memref<96xf32, #tpu.memory_space<vmem>>[vector<16xi32>], vector<16xf32>,
    %mul3A_728 = vector.broadcast %reduce_max3A_714 : f32 to vector<16xf32>
    %mul3A_729 = arith.mulf %mul3A_728, %gather3A_727 : vector<16xf32>
    %add3A_730 = arith.addf %add3A_704, %mul3A_729 : vector<16xf32>
    %eq3A_731 = arith.constant 6 : i32
    %eq3A_732 = vector.broadcast %eq3A_731 : i32 to vector<16xi32>
    %eq3A_733 = arith.cmpi eq, %iota3A, %eq3A_732 : vector<16xi32>
    %jit3A_734 = arith.constant 0xFF800000 : f32
    %broadcast_in_dim3A_735 = vector.broadcast %jit3A_734 : f32 to vector<16xf32>
    %select_n3A_736 = arith.select %eq3A_733, %scan3A_565, %broadcast_in_dim3A_735 : vector<16xi1>, vector<16xf32>
    %reduce_max3A_737 = arith.constant true
    %reduce_max3A_738 = vector.broadcast %reduce_max3A_737 : i1 to vector<16xi1>
    %reduce_max3A_739 = tpu.scan <max>, %select_n3A_736 masked %reduce_max3A_738 : vector<16xf32>, vector<16xi1> -> vector<16xf32>
    %reduce_max3A_740 = vector.extract %reduce_max3A_739[15] : f32 from vector<16xf32>
    %mul3A_741 = arith.constant 10 : i32
    %mul3A_742 = vector.broadcast %mul3A_741 : i32 to vector<16xi32>
    %mul3A_743 = arith.muli %mul3A_742, %iota3A : vector<16xi32>
    %add3A_744 = arith.constant 0 : i32
    %add3A_745 = vector.broadcast %add3A_744 : i32 to vector<16xi32>
    %add3A_746 = arith.addi %add3A_745, %mul3A_743 : vector<16xi32>
    %add3A_747 = arith.constant 6 : i32
    %add3A_748 = vector.broadcast %add3A_747 : i32 to vector<16xi32>
    %add3A_749 = arith.addi %add3A_746, %add3A_748 : vector<16xi32>
    %jit3A_750 = arith.constant 0 : i32
    %broadcast_in_dim3A_751 = vector.broadcast %jit3A_750 : i32 to vector<16xi32>
    %select_n3A_752 = arith.select %lt3A_22, %add3A_749, %broadcast_in_dim3A_751 : vector<16xi1>, vector<16xi32>
    %gather3A_753 = tpu.vector_load_idx %arg9[%select_n3A_752] : memref<96xf32, #tpu.memory_space<vmem>>[vector<16xi32>], vector<16xf32>,
    %mul3A_754 = vector.broadcast %reduce_max3A_740 : f32 to vector<16xf32>
    %mul3A_755 = arith.mulf %mul3A_754, %gather3A_753 : vector<16xf32>
    %add3A_756 = arith.addf %add3A_730, %mul3A_755 : vector<16xf32>
    %eq3A_757 = arith.constant 7 : i32
    %eq3A_758 = vector.broadcast %eq3A_757 : i32 to vector<16xi32>
    %eq3A_759 = arith.cmpi eq, %iota3A, %eq3A_758 : vector<16xi32>
    %jit3A_760 = arith.constant 0xFF800000 : f32
    %broadcast_in_dim3A_761 = vector.broadcast %jit3A_760 : f32 to vector<16xf32>
    %select_n3A_762 = arith.select %eq3A_759, %scan3A_565, %broadcast_in_dim3A_761 : vector<16xi1>, vector<16xf32>
    %reduce_max3A_763 = arith.constant true
    %reduce_max3A_764 = vector.broadcast %reduce_max3A_763 : i1 to vector<16xi1>
    %reduce_max3A_765 = tpu.scan <max>, %select_n3A_762 masked %reduce_max3A_764 : vector<16xf32>, vector<16xi1> -> vector<16xf32>
    %reduce_max3A_766 = vector.extract %reduce_max3A_765[15] : f32 from vector<16xf32>
    %mul3A_767 = arith.constant 10 : i32
    %mul3A_768 = vector.broadcast %mul3A_767 : i32 to vector<16xi32>
    %mul3A_769 = arith.muli %mul3A_768, %iota3A : vector<16xi32>
    %add3A_770 = arith.constant 0 : i32
    %add3A_771 = vector.broadcast %add3A_770 : i32 to vector<16xi32>
    %add3A_772 = arith.addi %add3A_771, %mul3A_769 : vector<16xi32>
    %add3A_773 = arith.constant 7 : i32
    %add3A_774 = vector.broadcast %add3A_773 : i32 to vector<16xi32>
    %add3A_775 = arith.addi %add3A_772, %add3A_774 : vector<16xi32>
    %jit3A_776 = arith.constant 0 : i32
    %broadcast_in_dim3A_777 = vector.broadcast %jit3A_776 : i32 to vector<16xi32>
    %select_n3A_778 = arith.select %lt3A_22, %add3A_775, %broadcast_in_dim3A_777 : vector<16xi1>, vector<16xi32>
    %gather3A_779 = tpu.vector_load_idx %arg9[%select_n3A_778] : memref<96xf32, #tpu.memory_space<vmem>>[vector<16xi32>], vector<16xf32>,
    %mul3A_780 = vector.broadcast %reduce_max3A_766 : f32 to vector<16xf32>
    %mul3A_781 = arith.mulf %mul3A_780, %gather3A_779 : vector<16xf32>
    %add3A_782 = arith.addf %add3A_756, %mul3A_781 : vector<16xf32>
    %eq3A_783 = arith.constant 8 : i32
    %eq3A_784 = vector.broadcast %eq3A_783 : i32 to vector<16xi32>
    %eq3A_785 = arith.cmpi eq, %iota3A, %eq3A_784 : vector<16xi32>
    %jit3A_786 = arith.constant 0xFF800000 : f32
    %broadcast_in_dim3A_787 = vector.broadcast %jit3A_786 : f32 to vector<16xf32>
    %select_n3A_788 = arith.select %eq3A_785, %scan3A_565, %broadcast_in_dim3A_787 : vector<16xi1>, vector<16xf32>
    %reduce_max3A_789 = arith.constant true
    %reduce_max3A_790 = vector.broadcast %reduce_max3A_789 : i1 to vector<16xi1>
    %reduce_max3A_791 = tpu.scan <max>, %select_n3A_788 masked %reduce_max3A_790 : vector<16xf32>, vector<16xi1> -> vector<16xf32>
    %reduce_max3A_792 = vector.extract %reduce_max3A_791[15] : f32 from vector<16xf32>
    %mul3A_793 = arith.constant 10 : i32
    %mul3A_794 = vector.broadcast %mul3A_793 : i32 to vector<16xi32>
    %mul3A_795 = arith.muli %mul3A_794, %iota3A : vector<16xi32>
    %add3A_796 = arith.constant 0 : i32
    %add3A_797 = vector.broadcast %add3A_796 : i32 to vector<16xi32>
    %add3A_798 = arith.addi %add3A_797, %mul3A_795 : vector<16xi32>
    %add3A_799 = arith.constant 8 : i32
    %add3A_800 = vector.broadcast %add3A_799 : i32 to vector<16xi32>
    %add3A_801 = arith.addi %add3A_798, %add3A_800 : vector<16xi32>
    %jit3A_802 = arith.constant 0 : i32
    %broadcast_in_dim3A_803 = vector.broadcast %jit3A_802 : i32 to vector<16xi32>
    %select_n3A_804 = arith.select %lt3A_22, %add3A_801, %broadcast_in_dim3A_803 : vector<16xi1>, vector<16xi32>
    %gather3A_805 = tpu.vector_load_idx %arg9[%select_n3A_804] : memref<96xf32, #tpu.memory_space<vmem>>[vector<16xi32>], vector<16xf32>,
    %mul3A_806 = vector.broadcast %reduce_max3A_792 : f32 to vector<16xf32>
    %mul3A_807 = arith.mulf %mul3A_806, %gather3A_805 : vector<16xf32>
    %add3A_808 = arith.addf %add3A_782, %mul3A_807 : vector<16xf32>
    %eq3A_809 = arith.constant 9 : i32
    %eq3A_810 = vector.broadcast %eq3A_809 : i32 to vector<16xi32>
    %eq3A_811 = arith.cmpi eq, %iota3A, %eq3A_810 : vector<16xi32>
    %jit3A_812 = arith.constant 0xFF800000 : f32
    %broadcast_in_dim3A_813 = vector.broadcast %jit3A_812 : f32 to vector<16xf32>
    %select_n3A_814 = arith.select %eq3A_811, %scan3A_565, %broadcast_in_dim3A_813 : vector<16xi1>, vector<16xf32>
    %reduce_max3A_815 = arith.constant true
    %reduce_max3A_816 = vector.broadcast %reduce_max3A_815 : i1 to vector<16xi1>
    %reduce_max3A_817 = tpu.scan <max>, %select_n3A_814 masked %reduce_max3A_816 : vector<16xf32>, vector<16xi1> -> vector<16xf32>
    %reduce_max3A_818 = vector.extract %reduce_max3A_817[15] : f32 from vector<16xf32>
    %mul3A_819 = arith.constant 10 : i32
    %mul3A_820 = vector.broadcast %mul3A_819 : i32 to vector<16xi32>
    %mul3A_821 = arith.muli %mul3A_820, %iota3A : vector<16xi32>
    %add3A_822 = arith.constant 0 : i32
    %add3A_823 = vector.broadcast %add3A_822 : i32 to vector<16xi32>
    %add3A_824 = arith.addi %add3A_823, %mul3A_821 : vector<16xi32>
    %add3A_825 = arith.constant 9 : i32
    %add3A_826 = vector.broadcast %add3A_825 : i32 to vector<16xi32>
    %add3A_827 = arith.addi %add3A_824, %add3A_826 : vector<16xi32>
    %jit3A_828 = arith.constant 0 : i32
    %broadcast_in_dim3A_829 = vector.broadcast %jit3A_828 : i32 to vector<16xi32>
    %select_n3A_830 = arith.select %lt3A_22, %add3A_827, %broadcast_in_dim3A_829 : vector<16xi1>, vector<16xi32>
    %gather3A_831 = tpu.vector_load_idx %arg9[%select_n3A_830] : memref<96xf32, #tpu.memory_space<vmem>>[vector<16xi32>], vector<16xf32>,
    %mul3A_832 = vector.broadcast %reduce_max3A_818 : f32 to vector<16xf32>
    %mul3A_833 = arith.mulf %mul3A_832, %gather3A_831 : vector<16xf32>
    %add3A_834 = arith.addf %add3A_808, %mul3A_833 : vector<16xf32>
    %jit3A_835 = arith.constant 0.000000e+00 : f32
    %broadcast_in_dim3A_836 = vector.broadcast %jit3A_835 : f32 to vector<16xf32>
    %select_n3A_837 = arith.select %lt3A_22, %add3A_834, %broadcast_in_dim3A_836 : vector<16xi1>, vector<16xf32>
    %max3A_838 = arith.constant 0.000000e+00 : f32
    %max3A_839 = vector.broadcast %max3A_838 : f32 to vector<16xf32>
    %max3A_840 = arith.maximumf %select_n3A_837, %max3A_839 : vector<16xf32>
    %add3A_841 = arith.constant 80 : i32
    %add3A_842 = vector.broadcast %add3A_841 : i32 to vector<16xi32>
    %add3A_843 = arith.addi %add3A_842, %iota3A : vector<16xi32>
    %gather3A_844 = tpu.vector_load_idx %arg9[%add3A_843] : memref<96xf32, #tpu.memory_space<vmem>>[vector<16xi32>], vector<16xf32>,
    %eq3A_845 = arith.constant 0 : i32
    %eq3A_846 = vector.broadcast %eq3A_845 : i32 to vector<16xi32>
    %eq3A_847 = arith.cmpi eq, %iota3A, %eq3A_846 : vector<16xi32>
    %jit3A_848 = arith.constant 0xFF800000 : f32
    %broadcast_in_dim3A_849 = vector.broadcast %jit3A_848 : f32 to vector<16xf32>
    %select_n3A_850 = arith.select %eq3A_847, %max3A_840, %broadcast_in_dim3A_849 : vector<16xi1>, vector<16xf32>
    %reduce_max3A_851 = arith.constant true
    %reduce_max3A_852 = vector.broadcast %reduce_max3A_851 : i1 to vector<16xi1>
    %reduce_max3A_853 = tpu.scan <max>, %select_n3A_850 masked %reduce_max3A_852 : vector<16xf32>, vector<16xi1> -> vector<16xf32>
    %reduce_max3A_854 = vector.extract %reduce_max3A_853[15] : f32 from vector<16xf32>
    %mul3A_855 = arith.constant 5 : i32
    %mul3A_856 = vector.broadcast %mul3A_855 : i32 to vector<16xi32>
    %mul3A_857 = arith.muli %mul3A_856, %iota3A : vector<16xi32>
    %add3A_858 = arith.constant 55 : i32
    %add3A_859 = vector.broadcast %add3A_858 : i32 to vector<16xi32>
    %add3A_860 = arith.addi %add3A_859, %mul3A_857 : vector<16xi32>
    %add3A_861 = arith.constant 0 : i32
    %add3A_862 = vector.broadcast %add3A_861 : i32 to vector<16xi32>
    %add3A_863 = arith.addi %add3A_860, %add3A_862 : vector<16xi32>
    %jit3A_864 = arith.constant 0 : i32
    %broadcast_in_dim3A_865 = vector.broadcast %jit3A_864 : i32 to vector<16xi32>
    %select_n3A_866 = arith.select %lt3A_22, %add3A_863, %broadcast_in_dim3A_865 : vector<16xi1>, vector<16xi32>
    %gather3A_867 = tpu.vector_load_idx %arg9[%select_n3A_866] : memref<96xf32, #tpu.memory_space<vmem>>[vector<16xi32>], vector<16xf32>,
    %mul3A_868 = vector.broadcast %reduce_max3A_854 : f32 to vector<16xf32>
    %mul3A_869 = arith.mulf %mul3A_868, %gather3A_867 : vector<16xf32>
    %add3A_870 = arith.addf %gather3A_844, %mul3A_869 : vector<16xf32>
    %eq3A_871 = arith.constant 1 : i32
    %eq3A_872 = vector.broadcast %eq3A_871 : i32 to vector<16xi32>
    %eq3A_873 = arith.cmpi eq, %iota3A, %eq3A_872 : vector<16xi32>
    %jit3A_874 = arith.constant 0xFF800000 : f32
    %broadcast_in_dim3A_875 = vector.broadcast %jit3A_874 : f32 to vector<16xf32>
    %select_n3A_876 = arith.select %eq3A_873, %max3A_840, %broadcast_in_dim3A_875 : vector<16xi1>, vector<16xf32>
    %reduce_max3A_877 = arith.constant true
    %reduce_max3A_878 = vector.broadcast %reduce_max3A_877 : i1 to vector<16xi1>
    %reduce_max3A_879 = tpu.scan <max>, %select_n3A_876 masked %reduce_max3A_878 : vector<16xf32>, vector<16xi1> -> vector<16xf32>
    %reduce_max3A_880 = vector.extract %reduce_max3A_879[15] : f32 from vector<16xf32>
    %mul3A_881 = arith.constant 5 : i32
    %mul3A_882 = vector.broadcast %mul3A_881 : i32 to vector<16xi32>
    %mul3A_883 = arith.muli %mul3A_882, %iota3A : vector<16xi32>
    %add3A_884 = arith.constant 55 : i32
    %add3A_885 = vector.broadcast %add3A_884 : i32 to vector<16xi32>
    %add3A_886 = arith.addi %add3A_885, %mul3A_883 : vector<16xi32>
    %add3A_887 = arith.constant 1 : i32
    %add3A_888 = vector.broadcast %add3A_887 : i32 to vector<16xi32>
    %add3A_889 = arith.addi %add3A_886, %add3A_888 : vector<16xi32>
    %jit3A_890 = arith.constant 0 : i32
    %broadcast_in_dim3A_891 = vector.broadcast %jit3A_890 : i32 to vector<16xi32>
    %select_n3A_892 = arith.select %lt3A_22, %add3A_889, %broadcast_in_dim3A_891 : vector<16xi1>, vector<16xi32>
    %gather3A_893 = tpu.vector_load_idx %arg9[%select_n3A_892] : memref<96xf32, #tpu.memory_space<vmem>>[vector<16xi32>], vector<16xf32>,
    %mul3A_894 = vector.broadcast %reduce_max3A_880 : f32 to vector<16xf32>
    %mul3A_895 = arith.mulf %mul3A_894, %gather3A_893 : vector<16xf32>
    %add3A_896 = arith.addf %add3A_870, %mul3A_895 : vector<16xf32>
    %eq3A_897 = arith.constant 2 : i32
    %eq3A_898 = vector.broadcast %eq3A_897 : i32 to vector<16xi32>
    %eq3A_899 = arith.cmpi eq, %iota3A, %eq3A_898 : vector<16xi32>
    %jit3A_900 = arith.constant 0xFF800000 : f32
    %broadcast_in_dim3A_901 = vector.broadcast %jit3A_900 : f32 to vector<16xf32>
    %select_n3A_902 = arith.select %eq3A_899, %max3A_840, %broadcast_in_dim3A_901 : vector<16xi1>, vector<16xf32>
    %reduce_max3A_903 = arith.constant true
    %reduce_max3A_904 = vector.broadcast %reduce_max3A_903 : i1 to vector<16xi1>
    %reduce_max3A_905 = tpu.scan <max>, %select_n3A_902 masked %reduce_max3A_904 : vector<16xf32>, vector<16xi1> -> vector<16xf32>
    %reduce_max3A_906 = vector.extract %reduce_max3A_905[15] : f32 from vector<16xf32>
    %mul3A_907 = arith.constant 5 : i32
    %mul3A_908 = vector.broadcast %mul3A_907 : i32 to vector<16xi32>
    %mul3A_909 = arith.muli %mul3A_908, %iota3A : vector<16xi32>
    %add3A_910 = arith.constant 55 : i32
    %add3A_911 = vector.broadcast %add3A_910 : i32 to vector<16xi32>
    %add3A_912 = arith.addi %add3A_911, %mul3A_909 : vector<16xi32>
    %add3A_913 = arith.constant 2 : i32
    %add3A_914 = vector.broadcast %add3A_913 : i32 to vector<16xi32>
    %add3A_915 = arith.addi %add3A_912, %add3A_914 : vector<16xi32>
    %jit3A_916 = arith.constant 0 : i32
    %broadcast_in_dim3A_917 = vector.broadcast %jit3A_916 : i32 to vector<16xi32>
    %select_n3A_918 = arith.select %lt3A_22, %add3A_915, %broadcast_in_dim3A_917 : vector<16xi1>, vector<16xi32>
    %gather3A_919 = tpu.vector_load_idx %arg9[%select_n3A_918] : memref<96xf32, #tpu.memory_space<vmem>>[vector<16xi32>], vector<16xf32>,
    %mul3A_920 = vector.broadcast %reduce_max3A_906 : f32 to vector<16xf32>
    %mul3A_921 = arith.mulf %mul3A_920, %gather3A_919 : vector<16xf32>
    %add3A_922 = arith.addf %add3A_896, %mul3A_921 : vector<16xf32>
    %eq3A_923 = arith.constant 3 : i32
    %eq3A_924 = vector.broadcast %eq3A_923 : i32 to vector<16xi32>
    %eq3A_925 = arith.cmpi eq, %iota3A, %eq3A_924 : vector<16xi32>
    %jit3A_926 = arith.constant 0xFF800000 : f32
    %broadcast_in_dim3A_927 = vector.broadcast %jit3A_926 : f32 to vector<16xf32>
    %select_n3A_928 = arith.select %eq3A_925, %max3A_840, %broadcast_in_dim3A_927 : vector<16xi1>, vector<16xf32>
    %reduce_max3A_929 = arith.constant true
    %reduce_max3A_930 = vector.broadcast %reduce_max3A_929 : i1 to vector<16xi1>
    %reduce_max3A_931 = tpu.scan <max>, %select_n3A_928 masked %reduce_max3A_930 : vector<16xf32>, vector<16xi1> -> vector<16xf32>
    %reduce_max3A_932 = vector.extract %reduce_max3A_931[15] : f32 from vector<16xf32>
    %mul3A_933 = arith.constant 5 : i32
    %mul3A_934 = vector.broadcast %mul3A_933 : i32 to vector<16xi32>
    %mul3A_935 = arith.muli %mul3A_934, %iota3A : vector<16xi32>
    %add3A_936 = arith.constant 55 : i32
    %add3A_937 = vector.broadcast %add3A_936 : i32 to vector<16xi32>
    %add3A_938 = arith.addi %add3A_937, %mul3A_935 : vector<16xi32>
    %add3A_939 = arith.constant 3 : i32
    %add3A_940 = vector.broadcast %add3A_939 : i32 to vector<16xi32>
    %add3A_941 = arith.addi %add3A_938, %add3A_940 : vector<16xi32>
    %jit3A_942 = arith.constant 0 : i32
    %broadcast_in_dim3A_943 = vector.broadcast %jit3A_942 : i32 to vector<16xi32>
    %select_n3A_944 = arith.select %lt3A_22, %add3A_941, %broadcast_in_dim3A_943 : vector<16xi1>, vector<16xi32>
    %gather3A_945 = tpu.vector_load_idx %arg9[%select_n3A_944] : memref<96xf32, #tpu.memory_space<vmem>>[vector<16xi32>], vector<16xf32>,
    %mul3A_946 = vector.broadcast %reduce_max3A_932 : f32 to vector<16xf32>
    %mul3A_947 = arith.mulf %mul3A_946, %gather3A_945 : vector<16xf32>
    %add3A_948 = arith.addf %add3A_922, %mul3A_947 : vector<16xf32>
    %eq3A_949 = arith.constant 4 : i32
    %eq3A_950 = vector.broadcast %eq3A_949 : i32 to vector<16xi32>
    %eq3A_951 = arith.cmpi eq, %iota3A, %eq3A_950 : vector<16xi32>
    %jit3A_952 = arith.constant 0xFF800000 : f32
    %broadcast_in_dim3A_953 = vector.broadcast %jit3A_952 : f32 to vector<16xf32>
    %select_n3A_954 = arith.select %eq3A_951, %max3A_840, %broadcast_in_dim3A_953 : vector<16xi1>, vector<16xf32>
    %reduce_max3A_955 = arith.constant true
    %reduce_max3A_956 = vector.broadcast %reduce_max3A_955 : i1 to vector<16xi1>
    %reduce_max3A_957 = tpu.scan <max>, %select_n3A_954 masked %reduce_max3A_956 : vector<16xf32>, vector<16xi1> -> vector<16xf32>
    %reduce_max3A_958 = vector.extract %reduce_max3A_957[15] : f32 from vector<16xf32>
    %mul3A_959 = arith.constant 5 : i32
    %mul3A_960 = vector.broadcast %mul3A_959 : i32 to vector<16xi32>
    %mul3A_961 = arith.muli %mul3A_960, %iota3A : vector<16xi32>
    %add3A_962 = arith.constant 55 : i32
    %add3A_963 = vector.broadcast %add3A_962 : i32 to vector<16xi32>
    %add3A_964 = arith.addi %add3A_963, %mul3A_961 : vector<16xi32>
    %add3A_965 = arith.constant 4 : i32
    %add3A_966 = vector.broadcast %add3A_965 : i32 to vector<16xi32>
    %add3A_967 = arith.addi %add3A_964, %add3A_966 : vector<16xi32>
    %jit3A_968 = arith.constant 0 : i32
    %broadcast_in_dim3A_969 = vector.broadcast %jit3A_968 : i32 to vector<16xi32>
    %select_n3A_970 = arith.select %lt3A_22, %add3A_967, %broadcast_in_dim3A_969 : vector<16xi1>, vector<16xi32>
    %gather3A_971 = tpu.vector_load_idx %arg9[%select_n3A_970] : memref<96xf32, #tpu.memory_space<vmem>>[vector<16xi32>], vector<16xf32>,
    %mul3A_972 = vector.broadcast %reduce_max3A_958 : f32 to vector<16xf32>
    %mul3A_973 = arith.mulf %mul3A_972, %gather3A_971 : vector<16xf32>
    %add3A_974 = arith.addf %add3A_948, %mul3A_973 : vector<16xf32>
    %jit3A_975 = arith.constant 0.000000e+00 : f32
    %broadcast_in_dim3A_976 = vector.broadcast %jit3A_975 : f32 to vector<16xf32>
    %select_n3A_977 = arith.select %lt3A_22, %add3A_974, %broadcast_in_dim3A_976 : vector<16xi1>, vector<16xf32>
    %max3A_978 = arith.constant 0.000000e+00 : f32
    %max3A_979 = vector.broadcast %max3A_978 : f32 to vector<16xf32>
    %max3A_980 = arith.maximumf %select_n3A_977, %max3A_979 : vector<16xf32>
    %add3A_981 = arith.constant 85 : i32
    %add3A_982 = vector.broadcast %add3A_981 : i32 to vector<16xi32>
    %add3A_983 = arith.addi %add3A_982, %iota3A : vector<16xi32>
    %jit3A_984 = arith.constant 0 : i32
    %broadcast_in_dim3A_985 = vector.broadcast %jit3A_984 : i32 to vector<16xi32>
    %select_n3A_986 = arith.select %lt3A_22, %add3A_983, %broadcast_in_dim3A_985 : vector<16xi1>, vector<16xi32>
    %gather3A_987 = tpu.vector_load_idx %arg9[%select_n3A_986] : memref<96xf32, #tpu.memory_space<vmem>>[vector<16xi32>], vector<16xf32>,
    %mul3A_988 = arith.mulf %max3A_980, %gather3A_987 : vector<16xf32>
    %jit3A_989 = arith.constant 0.000000e+00 : f32
    %broadcast_in_dim3A_990 = vector.broadcast %jit3A_989 : f32 to vector<16xf32>
    %select_n3A_991 = arith.select %lt3A_22, %mul3A_988, %broadcast_in_dim3A_990 : vector<16xi1>, vector<16xf32>
    %reduce_sum3A_992 = arith.constant true
    %reduce_sum3A_993 = vector.broadcast %reduce_sum3A_992 : i1 to vector<16xi1>
    %reduce_sum3A_994 = tpu.scan <sum>, %select_n3A_991 masked %reduce_sum3A_993 : vector<16xf32>, vector<16xi1> -> vector<16xf32>
    %reduce_sum3A_995 = vector.extract %reduce_sum3A_994[15] : f32 from vector<16xf32>
    %broadcast_in_dim3A_996 = arith.constant 90 : i32
    %broadcast_in_dim3A_997 = vector.broadcast %broadcast_in_dim3A_996 : i32 to vector<16xi32>
    %gather3A_998 = tpu.vector_load_idx %arg9[%broadcast_in_dim3A_997] : memref<96xf32, #tpu.memory_space<vmem>>[vector<16xi32>], vector<16xf32>,
    %add3A_999 = vector.broadcast %reduce_sum3A_995 : f32 to vector<16xf32>
    %add3A_1000 = arith.addf %add3A_999, %gather3A_998 : vector<16xf32>
    %abs3A_1001 = math.absf %add3A_1000 : vector<16xf32>
    %jit3A_1002 = arith.constant 9.99999993E-9 : f32
    %jit3A_1003 = arith.constant 1.000000e+08 : f32
    %max3A_1004 = vector.broadcast %jit3A_1002 : f32 to vector<16xf32>
    %max3A_1005 = arith.maximumf %max3A_1004, %abs3A_1001 : vector<16xf32>
    %min3A_1006 = vector.broadcast %jit3A_1003 : f32 to vector<16xf32>
    %min3A_1007 = arith.minimumf %min3A_1006, %max3A_1005 : vector<16xf32>
    %div3A_1008 = arith.constant 1.000000e+00 : f32
    %div3A_1009 = vector.broadcast %div3A_1008 : f32 to vector<16xf32>
    %div3A_1010 = arith.divf %div3A_1009, %min3A_1007 : vector<16xf32>
    %jit3A_1011 = arith.constant 4 : i32
    %eq3A_1012 = arith.constant 0 : i32
    %eq3A_1013 = arith.cmpi eq, %jit3A_1011, %eq3A_1012 : i32
    %jit3A_1014 = arith.constant 1 : i32
    %select_n3A_1015 = arith.select %eq3A_1013, %jit3A_1014, %jit3A_1011 : i32
    %rem3A_1016 = arith.remsi %add3A, %select_n3A_1015 : i32
    %ne3A_1017 = arith.constant 0 : i32
    %ne3A_1018 = arith.cmpi ne, %rem3A_1016, %ne3A_1017 : i32
    %lt3A_1019 = arith.constant 0 : i32
    %lt3A_1020 = arith.cmpi slt, %rem3A_1016, %lt3A_1019 : i32
    %lt3A_1021 = arith.constant 0 : i32
    %lt3A_1022 = arith.cmpi slt, %select_n3A_1015, %lt3A_1021 : i32
    %ne3A_1023 = arith.xori %lt3A_1020, %lt3A_1022 : i1
    %and3A_1024 = arith.andi %ne3A_1023, %ne3A_1018 : i1
    %add3A_1025 = arith.addi %rem3A_1016, %select_n3A_1015 : i32
    %select_n3A_1026 = arith.select %and3A_1024, %add3A_1025, %rem3A_1016 : i32
    %mul3A_1027 = arith.constant 4 : i32
    %mul3A_1028 = arith.muli %select_n3A_1026, %mul3A_1027 : i32
    %add3A_1029 = arith.constant 1 : i32
    %add3A_1030 = arith.addi %mul3A_1028, %add3A_1029 : i32
    %broadcast_in_dim3A_1031 = vector.broadcast %add3A_1030 : i32 to vector<16xi32>
    %gather3A_1032 = tpu.vector_load_idx %arg7[%broadcast_in_dim3A_1031] : memref<16xi32, #tpu.memory_space<vmem>>[vector<16xi32>], vector<16xi32>,
    %gather3A_1033 = tpu.vector_load_idx %arg6[%gather3A_1032] : memref<100000xf32, #tpu.memory_space<vmem>>[vector<16xi32>], vector<16xf32>,
    %sub3A_1034 = vector.broadcast %reduce_max3A_570 : f32 to vector<16xf32>
    %sub3A_1035 = arith.subf %gather3A_1033, %sub3A_1034 : vector<16xf32>
    %mul3A_1036 = arith.mulf %sub3A_1035, %div3A_1010 : vector<16xf32>
    %exp3A_1037 = math.exp %mul3A_1036 : vector<16xf32>
    %broadcast_in_dim3A_1038 = arith.constant 0.000000e+00 : f32
    %broadcast_in_dim3A_1039 = vector.broadcast %broadcast_in_dim3A_1038 : f32 to vector<16xf32>
    %scan3A_1040 = arith.constant 0 : i32
    %scan3A_1041 = arith.constant 625 : i32
    %scan3A_1042 = arith.addi %scan3A_1040, %scan3A_1041 : i32
    %scan3A_1043 = arith.constant 1 : i32
    %scan3A_1044:4 = scf.for %scan3A_2115 = %scan3A_1040 to %scan3A_1042 step %scan3A_1043 iter_args(%scan3A_2116 = %broadcast_in_dim3A_1039, %scan3A_2117 = %broadcast_in_dim3A_1039, %scan3A_2118 = %broadcast_in_dim3A_1039, %scan3A_2119 = %broadcast_in_dim3A_1039) -> (vector<16xf32>, vector<16xf32>, vector<16xf32>, vector<16xf32>)  : i32 {
      %mul3A_2120 = arith.constant 160 : i32
      %mul3A_2121 = arith.muli %scan3A_2115, %mul3A_2120 : i32
      %multiple_of3A = tpu.assume_multiple %mul3A_2121, 16 : i32
      %add3A_2122 = arith.constant 0 : i32
      %add3A_2123 = arith.addi %multiple_of3A, %add3A_2122 : i32
      %get3A = arith.index_cast %add3A_2123 : i32 to index
      %get3A_2124 = tpu.vector_load %arg6[%get3A] {strides = array<i32>} : memref<100000xf32, #tpu.memory_space<vmem>>, vector<16xf32>,
      %sub3A_2125 = vector.broadcast %reduce_max3A_570 : f32 to vector<16xf32>
      %sub3A_2126 = arith.subf %get3A_2124, %sub3A_2125 : vector<16xf32>
      %mul3A_2127 = arith.mulf %sub3A_2126, %div3A_1010 : vector<16xf32>
      %exp3A_2128 = math.exp %mul3A_2127 : vector<16xf32>
      %add3A_2129 = arith.addf %scan3A_2116, %exp3A_2128 : vector<16xf32>
      %add3A_2130 = arith.constant 16 : i32
      %add3A_2131 = arith.addi %multiple_of3A, %add3A_2130 : i32
      %get3A_2132 = arith.index_cast %add3A_2131 : i32 to index
      %get3A_2133 = tpu.vector_load %arg6[%get3A_2132] {strides = array<i32>} : memref<100000xf32, #tpu.memory_space<vmem>>, vector<16xf32>,
      %sub3A_2134 = vector.broadcast %reduce_max3A_570 : f32 to vector<16xf32>
      %sub3A_2135 = arith.subf %get3A_2133, %sub3A_2134 : vector<16xf32>
      %mul3A_2136 = arith.mulf %sub3A_2135, %div3A_1010 : vector<16xf32>
      %exp3A_2137 = math.exp %mul3A_2136 : vector<16xf32>
      %add3A_2138 = arith.addf %scan3A_2117, %exp3A_2137 : vector<16xf32>
      %add3A_2139 = arith.constant 32 : i32
      %add3A_2140 = arith.addi %multiple_of3A, %add3A_2139 : i32
      %get3A_2141 = arith.index_cast %add3A_2140 : i32 to index
      %get3A_2142 = tpu.vector_load %arg6[%get3A_2141] {strides = array<i32>} : memref<100000xf32, #tpu.memory_space<vmem>>, vector<16xf32>,
      %sub3A_2143 = vector.broadcast %reduce_max3A_570 : f32 to vector<16xf32>
      %sub3A_2144 = arith.subf %get3A_2142, %sub3A_2143 : vector<16xf32>
      %mul3A_2145 = arith.mulf %sub3A_2144, %div3A_1010 : vector<16xf32>
      %exp3A_2146 = math.exp %mul3A_2145 : vector<16xf32>
      %add3A_2147 = arith.addf %scan3A_2118, %exp3A_2146 : vector<16xf32>
      %add3A_2148 = arith.constant 48 : i32
      %add3A_2149 = arith.addi %multiple_of3A, %add3A_2148 : i32
      %get3A_2150 = arith.index_cast %add3A_2149 : i32 to index
      %get3A_2151 = tpu.vector_load %arg6[%get3A_2150] {strides = array<i32>} : memref<100000xf32, #tpu.memory_space<vmem>>, vector<16xf32>,
      %sub3A_2152 = vector.broadcast %reduce_max3A_570 : f32 to vector<16xf32>
      %sub3A_2153 = arith.subf %get3A_2151, %sub3A_2152 : vector<16xf32>
      %mul3A_2154 = arith.mulf %sub3A_2153, %div3A_1010 : vector<16xf32>
      %exp3A_2155 = math.exp %mul3A_2154 : vector<16xf32>
      %add3A_2156 = arith.addf %scan3A_2119, %exp3A_2155 : vector<16xf32>
      %add3A_2157 = arith.constant 64 : i32
      %add3A_2158 = arith.addi %multiple_of3A, %add3A_2157 : i32
      %get3A_2159 = arith.index_cast %add3A_2158 : i32 to index
      %get3A_2160 = tpu.vector_load %arg6[%get3A_2159] {strides = array<i32>} : memref<100000xf32, #tpu.memory_space<vmem>>, vector<16xf32>,
      %sub3A_2161 = vector.broadcast %reduce_max3A_570 : f32 to vector<16xf32>
      %sub3A_2162 = arith.subf %get3A_2160, %sub3A_2161 : vector<16xf32>
      %mul3A_2163 = arith.mulf %sub3A_2162, %div3A_1010 : vector<16xf32>
      %exp3A_2164 = math.exp %mul3A_2163 : vector<16xf32>
      %add3A_2165 = arith.addf %add3A_2129, %exp3A_2164 : vector<16xf32>
      %add3A_2166 = arith.constant 80 : i32
      %add3A_2167 = arith.addi %multiple_of3A, %add3A_2166 : i32
      %get3A_2168 = arith.index_cast %add3A_2167 : i32 to index
      %get3A_2169 = tpu.vector_load %arg6[%get3A_2168] {strides = array<i32>} : memref<100000xf32, #tpu.memory_space<vmem>>, vector<16xf32>,
      %sub3A_2170 = vector.broadcast %reduce_max3A_570 : f32 to vector<16xf32>
      %sub3A_2171 = arith.subf %get3A_2169, %sub3A_2170 : vector<16xf32>
      %mul3A_2172 = arith.mulf %sub3A_2171, %div3A_1010 : vector<16xf32>
      %exp3A_2173 = math.exp %mul3A_2172 : vector<16xf32>
      %add3A_2174 = arith.addf %add3A_2138, %exp3A_2173 : vector<16xf32>
      %add3A_2175 = arith.constant 96 : i32
      %add3A_2176 = arith.addi %multiple_of3A, %add3A_2175 : i32
      %get3A_2177 = arith.index_cast %add3A_2176 : i32 to index
      %get3A_2178 = tpu.vector_load %arg6[%get3A_2177] {strides = array<i32>} : memref<100000xf32, #tpu.memory_space<vmem>>, vector<16xf32>,
      %sub3A_2179 = vector.broadcast %reduce_max3A_570 : f32 to vector<16xf32>
      %sub3A_2180 = arith.subf %get3A_2178, %sub3A_2179 : vector<16xf32>
      %mul3A_2181 = arith.mulf %sub3A_2180, %div3A_1010 : vector<16xf32>
      %exp3A_2182 = math.exp %mul3A_2181 : vector<16xf32>
      %add3A_2183 = arith.addf %add3A_2147, %exp3A_2182 : vector<16xf32>
      %add3A_2184 = arith.constant 112 : i32
      %add3A_2185 = arith.addi %multiple_of3A, %add3A_2184 : i32
      %get3A_2186 = arith.index_cast %add3A_2185 : i32 to index
      %get3A_2187 = tpu.vector_load %arg6[%get3A_2186] {strides = array<i32>} : memref<100000xf32, #tpu.memory_space<vmem>>, vector<16xf32>,
      %sub3A_2188 = vector.broadcast %reduce_max3A_570 : f32 to vector<16xf32>
      %sub3A_2189 = arith.subf %get3A_2187, %sub3A_2188 : vector<16xf32>
      %mul3A_2190 = arith.mulf %sub3A_2189, %div3A_1010 : vector<16xf32>
      %exp3A_2191 = math.exp %mul3A_2190 : vector<16xf32>
      %add3A_2192 = arith.addf %add3A_2156, %exp3A_2191 : vector<16xf32>
      %add3A_2193 = arith.constant 128 : i32
      %add3A_2194 = arith.addi %multiple_of3A, %add3A_2193 : i32
      %get3A_2195 = arith.index_cast %add3A_2194 : i32 to index
      %get3A_2196 = tpu.vector_load %arg6[%get3A_2195] {strides = array<i32>} : memref<100000xf32, #tpu.memory_space<vmem>>, vector<16xf32>,
      %sub3A_2197 = vector.broadcast %reduce_max3A_570 : f32 to vector<16xf32>
      %sub3A_2198 = arith.subf %get3A_2196, %sub3A_2197 : vector<16xf32>
      %mul3A_2199 = arith.mulf %sub3A_2198, %div3A_1010 : vector<16xf32>
      %exp3A_2200 = math.exp %mul3A_2199 : vector<16xf32>
      %add3A_2201 = arith.addf %add3A_2165, %exp3A_2200 : vector<16xf32>
      %add3A_2202 = arith.constant 144 : i32
      %add3A_2203 = arith.addi %multiple_of3A, %add3A_2202 : i32
      %get3A_2204 = arith.index_cast %add3A_2203 : i32 to index
      %get3A_2205 = tpu.vector_load %arg6[%get3A_2204] {strides = array<i32>} : memref<100000xf32, #tpu.memory_space<vmem>>, vector<16xf32>,
      %sub3A_2206 = vector.broadcast %reduce_max3A_570 : f32 to vector<16xf32>
      %sub3A_2207 = arith.subf %get3A_2205, %sub3A_2206 : vector<16xf32>
      %mul3A_2208 = arith.mulf %sub3A_2207, %div3A_1010 : vector<16xf32>
      %exp3A_2209 = math.exp %mul3A_2208 : vector<16xf32>
      %add3A_2210 = arith.addf %add3A_2174, %exp3A_2209 : vector<16xf32>
      scf.yield %add3A_2201, %add3A_2210, %add3A_2183, %add3A_2192 : vector<16xf32>, vector<16xf32>, vector<16xf32>, vector<16xf32>
    }
    %scan3A_1045 = arith.constant 625 : i32
    %add3A_1046 = arith.addf %scan3A_1044#0, %scan3A_1044#1 : vector<16xf32>
    %add3A_1047 = arith.addf %scan3A_1044#2, %scan3A_1044#3 : vector<16xf32>
    %add3A_1048 = arith.addf %add3A_1046, %add3A_1047 : vector<16xf32>
    %reduce_sum3A_1049 = arith.constant true
    %reduce_sum3A_1050 = vector.broadcast %reduce_sum3A_1049 : i1 to vector<16xi1>
    %reduce_sum3A_1051 = tpu.scan <sum>, %add3A_1048 masked %reduce_sum3A_1050 : vector<16xf32>, vector<16xi1> -> vector<16xf32>
    %reduce_sum3A_1052 = vector.extract %reduce_sum3A_1051[15] : f32 from vector<16xf32>
    %eq3A_1053 = arith.constant 0 : i32
    %eq3A_1054 = vector.broadcast %eq3A_1053 : i32 to vector<16xi32>
    %eq3A_1055 = arith.cmpi eq, %iota3A, %eq3A_1054 : vector<16xi32>
    %div3A_1056 = vector.broadcast %reduce_sum3A_1052 : f32 to vector<16xf32>
    %div3A_1057 = arith.divf %exp3A_1037, %div3A_1056 : vector<16xf32>
    %jit3A_1058 = arith.constant 0.000000e+00 : f32
    %broadcast_in_dim3A_1059 = vector.broadcast %jit3A_1058 : f32 to vector<16xf32>
    %select_n3A_1060 = arith.select %eq3A_1055, %div3A_1057, %broadcast_in_dim3A_1059 : vector<16xi1>, vector<16xf32>
    %swap3A_1061 = arith.constant 0 : index
    %swap3A_1062 = tpu.vector_load %arg8[%swap3A_1061] {strides = array<i32>} : memref<16xf32, #tpu.memory_space<vmem>>, vector<16xf32>,
    tpu.vector_store %arg8[%swap3A_1061], %select_n3A_1060 {strides = array<i32>} : memref<16xf32, #tpu.memory_space<vmem>>, vector<16xf32>,
    "tpu.region"() ({
      %run_scoped3A = tpu.sem_alloc : memref<!tpu.dma_semaphore, #tpu.memory_space<semaphore_mem>>
      %dma_start3A = arith.constant 0 : i32
      %dma_start3A_2115 = tpu.memref_slice %arg5[%add3A_538, %dma_start3A] : memref<128x16xf32, #tpu.memory_space<hbm>> -> memref<1x16xf32, #tpu.memory_space<hbm>>
      %dma_start3A_2116 = tpu.memref_squeeze %dma_start3A_2115 : memref<1x16xf32, #tpu.memory_space<hbm>> -> memref<16xf32, #tpu.memory_space<hbm>>
      %dma_start3A_2117 = arith.constant 0 : i32
      %dma_start3A_2118 = tpu.memref_slice %arg5[%add3A_538, %dma_start3A_2117] : memref<128x16xf32, #tpu.memory_space<hbm>> -> memref<1x16xf32, #tpu.memory_space<hbm>>
      %dma_start3A_2119 = tpu.memref_squeeze %dma_start3A_2118 : memref<1x16xf32, #tpu.memory_space<hbm>> -> memref<16xf32, #tpu.memory_space<hbm>>
      tpu.enqueue_dma source(%arg8 : memref<16xf32, #tpu.memory_space<vmem>>) target(%dma_start3A_2119 : memref<16xf32, #tpu.memory_space<hbm>>) target_semaphore(%run_scoped3A : memref<!tpu.dma_semaphore, #tpu.memory_space<semaphore_mem>>)
      %dma_wait3A = arith.constant 0 : i32
      %dma_wait3A_2120 = tpu.memref_slice %arg5[%add3A_538, %dma_wait3A] : memref<128x16xf32, #tpu.memory_space<hbm>> -> memref<1x16xf32, #tpu.memory_space<hbm>>
      %dma_wait3A_2121 = tpu.memref_squeeze %dma_wait3A_2120 : memref<1x16xf32, #tpu.memory_space<hbm>> -> memref<16xf32, #tpu.memory_space<hbm>>
      %dma_wait3A_2122 = arith.constant 0 : i32
      %dma_wait3A_2123 = tpu.memref_slice %arg5[%add3A_538, %dma_wait3A_2122] : memref<128x16xf32, #tpu.memory_space<hbm>> -> memref<1x16xf32, #tpu.memory_space<hbm>>
      %dma_wait3A_2124 = tpu.memref_squeeze %dma_wait3A_2123 : memref<1x16xf32, #tpu.memory_space<hbm>> -> memref<16xf32, #tpu.memory_space<hbm>>
      tpu.wait_dma2 semaphore(%run_scoped3A : memref<!tpu.dma_semaphore, #tpu.memory_space<semaphore_mem>>) src(%arg8 : memref<16xf32, #tpu.memory_space<vmem>>) dst(%dma_wait3A_2124 : memref<16xf32, #tpu.memory_space<hbm>>)
      tpu.yield
    }) : () -> ()
    %add3A_1063 = arith.constant 2 : i32
    %add3A_1064 = arith.addi %mul3A_2, %add3A_1063 : i32
    "tpu.region"() ({
      %run_scoped3A = tpu.sem_alloc : memref<!tpu.dma_semaphore, #tpu.memory_space<semaphore_mem>>
      %dma_start3A = arith.constant 0 : i32
      %dma_start3A_2115 = tpu.memref_slice %arg2[%add3A_1064, %dma_start3A] : memref<128x100000xf32, #tpu.memory_space<hbm>> -> memref<1x100000xf32, #tpu.memory_space<hbm>>
      %dma_start3A_2116 = tpu.memref_squeeze %dma_start3A_2115 : memref<1x100000xf32, #tpu.memory_space<hbm>> -> memref<100000xf32, #tpu.memory_space<hbm>>
      %dma_start3A_2117 = arith.constant 0 : i32
      %dma_start3A_2118 = tpu.memref_slice %arg2[%add3A_1064, %dma_start3A_2117] : memref<128x100000xf32, #tpu.memory_space<hbm>> -> memref<1x100000xf32, #tpu.memory_space<hbm>>
      %dma_start3A_2119 = tpu.memref_squeeze %dma_start3A_2118 : memref<1x100000xf32, #tpu.memory_space<hbm>> -> memref<100000xf32, #tpu.memory_space<hbm>>
      tpu.enqueue_dma source(%dma_start3A_2119 : memref<100000xf32, #tpu.memory_space<hbm>>) target(%arg6 : memref<100000xf32, #tpu.memory_space<vmem>>) target_semaphore(%run_scoped3A : memref<!tpu.dma_semaphore, #tpu.memory_space<semaphore_mem>>)
      %dma_wait3A = arith.constant 0 : i32
      %dma_wait3A_2120 = tpu.memref_slice %arg2[%add3A_1064, %dma_wait3A] : memref<128x100000xf32, #tpu.memory_space<hbm>> -> memref<1x100000xf32, #tpu.memory_space<hbm>>
      %dma_wait3A_2121 = tpu.memref_squeeze %dma_wait3A_2120 : memref<1x100000xf32, #tpu.memory_space<hbm>> -> memref<100000xf32, #tpu.memory_space<hbm>>
      %dma_wait3A_2122 = arith.constant 0 : i32
      %dma_wait3A_2123 = tpu.memref_slice %arg2[%add3A_1064, %dma_wait3A_2122] : memref<128x100000xf32, #tpu.memory_space<hbm>> -> memref<1x100000xf32, #tpu.memory_space<hbm>>
      %dma_wait3A_2124 = tpu.memref_squeeze %dma_wait3A_2123 : memref<1x100000xf32, #tpu.memory_space<hbm>> -> memref<100000xf32, #tpu.memory_space<hbm>>
      tpu.wait_dma2 semaphore(%run_scoped3A : memref<!tpu.dma_semaphore, #tpu.memory_space<semaphore_mem>>) src(%dma_wait3A_2124 : memref<100000xf32, #tpu.memory_space<hbm>>) dst(%arg6 : memref<100000xf32, #tpu.memory_space<vmem>>)
      tpu.yield
    }) : () -> ()
    %broadcast_in_dim3A_1065 = arith.constant 0xFF800000 : f32
    %broadcast_in_dim3A_1066 = vector.broadcast %broadcast_in_dim3A_1065 : f32 to vector<16xf32>
    %broadcast_in_dim3A_1067 = arith.constant 0 : i32
    %broadcast_in_dim3A_1068 = vector.broadcast %broadcast_in_dim3A_1067 : i32 to vector<16xi32>
    %scan3A_1069 = arith.constant 0 : i32
    %scan3A_1070 = arith.constant 125 : i32
    %scan3A_1071 = arith.addi %scan3A_1069, %scan3A_1070 : i32
    %scan3A_1072 = arith.constant 1 : i32
    %scan3A_1073:2 = scf.for %scan3A_2115 = %scan3A_1069 to %scan3A_1071 step %scan3A_1072 iter_args(%scan3A_2116 = %broadcast_in_dim3A_1066, %scan3A_2117 = %broadcast_in_dim3A_1068) -> (vector<16xf32>, vector<16xi32>)  : i32 {
      %mul3A_2118 = arith.constant 800 : i32
      %mul3A_2119 = arith.muli %scan3A_2115, %mul3A_2118 : i32
      %multiple_of3A = tpu.assume_multiple %mul3A_2119, 16 : i32
      %get3A = arith.index_cast %multiple_of3A : i32 to index
      %get3A_2120 = tpu.vector_load %arg6[%get3A] {strides = array<i32>} : memref<100000xf32, #tpu.memory_space<vmem>>, vector<16xf32>,
      %add3A_2121 = arith.constant 16 : i32
      %add3A_2122 = arith.addi %multiple_of3A, %add3A_2121 : i32
      %get3A_2123 = arith.index_cast %add3A_2122 : i32 to index
      %get3A_2124 = tpu.vector_load %arg6[%get3A_2123] {strides = array<i32>} : memref<100000xf32, #tpu.memory_space<vmem>>, vector<16xf32>,
      %max3A_2125 = arith.maximumf %get3A_2120, %get3A_2124 : vector<16xf32>
      %add3A_2126 = arith.constant 32 : i32
      %add3A_2127 = arith.addi %multiple_of3A, %add3A_2126 : i32
      %get3A_2128 = arith.index_cast %add3A_2127 : i32 to index
      %get3A_2129 = tpu.vector_load %arg6[%get3A_2128] {strides = array<i32>} : memref<100000xf32, #tpu.memory_space<vmem>>, vector<16xf32>,
      %max3A_2130 = arith.maximumf %max3A_2125, %get3A_2129 : vector<16xf32>
      %add3A_2131 = arith.constant 48 : i32
      %add3A_2132 = arith.addi %multiple_of3A, %add3A_2131 : i32
      %get3A_2133 = arith.index_cast %add3A_2132 : i32 to index
      %get3A_2134 = tpu.vector_load %arg6[%get3A_2133] {strides = array<i32>} : memref<100000xf32, #tpu.memory_space<vmem>>, vector<16xf32>,
      %max3A_2135 = arith.maximumf %max3A_2130, %get3A_2134 : vector<16xf32>
      %add3A_2136 = arith.constant 64 : i32
      %add3A_2137 = arith.addi %multiple_of3A, %add3A_2136 : i32
      %get3A_2138 = arith.index_cast %add3A_2137 : i32 to index
      %get3A_2139 = tpu.vector_load %arg6[%get3A_2138] {strides = array<i32>} : memref<100000xf32, #tpu.memory_space<vmem>>, vector<16xf32>,
      %max3A_2140 = arith.maximumf %max3A_2135, %get3A_2139 : vector<16xf32>
      %add3A_2141 = arith.constant 80 : i32
      %add3A_2142 = arith.addi %multiple_of3A, %add3A_2141 : i32
      %get3A_2143 = arith.index_cast %add3A_2142 : i32 to index
      %get3A_2144 = tpu.vector_load %arg6[%get3A_2143] {strides = array<i32>} : memref<100000xf32, #tpu.memory_space<vmem>>, vector<16xf32>,
      %max3A_2145 = arith.maximumf %max3A_2140, %get3A_2144 : vector<16xf32>
      %add3A_2146 = arith.constant 96 : i32
      %add3A_2147 = arith.addi %multiple_of3A, %add3A_2146 : i32
      %get3A_2148 = arith.index_cast %add3A_2147 : i32 to index
      %get3A_2149 = tpu.vector_load %arg6[%get3A_2148] {strides = array<i32>} : memref<100000xf32, #tpu.memory_space<vmem>>, vector<16xf32>,
      %max3A_2150 = arith.maximumf %max3A_2145, %get3A_2149 : vector<16xf32>
      %add3A_2151 = arith.constant 112 : i32
      %add3A_2152 = arith.addi %multiple_of3A, %add3A_2151 : i32
      %get3A_2153 = arith.index_cast %add3A_2152 : i32 to index
      %get3A_2154 = tpu.vector_load %arg6[%get3A_2153] {strides = array<i32>} : memref<100000xf32, #tpu.memory_space<vmem>>, vector<16xf32>,
      %max3A_2155 = arith.maximumf %max3A_2150, %get3A_2154 : vector<16xf32>
      %add3A_2156 = arith.constant 128 : i32
      %add3A_2157 = arith.addi %multiple_of3A, %add3A_2156 : i32
      %get3A_2158 = arith.index_cast %add3A_2157 : i32 to index
      %get3A_2159 = tpu.vector_load %arg6[%get3A_2158] {strides = array<i32>} : memref<100000xf32, #tpu.memory_space<vmem>>, vector<16xf32>,
      %max3A_2160 = arith.maximumf %max3A_2155, %get3A_2159 : vector<16xf32>
      %add3A_2161 = arith.constant 144 : i32
      %add3A_2162 = arith.addi %multiple_of3A, %add3A_2161 : i32
      %get3A_2163 = arith.index_cast %add3A_2162 : i32 to index
      %get3A_2164 = tpu.vector_load %arg6[%get3A_2163] {strides = array<i32>} : memref<100000xf32, #tpu.memory_space<vmem>>, vector<16xf32>,
      %max3A_2165 = arith.maximumf %max3A_2160, %get3A_2164 : vector<16xf32>
      %add3A_2166 = arith.constant 160 : i32
      %add3A_2167 = arith.addi %multiple_of3A, %add3A_2166 : i32
      %get3A_2168 = arith.index_cast %add3A_2167 : i32 to index
      %get3A_2169 = tpu.vector_load %arg6[%get3A_2168] {strides = array<i32>} : memref<100000xf32, #tpu.memory_space<vmem>>, vector<16xf32>,
      %max3A_2170 = arith.maximumf %max3A_2165, %get3A_2169 : vector<16xf32>
      %add3A_2171 = arith.constant 176 : i32
      %add3A_2172 = arith.addi %multiple_of3A, %add3A_2171 : i32
      %get3A_2173 = arith.index_cast %add3A_2172 : i32 to index
      %get3A_2174 = tpu.vector_load %arg6[%get3A_2173] {strides = array<i32>} : memref<100000xf32, #tpu.memory_space<vmem>>, vector<16xf32>,
      %max3A_2175 = arith.maximumf %max3A_2170, %get3A_2174 : vector<16xf32>
      %add3A_2176 = arith.constant 192 : i32
      %add3A_2177 = arith.addi %multiple_of3A, %add3A_2176 : i32
      %get3A_2178 = arith.index_cast %add3A_2177 : i32 to index
      %get3A_2179 = tpu.vector_load %arg6[%get3A_2178] {strides = array<i32>} : memref<100000xf32, #tpu.memory_space<vmem>>, vector<16xf32>,
      %max3A_2180 = arith.maximumf %max3A_2175, %get3A_2179 : vector<16xf32>
      %add3A_2181 = arith.constant 208 : i32
      %add3A_2182 = arith.addi %multiple_of3A, %add3A_2181 : i32
      %get3A_2183 = arith.index_cast %add3A_2182 : i32 to index
      %get3A_2184 = tpu.vector_load %arg6[%get3A_2183] {strides = array<i32>} : memref<100000xf32, #tpu.memory_space<vmem>>, vector<16xf32>,
      %max3A_2185 = arith.maximumf %max3A_2180, %get3A_2184 : vector<16xf32>
      %add3A_2186 = arith.constant 224 : i32
      %add3A_2187 = arith.addi %multiple_of3A, %add3A_2186 : i32
      %get3A_2188 = arith.index_cast %add3A_2187 : i32 to index
      %get3A_2189 = tpu.vector_load %arg6[%get3A_2188] {strides = array<i32>} : memref<100000xf32, #tpu.memory_space<vmem>>, vector<16xf32>,
      %max3A_2190 = arith.maximumf %max3A_2185, %get3A_2189 : vector<16xf32>
      %add3A_2191 = arith.constant 240 : i32
      %add3A_2192 = arith.addi %multiple_of3A, %add3A_2191 : i32
      %get3A_2193 = arith.index_cast %add3A_2192 : i32 to index
      %get3A_2194 = tpu.vector_load %arg6[%get3A_2193] {strides = array<i32>} : memref<100000xf32, #tpu.memory_space<vmem>>, vector<16xf32>,
      %max3A_2195 = arith.maximumf %max3A_2190, %get3A_2194 : vector<16xf32>
      %add3A_2196 = arith.constant 256 : i32
      %add3A_2197 = arith.addi %multiple_of3A, %add3A_2196 : i32
      %get3A_2198 = arith.index_cast %add3A_2197 : i32 to index
      %get3A_2199 = tpu.vector_load %arg6[%get3A_2198] {strides = array<i32>} : memref<100000xf32, #tpu.memory_space<vmem>>, vector<16xf32>,
      %max3A_2200 = arith.maximumf %max3A_2195, %get3A_2199 : vector<16xf32>
      %add3A_2201 = arith.constant 272 : i32
      %add3A_2202 = arith.addi %multiple_of3A, %add3A_2201 : i32
      %get3A_2203 = arith.index_cast %add3A_2202 : i32 to index
      %get3A_2204 = tpu.vector_load %arg6[%get3A_2203] {strides = array<i32>} : memref<100000xf32, #tpu.memory_space<vmem>>, vector<16xf32>,
      %max3A_2205 = arith.maximumf %max3A_2200, %get3A_2204 : vector<16xf32>
      %add3A_2206 = arith.constant 288 : i32
      %add3A_2207 = arith.addi %multiple_of3A, %add3A_2206 : i32
      %get3A_2208 = arith.index_cast %add3A_2207 : i32 to index
      %get3A_2209 = tpu.vector_load %arg6[%get3A_2208] {strides = array<i32>} : memref<100000xf32, #tpu.memory_space<vmem>>, vector<16xf32>,
      %max3A_2210 = arith.maximumf %max3A_2205, %get3A_2209 : vector<16xf32>
      %add3A_2211 = arith.constant 304 : i32
      %add3A_2212 = arith.addi %multiple_of3A, %add3A_2211 : i32
      %get3A_2213 = arith.index_cast %add3A_2212 : i32 to index
      %get3A_2214 = tpu.vector_load %arg6[%get3A_2213] {strides = array<i32>} : memref<100000xf32, #tpu.memory_space<vmem>>, vector<16xf32>,
      %max3A_2215 = arith.maximumf %max3A_2210, %get3A_2214 : vector<16xf32>
      %add3A_2216 = arith.constant 320 : i32
      %add3A_2217 = arith.addi %multiple_of3A, %add3A_2216 : i32
      %get3A_2218 = arith.index_cast %add3A_2217 : i32 to index
      %get3A_2219 = tpu.vector_load %arg6[%get3A_2218] {strides = array<i32>} : memref<100000xf32, #tpu.memory_space<vmem>>, vector<16xf32>,
      %max3A_2220 = arith.maximumf %max3A_2215, %get3A_2219 : vector<16xf32>
      %add3A_2221 = arith.constant 336 : i32
      %add3A_2222 = arith.addi %multiple_of3A, %add3A_2221 : i32
      %get3A_2223 = arith.index_cast %add3A_2222 : i32 to index
      %get3A_2224 = tpu.vector_load %arg6[%get3A_2223] {strides = array<i32>} : memref<100000xf32, #tpu.memory_space<vmem>>, vector<16xf32>,
      %max3A_2225 = arith.maximumf %max3A_2220, %get3A_2224 : vector<16xf32>
      %add3A_2226 = arith.constant 352 : i32
      %add3A_2227 = arith.addi %multiple_of3A, %add3A_2226 : i32
      %get3A_2228 = arith.index_cast %add3A_2227 : i32 to index
      %get3A_2229 = tpu.vector_load %arg6[%get3A_2228] {strides = array<i32>} : memref<100000xf32, #tpu.memory_space<vmem>>, vector<16xf32>,
      %max3A_2230 = arith.maximumf %max3A_2225, %get3A_2229 : vector<16xf32>
      %add3A_2231 = arith.constant 368 : i32
      %add3A_2232 = arith.addi %multiple_of3A, %add3A_2231 : i32
      %get3A_2233 = arith.index_cast %add3A_2232 : i32 to index
      %get3A_2234 = tpu.vector_load %arg6[%get3A_2233] {strides = array<i32>} : memref<100000xf32, #tpu.memory_space<vmem>>, vector<16xf32>,
      %max3A_2235 = arith.maximumf %max3A_2230, %get3A_2234 : vector<16xf32>
      %add3A_2236 = arith.constant 384 : i32
      %add3A_2237 = arith.addi %multiple_of3A, %add3A_2236 : i32
      %get3A_2238 = arith.index_cast %add3A_2237 : i32 to index
      %get3A_2239 = tpu.vector_load %arg6[%get3A_2238] {strides = array<i32>} : memref<100000xf32, #tpu.memory_space<vmem>>, vector<16xf32>,
      %max3A_2240 = arith.maximumf %max3A_2235, %get3A_2239 : vector<16xf32>
      %add3A_2241 = arith.constant 400 : i32
      %add3A_2242 = arith.addi %multiple_of3A, %add3A_2241 : i32
      %get3A_2243 = arith.index_cast %add3A_2242 : i32 to index
      %get3A_2244 = tpu.vector_load %arg6[%get3A_2243] {strides = array<i32>} : memref<100000xf32, #tpu.memory_space<vmem>>, vector<16xf32>,
      %max3A_2245 = arith.maximumf %max3A_2240, %get3A_2244 : vector<16xf32>
      %add3A_2246 = arith.constant 416 : i32
      %add3A_2247 = arith.addi %multiple_of3A, %add3A_2246 : i32
      %get3A_2248 = arith.index_cast %add3A_2247 : i32 to index
      %get3A_2249 = tpu.vector_load %arg6[%get3A_2248] {strides = array<i32>} : memref<100000xf32, #tpu.memory_space<vmem>>, vector<16xf32>,
      %max3A_2250 = arith.maximumf %max3A_2245, %get3A_2249 : vector<16xf32>
      %add3A_2251 = arith.constant 432 : i32
      %add3A_2252 = arith.addi %multiple_of3A, %add3A_2251 : i32
      %get3A_2253 = arith.index_cast %add3A_2252 : i32 to index
      %get3A_2254 = tpu.vector_load %arg6[%get3A_2253] {strides = array<i32>} : memref<100000xf32, #tpu.memory_space<vmem>>, vector<16xf32>,
      %max3A_2255 = arith.maximumf %max3A_2250, %get3A_2254 : vector<16xf32>
      %add3A_2256 = arith.constant 448 : i32
      %add3A_2257 = arith.addi %multiple_of3A, %add3A_2256 : i32
      %get3A_2258 = arith.index_cast %add3A_2257 : i32 to index
      %get3A_2259 = tpu.vector_load %arg6[%get3A_2258] {strides = array<i32>} : memref<100000xf32, #tpu.memory_space<vmem>>, vector<16xf32>,
      %max3A_2260 = arith.maximumf %max3A_2255, %get3A_2259 : vector<16xf32>
      %add3A_2261 = arith.constant 464 : i32
      %add3A_2262 = arith.addi %multiple_of3A, %add3A_2261 : i32
      %get3A_2263 = arith.index_cast %add3A_2262 : i32 to index
      %get3A_2264 = tpu.vector_load %arg6[%get3A_2263] {strides = array<i32>} : memref<100000xf32, #tpu.memory_space<vmem>>, vector<16xf32>,
      %max3A_2265 = arith.maximumf %max3A_2260, %get3A_2264 : vector<16xf32>
      %add3A_2266 = arith.constant 480 : i32
      %add3A_2267 = arith.addi %multiple_of3A, %add3A_2266 : i32
      %get3A_2268 = arith.index_cast %add3A_2267 : i32 to index
      %get3A_2269 = tpu.vector_load %arg6[%get3A_2268] {strides = array<i32>} : memref<100000xf32, #tpu.memory_space<vmem>>, vector<16xf32>,
      %max3A_2270 = arith.maximumf %max3A_2265, %get3A_2269 : vector<16xf32>
      %add3A_2271 = arith.constant 496 : i32
      %add3A_2272 = arith.addi %multiple_of3A, %add3A_2271 : i32
      %get3A_2273 = arith.index_cast %add3A_2272 : i32 to index
      %get3A_2274 = tpu.vector_load %arg6[%get3A_2273] {strides = array<i32>} : memref<100000xf32, #tpu.memory_space<vmem>>, vector<16xf32>,
      %max3A_2275 = arith.maximumf %max3A_2270, %get3A_2274 : vector<16xf32>
      %add3A_2276 = arith.constant 512 : i32
      %add3A_2277 = arith.addi %multiple_of3A, %add3A_2276 : i32
      %get3A_2278 = arith.index_cast %add3A_2277 : i32 to index
      %get3A_2279 = tpu.vector_load %arg6[%get3A_2278] {strides = array<i32>} : memref<100000xf32, #tpu.memory_space<vmem>>, vector<16xf32>,
      %max3A_2280 = arith.maximumf %max3A_2275, %get3A_2279 : vector<16xf32>
      %add3A_2281 = arith.constant 528 : i32
      %add3A_2282 = arith.addi %multiple_of3A, %add3A_2281 : i32
      %get3A_2283 = arith.index_cast %add3A_2282 : i32 to index
      %get3A_2284 = tpu.vector_load %arg6[%get3A_2283] {strides = array<i32>} : memref<100000xf32, #tpu.memory_space<vmem>>, vector<16xf32>,
      %max3A_2285 = arith.maximumf %max3A_2280, %get3A_2284 : vector<16xf32>
      %add3A_2286 = arith.constant 544 : i32
      %add3A_2287 = arith.addi %multiple_of3A, %add3A_2286 : i32
      %get3A_2288 = arith.index_cast %add3A_2287 : i32 to index
      %get3A_2289 = tpu.vector_load %arg6[%get3A_2288] {strides = array<i32>} : memref<100000xf32, #tpu.memory_space<vmem>>, vector<16xf32>,
      %max3A_2290 = arith.maximumf %max3A_2285, %get3A_2289 : vector<16xf32>
      %add3A_2291 = arith.constant 560 : i32
      %add3A_2292 = arith.addi %multiple_of3A, %add3A_2291 : i32
      %get3A_2293 = arith.index_cast %add3A_2292 : i32 to index
      %get3A_2294 = tpu.vector_load %arg6[%get3A_2293] {strides = array<i32>} : memref<100000xf32, #tpu.memory_space<vmem>>, vector<16xf32>,
      %max3A_2295 = arith.maximumf %max3A_2290, %get3A_2294 : vector<16xf32>
      %add3A_2296 = arith.constant 576 : i32
      %add3A_2297 = arith.addi %multiple_of3A, %add3A_2296 : i32
      %get3A_2298 = arith.index_cast %add3A_2297 : i32 to index
      %get3A_2299 = tpu.vector_load %arg6[%get3A_2298] {strides = array<i32>} : memref<100000xf32, #tpu.memory_space<vmem>>, vector<16xf32>,
      %max3A_2300 = arith.maximumf %max3A_2295, %get3A_2299 : vector<16xf32>
      %add3A_2301 = arith.constant 592 : i32
      %add3A_2302 = arith.addi %multiple_of3A, %add3A_2301 : i32
      %get3A_2303 = arith.index_cast %add3A_2302 : i32 to index
      %get3A_2304 = tpu.vector_load %arg6[%get3A_2303] {strides = array<i32>} : memref<100000xf32, #tpu.memory_space<vmem>>, vector<16xf32>,
      %max3A_2305 = arith.maximumf %max3A_2300, %get3A_2304 : vector<16xf32>
      %add3A_2306 = arith.constant 608 : i32
      %add3A_2307 = arith.addi %multiple_of3A, %add3A_2306 : i32
      %get3A_2308 = arith.index_cast %add3A_2307 : i32 to index
      %get3A_2309 = tpu.vector_load %arg6[%get3A_2308] {strides = array<i32>} : memref<100000xf32, #tpu.memory_space<vmem>>, vector<16xf32>,
      %max3A_2310 = arith.maximumf %max3A_2305, %get3A_2309 : vector<16xf32>
      %add3A_2311 = arith.constant 624 : i32
      %add3A_2312 = arith.addi %multiple_of3A, %add3A_2311 : i32
      %get3A_2313 = arith.index_cast %add3A_2312 : i32 to index
      %get3A_2314 = tpu.vector_load %arg6[%get3A_2313] {strides = array<i32>} : memref<100000xf32, #tpu.memory_space<vmem>>, vector<16xf32>,
      %max3A_2315 = arith.maximumf %max3A_2310, %get3A_2314 : vector<16xf32>
      %add3A_2316 = arith.constant 640 : i32
      %add3A_2317 = arith.addi %multiple_of3A, %add3A_2316 : i32
      %get3A_2318 = arith.index_cast %add3A_2317 : i32 to index
      %get3A_2319 = tpu.vector_load %arg6[%get3A_2318] {strides = array<i32>} : memref<100000xf32, #tpu.memory_space<vmem>>, vector<16xf32>,
      %max3A_2320 = arith.maximumf %max3A_2315, %get3A_2319 : vector<16xf32>
      %add3A_2321 = arith.constant 656 : i32
      %add3A_2322 = arith.addi %multiple_of3A, %add3A_2321 : i32
      %get3A_2323 = arith.index_cast %add3A_2322 : i32 to index
      %get3A_2324 = tpu.vector_load %arg6[%get3A_2323] {strides = array<i32>} : memref<100000xf32, #tpu.memory_space<vmem>>, vector<16xf32>,
      %max3A_2325 = arith.maximumf %max3A_2320, %get3A_2324 : vector<16xf32>
      %add3A_2326 = arith.constant 672 : i32
      %add3A_2327 = arith.addi %multiple_of3A, %add3A_2326 : i32
      %get3A_2328 = arith.index_cast %add3A_2327 : i32 to index
      %get3A_2329 = tpu.vector_load %arg6[%get3A_2328] {strides = array<i32>} : memref<100000xf32, #tpu.memory_space<vmem>>, vector<16xf32>,
      %max3A_2330 = arith.maximumf %max3A_2325, %get3A_2329 : vector<16xf32>
      %add3A_2331 = arith.constant 688 : i32
      %add3A_2332 = arith.addi %multiple_of3A, %add3A_2331 : i32
      %get3A_2333 = arith.index_cast %add3A_2332 : i32 to index
      %get3A_2334 = tpu.vector_load %arg6[%get3A_2333] {strides = array<i32>} : memref<100000xf32, #tpu.memory_space<vmem>>, vector<16xf32>,
      %max3A_2335 = arith.maximumf %max3A_2330, %get3A_2334 : vector<16xf32>
      %add3A_2336 = arith.constant 704 : i32
      %add3A_2337 = arith.addi %multiple_of3A, %add3A_2336 : i32
      %get3A_2338 = arith.index_cast %add3A_2337 : i32 to index
      %get3A_2339 = tpu.vector_load %arg6[%get3A_2338] {strides = array<i32>} : memref<100000xf32, #tpu.memory_space<vmem>>, vector<16xf32>,
      %max3A_2340 = arith.maximumf %max3A_2335, %get3A_2339 : vector<16xf32>
      %add3A_2341 = arith.constant 720 : i32
      %add3A_2342 = arith.addi %multiple_of3A, %add3A_2341 : i32
      %get3A_2343 = arith.index_cast %add3A_2342 : i32 to index
      %get3A_2344 = tpu.vector_load %arg6[%get3A_2343] {strides = array<i32>} : memref<100000xf32, #tpu.memory_space<vmem>>, vector<16xf32>,
      %max3A_2345 = arith.maximumf %max3A_2340, %get3A_2344 : vector<16xf32>
      %add3A_2346 = arith.constant 736 : i32
      %add3A_2347 = arith.addi %multiple_of3A, %add3A_2346 : i32
      %get3A_2348 = arith.index_cast %add3A_2347 : i32 to index
      %get3A_2349 = tpu.vector_load %arg6[%get3A_2348] {strides = array<i32>} : memref<100000xf32, #tpu.memory_space<vmem>>, vector<16xf32>,
      %max3A_2350 = arith.maximumf %max3A_2345, %get3A_2349 : vector<16xf32>
      %add3A_2351 = arith.constant 752 : i32
      %add3A_2352 = arith.addi %multiple_of3A, %add3A_2351 : i32
      %get3A_2353 = arith.index_cast %add3A_2352 : i32 to index
      %get3A_2354 = tpu.vector_load %arg6[%get3A_2353] {strides = array<i32>} : memref<100000xf32, #tpu.memory_space<vmem>>, vector<16xf32>,
      %max3A_2355 = arith.maximumf %max3A_2350, %get3A_2354 : vector<16xf32>
      %add3A_2356 = arith.constant 768 : i32
      %add3A_2357 = arith.addi %multiple_of3A, %add3A_2356 : i32
      %get3A_2358 = arith.index_cast %add3A_2357 : i32 to index
      %get3A_2359 = tpu.vector_load %arg6[%get3A_2358] {strides = array<i32>} : memref<100000xf32, #tpu.memory_space<vmem>>, vector<16xf32>,
      %max3A_2360 = arith.maximumf %max3A_2355, %get3A_2359 : vector<16xf32>
      %add3A_2361 = arith.constant 784 : i32
      %add3A_2362 = arith.addi %multiple_of3A, %add3A_2361 : i32
      %get3A_2363 = arith.index_cast %add3A_2362 : i32 to index
      %get3A_2364 = tpu.vector_load %arg6[%get3A_2363] {strides = array<i32>} : memref<100000xf32, #tpu.memory_space<vmem>>, vector<16xf32>,
      %max3A_2365 = arith.maximumf %max3A_2360, %get3A_2364 : vector<16xf32>
      %mul3A_2366 = arith.constant 16 : i32
      %mul3A_2367 = arith.muli %scan3A_2115, %mul3A_2366 : i32
      %add3A_2368 = vector.broadcast %mul3A_2367 : i32 to vector<16xi32>
      %add3A_2369 = arith.addi %add3A_2368, %iota3A : vector<16xi32>
      %masked_sort3A = arith.constant dense<true> : vector<16xi1>
      %masked_sort3A_2370, %masked_sort3A_2371, %masked_sort3A_2372 = tpu.sort %max3A_2365, %add3A_2369 masked %masked_sort3A : (vector<16xf32>, vector<16xi32>, vector<16xi1>) -> (vector<16xi1>, vector<16xf32>, vector<16xi32>)
      %ge3A = arith.cmpf oge, %scan3A_2116, %masked_sort3A_2371 : vector<16xf32>
      %select_n3A_2373 = arith.select %ge3A, %scan3A_2116, %masked_sort3A_2371 : vector<16xi1>, vector<16xf32>
      %select_n3A_2374 = arith.select %ge3A, %scan3A_2117, %masked_sort3A_2372 : vector<16xi1>, vector<16xi32>
      %masked_sort3A_2375 = arith.constant dense<true> : vector<16xi1>
      %masked_sort3A_2376, %masked_sort3A_2377, %masked_sort3A_2378 = tpu.sort %select_n3A_2373, %select_n3A_2374 masked %masked_sort3A_2375 {descending = true} : (vector<16xf32>, vector<16xi32>, vector<16xi1>) -> (vector<16xi1>, vector<16xf32>, vector<16xi32>)
      scf.yield %masked_sort3A_2377, %masked_sort3A_2378 : vector<16xf32>, vector<16xi32>
    }
    %scan3A_1074 = arith.constant 125 : i32
    %shift_right_logical3A_1075 = arith.constant 4 : i32
    %shift_right_logical3A_1076 = vector.broadcast %shift_right_logical3A_1075 : i32 to vector<16xi32>
    %shift_right_logical3A_1077 = arith.shrui %scan3A_1073#1, %shift_right_logical3A_1076 : vector<16xi32>
    %and3A_1078 = arith.constant 15 : i32
    %and3A_1079 = vector.broadcast %and3A_1078 : i32 to vector<16xi32>
    %and3A_1080 = arith.andi %scan3A_1073#1, %and3A_1079 : vector<16xi32>
    %mul3A_1081 = arith.constant 800 : i32
    %mul3A_1082 = vector.broadcast %mul3A_1081 : i32 to vector<16xi32>
    %mul3A_1083 = arith.muli %shift_right_logical3A_1077, %mul3A_1082 : vector<16xi32>
    %add3A_1084 = arith.addi %mul3A_1083, %and3A_1080 : vector<16xi32>
    %broadcast_in_dim3A_1085 = arith.constant 0xFF800000 : f32
    %broadcast_in_dim3A_1086 = vector.broadcast %broadcast_in_dim3A_1085 : f32 to vector<16xf32>
    %scan3A_1087 = arith.constant 0 : i32
    %scan3A_1088 = arith.constant 50 : i32
    %scan3A_1089 = arith.addi %scan3A_1087, %scan3A_1088 : i32
    %scan3A_1090 = arith.constant 1 : i32
    %scan3A_1091 = scf.for %scan3A_2115 = %scan3A_1087 to %scan3A_1089 step %scan3A_1090 iter_args(%scan3A_2116 = %broadcast_in_dim3A_1086) -> (vector<16xf32>)  : i32 {
      %mul3A_2117 = arith.constant 16 : i32
      %mul3A_2118 = arith.muli %scan3A_2115, %mul3A_2117 : i32
      %add3A_2119 = vector.broadcast %mul3A_2118 : i32 to vector<16xi32>
      %add3A_2120 = arith.addi %add3A_1084, %add3A_2119 : vector<16xi32>
      %gather3A_2121 = tpu.vector_load_idx %arg6[%add3A_2120] : memref<100000xf32, #tpu.memory_space<vmem>>[vector<16xi32>], vector<16xf32>,
      %sort3A = arith.constant dense<true> : vector<16xi1>
      %sort3A_2122, %sort3A_2123, %sort3A_2124 = tpu.sort %gather3A_2121, %gather3A_2121 masked %sort3A : (vector<16xf32>, vector<16xf32>, vector<16xi1>) -> (vector<16xi1>, vector<16xf32>, vector<16xf32>)
      %max3A_2125 = arith.maximumf %scan3A_2116, %sort3A_2123 : vector<16xf32>
      %sort3A_2126 = arith.constant dense<true> : vector<16xi1>
      %sort3A_2127, %sort3A_2128, %sort3A_2129 = tpu.sort %max3A_2125, %max3A_2125 masked %sort3A_2126 : (vector<16xf32>, vector<16xf32>, vector<16xi1>) -> (vector<16xi1>, vector<16xf32>, vector<16xf32>)
      %rev3A = arith.constant 15 : i32
      %rev3A_2130 = vector.broadcast %rev3A : i32 to vector<16xi32>
      %rev3A_2131 = tpu.iota {dimensions = array<i32: 0>} : vector<16xi32>
      %rev3A_2132 = arith.subi %rev3A_2130, %rev3A_2131 : vector<16xi32>
      %rev3A_2133 = tpu.dynamic_gather %sort3A_2128[%rev3A_2132] in [0] : vector<16xf32>, vector<16xi32> -> vector<16xf32>
      scf.yield %rev3A_2133 : vector<16xf32>
    }
    %scan3A_1092 = arith.constant 50 : i32
    %reduce_max3A_1093 = arith.constant true
    %reduce_max3A_1094 = vector.broadcast %reduce_max3A_1093 : i1 to vector<16xi1>
    %reduce_max3A_1095 = tpu.scan <max>, %scan3A_1091 masked %reduce_max3A_1094 : vector<16xf32>, vector<16xi1> -> vector<16xf32>
    %reduce_max3A_1096 = vector.extract %reduce_max3A_1095[15] : f32 from vector<16xf32>
    %add3A_1097 = arith.constant 50 : i32
    %add3A_1098 = vector.broadcast %add3A_1097 : i32 to vector<16xi32>
    %add3A_1099 = arith.addi %add3A_1098, %iota3A : vector<16xi32>
    %gather3A_1100 = tpu.vector_load_idx %arg9[%add3A_1099] : memref<96xf32, #tpu.memory_space<vmem>>[vector<16xi32>], vector<16xf32>,
    %eq3A_1101 = arith.constant 0 : i32
    %eq3A_1102 = vector.broadcast %eq3A_1101 : i32 to vector<16xi32>
    %eq3A_1103 = arith.cmpi eq, %iota3A, %eq3A_1102 : vector<16xi32>
    %jit3A_1104 = arith.constant 0xFF800000 : f32
    %broadcast_in_dim3A_1105 = vector.broadcast %jit3A_1104 : f32 to vector<16xf32>
    %select_n3A_1106 = arith.select %eq3A_1103, %scan3A_1091, %broadcast_in_dim3A_1105 : vector<16xi1>, vector<16xf32>
    %reduce_max3A_1107 = arith.constant true
    %reduce_max3A_1108 = vector.broadcast %reduce_max3A_1107 : i1 to vector<16xi1>
    %reduce_max3A_1109 = tpu.scan <max>, %select_n3A_1106 masked %reduce_max3A_1108 : vector<16xf32>, vector<16xi1> -> vector<16xf32>
    %reduce_max3A_1110 = vector.extract %reduce_max3A_1109[15] : f32 from vector<16xf32>
    %mul3A_1111 = arith.constant 10 : i32
    %mul3A_1112 = vector.broadcast %mul3A_1111 : i32 to vector<16xi32>
    %mul3A_1113 = arith.muli %mul3A_1112, %iota3A : vector<16xi32>
    %add3A_1114 = arith.constant 0 : i32
    %add3A_1115 = vector.broadcast %add3A_1114 : i32 to vector<16xi32>
    %add3A_1116 = arith.addi %add3A_1115, %mul3A_1113 : vector<16xi32>
    %add3A_1117 = arith.constant 0 : i32
    %add3A_1118 = vector.broadcast %add3A_1117 : i32 to vector<16xi32>
    %add3A_1119 = arith.addi %add3A_1116, %add3A_1118 : vector<16xi32>
    %jit3A_1120 = arith.constant 0 : i32
    %broadcast_in_dim3A_1121 = vector.broadcast %jit3A_1120 : i32 to vector<16xi32>
    %select_n3A_1122 = arith.select %lt3A_22, %add3A_1119, %broadcast_in_dim3A_1121 : vector<16xi1>, vector<16xi32>
    %gather3A_1123 = tpu.vector_load_idx %arg9[%select_n3A_1122] : memref<96xf32, #tpu.memory_space<vmem>>[vector<16xi32>], vector<16xf32>,
    %mul3A_1124 = vector.broadcast %reduce_max3A_1110 : f32 to vector<16xf32>
    %mul3A_1125 = arith.mulf %mul3A_1124, %gather3A_1123 : vector<16xf32>
    %add3A_1126 = arith.addf %gather3A_1100, %mul3A_1125 : vector<16xf32>
    %eq3A_1127 = arith.constant 1 : i32
    %eq3A_1128 = vector.broadcast %eq3A_1127 : i32 to vector<16xi32>
    %eq3A_1129 = arith.cmpi eq, %iota3A, %eq3A_1128 : vector<16xi32>
    %jit3A_1130 = arith.constant 0xFF800000 : f32
    %broadcast_in_dim3A_1131 = vector.broadcast %jit3A_1130 : f32 to vector<16xf32>
    %select_n3A_1132 = arith.select %eq3A_1129, %scan3A_1091, %broadcast_in_dim3A_1131 : vector<16xi1>, vector<16xf32>
    %reduce_max3A_1133 = arith.constant true
    %reduce_max3A_1134 = vector.broadcast %reduce_max3A_1133 : i1 to vector<16xi1>
    %reduce_max3A_1135 = tpu.scan <max>, %select_n3A_1132 masked %reduce_max3A_1134 : vector<16xf32>, vector<16xi1> -> vector<16xf32>
    %reduce_max3A_1136 = vector.extract %reduce_max3A_1135[15] : f32 from vector<16xf32>
    %mul3A_1137 = arith.constant 10 : i32
    %mul3A_1138 = vector.broadcast %mul3A_1137 : i32 to vector<16xi32>
    %mul3A_1139 = arith.muli %mul3A_1138, %iota3A : vector<16xi32>
    %add3A_1140 = arith.constant 0 : i32
    %add3A_1141 = vector.broadcast %add3A_1140 : i32 to vector<16xi32>
    %add3A_1142 = arith.addi %add3A_1141, %mul3A_1139 : vector<16xi32>
    %add3A_1143 = arith.constant 1 : i32
    %add3A_1144 = vector.broadcast %add3A_1143 : i32 to vector<16xi32>
    %add3A_1145 = arith.addi %add3A_1142, %add3A_1144 : vector<16xi32>
    %jit3A_1146 = arith.constant 0 : i32
    %broadcast_in_dim3A_1147 = vector.broadcast %jit3A_1146 : i32 to vector<16xi32>
    %select_n3A_1148 = arith.select %lt3A_22, %add3A_1145, %broadcast_in_dim3A_1147 : vector<16xi1>, vector<16xi32>
    %gather3A_1149 = tpu.vector_load_idx %arg9[%select_n3A_1148] : memref<96xf32, #tpu.memory_space<vmem>>[vector<16xi32>], vector<16xf32>,
    %mul3A_1150 = vector.broadcast %reduce_max3A_1136 : f32 to vector<16xf32>
    %mul3A_1151 = arith.mulf %mul3A_1150, %gather3A_1149 : vector<16xf32>
    %add3A_1152 = arith.addf %add3A_1126, %mul3A_1151 : vector<16xf32>
    %eq3A_1153 = arith.constant 2 : i32
    %eq3A_1154 = vector.broadcast %eq3A_1153 : i32 to vector<16xi32>
    %eq3A_1155 = arith.cmpi eq, %iota3A, %eq3A_1154 : vector<16xi32>
    %jit3A_1156 = arith.constant 0xFF800000 : f32
    %broadcast_in_dim3A_1157 = vector.broadcast %jit3A_1156 : f32 to vector<16xf32>
    %select_n3A_1158 = arith.select %eq3A_1155, %scan3A_1091, %broadcast_in_dim3A_1157 : vector<16xi1>, vector<16xf32>
    %reduce_max3A_1159 = arith.constant true
    %reduce_max3A_1160 = vector.broadcast %reduce_max3A_1159 : i1 to vector<16xi1>
    %reduce_max3A_1161 = tpu.scan <max>, %select_n3A_1158 masked %reduce_max3A_1160 : vector<16xf32>, vector<16xi1> -> vector<16xf32>
    %reduce_max3A_1162 = vector.extract %reduce_max3A_1161[15] : f32 from vector<16xf32>
    %mul3A_1163 = arith.constant 10 : i32
    %mul3A_1164 = vector.broadcast %mul3A_1163 : i32 to vector<16xi32>
    %mul3A_1165 = arith.muli %mul3A_1164, %iota3A : vector<16xi32>
    %add3A_1166 = arith.constant 0 : i32
    %add3A_1167 = vector.broadcast %add3A_1166 : i32 to vector<16xi32>
    %add3A_1168 = arith.addi %add3A_1167, %mul3A_1165 : vector<16xi32>
    %add3A_1169 = arith.constant 2 : i32
    %add3A_1170 = vector.broadcast %add3A_1169 : i32 to vector<16xi32>
    %add3A_1171 = arith.addi %add3A_1168, %add3A_1170 : vector<16xi32>
    %jit3A_1172 = arith.constant 0 : i32
    %broadcast_in_dim3A_1173 = vector.broadcast %jit3A_1172 : i32 to vector<16xi32>
    %select_n3A_1174 = arith.select %lt3A_22, %add3A_1171, %broadcast_in_dim3A_1173 : vector<16xi1>, vector<16xi32>
    %gather3A_1175 = tpu.vector_load_idx %arg9[%select_n3A_1174] : memref<96xf32, #tpu.memory_space<vmem>>[vector<16xi32>], vector<16xf32>,
    %mul3A_1176 = vector.broadcast %reduce_max3A_1162 : f32 to vector<16xf32>
    %mul3A_1177 = arith.mulf %mul3A_1176, %gather3A_1175 : vector<16xf32>
    %add3A_1178 = arith.addf %add3A_1152, %mul3A_1177 : vector<16xf32>
    %eq3A_1179 = arith.constant 3 : i32
    %eq3A_1180 = vector.broadcast %eq3A_1179 : i32 to vector<16xi32>
    %eq3A_1181 = arith.cmpi eq, %iota3A, %eq3A_1180 : vector<16xi32>
    %jit3A_1182 = arith.constant 0xFF800000 : f32
    %broadcast_in_dim3A_1183 = vector.broadcast %jit3A_1182 : f32 to vector<16xf32>
    %select_n3A_1184 = arith.select %eq3A_1181, %scan3A_1091, %broadcast_in_dim3A_1183 : vector<16xi1>, vector<16xf32>
    %reduce_max3A_1185 = arith.constant true
    %reduce_max3A_1186 = vector.broadcast %reduce_max3A_1185 : i1 to vector<16xi1>
    %reduce_max3A_1187 = tpu.scan <max>, %select_n3A_1184 masked %reduce_max3A_1186 : vector<16xf32>, vector<16xi1> -> vector<16xf32>
    %reduce_max3A_1188 = vector.extract %reduce_max3A_1187[15] : f32 from vector<16xf32>
    %mul3A_1189 = arith.constant 10 : i32
    %mul3A_1190 = vector.broadcast %mul3A_1189 : i32 to vector<16xi32>
    %mul3A_1191 = arith.muli %mul3A_1190, %iota3A : vector<16xi32>
    %add3A_1192 = arith.constant 0 : i32
    %add3A_1193 = vector.broadcast %add3A_1192 : i32 to vector<16xi32>
    %add3A_1194 = arith.addi %add3A_1193, %mul3A_1191 : vector<16xi32>
    %add3A_1195 = arith.constant 3 : i32
    %add3A_1196 = vector.broadcast %add3A_1195 : i32 to vector<16xi32>
    %add3A_1197 = arith.addi %add3A_1194, %add3A_1196 : vector<16xi32>
    %jit3A_1198 = arith.constant 0 : i32
    %broadcast_in_dim3A_1199 = vector.broadcast %jit3A_1198 : i32 to vector<16xi32>
    %select_n3A_1200 = arith.select %lt3A_22, %add3A_1197, %broadcast_in_dim3A_1199 : vector<16xi1>, vector<16xi32>
    %gather3A_1201 = tpu.vector_load_idx %arg9[%select_n3A_1200] : memref<96xf32, #tpu.memory_space<vmem>>[vector<16xi32>], vector<16xf32>,
    %mul3A_1202 = vector.broadcast %reduce_max3A_1188 : f32 to vector<16xf32>
    %mul3A_1203 = arith.mulf %mul3A_1202, %gather3A_1201 : vector<16xf32>
    %add3A_1204 = arith.addf %add3A_1178, %mul3A_1203 : vector<16xf32>
    %eq3A_1205 = arith.constant 4 : i32
    %eq3A_1206 = vector.broadcast %eq3A_1205 : i32 to vector<16xi32>
    %eq3A_1207 = arith.cmpi eq, %iota3A, %eq3A_1206 : vector<16xi32>
    %jit3A_1208 = arith.constant 0xFF800000 : f32
    %broadcast_in_dim3A_1209 = vector.broadcast %jit3A_1208 : f32 to vector<16xf32>
    %select_n3A_1210 = arith.select %eq3A_1207, %scan3A_1091, %broadcast_in_dim3A_1209 : vector<16xi1>, vector<16xf32>
    %reduce_max3A_1211 = arith.constant true
    %reduce_max3A_1212 = vector.broadcast %reduce_max3A_1211 : i1 to vector<16xi1>
    %reduce_max3A_1213 = tpu.scan <max>, %select_n3A_1210 masked %reduce_max3A_1212 : vector<16xf32>, vector<16xi1> -> vector<16xf32>
    %reduce_max3A_1214 = vector.extract %reduce_max3A_1213[15] : f32 from vector<16xf32>
    %mul3A_1215 = arith.constant 10 : i32
    %mul3A_1216 = vector.broadcast %mul3A_1215 : i32 to vector<16xi32>
    %mul3A_1217 = arith.muli %mul3A_1216, %iota3A : vector<16xi32>
    %add3A_1218 = arith.constant 0 : i32
    %add3A_1219 = vector.broadcast %add3A_1218 : i32 to vector<16xi32>
    %add3A_1220 = arith.addi %add3A_1219, %mul3A_1217 : vector<16xi32>
    %add3A_1221 = arith.constant 4 : i32
    %add3A_1222 = vector.broadcast %add3A_1221 : i32 to vector<16xi32>
    %add3A_1223 = arith.addi %add3A_1220, %add3A_1222 : vector<16xi32>
    %jit3A_1224 = arith.constant 0 : i32
    %broadcast_in_dim3A_1225 = vector.broadcast %jit3A_1224 : i32 to vector<16xi32>
    %select_n3A_1226 = arith.select %lt3A_22, %add3A_1223, %broadcast_in_dim3A_1225 : vector<16xi1>, vector<16xi32>
    %gather3A_1227 = tpu.vector_load_idx %arg9[%select_n3A_1226] : memref<96xf32, #tpu.memory_space<vmem>>[vector<16xi32>], vector<16xf32>,
    %mul3A_1228 = vector.broadcast %reduce_max3A_1214 : f32 to vector<16xf32>
    %mul3A_1229 = arith.mulf %mul3A_1228, %gather3A_1227 : vector<16xf32>
    %add3A_1230 = arith.addf %add3A_1204, %mul3A_1229 : vector<16xf32>
    %eq3A_1231 = arith.constant 5 : i32
    %eq3A_1232 = vector.broadcast %eq3A_1231 : i32 to vector<16xi32>
    %eq3A_1233 = arith.cmpi eq, %iota3A, %eq3A_1232 : vector<16xi32>
    %jit3A_1234 = arith.constant 0xFF800000 : f32
    %broadcast_in_dim3A_1235 = vector.broadcast %jit3A_1234 : f32 to vector<16xf32>
    %select_n3A_1236 = arith.select %eq3A_1233, %scan3A_1091, %broadcast_in_dim3A_1235 : vector<16xi1>, vector<16xf32>
    %reduce_max3A_1237 = arith.constant true
    %reduce_max3A_1238 = vector.broadcast %reduce_max3A_1237 : i1 to vector<16xi1>
    %reduce_max3A_1239 = tpu.scan <max>, %select_n3A_1236 masked %reduce_max3A_1238 : vector<16xf32>, vector<16xi1> -> vector<16xf32>
    %reduce_max3A_1240 = vector.extract %reduce_max3A_1239[15] : f32 from vector<16xf32>
    %mul3A_1241 = arith.constant 10 : i32
    %mul3A_1242 = vector.broadcast %mul3A_1241 : i32 to vector<16xi32>
    %mul3A_1243 = arith.muli %mul3A_1242, %iota3A : vector<16xi32>
    %add3A_1244 = arith.constant 0 : i32
    %add3A_1245 = vector.broadcast %add3A_1244 : i32 to vector<16xi32>
    %add3A_1246 = arith.addi %add3A_1245, %mul3A_1243 : vector<16xi32>
    %add3A_1247 = arith.constant 5 : i32
    %add3A_1248 = vector.broadcast %add3A_1247 : i32 to vector<16xi32>
    %add3A_1249 = arith.addi %add3A_1246, %add3A_1248 : vector<16xi32>
    %jit3A_1250 = arith.constant 0 : i32
    %broadcast_in_dim3A_1251 = vector.broadcast %jit3A_1250 : i32 to vector<16xi32>
    %select_n3A_1252 = arith.select %lt3A_22, %add3A_1249, %broadcast_in_dim3A_1251 : vector<16xi1>, vector<16xi32>
    %gather3A_1253 = tpu.vector_load_idx %arg9[%select_n3A_1252] : memref<96xf32, #tpu.memory_space<vmem>>[vector<16xi32>], vector<16xf32>,
    %mul3A_1254 = vector.broadcast %reduce_max3A_1240 : f32 to vector<16xf32>
    %mul3A_1255 = arith.mulf %mul3A_1254, %gather3A_1253 : vector<16xf32>
    %add3A_1256 = arith.addf %add3A_1230, %mul3A_1255 : vector<16xf32>
    %eq3A_1257 = arith.constant 6 : i32
    %eq3A_1258 = vector.broadcast %eq3A_1257 : i32 to vector<16xi32>
    %eq3A_1259 = arith.cmpi eq, %iota3A, %eq3A_1258 : vector<16xi32>
    %jit3A_1260 = arith.constant 0xFF800000 : f32
    %broadcast_in_dim3A_1261 = vector.broadcast %jit3A_1260 : f32 to vector<16xf32>
    %select_n3A_1262 = arith.select %eq3A_1259, %scan3A_1091, %broadcast_in_dim3A_1261 : vector<16xi1>, vector<16xf32>
    %reduce_max3A_1263 = arith.constant true
    %reduce_max3A_1264 = vector.broadcast %reduce_max3A_1263 : i1 to vector<16xi1>
    %reduce_max3A_1265 = tpu.scan <max>, %select_n3A_1262 masked %reduce_max3A_1264 : vector<16xf32>, vector<16xi1> -> vector<16xf32>
    %reduce_max3A_1266 = vector.extract %reduce_max3A_1265[15] : f32 from vector<16xf32>
    %mul3A_1267 = arith.constant 10 : i32
    %mul3A_1268 = vector.broadcast %mul3A_1267 : i32 to vector<16xi32>
    %mul3A_1269 = arith.muli %mul3A_1268, %iota3A : vector<16xi32>
    %add3A_1270 = arith.constant 0 : i32
    %add3A_1271 = vector.broadcast %add3A_1270 : i32 to vector<16xi32>
    %add3A_1272 = arith.addi %add3A_1271, %mul3A_1269 : vector<16xi32>
    %add3A_1273 = arith.constant 6 : i32
    %add3A_1274 = vector.broadcast %add3A_1273 : i32 to vector<16xi32>
    %add3A_1275 = arith.addi %add3A_1272, %add3A_1274 : vector<16xi32>
    %jit3A_1276 = arith.constant 0 : i32
    %broadcast_in_dim3A_1277 = vector.broadcast %jit3A_1276 : i32 to vector<16xi32>
    %select_n3A_1278 = arith.select %lt3A_22, %add3A_1275, %broadcast_in_dim3A_1277 : vector<16xi1>, vector<16xi32>
    %gather3A_1279 = tpu.vector_load_idx %arg9[%select_n3A_1278] : memref<96xf32, #tpu.memory_space<vmem>>[vector<16xi32>], vector<16xf32>,
    %mul3A_1280 = vector.broadcast %reduce_max3A_1266 : f32 to vector<16xf32>
    %mul3A_1281 = arith.mulf %mul3A_1280, %gather3A_1279 : vector<16xf32>
    %add3A_1282 = arith.addf %add3A_1256, %mul3A_1281 : vector<16xf32>
    %eq3A_1283 = arith.constant 7 : i32
    %eq3A_1284 = vector.broadcast %eq3A_1283 : i32 to vector<16xi32>
    %eq3A_1285 = arith.cmpi eq, %iota3A, %eq3A_1284 : vector<16xi32>
    %jit3A_1286 = arith.constant 0xFF800000 : f32
    %broadcast_in_dim3A_1287 = vector.broadcast %jit3A_1286 : f32 to vector<16xf32>
    %select_n3A_1288 = arith.select %eq3A_1285, %scan3A_1091, %broadcast_in_dim3A_1287 : vector<16xi1>, vector<16xf32>
    %reduce_max3A_1289 = arith.constant true
    %reduce_max3A_1290 = vector.broadcast %reduce_max3A_1289 : i1 to vector<16xi1>
    %reduce_max3A_1291 = tpu.scan <max>, %select_n3A_1288 masked %reduce_max3A_1290 : vector<16xf32>, vector<16xi1> -> vector<16xf32>
    %reduce_max3A_1292 = vector.extract %reduce_max3A_1291[15] : f32 from vector<16xf32>
    %mul3A_1293 = arith.constant 10 : i32
    %mul3A_1294 = vector.broadcast %mul3A_1293 : i32 to vector<16xi32>
    %mul3A_1295 = arith.muli %mul3A_1294, %iota3A : vector<16xi32>
    %add3A_1296 = arith.constant 0 : i32
    %add3A_1297 = vector.broadcast %add3A_1296 : i32 to vector<16xi32>
    %add3A_1298 = arith.addi %add3A_1297, %mul3A_1295 : vector<16xi32>
    %add3A_1299 = arith.constant 7 : i32
    %add3A_1300 = vector.broadcast %add3A_1299 : i32 to vector<16xi32>
    %add3A_1301 = arith.addi %add3A_1298, %add3A_1300 : vector<16xi32>
    %jit3A_1302 = arith.constant 0 : i32
    %broadcast_in_dim3A_1303 = vector.broadcast %jit3A_1302 : i32 to vector<16xi32>
    %select_n3A_1304 = arith.select %lt3A_22, %add3A_1301, %broadcast_in_dim3A_1303 : vector<16xi1>, vector<16xi32>
    %gather3A_1305 = tpu.vector_load_idx %arg9[%select_n3A_1304] : memref<96xf32, #tpu.memory_space<vmem>>[vector<16xi32>], vector<16xf32>,
    %mul3A_1306 = vector.broadcast %reduce_max3A_1292 : f32 to vector<16xf32>
    %mul3A_1307 = arith.mulf %mul3A_1306, %gather3A_1305 : vector<16xf32>
    %add3A_1308 = arith.addf %add3A_1282, %mul3A_1307 : vector<16xf32>
    %eq3A_1309 = arith.constant 8 : i32
    %eq3A_1310 = vector.broadcast %eq3A_1309 : i32 to vector<16xi32>
    %eq3A_1311 = arith.cmpi eq, %iota3A, %eq3A_1310 : vector<16xi32>
    %jit3A_1312 = arith.constant 0xFF800000 : f32
    %broadcast_in_dim3A_1313 = vector.broadcast %jit3A_1312 : f32 to vector<16xf32>
    %select_n3A_1314 = arith.select %eq3A_1311, %scan3A_1091, %broadcast_in_dim3A_1313 : vector<16xi1>, vector<16xf32>
    %reduce_max3A_1315 = arith.constant true
    %reduce_max3A_1316 = vector.broadcast %reduce_max3A_1315 : i1 to vector<16xi1>
    %reduce_max3A_1317 = tpu.scan <max>, %select_n3A_1314 masked %reduce_max3A_1316 : vector<16xf32>, vector<16xi1> -> vector<16xf32>
    %reduce_max3A_1318 = vector.extract %reduce_max3A_1317[15] : f32 from vector<16xf32>
    %mul3A_1319 = arith.constant 10 : i32
    %mul3A_1320 = vector.broadcast %mul3A_1319 : i32 to vector<16xi32>
    %mul3A_1321 = arith.muli %mul3A_1320, %iota3A : vector<16xi32>
    %add3A_1322 = arith.constant 0 : i32
    %add3A_1323 = vector.broadcast %add3A_1322 : i32 to vector<16xi32>
    %add3A_1324 = arith.addi %add3A_1323, %mul3A_1321 : vector<16xi32>
    %add3A_1325 = arith.constant 8 : i32
    %add3A_1326 = vector.broadcast %add3A_1325 : i32 to vector<16xi32>
    %add3A_1327 = arith.addi %add3A_1324, %add3A_1326 : vector<16xi32>
    %jit3A_1328 = arith.constant 0 : i32
    %broadcast_in_dim3A_1329 = vector.broadcast %jit3A_1328 : i32 to vector<16xi32>
    %select_n3A_1330 = arith.select %lt3A_22, %add3A_1327, %broadcast_in_dim3A_1329 : vector<16xi1>, vector<16xi32>
    %gather3A_1331 = tpu.vector_load_idx %arg9[%select_n3A_1330] : memref<96xf32, #tpu.memory_space<vmem>>[vector<16xi32>], vector<16xf32>,
    %mul3A_1332 = vector.broadcast %reduce_max3A_1318 : f32 to vector<16xf32>
    %mul3A_1333 = arith.mulf %mul3A_1332, %gather3A_1331 : vector<16xf32>
    %add3A_1334 = arith.addf %add3A_1308, %mul3A_1333 : vector<16xf32>
    %eq3A_1335 = arith.constant 9 : i32
    %eq3A_1336 = vector.broadcast %eq3A_1335 : i32 to vector<16xi32>
    %eq3A_1337 = arith.cmpi eq, %iota3A, %eq3A_1336 : vector<16xi32>
    %jit3A_1338 = arith.constant 0xFF800000 : f32
    %broadcast_in_dim3A_1339 = vector.broadcast %jit3A_1338 : f32 to vector<16xf32>
    %select_n3A_1340 = arith.select %eq3A_1337, %scan3A_1091, %broadcast_in_dim3A_1339 : vector<16xi1>, vector<16xf32>
    %reduce_max3A_1341 = arith.constant true
    %reduce_max3A_1342 = vector.broadcast %reduce_max3A_1341 : i1 to vector<16xi1>
    %reduce_max3A_1343 = tpu.scan <max>, %select_n3A_1340 masked %reduce_max3A_1342 : vector<16xf32>, vector<16xi1> -> vector<16xf32>
    %reduce_max3A_1344 = vector.extract %reduce_max3A_1343[15] : f32 from vector<16xf32>
    %mul3A_1345 = arith.constant 10 : i32
    %mul3A_1346 = vector.broadcast %mul3A_1345 : i32 to vector<16xi32>
    %mul3A_1347 = arith.muli %mul3A_1346, %iota3A : vector<16xi32>
    %add3A_1348 = arith.constant 0 : i32
    %add3A_1349 = vector.broadcast %add3A_1348 : i32 to vector<16xi32>
    %add3A_1350 = arith.addi %add3A_1349, %mul3A_1347 : vector<16xi32>
    %add3A_1351 = arith.constant 9 : i32
    %add3A_1352 = vector.broadcast %add3A_1351 : i32 to vector<16xi32>
    %add3A_1353 = arith.addi %add3A_1350, %add3A_1352 : vector<16xi32>
    %jit3A_1354 = arith.constant 0 : i32
    %broadcast_in_dim3A_1355 = vector.broadcast %jit3A_1354 : i32 to vector<16xi32>
    %select_n3A_1356 = arith.select %lt3A_22, %add3A_1353, %broadcast_in_dim3A_1355 : vector<16xi1>, vector<16xi32>
    %gather3A_1357 = tpu.vector_load_idx %arg9[%select_n3A_1356] : memref<96xf32, #tpu.memory_space<vmem>>[vector<16xi32>], vector<16xf32>,
    %mul3A_1358 = vector.broadcast %reduce_max3A_1344 : f32 to vector<16xf32>
    %mul3A_1359 = arith.mulf %mul3A_1358, %gather3A_1357 : vector<16xf32>
    %add3A_1360 = arith.addf %add3A_1334, %mul3A_1359 : vector<16xf32>
    %jit3A_1361 = arith.constant 0.000000e+00 : f32
    %broadcast_in_dim3A_1362 = vector.broadcast %jit3A_1361 : f32 to vector<16xf32>
    %select_n3A_1363 = arith.select %lt3A_22, %add3A_1360, %broadcast_in_dim3A_1362 : vector<16xi1>, vector<16xf32>
    %max3A_1364 = arith.constant 0.000000e+00 : f32
    %max3A_1365 = vector.broadcast %max3A_1364 : f32 to vector<16xf32>
    %max3A_1366 = arith.maximumf %select_n3A_1363, %max3A_1365 : vector<16xf32>
    %add3A_1367 = arith.constant 80 : i32
    %add3A_1368 = vector.broadcast %add3A_1367 : i32 to vector<16xi32>
    %add3A_1369 = arith.addi %add3A_1368, %iota3A : vector<16xi32>
    %gather3A_1370 = tpu.vector_load_idx %arg9[%add3A_1369] : memref<96xf32, #tpu.memory_space<vmem>>[vector<16xi32>], vector<16xf32>,
    %eq3A_1371 = arith.constant 0 : i32
    %eq3A_1372 = vector.broadcast %eq3A_1371 : i32 to vector<16xi32>
    %eq3A_1373 = arith.cmpi eq, %iota3A, %eq3A_1372 : vector<16xi32>
    %jit3A_1374 = arith.constant 0xFF800000 : f32
    %broadcast_in_dim3A_1375 = vector.broadcast %jit3A_1374 : f32 to vector<16xf32>
    %select_n3A_1376 = arith.select %eq3A_1373, %max3A_1366, %broadcast_in_dim3A_1375 : vector<16xi1>, vector<16xf32>
    %reduce_max3A_1377 = arith.constant true
    %reduce_max3A_1378 = vector.broadcast %reduce_max3A_1377 : i1 to vector<16xi1>
    %reduce_max3A_1379 = tpu.scan <max>, %select_n3A_1376 masked %reduce_max3A_1378 : vector<16xf32>, vector<16xi1> -> vector<16xf32>
    %reduce_max3A_1380 = vector.extract %reduce_max3A_1379[15] : f32 from vector<16xf32>
    %mul3A_1381 = arith.constant 5 : i32
    %mul3A_1382 = vector.broadcast %mul3A_1381 : i32 to vector<16xi32>
    %mul3A_1383 = arith.muli %mul3A_1382, %iota3A : vector<16xi32>
    %add3A_1384 = arith.constant 55 : i32
    %add3A_1385 = vector.broadcast %add3A_1384 : i32 to vector<16xi32>
    %add3A_1386 = arith.addi %add3A_1385, %mul3A_1383 : vector<16xi32>
    %add3A_1387 = arith.constant 0 : i32
    %add3A_1388 = vector.broadcast %add3A_1387 : i32 to vector<16xi32>
    %add3A_1389 = arith.addi %add3A_1386, %add3A_1388 : vector<16xi32>
    %jit3A_1390 = arith.constant 0 : i32
    %broadcast_in_dim3A_1391 = vector.broadcast %jit3A_1390 : i32 to vector<16xi32>
    %select_n3A_1392 = arith.select %lt3A_22, %add3A_1389, %broadcast_in_dim3A_1391 : vector<16xi1>, vector<16xi32>
    %gather3A_1393 = tpu.vector_load_idx %arg9[%select_n3A_1392] : memref<96xf32, #tpu.memory_space<vmem>>[vector<16xi32>], vector<16xf32>,
    %mul3A_1394 = vector.broadcast %reduce_max3A_1380 : f32 to vector<16xf32>
    %mul3A_1395 = arith.mulf %mul3A_1394, %gather3A_1393 : vector<16xf32>
    %add3A_1396 = arith.addf %gather3A_1370, %mul3A_1395 : vector<16xf32>
    %eq3A_1397 = arith.constant 1 : i32
    %eq3A_1398 = vector.broadcast %eq3A_1397 : i32 to vector<16xi32>
    %eq3A_1399 = arith.cmpi eq, %iota3A, %eq3A_1398 : vector<16xi32>
    %jit3A_1400 = arith.constant 0xFF800000 : f32
    %broadcast_in_dim3A_1401 = vector.broadcast %jit3A_1400 : f32 to vector<16xf32>
    %select_n3A_1402 = arith.select %eq3A_1399, %max3A_1366, %broadcast_in_dim3A_1401 : vector<16xi1>, vector<16xf32>
    %reduce_max3A_1403 = arith.constant true
    %reduce_max3A_1404 = vector.broadcast %reduce_max3A_1403 : i1 to vector<16xi1>
    %reduce_max3A_1405 = tpu.scan <max>, %select_n3A_1402 masked %reduce_max3A_1404 : vector<16xf32>, vector<16xi1> -> vector<16xf32>
    %reduce_max3A_1406 = vector.extract %reduce_max3A_1405[15] : f32 from vector<16xf32>
    %mul3A_1407 = arith.constant 5 : i32
    %mul3A_1408 = vector.broadcast %mul3A_1407 : i32 to vector<16xi32>
    %mul3A_1409 = arith.muli %mul3A_1408, %iota3A : vector<16xi32>
    %add3A_1410 = arith.constant 55 : i32
    %add3A_1411 = vector.broadcast %add3A_1410 : i32 to vector<16xi32>
    %add3A_1412 = arith.addi %add3A_1411, %mul3A_1409 : vector<16xi32>
    %add3A_1413 = arith.constant 1 : i32
    %add3A_1414 = vector.broadcast %add3A_1413 : i32 to vector<16xi32>
    %add3A_1415 = arith.addi %add3A_1412, %add3A_1414 : vector<16xi32>
    %jit3A_1416 = arith.constant 0 : i32
    %broadcast_in_dim3A_1417 = vector.broadcast %jit3A_1416 : i32 to vector<16xi32>
    %select_n3A_1418 = arith.select %lt3A_22, %add3A_1415, %broadcast_in_dim3A_1417 : vector<16xi1>, vector<16xi32>
    %gather3A_1419 = tpu.vector_load_idx %arg9[%select_n3A_1418] : memref<96xf32, #tpu.memory_space<vmem>>[vector<16xi32>], vector<16xf32>,
    %mul3A_1420 = vector.broadcast %reduce_max3A_1406 : f32 to vector<16xf32>
    %mul3A_1421 = arith.mulf %mul3A_1420, %gather3A_1419 : vector<16xf32>
    %add3A_1422 = arith.addf %add3A_1396, %mul3A_1421 : vector<16xf32>
    %eq3A_1423 = arith.constant 2 : i32
    %eq3A_1424 = vector.broadcast %eq3A_1423 : i32 to vector<16xi32>
    %eq3A_1425 = arith.cmpi eq, %iota3A, %eq3A_1424 : vector<16xi32>
    %jit3A_1426 = arith.constant 0xFF800000 : f32
    %broadcast_in_dim3A_1427 = vector.broadcast %jit3A_1426 : f32 to vector<16xf32>
    %select_n3A_1428 = arith.select %eq3A_1425, %max3A_1366, %broadcast_in_dim3A_1427 : vector<16xi1>, vector<16xf32>
    %reduce_max3A_1429 = arith.constant true
    %reduce_max3A_1430 = vector.broadcast %reduce_max3A_1429 : i1 to vector<16xi1>
    %reduce_max3A_1431 = tpu.scan <max>, %select_n3A_1428 masked %reduce_max3A_1430 : vector<16xf32>, vector<16xi1> -> vector<16xf32>
    %reduce_max3A_1432 = vector.extract %reduce_max3A_1431[15] : f32 from vector<16xf32>
    %mul3A_1433 = arith.constant 5 : i32
    %mul3A_1434 = vector.broadcast %mul3A_1433 : i32 to vector<16xi32>
    %mul3A_1435 = arith.muli %mul3A_1434, %iota3A : vector<16xi32>
    %add3A_1436 = arith.constant 55 : i32
    %add3A_1437 = vector.broadcast %add3A_1436 : i32 to vector<16xi32>
    %add3A_1438 = arith.addi %add3A_1437, %mul3A_1435 : vector<16xi32>
    %add3A_1439 = arith.constant 2 : i32
    %add3A_1440 = vector.broadcast %add3A_1439 : i32 to vector<16xi32>
    %add3A_1441 = arith.addi %add3A_1438, %add3A_1440 : vector<16xi32>
    %jit3A_1442 = arith.constant 0 : i32
    %broadcast_in_dim3A_1443 = vector.broadcast %jit3A_1442 : i32 to vector<16xi32>
    %select_n3A_1444 = arith.select %lt3A_22, %add3A_1441, %broadcast_in_dim3A_1443 : vector<16xi1>, vector<16xi32>
    %gather3A_1445 = tpu.vector_load_idx %arg9[%select_n3A_1444] : memref<96xf32, #tpu.memory_space<vmem>>[vector<16xi32>], vector<16xf32>,
    %mul3A_1446 = vector.broadcast %reduce_max3A_1432 : f32 to vector<16xf32>
    %mul3A_1447 = arith.mulf %mul3A_1446, %gather3A_1445 : vector<16xf32>
    %add3A_1448 = arith.addf %add3A_1422, %mul3A_1447 : vector<16xf32>
    %eq3A_1449 = arith.constant 3 : i32
    %eq3A_1450 = vector.broadcast %eq3A_1449 : i32 to vector<16xi32>
    %eq3A_1451 = arith.cmpi eq, %iota3A, %eq3A_1450 : vector<16xi32>
    %jit3A_1452 = arith.constant 0xFF800000 : f32
    %broadcast_in_dim3A_1453 = vector.broadcast %jit3A_1452 : f32 to vector<16xf32>
    %select_n3A_1454 = arith.select %eq3A_1451, %max3A_1366, %broadcast_in_dim3A_1453 : vector<16xi1>, vector<16xf32>
    %reduce_max3A_1455 = arith.constant true
    %reduce_max3A_1456 = vector.broadcast %reduce_max3A_1455 : i1 to vector<16xi1>
    %reduce_max3A_1457 = tpu.scan <max>, %select_n3A_1454 masked %reduce_max3A_1456 : vector<16xf32>, vector<16xi1> -> vector<16xf32>
    %reduce_max3A_1458 = vector.extract %reduce_max3A_1457[15] : f32 from vector<16xf32>
    %mul3A_1459 = arith.constant 5 : i32
    %mul3A_1460 = vector.broadcast %mul3A_1459 : i32 to vector<16xi32>
    %mul3A_1461 = arith.muli %mul3A_1460, %iota3A : vector<16xi32>
    %add3A_1462 = arith.constant 55 : i32
    %add3A_1463 = vector.broadcast %add3A_1462 : i32 to vector<16xi32>
    %add3A_1464 = arith.addi %add3A_1463, %mul3A_1461 : vector<16xi32>
    %add3A_1465 = arith.constant 3 : i32
    %add3A_1466 = vector.broadcast %add3A_1465 : i32 to vector<16xi32>
    %add3A_1467 = arith.addi %add3A_1464, %add3A_1466 : vector<16xi32>
    %jit3A_1468 = arith.constant 0 : i32
    %broadcast_in_dim3A_1469 = vector.broadcast %jit3A_1468 : i32 to vector<16xi32>
    %select_n3A_1470 = arith.select %lt3A_22, %add3A_1467, %broadcast_in_dim3A_1469 : vector<16xi1>, vector<16xi32>
    %gather3A_1471 = tpu.vector_load_idx %arg9[%select_n3A_1470] : memref<96xf32, #tpu.memory_space<vmem>>[vector<16xi32>], vector<16xf32>,
    %mul3A_1472 = vector.broadcast %reduce_max3A_1458 : f32 to vector<16xf32>
    %mul3A_1473 = arith.mulf %mul3A_1472, %gather3A_1471 : vector<16xf32>
    %add3A_1474 = arith.addf %add3A_1448, %mul3A_1473 : vector<16xf32>
    %eq3A_1475 = arith.constant 4 : i32
    %eq3A_1476 = vector.broadcast %eq3A_1475 : i32 to vector<16xi32>
    %eq3A_1477 = arith.cmpi eq, %iota3A, %eq3A_1476 : vector<16xi32>
    %jit3A_1478 = arith.constant 0xFF800000 : f32
    %broadcast_in_dim3A_1479 = vector.broadcast %jit3A_1478 : f32 to vector<16xf32>
    %select_n3A_1480 = arith.select %eq3A_1477, %max3A_1366, %broadcast_in_dim3A_1479 : vector<16xi1>, vector<16xf32>
    %reduce_max3A_1481 = arith.constant true
    %reduce_max3A_1482 = vector.broadcast %reduce_max3A_1481 : i1 to vector<16xi1>
    %reduce_max3A_1483 = tpu.scan <max>, %select_n3A_1480 masked %reduce_max3A_1482 : vector<16xf32>, vector<16xi1> -> vector<16xf32>
    %reduce_max3A_1484 = vector.extract %reduce_max3A_1483[15] : f32 from vector<16xf32>
    %mul3A_1485 = arith.constant 5 : i32
    %mul3A_1486 = vector.broadcast %mul3A_1485 : i32 to vector<16xi32>
    %mul3A_1487 = arith.muli %mul3A_1486, %iota3A : vector<16xi32>
    %add3A_1488 = arith.constant 55 : i32
    %add3A_1489 = vector.broadcast %add3A_1488 : i32 to vector<16xi32>
    %add3A_1490 = arith.addi %add3A_1489, %mul3A_1487 : vector<16xi32>
    %add3A_1491 = arith.constant 4 : i32
    %add3A_1492 = vector.broadcast %add3A_1491 : i32 to vector<16xi32>
    %add3A_1493 = arith.addi %add3A_1490, %add3A_1492 : vector<16xi32>
    %jit3A_1494 = arith.constant 0 : i32
    %broadcast_in_dim3A_1495 = vector.broadcast %jit3A_1494 : i32 to vector<16xi32>
    %select_n3A_1496 = arith.select %lt3A_22, %add3A_1493, %broadcast_in_dim3A_1495 : vector<16xi1>, vector<16xi32>
    %gather3A_1497 = tpu.vector_load_idx %arg9[%select_n3A_1496] : memref<96xf32, #tpu.memory_space<vmem>>[vector<16xi32>], vector<16xf32>,
    %mul3A_1498 = vector.broadcast %reduce_max3A_1484 : f32 to vector<16xf32>
    %mul3A_1499 = arith.mulf %mul3A_1498, %gather3A_1497 : vector<16xf32>
    %add3A_1500 = arith.addf %add3A_1474, %mul3A_1499 : vector<16xf32>
    %jit3A_1501 = arith.constant 0.000000e+00 : f32
    %broadcast_in_dim3A_1502 = vector.broadcast %jit3A_1501 : f32 to vector<16xf32>
    %select_n3A_1503 = arith.select %lt3A_22, %add3A_1500, %broadcast_in_dim3A_1502 : vector<16xi1>, vector<16xf32>
    %max3A_1504 = arith.constant 0.000000e+00 : f32
    %max3A_1505 = vector.broadcast %max3A_1504 : f32 to vector<16xf32>
    %max3A_1506 = arith.maximumf %select_n3A_1503, %max3A_1505 : vector<16xf32>
    %add3A_1507 = arith.constant 85 : i32
    %add3A_1508 = vector.broadcast %add3A_1507 : i32 to vector<16xi32>
    %add3A_1509 = arith.addi %add3A_1508, %iota3A : vector<16xi32>
    %jit3A_1510 = arith.constant 0 : i32
    %broadcast_in_dim3A_1511 = vector.broadcast %jit3A_1510 : i32 to vector<16xi32>
    %select_n3A_1512 = arith.select %lt3A_22, %add3A_1509, %broadcast_in_dim3A_1511 : vector<16xi1>, vector<16xi32>
    %gather3A_1513 = tpu.vector_load_idx %arg9[%select_n3A_1512] : memref<96xf32, #tpu.memory_space<vmem>>[vector<16xi32>], vector<16xf32>,
    %mul3A_1514 = arith.mulf %max3A_1506, %gather3A_1513 : vector<16xf32>
    %jit3A_1515 = arith.constant 0.000000e+00 : f32
    %broadcast_in_dim3A_1516 = vector.broadcast %jit3A_1515 : f32 to vector<16xf32>
    %select_n3A_1517 = arith.select %lt3A_22, %mul3A_1514, %broadcast_in_dim3A_1516 : vector<16xi1>, vector<16xf32>
    %reduce_sum3A_1518 = arith.constant true
    %reduce_sum3A_1519 = vector.broadcast %reduce_sum3A_1518 : i1 to vector<16xi1>
    %reduce_sum3A_1520 = tpu.scan <sum>, %select_n3A_1517 masked %reduce_sum3A_1519 : vector<16xf32>, vector<16xi1> -> vector<16xf32>
    %reduce_sum3A_1521 = vector.extract %reduce_sum3A_1520[15] : f32 from vector<16xf32>
    %broadcast_in_dim3A_1522 = arith.constant 90 : i32
    %broadcast_in_dim3A_1523 = vector.broadcast %broadcast_in_dim3A_1522 : i32 to vector<16xi32>
    %gather3A_1524 = tpu.vector_load_idx %arg9[%broadcast_in_dim3A_1523] : memref<96xf32, #tpu.memory_space<vmem>>[vector<16xi32>], vector<16xf32>,
    %add3A_1525 = vector.broadcast %reduce_sum3A_1521 : f32 to vector<16xf32>
    %add3A_1526 = arith.addf %add3A_1525, %gather3A_1524 : vector<16xf32>
    %abs3A_1527 = math.absf %add3A_1526 : vector<16xf32>
    %jit3A_1528 = arith.constant 9.99999993E-9 : f32
    %jit3A_1529 = arith.constant 1.000000e+08 : f32
    %max3A_1530 = vector.broadcast %jit3A_1528 : f32 to vector<16xf32>
    %max3A_1531 = arith.maximumf %max3A_1530, %abs3A_1527 : vector<16xf32>
    %min3A_1532 = vector.broadcast %jit3A_1529 : f32 to vector<16xf32>
    %min3A_1533 = arith.minimumf %min3A_1532, %max3A_1531 : vector<16xf32>
    %div3A_1534 = arith.constant 1.000000e+00 : f32
    %div3A_1535 = vector.broadcast %div3A_1534 : f32 to vector<16xf32>
    %div3A_1536 = arith.divf %div3A_1535, %min3A_1533 : vector<16xf32>
    %jit3A_1537 = arith.constant 4 : i32
    %eq3A_1538 = arith.constant 0 : i32
    %eq3A_1539 = arith.cmpi eq, %jit3A_1537, %eq3A_1538 : i32
    %jit3A_1540 = arith.constant 1 : i32
    %select_n3A_1541 = arith.select %eq3A_1539, %jit3A_1540, %jit3A_1537 : i32
    %rem3A_1542 = arith.remsi %add3A, %select_n3A_1541 : i32
    %ne3A_1543 = arith.constant 0 : i32
    %ne3A_1544 = arith.cmpi ne, %rem3A_1542, %ne3A_1543 : i32
    %lt3A_1545 = arith.constant 0 : i32
    %lt3A_1546 = arith.cmpi slt, %rem3A_1542, %lt3A_1545 : i32
    %lt3A_1547 = arith.constant 0 : i32
    %lt3A_1548 = arith.cmpi slt, %select_n3A_1541, %lt3A_1547 : i32
    %ne3A_1549 = arith.xori %lt3A_1546, %lt3A_1548 : i1
    %and3A_1550 = arith.andi %ne3A_1549, %ne3A_1544 : i1
    %add3A_1551 = arith.addi %rem3A_1542, %select_n3A_1541 : i32
    %select_n3A_1552 = arith.select %and3A_1550, %add3A_1551, %rem3A_1542 : i32
    %mul3A_1553 = arith.constant 4 : i32
    %mul3A_1554 = arith.muli %select_n3A_1552, %mul3A_1553 : i32
    %add3A_1555 = arith.constant 2 : i32
    %add3A_1556 = arith.addi %mul3A_1554, %add3A_1555 : i32
    %broadcast_in_dim3A_1557 = vector.broadcast %add3A_1556 : i32 to vector<16xi32>
    %gather3A_1558 = tpu.vector_load_idx %arg7[%broadcast_in_dim3A_1557] : memref<16xi32, #tpu.memory_space<vmem>>[vector<16xi32>], vector<16xi32>,
    %gather3A_1559 = tpu.vector_load_idx %arg6[%gather3A_1558] : memref<100000xf32, #tpu.memory_space<vmem>>[vector<16xi32>], vector<16xf32>,
    %sub3A_1560 = vector.broadcast %reduce_max3A_1096 : f32 to vector<16xf32>
    %sub3A_1561 = arith.subf %gather3A_1559, %sub3A_1560 : vector<16xf32>
    %mul3A_1562 = arith.mulf %sub3A_1561, %div3A_1536 : vector<16xf32>
    %exp3A_1563 = math.exp %mul3A_1562 : vector<16xf32>
    %broadcast_in_dim3A_1564 = arith.constant 0.000000e+00 : f32
    %broadcast_in_dim3A_1565 = vector.broadcast %broadcast_in_dim3A_1564 : f32 to vector<16xf32>
    %scan3A_1566 = arith.constant 0 : i32
    %scan3A_1567 = arith.constant 625 : i32
    %scan3A_1568 = arith.addi %scan3A_1566, %scan3A_1567 : i32
    %scan3A_1569 = arith.constant 1 : i32
    %scan3A_1570:4 = scf.for %scan3A_2115 = %scan3A_1566 to %scan3A_1568 step %scan3A_1569 iter_args(%scan3A_2116 = %broadcast_in_dim3A_1565, %scan3A_2117 = %broadcast_in_dim3A_1565, %scan3A_2118 = %broadcast_in_dim3A_1565, %scan3A_2119 = %broadcast_in_dim3A_1565) -> (vector<16xf32>, vector<16xf32>, vector<16xf32>, vector<16xf32>)  : i32 {
      %mul3A_2120 = arith.constant 160 : i32
      %mul3A_2121 = arith.muli %scan3A_2115, %mul3A_2120 : i32
      %multiple_of3A = tpu.assume_multiple %mul3A_2121, 16 : i32
      %add3A_2122 = arith.constant 0 : i32
      %add3A_2123 = arith.addi %multiple_of3A, %add3A_2122 : i32
      %get3A = arith.index_cast %add3A_2123 : i32 to index
      %get3A_2124 = tpu.vector_load %arg6[%get3A] {strides = array<i32>} : memref<100000xf32, #tpu.memory_space<vmem>>, vector<16xf32>,
      %sub3A_2125 = vector.broadcast %reduce_max3A_1096 : f32 to vector<16xf32>
      %sub3A_2126 = arith.subf %get3A_2124, %sub3A_2125 : vector<16xf32>
      %mul3A_2127 = arith.mulf %sub3A_2126, %div3A_1536 : vector<16xf32>
      %exp3A_2128 = math.exp %mul3A_2127 : vector<16xf32>
      %add3A_2129 = arith.addf %scan3A_2116, %exp3A_2128 : vector<16xf32>
      %add3A_2130 = arith.constant 16 : i32
      %add3A_2131 = arith.addi %multiple_of3A, %add3A_2130 : i32
      %get3A_2132 = arith.index_cast %add3A_2131 : i32 to index
      %get3A_2133 = tpu.vector_load %arg6[%get3A_2132] {strides = array<i32>} : memref<100000xf32, #tpu.memory_space<vmem>>, vector<16xf32>,
      %sub3A_2134 = vector.broadcast %reduce_max3A_1096 : f32 to vector<16xf32>
      %sub3A_2135 = arith.subf %get3A_2133, %sub3A_2134 : vector<16xf32>
      %mul3A_2136 = arith.mulf %sub3A_2135, %div3A_1536 : vector<16xf32>
      %exp3A_2137 = math.exp %mul3A_2136 : vector<16xf32>
      %add3A_2138 = arith.addf %scan3A_2117, %exp3A_2137 : vector<16xf32>
      %add3A_2139 = arith.constant 32 : i32
      %add3A_2140 = arith.addi %multiple_of3A, %add3A_2139 : i32
      %get3A_2141 = arith.index_cast %add3A_2140 : i32 to index
      %get3A_2142 = tpu.vector_load %arg6[%get3A_2141] {strides = array<i32>} : memref<100000xf32, #tpu.memory_space<vmem>>, vector<16xf32>,
      %sub3A_2143 = vector.broadcast %reduce_max3A_1096 : f32 to vector<16xf32>
      %sub3A_2144 = arith.subf %get3A_2142, %sub3A_2143 : vector<16xf32>
      %mul3A_2145 = arith.mulf %sub3A_2144, %div3A_1536 : vector<16xf32>
      %exp3A_2146 = math.exp %mul3A_2145 : vector<16xf32>
      %add3A_2147 = arith.addf %scan3A_2118, %exp3A_2146 : vector<16xf32>
      %add3A_2148 = arith.constant 48 : i32
      %add3A_2149 = arith.addi %multiple_of3A, %add3A_2148 : i32
      %get3A_2150 = arith.index_cast %add3A_2149 : i32 to index
      %get3A_2151 = tpu.vector_load %arg6[%get3A_2150] {strides = array<i32>} : memref<100000xf32, #tpu.memory_space<vmem>>, vector<16xf32>,
      %sub3A_2152 = vector.broadcast %reduce_max3A_1096 : f32 to vector<16xf32>
      %sub3A_2153 = arith.subf %get3A_2151, %sub3A_2152 : vector<16xf32>
      %mul3A_2154 = arith.mulf %sub3A_2153, %div3A_1536 : vector<16xf32>
      %exp3A_2155 = math.exp %mul3A_2154 : vector<16xf32>
      %add3A_2156 = arith.addf %scan3A_2119, %exp3A_2155 : vector<16xf32>
      %add3A_2157 = arith.constant 64 : i32
      %add3A_2158 = arith.addi %multiple_of3A, %add3A_2157 : i32
      %get3A_2159 = arith.index_cast %add3A_2158 : i32 to index
      %get3A_2160 = tpu.vector_load %arg6[%get3A_2159] {strides = array<i32>} : memref<100000xf32, #tpu.memory_space<vmem>>, vector<16xf32>,
      %sub3A_2161 = vector.broadcast %reduce_max3A_1096 : f32 to vector<16xf32>
      %sub3A_2162 = arith.subf %get3A_2160, %sub3A_2161 : vector<16xf32>
      %mul3A_2163 = arith.mulf %sub3A_2162, %div3A_1536 : vector<16xf32>
      %exp3A_2164 = math.exp %mul3A_2163 : vector<16xf32>
      %add3A_2165 = arith.addf %add3A_2129, %exp3A_2164 : vector<16xf32>
      %add3A_2166 = arith.constant 80 : i32
      %add3A_2167 = arith.addi %multiple_of3A, %add3A_2166 : i32
      %get3A_2168 = arith.index_cast %add3A_2167 : i32 to index
      %get3A_2169 = tpu.vector_load %arg6[%get3A_2168] {strides = array<i32>} : memref<100000xf32, #tpu.memory_space<vmem>>, vector<16xf32>,
      %sub3A_2170 = vector.broadcast %reduce_max3A_1096 : f32 to vector<16xf32>
      %sub3A_2171 = arith.subf %get3A_2169, %sub3A_2170 : vector<16xf32>
      %mul3A_2172 = arith.mulf %sub3A_2171, %div3A_1536 : vector<16xf32>
      %exp3A_2173 = math.exp %mul3A_2172 : vector<16xf32>
      %add3A_2174 = arith.addf %add3A_2138, %exp3A_2173 : vector<16xf32>
      %add3A_2175 = arith.constant 96 : i32
      %add3A_2176 = arith.addi %multiple_of3A, %add3A_2175 : i32
      %get3A_2177 = arith.index_cast %add3A_2176 : i32 to index
      %get3A_2178 = tpu.vector_load %arg6[%get3A_2177] {strides = array<i32>} : memref<100000xf32, #tpu.memory_space<vmem>>, vector<16xf32>,
      %sub3A_2179 = vector.broadcast %reduce_max3A_1096 : f32 to vector<16xf32>
      %sub3A_2180 = arith.subf %get3A_2178, %sub3A_2179 : vector<16xf32>
      %mul3A_2181 = arith.mulf %sub3A_2180, %div3A_1536 : vector<16xf32>
      %exp3A_2182 = math.exp %mul3A_2181 : vector<16xf32>
      %add3A_2183 = arith.addf %add3A_2147, %exp3A_2182 : vector<16xf32>
      %add3A_2184 = arith.constant 112 : i32
      %add3A_2185 = arith.addi %multiple_of3A, %add3A_2184 : i32
      %get3A_2186 = arith.index_cast %add3A_2185 : i32 to index
      %get3A_2187 = tpu.vector_load %arg6[%get3A_2186] {strides = array<i32>} : memref<100000xf32, #tpu.memory_space<vmem>>, vector<16xf32>,
      %sub3A_2188 = vector.broadcast %reduce_max3A_1096 : f32 to vector<16xf32>
      %sub3A_2189 = arith.subf %get3A_2187, %sub3A_2188 : vector<16xf32>
      %mul3A_2190 = arith.mulf %sub3A_2189, %div3A_1536 : vector<16xf32>
      %exp3A_2191 = math.exp %mul3A_2190 : vector<16xf32>
      %add3A_2192 = arith.addf %add3A_2156, %exp3A_2191 : vector<16xf32>
      %add3A_2193 = arith.constant 128 : i32
      %add3A_2194 = arith.addi %multiple_of3A, %add3A_2193 : i32
      %get3A_2195 = arith.index_cast %add3A_2194 : i32 to index
      %get3A_2196 = tpu.vector_load %arg6[%get3A_2195] {strides = array<i32>} : memref<100000xf32, #tpu.memory_space<vmem>>, vector<16xf32>,
      %sub3A_2197 = vector.broadcast %reduce_max3A_1096 : f32 to vector<16xf32>
      %sub3A_2198 = arith.subf %get3A_2196, %sub3A_2197 : vector<16xf32>
      %mul3A_2199 = arith.mulf %sub3A_2198, %div3A_1536 : vector<16xf32>
      %exp3A_2200 = math.exp %mul3A_2199 : vector<16xf32>
      %add3A_2201 = arith.addf %add3A_2165, %exp3A_2200 : vector<16xf32>
      %add3A_2202 = arith.constant 144 : i32
      %add3A_2203 = arith.addi %multiple_of3A, %add3A_2202 : i32
      %get3A_2204 = arith.index_cast %add3A_2203 : i32 to index
      %get3A_2205 = tpu.vector_load %arg6[%get3A_2204] {strides = array<i32>} : memref<100000xf32, #tpu.memory_space<vmem>>, vector<16xf32>,
      %sub3A_2206 = vector.broadcast %reduce_max3A_1096 : f32 to vector<16xf32>
      %sub3A_2207 = arith.subf %get3A_2205, %sub3A_2206 : vector<16xf32>
      %mul3A_2208 = arith.mulf %sub3A_2207, %div3A_1536 : vector<16xf32>
      %exp3A_2209 = math.exp %mul3A_2208 : vector<16xf32>
      %add3A_2210 = arith.addf %add3A_2174, %exp3A_2209 : vector<16xf32>
      scf.yield %add3A_2201, %add3A_2210, %add3A_2183, %add3A_2192 : vector<16xf32>, vector<16xf32>, vector<16xf32>, vector<16xf32>
    }
    %scan3A_1571 = arith.constant 625 : i32
    %add3A_1572 = arith.addf %scan3A_1570#0, %scan3A_1570#1 : vector<16xf32>
    %add3A_1573 = arith.addf %scan3A_1570#2, %scan3A_1570#3 : vector<16xf32>
    %add3A_1574 = arith.addf %add3A_1572, %add3A_1573 : vector<16xf32>
    %reduce_sum3A_1575 = arith.constant true
    %reduce_sum3A_1576 = vector.broadcast %reduce_sum3A_1575 : i1 to vector<16xi1>
    %reduce_sum3A_1577 = tpu.scan <sum>, %add3A_1574 masked %reduce_sum3A_1576 : vector<16xf32>, vector<16xi1> -> vector<16xf32>
    %reduce_sum3A_1578 = vector.extract %reduce_sum3A_1577[15] : f32 from vector<16xf32>
    %eq3A_1579 = arith.constant 0 : i32
    %eq3A_1580 = vector.broadcast %eq3A_1579 : i32 to vector<16xi32>
    %eq3A_1581 = arith.cmpi eq, %iota3A, %eq3A_1580 : vector<16xi32>
    %div3A_1582 = vector.broadcast %reduce_sum3A_1578 : f32 to vector<16xf32>
    %div3A_1583 = arith.divf %exp3A_1563, %div3A_1582 : vector<16xf32>
    %jit3A_1584 = arith.constant 0.000000e+00 : f32
    %broadcast_in_dim3A_1585 = vector.broadcast %jit3A_1584 : f32 to vector<16xf32>
    %select_n3A_1586 = arith.select %eq3A_1581, %div3A_1583, %broadcast_in_dim3A_1585 : vector<16xi1>, vector<16xf32>
    %swap3A_1587 = arith.constant 0 : index
    %swap3A_1588 = tpu.vector_load %arg8[%swap3A_1587] {strides = array<i32>} : memref<16xf32, #tpu.memory_space<vmem>>, vector<16xf32>,
    tpu.vector_store %arg8[%swap3A_1587], %select_n3A_1586 {strides = array<i32>} : memref<16xf32, #tpu.memory_space<vmem>>, vector<16xf32>,
    "tpu.region"() ({
      %run_scoped3A = tpu.sem_alloc : memref<!tpu.dma_semaphore, #tpu.memory_space<semaphore_mem>>
      %dma_start3A = arith.constant 0 : i32
      %dma_start3A_2115 = tpu.memref_slice %arg5[%add3A_1064, %dma_start3A] : memref<128x16xf32, #tpu.memory_space<hbm>> -> memref<1x16xf32, #tpu.memory_space<hbm>>
      %dma_start3A_2116 = tpu.memref_squeeze %dma_start3A_2115 : memref<1x16xf32, #tpu.memory_space<hbm>> -> memref<16xf32, #tpu.memory_space<hbm>>
      %dma_start3A_2117 = arith.constant 0 : i32
      %dma_start3A_2118 = tpu.memref_slice %arg5[%add3A_1064, %dma_start3A_2117] : memref<128x16xf32, #tpu.memory_space<hbm>> -> memref<1x16xf32, #tpu.memory_space<hbm>>
      %dma_start3A_2119 = tpu.memref_squeeze %dma_start3A_2118 : memref<1x16xf32, #tpu.memory_space<hbm>> -> memref<16xf32, #tpu.memory_space<hbm>>
      tpu.enqueue_dma source(%arg8 : memref<16xf32, #tpu.memory_space<vmem>>) target(%dma_start3A_2119 : memref<16xf32, #tpu.memory_space<hbm>>) target_semaphore(%run_scoped3A : memref<!tpu.dma_semaphore, #tpu.memory_space<semaphore_mem>>)
      %dma_wait3A = arith.constant 0 : i32
      %dma_wait3A_2120 = tpu.memref_slice %arg5[%add3A_1064, %dma_wait3A] : memref<128x16xf32, #tpu.memory_space<hbm>> -> memref<1x16xf32, #tpu.memory_space<hbm>>
      %dma_wait3A_2121 = tpu.memref_squeeze %dma_wait3A_2120 : memref<1x16xf32, #tpu.memory_space<hbm>> -> memref<16xf32, #tpu.memory_space<hbm>>
      %dma_wait3A_2122 = arith.constant 0 : i32
      %dma_wait3A_2123 = tpu.memref_slice %arg5[%add3A_1064, %dma_wait3A_2122] : memref<128x16xf32, #tpu.memory_space<hbm>> -> memref<1x16xf32, #tpu.memory_space<hbm>>
      %dma_wait3A_2124 = tpu.memref_squeeze %dma_wait3A_2123 : memref<1x16xf32, #tpu.memory_space<hbm>> -> memref<16xf32, #tpu.memory_space<hbm>>
      tpu.wait_dma2 semaphore(%run_scoped3A : memref<!tpu.dma_semaphore, #tpu.memory_space<semaphore_mem>>) src(%arg8 : memref<16xf32, #tpu.memory_space<vmem>>) dst(%dma_wait3A_2124 : memref<16xf32, #tpu.memory_space<hbm>>)
      tpu.yield
    }) : () -> ()
    %add3A_1589 = arith.constant 3 : i32
    %add3A_1590 = arith.addi %mul3A_2, %add3A_1589 : i32
    "tpu.region"() ({
      %run_scoped3A = tpu.sem_alloc : memref<!tpu.dma_semaphore, #tpu.memory_space<semaphore_mem>>
      %dma_start3A = arith.constant 0 : i32
      %dma_start3A_2115 = tpu.memref_slice %arg2[%add3A_1590, %dma_start3A] : memref<128x100000xf32, #tpu.memory_space<hbm>> -> memref<1x100000xf32, #tpu.memory_space<hbm>>
      %dma_start3A_2116 = tpu.memref_squeeze %dma_start3A_2115 : memref<1x100000xf32, #tpu.memory_space<hbm>> -> memref<100000xf32, #tpu.memory_space<hbm>>
      %dma_start3A_2117 = arith.constant 0 : i32
      %dma_start3A_2118 = tpu.memref_slice %arg2[%add3A_1590, %dma_start3A_2117] : memref<128x100000xf32, #tpu.memory_space<hbm>> -> memref<1x100000xf32, #tpu.memory_space<hbm>>
      %dma_start3A_2119 = tpu.memref_squeeze %dma_start3A_2118 : memref<1x100000xf32, #tpu.memory_space<hbm>> -> memref<100000xf32, #tpu.memory_space<hbm>>
      tpu.enqueue_dma source(%dma_start3A_2119 : memref<100000xf32, #tpu.memory_space<hbm>>) target(%arg6 : memref<100000xf32, #tpu.memory_space<vmem>>) target_semaphore(%run_scoped3A : memref<!tpu.dma_semaphore, #tpu.memory_space<semaphore_mem>>)
      %dma_wait3A = arith.constant 0 : i32
      %dma_wait3A_2120 = tpu.memref_slice %arg2[%add3A_1590, %dma_wait3A] : memref<128x100000xf32, #tpu.memory_space<hbm>> -> memref<1x100000xf32, #tpu.memory_space<hbm>>
      %dma_wait3A_2121 = tpu.memref_squeeze %dma_wait3A_2120 : memref<1x100000xf32, #tpu.memory_space<hbm>> -> memref<100000xf32, #tpu.memory_space<hbm>>
      %dma_wait3A_2122 = arith.constant 0 : i32
      %dma_wait3A_2123 = tpu.memref_slice %arg2[%add3A_1590, %dma_wait3A_2122] : memref<128x100000xf32, #tpu.memory_space<hbm>> -> memref<1x100000xf32, #tpu.memory_space<hbm>>
      %dma_wait3A_2124 = tpu.memref_squeeze %dma_wait3A_2123 : memref<1x100000xf32, #tpu.memory_space<hbm>> -> memref<100000xf32, #tpu.memory_space<hbm>>
      tpu.wait_dma2 semaphore(%run_scoped3A : memref<!tpu.dma_semaphore, #tpu.memory_space<semaphore_mem>>) src(%dma_wait3A_2124 : memref<100000xf32, #tpu.memory_space<hbm>>) dst(%arg6 : memref<100000xf32, #tpu.memory_space<vmem>>)
      tpu.yield
    }) : () -> ()
    %broadcast_in_dim3A_1591 = arith.constant 0xFF800000 : f32
    %broadcast_in_dim3A_1592 = vector.broadcast %broadcast_in_dim3A_1591 : f32 to vector<16xf32>
    %broadcast_in_dim3A_1593 = arith.constant 0 : i32
    %broadcast_in_dim3A_1594 = vector.broadcast %broadcast_in_dim3A_1593 : i32 to vector<16xi32>
    %scan3A_1595 = arith.constant 0 : i32
    %scan3A_1596 = arith.constant 125 : i32
    %scan3A_1597 = arith.addi %scan3A_1595, %scan3A_1596 : i32
    %scan3A_1598 = arith.constant 1 : i32
    %scan3A_1599:2 = scf.for %scan3A_2115 = %scan3A_1595 to %scan3A_1597 step %scan3A_1598 iter_args(%scan3A_2116 = %broadcast_in_dim3A_1592, %scan3A_2117 = %broadcast_in_dim3A_1594) -> (vector<16xf32>, vector<16xi32>)  : i32 {
      %mul3A_2118 = arith.constant 800 : i32
      %mul3A_2119 = arith.muli %scan3A_2115, %mul3A_2118 : i32
      %multiple_of3A = tpu.assume_multiple %mul3A_2119, 16 : i32
      %get3A = arith.index_cast %multiple_of3A : i32 to index
      %get3A_2120 = tpu.vector_load %arg6[%get3A] {strides = array<i32>} : memref<100000xf32, #tpu.memory_space<vmem>>, vector<16xf32>,
      %add3A_2121 = arith.constant 16 : i32
      %add3A_2122 = arith.addi %multiple_of3A, %add3A_2121 : i32
      %get3A_2123 = arith.index_cast %add3A_2122 : i32 to index
      %get3A_2124 = tpu.vector_load %arg6[%get3A_2123] {strides = array<i32>} : memref<100000xf32, #tpu.memory_space<vmem>>, vector<16xf32>,
      %max3A_2125 = arith.maximumf %get3A_2120, %get3A_2124 : vector<16xf32>
      %add3A_2126 = arith.constant 32 : i32
      %add3A_2127 = arith.addi %multiple_of3A, %add3A_2126 : i32
      %get3A_2128 = arith.index_cast %add3A_2127 : i32 to index
      %get3A_2129 = tpu.vector_load %arg6[%get3A_2128] {strides = array<i32>} : memref<100000xf32, #tpu.memory_space<vmem>>, vector<16xf32>,
      %max3A_2130 = arith.maximumf %max3A_2125, %get3A_2129 : vector<16xf32>
      %add3A_2131 = arith.constant 48 : i32
      %add3A_2132 = arith.addi %multiple_of3A, %add3A_2131 : i32
      %get3A_2133 = arith.index_cast %add3A_2132 : i32 to index
      %get3A_2134 = tpu.vector_load %arg6[%get3A_2133] {strides = array<i32>} : memref<100000xf32, #tpu.memory_space<vmem>>, vector<16xf32>,
      %max3A_2135 = arith.maximumf %max3A_2130, %get3A_2134 : vector<16xf32>
      %add3A_2136 = arith.constant 64 : i32
      %add3A_2137 = arith.addi %multiple_of3A, %add3A_2136 : i32
      %get3A_2138 = arith.index_cast %add3A_2137 : i32 to index
      %get3A_2139 = tpu.vector_load %arg6[%get3A_2138] {strides = array<i32>} : memref<100000xf32, #tpu.memory_space<vmem>>, vector<16xf32>,
      %max3A_2140 = arith.maximumf %max3A_2135, %get3A_2139 : vector<16xf32>
      %add3A_2141 = arith.constant 80 : i32
      %add3A_2142 = arith.addi %multiple_of3A, %add3A_2141 : i32
      %get3A_2143 = arith.index_cast %add3A_2142 : i32 to index
      %get3A_2144 = tpu.vector_load %arg6[%get3A_2143] {strides = array<i32>} : memref<100000xf32, #tpu.memory_space<vmem>>, vector<16xf32>,
      %max3A_2145 = arith.maximumf %max3A_2140, %get3A_2144 : vector<16xf32>
      %add3A_2146 = arith.constant 96 : i32
      %add3A_2147 = arith.addi %multiple_of3A, %add3A_2146 : i32
      %get3A_2148 = arith.index_cast %add3A_2147 : i32 to index
      %get3A_2149 = tpu.vector_load %arg6[%get3A_2148] {strides = array<i32>} : memref<100000xf32, #tpu.memory_space<vmem>>, vector<16xf32>,
      %max3A_2150 = arith.maximumf %max3A_2145, %get3A_2149 : vector<16xf32>
      %add3A_2151 = arith.constant 112 : i32
      %add3A_2152 = arith.addi %multiple_of3A, %add3A_2151 : i32
      %get3A_2153 = arith.index_cast %add3A_2152 : i32 to index
      %get3A_2154 = tpu.vector_load %arg6[%get3A_2153] {strides = array<i32>} : memref<100000xf32, #tpu.memory_space<vmem>>, vector<16xf32>,
      %max3A_2155 = arith.maximumf %max3A_2150, %get3A_2154 : vector<16xf32>
      %add3A_2156 = arith.constant 128 : i32
      %add3A_2157 = arith.addi %multiple_of3A, %add3A_2156 : i32
      %get3A_2158 = arith.index_cast %add3A_2157 : i32 to index
      %get3A_2159 = tpu.vector_load %arg6[%get3A_2158] {strides = array<i32>} : memref<100000xf32, #tpu.memory_space<vmem>>, vector<16xf32>,
      %max3A_2160 = arith.maximumf %max3A_2155, %get3A_2159 : vector<16xf32>
      %add3A_2161 = arith.constant 144 : i32
      %add3A_2162 = arith.addi %multiple_of3A, %add3A_2161 : i32
      %get3A_2163 = arith.index_cast %add3A_2162 : i32 to index
      %get3A_2164 = tpu.vector_load %arg6[%get3A_2163] {strides = array<i32>} : memref<100000xf32, #tpu.memory_space<vmem>>, vector<16xf32>,
      %max3A_2165 = arith.maximumf %max3A_2160, %get3A_2164 : vector<16xf32>
      %add3A_2166 = arith.constant 160 : i32
      %add3A_2167 = arith.addi %multiple_of3A, %add3A_2166 : i32
      %get3A_2168 = arith.index_cast %add3A_2167 : i32 to index
      %get3A_2169 = tpu.vector_load %arg6[%get3A_2168] {strides = array<i32>} : memref<100000xf32, #tpu.memory_space<vmem>>, vector<16xf32>,
      %max3A_2170 = arith.maximumf %max3A_2165, %get3A_2169 : vector<16xf32>
      %add3A_2171 = arith.constant 176 : i32
      %add3A_2172 = arith.addi %multiple_of3A, %add3A_2171 : i32
      %get3A_2173 = arith.index_cast %add3A_2172 : i32 to index
      %get3A_2174 = tpu.vector_load %arg6[%get3A_2173] {strides = array<i32>} : memref<100000xf32, #tpu.memory_space<vmem>>, vector<16xf32>,
      %max3A_2175 = arith.maximumf %max3A_2170, %get3A_2174 : vector<16xf32>
      %add3A_2176 = arith.constant 192 : i32
      %add3A_2177 = arith.addi %multiple_of3A, %add3A_2176 : i32
      %get3A_2178 = arith.index_cast %add3A_2177 : i32 to index
      %get3A_2179 = tpu.vector_load %arg6[%get3A_2178] {strides = array<i32>} : memref<100000xf32, #tpu.memory_space<vmem>>, vector<16xf32>,
      %max3A_2180 = arith.maximumf %max3A_2175, %get3A_2179 : vector<16xf32>
      %add3A_2181 = arith.constant 208 : i32
      %add3A_2182 = arith.addi %multiple_of3A, %add3A_2181 : i32
      %get3A_2183 = arith.index_cast %add3A_2182 : i32 to index
      %get3A_2184 = tpu.vector_load %arg6[%get3A_2183] {strides = array<i32>} : memref<100000xf32, #tpu.memory_space<vmem>>, vector<16xf32>,
      %max3A_2185 = arith.maximumf %max3A_2180, %get3A_2184 : vector<16xf32>
      %add3A_2186 = arith.constant 224 : i32
      %add3A_2187 = arith.addi %multiple_of3A, %add3A_2186 : i32
      %get3A_2188 = arith.index_cast %add3A_2187 : i32 to index
      %get3A_2189 = tpu.vector_load %arg6[%get3A_2188] {strides = array<i32>} : memref<100000xf32, #tpu.memory_space<vmem>>, vector<16xf32>,
      %max3A_2190 = arith.maximumf %max3A_2185, %get3A_2189 : vector<16xf32>
      %add3A_2191 = arith.constant 240 : i32
      %add3A_2192 = arith.addi %multiple_of3A, %add3A_2191 : i32
      %get3A_2193 = arith.index_cast %add3A_2192 : i32 to index
      %get3A_2194 = tpu.vector_load %arg6[%get3A_2193] {strides = array<i32>} : memref<100000xf32, #tpu.memory_space<vmem>>, vector<16xf32>,
      %max3A_2195 = arith.maximumf %max3A_2190, %get3A_2194 : vector<16xf32>
      %add3A_2196 = arith.constant 256 : i32
      %add3A_2197 = arith.addi %multiple_of3A, %add3A_2196 : i32
      %get3A_2198 = arith.index_cast %add3A_2197 : i32 to index
      %get3A_2199 = tpu.vector_load %arg6[%get3A_2198] {strides = array<i32>} : memref<100000xf32, #tpu.memory_space<vmem>>, vector<16xf32>,
      %max3A_2200 = arith.maximumf %max3A_2195, %get3A_2199 : vector<16xf32>
      %add3A_2201 = arith.constant 272 : i32
      %add3A_2202 = arith.addi %multiple_of3A, %add3A_2201 : i32
      %get3A_2203 = arith.index_cast %add3A_2202 : i32 to index
      %get3A_2204 = tpu.vector_load %arg6[%get3A_2203] {strides = array<i32>} : memref<100000xf32, #tpu.memory_space<vmem>>, vector<16xf32>,
      %max3A_2205 = arith.maximumf %max3A_2200, %get3A_2204 : vector<16xf32>
      %add3A_2206 = arith.constant 288 : i32
      %add3A_2207 = arith.addi %multiple_of3A, %add3A_2206 : i32
      %get3A_2208 = arith.index_cast %add3A_2207 : i32 to index
      %get3A_2209 = tpu.vector_load %arg6[%get3A_2208] {strides = array<i32>} : memref<100000xf32, #tpu.memory_space<vmem>>, vector<16xf32>,
      %max3A_2210 = arith.maximumf %max3A_2205, %get3A_2209 : vector<16xf32>
      %add3A_2211 = arith.constant 304 : i32
      %add3A_2212 = arith.addi %multiple_of3A, %add3A_2211 : i32
      %get3A_2213 = arith.index_cast %add3A_2212 : i32 to index
      %get3A_2214 = tpu.vector_load %arg6[%get3A_2213] {strides = array<i32>} : memref<100000xf32, #tpu.memory_space<vmem>>, vector<16xf32>,
      %max3A_2215 = arith.maximumf %max3A_2210, %get3A_2214 : vector<16xf32>
      %add3A_2216 = arith.constant 320 : i32
      %add3A_2217 = arith.addi %multiple_of3A, %add3A_2216 : i32
      %get3A_2218 = arith.index_cast %add3A_2217 : i32 to index
      %get3A_2219 = tpu.vector_load %arg6[%get3A_2218] {strides = array<i32>} : memref<100000xf32, #tpu.memory_space<vmem>>, vector<16xf32>,
      %max3A_2220 = arith.maximumf %max3A_2215, %get3A_2219 : vector<16xf32>
      %add3A_2221 = arith.constant 336 : i32
      %add3A_2222 = arith.addi %multiple_of3A, %add3A_2221 : i32
      %get3A_2223 = arith.index_cast %add3A_2222 : i32 to index
      %get3A_2224 = tpu.vector_load %arg6[%get3A_2223] {strides = array<i32>} : memref<100000xf32, #tpu.memory_space<vmem>>, vector<16xf32>,
      %max3A_2225 = arith.maximumf %max3A_2220, %get3A_2224 : vector<16xf32>
      %add3A_2226 = arith.constant 352 : i32
      %add3A_2227 = arith.addi %multiple_of3A, %add3A_2226 : i32
      %get3A_2228 = arith.index_cast %add3A_2227 : i32 to index
      %get3A_2229 = tpu.vector_load %arg6[%get3A_2228] {strides = array<i32>} : memref<100000xf32, #tpu.memory_space<vmem>>, vector<16xf32>,
      %max3A_2230 = arith.maximumf %max3A_2225, %get3A_2229 : vector<16xf32>
      %add3A_2231 = arith.constant 368 : i32
      %add3A_2232 = arith.addi %multiple_of3A, %add3A_2231 : i32
      %get3A_2233 = arith.index_cast %add3A_2232 : i32 to index
      %get3A_2234 = tpu.vector_load %arg6[%get3A_2233] {strides = array<i32>} : memref<100000xf32, #tpu.memory_space<vmem>>, vector<16xf32>,
      %max3A_2235 = arith.maximumf %max3A_2230, %get3A_2234 : vector<16xf32>
      %add3A_2236 = arith.constant 384 : i32
      %add3A_2237 = arith.addi %multiple_of3A, %add3A_2236 : i32
      %get3A_2238 = arith.index_cast %add3A_2237 : i32 to index
      %get3A_2239 = tpu.vector_load %arg6[%get3A_2238] {strides = array<i32>} : memref<100000xf32, #tpu.memory_space<vmem>>, vector<16xf32>,
      %max3A_2240 = arith.maximumf %max3A_2235, %get3A_2239 : vector<16xf32>
      %add3A_2241 = arith.constant 400 : i32
      %add3A_2242 = arith.addi %multiple_of3A, %add3A_2241 : i32
      %get3A_2243 = arith.index_cast %add3A_2242 : i32 to index
      %get3A_2244 = tpu.vector_load %arg6[%get3A_2243] {strides = array<i32>} : memref<100000xf32, #tpu.memory_space<vmem>>, vector<16xf32>,
      %max3A_2245 = arith.maximumf %max3A_2240, %get3A_2244 : vector<16xf32>
      %add3A_2246 = arith.constant 416 : i32
      %add3A_2247 = arith.addi %multiple_of3A, %add3A_2246 : i32
      %get3A_2248 = arith.index_cast %add3A_2247 : i32 to index
      %get3A_2249 = tpu.vector_load %arg6[%get3A_2248] {strides = array<i32>} : memref<100000xf32, #tpu.memory_space<vmem>>, vector<16xf32>,
      %max3A_2250 = arith.maximumf %max3A_2245, %get3A_2249 : vector<16xf32>
      %add3A_2251 = arith.constant 432 : i32
      %add3A_2252 = arith.addi %multiple_of3A, %add3A_2251 : i32
      %get3A_2253 = arith.index_cast %add3A_2252 : i32 to index
      %get3A_2254 = tpu.vector_load %arg6[%get3A_2253] {strides = array<i32>} : memref<100000xf32, #tpu.memory_space<vmem>>, vector<16xf32>,
      %max3A_2255 = arith.maximumf %max3A_2250, %get3A_2254 : vector<16xf32>
      %add3A_2256 = arith.constant 448 : i32
      %add3A_2257 = arith.addi %multiple_of3A, %add3A_2256 : i32
      %get3A_2258 = arith.index_cast %add3A_2257 : i32 to index
      %get3A_2259 = tpu.vector_load %arg6[%get3A_2258] {strides = array<i32>} : memref<100000xf32, #tpu.memory_space<vmem>>, vector<16xf32>,
      %max3A_2260 = arith.maximumf %max3A_2255, %get3A_2259 : vector<16xf32>
      %add3A_2261 = arith.constant 464 : i32
      %add3A_2262 = arith.addi %multiple_of3A, %add3A_2261 : i32
      %get3A_2263 = arith.index_cast %add3A_2262 : i32 to index
      %get3A_2264 = tpu.vector_load %arg6[%get3A_2263] {strides = array<i32>} : memref<100000xf32, #tpu.memory_space<vmem>>, vector<16xf32>,
      %max3A_2265 = arith.maximumf %max3A_2260, %get3A_2264 : vector<16xf32>
      %add3A_2266 = arith.constant 480 : i32
      %add3A_2267 = arith.addi %multiple_of3A, %add3A_2266 : i32
      %get3A_2268 = arith.index_cast %add3A_2267 : i32 to index
      %get3A_2269 = tpu.vector_load %arg6[%get3A_2268] {strides = array<i32>} : memref<100000xf32, #tpu.memory_space<vmem>>, vector<16xf32>,
      %max3A_2270 = arith.maximumf %max3A_2265, %get3A_2269 : vector<16xf32>
      %add3A_2271 = arith.constant 496 : i32
      %add3A_2272 = arith.addi %multiple_of3A, %add3A_2271 : i32
      %get3A_2273 = arith.index_cast %add3A_2272 : i32 to index
      %get3A_2274 = tpu.vector_load %arg6[%get3A_2273] {strides = array<i32>} : memref<100000xf32, #tpu.memory_space<vmem>>, vector<16xf32>,
      %max3A_2275 = arith.maximumf %max3A_2270, %get3A_2274 : vector<16xf32>
      %add3A_2276 = arith.constant 512 : i32
      %add3A_2277 = arith.addi %multiple_of3A, %add3A_2276 : i32
      %get3A_2278 = arith.index_cast %add3A_2277 : i32 to index
      %get3A_2279 = tpu.vector_load %arg6[%get3A_2278] {strides = array<i32>} : memref<100000xf32, #tpu.memory_space<vmem>>, vector<16xf32>,
      %max3A_2280 = arith.maximumf %max3A_2275, %get3A_2279 : vector<16xf32>
      %add3A_2281 = arith.constant 528 : i32
      %add3A_2282 = arith.addi %multiple_of3A, %add3A_2281 : i32
      %get3A_2283 = arith.index_cast %add3A_2282 : i32 to index
      %get3A_2284 = tpu.vector_load %arg6[%get3A_2283] {strides = array<i32>} : memref<100000xf32, #tpu.memory_space<vmem>>, vector<16xf32>,
      %max3A_2285 = arith.maximumf %max3A_2280, %get3A_2284 : vector<16xf32>
      %add3A_2286 = arith.constant 544 : i32
      %add3A_2287 = arith.addi %multiple_of3A, %add3A_2286 : i32
      %get3A_2288 = arith.index_cast %add3A_2287 : i32 to index
      %get3A_2289 = tpu.vector_load %arg6[%get3A_2288] {strides = array<i32>} : memref<100000xf32, #tpu.memory_space<vmem>>, vector<16xf32>,
      %max3A_2290 = arith.maximumf %max3A_2285, %get3A_2289 : vector<16xf32>
      %add3A_2291 = arith.constant 560 : i32
      %add3A_2292 = arith.addi %multiple_of3A, %add3A_2291 : i32
      %get3A_2293 = arith.index_cast %add3A_2292 : i32 to index
      %get3A_2294 = tpu.vector_load %arg6[%get3A_2293] {strides = array<i32>} : memref<100000xf32, #tpu.memory_space<vmem>>, vector<16xf32>,
      %max3A_2295 = arith.maximumf %max3A_2290, %get3A_2294 : vector<16xf32>
      %add3A_2296 = arith.constant 576 : i32
      %add3A_2297 = arith.addi %multiple_of3A, %add3A_2296 : i32
      %get3A_2298 = arith.index_cast %add3A_2297 : i32 to index
      %get3A_2299 = tpu.vector_load %arg6[%get3A_2298] {strides = array<i32>} : memref<100000xf32, #tpu.memory_space<vmem>>, vector<16xf32>,
      %max3A_2300 = arith.maximumf %max3A_2295, %get3A_2299 : vector<16xf32>
      %add3A_2301 = arith.constant 592 : i32
      %add3A_2302 = arith.addi %multiple_of3A, %add3A_2301 : i32
      %get3A_2303 = arith.index_cast %add3A_2302 : i32 to index
      %get3A_2304 = tpu.vector_load %arg6[%get3A_2303] {strides = array<i32>} : memref<100000xf32, #tpu.memory_space<vmem>>, vector<16xf32>,
      %max3A_2305 = arith.maximumf %max3A_2300, %get3A_2304 : vector<16xf32>
      %add3A_2306 = arith.constant 608 : i32
      %add3A_2307 = arith.addi %multiple_of3A, %add3A_2306 : i32
      %get3A_2308 = arith.index_cast %add3A_2307 : i32 to index
      %get3A_2309 = tpu.vector_load %arg6[%get3A_2308] {strides = array<i32>} : memref<100000xf32, #tpu.memory_space<vmem>>, vector<16xf32>,
      %max3A_2310 = arith.maximumf %max3A_2305, %get3A_2309 : vector<16xf32>
      %add3A_2311 = arith.constant 624 : i32
      %add3A_2312 = arith.addi %multiple_of3A, %add3A_2311 : i32
      %get3A_2313 = arith.index_cast %add3A_2312 : i32 to index
      %get3A_2314 = tpu.vector_load %arg6[%get3A_2313] {strides = array<i32>} : memref<100000xf32, #tpu.memory_space<vmem>>, vector<16xf32>,
      %max3A_2315 = arith.maximumf %max3A_2310, %get3A_2314 : vector<16xf32>
      %add3A_2316 = arith.constant 640 : i32
      %add3A_2317 = arith.addi %multiple_of3A, %add3A_2316 : i32
      %get3A_2318 = arith.index_cast %add3A_2317 : i32 to index
      %get3A_2319 = tpu.vector_load %arg6[%get3A_2318] {strides = array<i32>} : memref<100000xf32, #tpu.memory_space<vmem>>, vector<16xf32>,
      %max3A_2320 = arith.maximumf %max3A_2315, %get3A_2319 : vector<16xf32>
      %add3A_2321 = arith.constant 656 : i32
      %add3A_2322 = arith.addi %multiple_of3A, %add3A_2321 : i32
      %get3A_2323 = arith.index_cast %add3A_2322 : i32 to index
      %get3A_2324 = tpu.vector_load %arg6[%get3A_2323] {strides = array<i32>} : memref<100000xf32, #tpu.memory_space<vmem>>, vector<16xf32>,
      %max3A_2325 = arith.maximumf %max3A_2320, %get3A_2324 : vector<16xf32>
      %add3A_2326 = arith.constant 672 : i32
      %add3A_2327 = arith.addi %multiple_of3A, %add3A_2326 : i32
      %get3A_2328 = arith.index_cast %add3A_2327 : i32 to index
      %get3A_2329 = tpu.vector_load %arg6[%get3A_2328] {strides = array<i32>} : memref<100000xf32, #tpu.memory_space<vmem>>, vector<16xf32>,
      %max3A_2330 = arith.maximumf %max3A_2325, %get3A_2329 : vector<16xf32>
      %add3A_2331 = arith.constant 688 : i32
      %add3A_2332 = arith.addi %multiple_of3A, %add3A_2331 : i32
      %get3A_2333 = arith.index_cast %add3A_2332 : i32 to index
      %get3A_2334 = tpu.vector_load %arg6[%get3A_2333] {strides = array<i32>} : memref<100000xf32, #tpu.memory_space<vmem>>, vector<16xf32>,
      %max3A_2335 = arith.maximumf %max3A_2330, %get3A_2334 : vector<16xf32>
      %add3A_2336 = arith.constant 704 : i32
      %add3A_2337 = arith.addi %multiple_of3A, %add3A_2336 : i32
      %get3A_2338 = arith.index_cast %add3A_2337 : i32 to index
      %get3A_2339 = tpu.vector_load %arg6[%get3A_2338] {strides = array<i32>} : memref<100000xf32, #tpu.memory_space<vmem>>, vector<16xf32>,
      %max3A_2340 = arith.maximumf %max3A_2335, %get3A_2339 : vector<16xf32>
      %add3A_2341 = arith.constant 720 : i32
      %add3A_2342 = arith.addi %multiple_of3A, %add3A_2341 : i32
      %get3A_2343 = arith.index_cast %add3A_2342 : i32 to index
      %get3A_2344 = tpu.vector_load %arg6[%get3A_2343] {strides = array<i32>} : memref<100000xf32, #tpu.memory_space<vmem>>, vector<16xf32>,
      %max3A_2345 = arith.maximumf %max3A_2340, %get3A_2344 : vector<16xf32>
      %add3A_2346 = arith.constant 736 : i32
      %add3A_2347 = arith.addi %multiple_of3A, %add3A_2346 : i32
      %get3A_2348 = arith.index_cast %add3A_2347 : i32 to index
      %get3A_2349 = tpu.vector_load %arg6[%get3A_2348] {strides = array<i32>} : memref<100000xf32, #tpu.memory_space<vmem>>, vector<16xf32>,
      %max3A_2350 = arith.maximumf %max3A_2345, %get3A_2349 : vector<16xf32>
      %add3A_2351 = arith.constant 752 : i32
      %add3A_2352 = arith.addi %multiple_of3A, %add3A_2351 : i32
      %get3A_2353 = arith.index_cast %add3A_2352 : i32 to index
      %get3A_2354 = tpu.vector_load %arg6[%get3A_2353] {strides = array<i32>} : memref<100000xf32, #tpu.memory_space<vmem>>, vector<16xf32>,
      %max3A_2355 = arith.maximumf %max3A_2350, %get3A_2354 : vector<16xf32>
      %add3A_2356 = arith.constant 768 : i32
      %add3A_2357 = arith.addi %multiple_of3A, %add3A_2356 : i32
      %get3A_2358 = arith.index_cast %add3A_2357 : i32 to index
      %get3A_2359 = tpu.vector_load %arg6[%get3A_2358] {strides = array<i32>} : memref<100000xf32, #tpu.memory_space<vmem>>, vector<16xf32>,
      %max3A_2360 = arith.maximumf %max3A_2355, %get3A_2359 : vector<16xf32>
      %add3A_2361 = arith.constant 784 : i32
      %add3A_2362 = arith.addi %multiple_of3A, %add3A_2361 : i32
      %get3A_2363 = arith.index_cast %add3A_2362 : i32 to index
      %get3A_2364 = tpu.vector_load %arg6[%get3A_2363] {strides = array<i32>} : memref<100000xf32, #tpu.memory_space<vmem>>, vector<16xf32>,
      %max3A_2365 = arith.maximumf %max3A_2360, %get3A_2364 : vector<16xf32>
      %mul3A_2366 = arith.constant 16 : i32
      %mul3A_2367 = arith.muli %scan3A_2115, %mul3A_2366 : i32
      %add3A_2368 = vector.broadcast %mul3A_2367 : i32 to vector<16xi32>
      %add3A_2369 = arith.addi %add3A_2368, %iota3A : vector<16xi32>
      %masked_sort3A = arith.constant dense<true> : vector<16xi1>
      %masked_sort3A_2370, %masked_sort3A_2371, %masked_sort3A_2372 = tpu.sort %max3A_2365, %add3A_2369 masked %masked_sort3A : (vector<16xf32>, vector<16xi32>, vector<16xi1>) -> (vector<16xi1>, vector<16xf32>, vector<16xi32>)
      %ge3A = arith.cmpf oge, %scan3A_2116, %masked_sort3A_2371 : vector<16xf32>
      %select_n3A_2373 = arith.select %ge3A, %scan3A_2116, %masked_sort3A_2371 : vector<16xi1>, vector<16xf32>
      %select_n3A_2374 = arith.select %ge3A, %scan3A_2117, %masked_sort3A_2372 : vector<16xi1>, vector<16xi32>
      %masked_sort3A_2375 = arith.constant dense<true> : vector<16xi1>
      %masked_sort3A_2376, %masked_sort3A_2377, %masked_sort3A_2378 = tpu.sort %select_n3A_2373, %select_n3A_2374 masked %masked_sort3A_2375 {descending = true} : (vector<16xf32>, vector<16xi32>, vector<16xi1>) -> (vector<16xi1>, vector<16xf32>, vector<16xi32>)
      scf.yield %masked_sort3A_2377, %masked_sort3A_2378 : vector<16xf32>, vector<16xi32>
    }
    %scan3A_1600 = arith.constant 125 : i32
    %shift_right_logical3A_1601 = arith.constant 4 : i32
    %shift_right_logical3A_1602 = vector.broadcast %shift_right_logical3A_1601 : i32 to vector<16xi32>
    %shift_right_logical3A_1603 = arith.shrui %scan3A_1599#1, %shift_right_logical3A_1602 : vector<16xi32>
    %and3A_1604 = arith.constant 15 : i32
    %and3A_1605 = vector.broadcast %and3A_1604 : i32 to vector<16xi32>
    %and3A_1606 = arith.andi %scan3A_1599#1, %and3A_1605 : vector<16xi32>
    %mul3A_1607 = arith.constant 800 : i32
    %mul3A_1608 = vector.broadcast %mul3A_1607 : i32 to vector<16xi32>
    %mul3A_1609 = arith.muli %shift_right_logical3A_1603, %mul3A_1608 : vector<16xi32>
    %add3A_1610 = arith.addi %mul3A_1609, %and3A_1606 : vector<16xi32>
    %broadcast_in_dim3A_1611 = arith.constant 0xFF800000 : f32
    %broadcast_in_dim3A_1612 = vector.broadcast %broadcast_in_dim3A_1611 : f32 to vector<16xf32>
    %scan3A_1613 = arith.constant 0 : i32
    %scan3A_1614 = arith.constant 50 : i32
    %scan3A_1615 = arith.addi %scan3A_1613, %scan3A_1614 : i32
    %scan3A_1616 = arith.constant 1 : i32
    %scan3A_1617 = scf.for %scan3A_2115 = %scan3A_1613 to %scan3A_1615 step %scan3A_1616 iter_args(%scan3A_2116 = %broadcast_in_dim3A_1612) -> (vector<16xf32>)  : i32 {
      %mul3A_2117 = arith.constant 16 : i32
      %mul3A_2118 = arith.muli %scan3A_2115, %mul3A_2117 : i32
      %add3A_2119 = vector.broadcast %mul3A_2118 : i32 to vector<16xi32>
      %add3A_2120 = arith.addi %add3A_1610, %add3A_2119 : vector<16xi32>
      %gather3A_2121 = tpu.vector_load_idx %arg6[%add3A_2120] : memref<100000xf32, #tpu.memory_space<vmem>>[vector<16xi32>], vector<16xf32>,
      %sort3A = arith.constant dense<true> : vector<16xi1>
      %sort3A_2122, %sort3A_2123, %sort3A_2124 = tpu.sort %gather3A_2121, %gather3A_2121 masked %sort3A : (vector<16xf32>, vector<16xf32>, vector<16xi1>) -> (vector<16xi1>, vector<16xf32>, vector<16xf32>)
      %max3A_2125 = arith.maximumf %scan3A_2116, %sort3A_2123 : vector<16xf32>
      %sort3A_2126 = arith.constant dense<true> : vector<16xi1>
      %sort3A_2127, %sort3A_2128, %sort3A_2129 = tpu.sort %max3A_2125, %max3A_2125 masked %sort3A_2126 : (vector<16xf32>, vector<16xf32>, vector<16xi1>) -> (vector<16xi1>, vector<16xf32>, vector<16xf32>)
      %rev3A = arith.constant 15 : i32
      %rev3A_2130 = vector.broadcast %rev3A : i32 to vector<16xi32>
      %rev3A_2131 = tpu.iota {dimensions = array<i32: 0>} : vector<16xi32>
      %rev3A_2132 = arith.subi %rev3A_2130, %rev3A_2131 : vector<16xi32>
      %rev3A_2133 = tpu.dynamic_gather %sort3A_2128[%rev3A_2132] in [0] : vector<16xf32>, vector<16xi32> -> vector<16xf32>
      scf.yield %rev3A_2133 : vector<16xf32>
    }
    %scan3A_1618 = arith.constant 50 : i32
    %reduce_max3A_1619 = arith.constant true
    %reduce_max3A_1620 = vector.broadcast %reduce_max3A_1619 : i1 to vector<16xi1>
    %reduce_max3A_1621 = tpu.scan <max>, %scan3A_1617 masked %reduce_max3A_1620 : vector<16xf32>, vector<16xi1> -> vector<16xf32>
    %reduce_max3A_1622 = vector.extract %reduce_max3A_1621[15] : f32 from vector<16xf32>
    %add3A_1623 = arith.constant 50 : i32
    %add3A_1624 = vector.broadcast %add3A_1623 : i32 to vector<16xi32>
    %add3A_1625 = arith.addi %add3A_1624, %iota3A : vector<16xi32>
    %gather3A_1626 = tpu.vector_load_idx %arg9[%add3A_1625] : memref<96xf32, #tpu.memory_space<vmem>>[vector<16xi32>], vector<16xf32>,
    %eq3A_1627 = arith.constant 0 : i32
    %eq3A_1628 = vector.broadcast %eq3A_1627 : i32 to vector<16xi32>
    %eq3A_1629 = arith.cmpi eq, %iota3A, %eq3A_1628 : vector<16xi32>
    %jit3A_1630 = arith.constant 0xFF800000 : f32
    %broadcast_in_dim3A_1631 = vector.broadcast %jit3A_1630 : f32 to vector<16xf32>
    %select_n3A_1632 = arith.select %eq3A_1629, %scan3A_1617, %broadcast_in_dim3A_1631 : vector<16xi1>, vector<16xf32>
    %reduce_max3A_1633 = arith.constant true
    %reduce_max3A_1634 = vector.broadcast %reduce_max3A_1633 : i1 to vector<16xi1>
    %reduce_max3A_1635 = tpu.scan <max>, %select_n3A_1632 masked %reduce_max3A_1634 : vector<16xf32>, vector<16xi1> -> vector<16xf32>
    %reduce_max3A_1636 = vector.extract %reduce_max3A_1635[15] : f32 from vector<16xf32>
    %mul3A_1637 = arith.constant 10 : i32
    %mul3A_1638 = vector.broadcast %mul3A_1637 : i32 to vector<16xi32>
    %mul3A_1639 = arith.muli %mul3A_1638, %iota3A : vector<16xi32>
    %add3A_1640 = arith.constant 0 : i32
    %add3A_1641 = vector.broadcast %add3A_1640 : i32 to vector<16xi32>
    %add3A_1642 = arith.addi %add3A_1641, %mul3A_1639 : vector<16xi32>
    %add3A_1643 = arith.constant 0 : i32
    %add3A_1644 = vector.broadcast %add3A_1643 : i32 to vector<16xi32>
    %add3A_1645 = arith.addi %add3A_1642, %add3A_1644 : vector<16xi32>
    %jit3A_1646 = arith.constant 0 : i32
    %broadcast_in_dim3A_1647 = vector.broadcast %jit3A_1646 : i32 to vector<16xi32>
    %select_n3A_1648 = arith.select %lt3A_22, %add3A_1645, %broadcast_in_dim3A_1647 : vector<16xi1>, vector<16xi32>
    %gather3A_1649 = tpu.vector_load_idx %arg9[%select_n3A_1648] : memref<96xf32, #tpu.memory_space<vmem>>[vector<16xi32>], vector<16xf32>,
    %mul3A_1650 = vector.broadcast %reduce_max3A_1636 : f32 to vector<16xf32>
    %mul3A_1651 = arith.mulf %mul3A_1650, %gather3A_1649 : vector<16xf32>
    %add3A_1652 = arith.addf %gather3A_1626, %mul3A_1651 : vector<16xf32>
    %eq3A_1653 = arith.constant 1 : i32
    %eq3A_1654 = vector.broadcast %eq3A_1653 : i32 to vector<16xi32>
    %eq3A_1655 = arith.cmpi eq, %iota3A, %eq3A_1654 : vector<16xi32>
    %jit3A_1656 = arith.constant 0xFF800000 : f32
    %broadcast_in_dim3A_1657 = vector.broadcast %jit3A_1656 : f32 to vector<16xf32>
    %select_n3A_1658 = arith.select %eq3A_1655, %scan3A_1617, %broadcast_in_dim3A_1657 : vector<16xi1>, vector<16xf32>
    %reduce_max3A_1659 = arith.constant true
    %reduce_max3A_1660 = vector.broadcast %reduce_max3A_1659 : i1 to vector<16xi1>
    %reduce_max3A_1661 = tpu.scan <max>, %select_n3A_1658 masked %reduce_max3A_1660 : vector<16xf32>, vector<16xi1> -> vector<16xf32>
    %reduce_max3A_1662 = vector.extract %reduce_max3A_1661[15] : f32 from vector<16xf32>
    %mul3A_1663 = arith.constant 10 : i32
    %mul3A_1664 = vector.broadcast %mul3A_1663 : i32 to vector<16xi32>
    %mul3A_1665 = arith.muli %mul3A_1664, %iota3A : vector<16xi32>
    %add3A_1666 = arith.constant 0 : i32
    %add3A_1667 = vector.broadcast %add3A_1666 : i32 to vector<16xi32>
    %add3A_1668 = arith.addi %add3A_1667, %mul3A_1665 : vector<16xi32>
    %add3A_1669 = arith.constant 1 : i32
    %add3A_1670 = vector.broadcast %add3A_1669 : i32 to vector<16xi32>
    %add3A_1671 = arith.addi %add3A_1668, %add3A_1670 : vector<16xi32>
    %jit3A_1672 = arith.constant 0 : i32
    %broadcast_in_dim3A_1673 = vector.broadcast %jit3A_1672 : i32 to vector<16xi32>
    %select_n3A_1674 = arith.select %lt3A_22, %add3A_1671, %broadcast_in_dim3A_1673 : vector<16xi1>, vector<16xi32>
    %gather3A_1675 = tpu.vector_load_idx %arg9[%select_n3A_1674] : memref<96xf32, #tpu.memory_space<vmem>>[vector<16xi32>], vector<16xf32>,
    %mul3A_1676 = vector.broadcast %reduce_max3A_1662 : f32 to vector<16xf32>
    %mul3A_1677 = arith.mulf %mul3A_1676, %gather3A_1675 : vector<16xf32>
    %add3A_1678 = arith.addf %add3A_1652, %mul3A_1677 : vector<16xf32>
    %eq3A_1679 = arith.constant 2 : i32
    %eq3A_1680 = vector.broadcast %eq3A_1679 : i32 to vector<16xi32>
    %eq3A_1681 = arith.cmpi eq, %iota3A, %eq3A_1680 : vector<16xi32>
    %jit3A_1682 = arith.constant 0xFF800000 : f32
    %broadcast_in_dim3A_1683 = vector.broadcast %jit3A_1682 : f32 to vector<16xf32>
    %select_n3A_1684 = arith.select %eq3A_1681, %scan3A_1617, %broadcast_in_dim3A_1683 : vector<16xi1>, vector<16xf32>
    %reduce_max3A_1685 = arith.constant true
    %reduce_max3A_1686 = vector.broadcast %reduce_max3A_1685 : i1 to vector<16xi1>
    %reduce_max3A_1687 = tpu.scan <max>, %select_n3A_1684 masked %reduce_max3A_1686 : vector<16xf32>, vector<16xi1> -> vector<16xf32>
    %reduce_max3A_1688 = vector.extract %reduce_max3A_1687[15] : f32 from vector<16xf32>
    %mul3A_1689 = arith.constant 10 : i32
    %mul3A_1690 = vector.broadcast %mul3A_1689 : i32 to vector<16xi32>
    %mul3A_1691 = arith.muli %mul3A_1690, %iota3A : vector<16xi32>
    %add3A_1692 = arith.constant 0 : i32
    %add3A_1693 = vector.broadcast %add3A_1692 : i32 to vector<16xi32>
    %add3A_1694 = arith.addi %add3A_1693, %mul3A_1691 : vector<16xi32>
    %add3A_1695 = arith.constant 2 : i32
    %add3A_1696 = vector.broadcast %add3A_1695 : i32 to vector<16xi32>
    %add3A_1697 = arith.addi %add3A_1694, %add3A_1696 : vector<16xi32>
    %jit3A_1698 = arith.constant 0 : i32
    %broadcast_in_dim3A_1699 = vector.broadcast %jit3A_1698 : i32 to vector<16xi32>
    %select_n3A_1700 = arith.select %lt3A_22, %add3A_1697, %broadcast_in_dim3A_1699 : vector<16xi1>, vector<16xi32>
    %gather3A_1701 = tpu.vector_load_idx %arg9[%select_n3A_1700] : memref<96xf32, #tpu.memory_space<vmem>>[vector<16xi32>], vector<16xf32>,
    %mul3A_1702 = vector.broadcast %reduce_max3A_1688 : f32 to vector<16xf32>
    %mul3A_1703 = arith.mulf %mul3A_1702, %gather3A_1701 : vector<16xf32>
    %add3A_1704 = arith.addf %add3A_1678, %mul3A_1703 : vector<16xf32>
    %eq3A_1705 = arith.constant 3 : i32
    %eq3A_1706 = vector.broadcast %eq3A_1705 : i32 to vector<16xi32>
    %eq3A_1707 = arith.cmpi eq, %iota3A, %eq3A_1706 : vector<16xi32>
    %jit3A_1708 = arith.constant 0xFF800000 : f32
    %broadcast_in_dim3A_1709 = vector.broadcast %jit3A_1708 : f32 to vector<16xf32>
    %select_n3A_1710 = arith.select %eq3A_1707, %scan3A_1617, %broadcast_in_dim3A_1709 : vector<16xi1>, vector<16xf32>
    %reduce_max3A_1711 = arith.constant true
    %reduce_max3A_1712 = vector.broadcast %reduce_max3A_1711 : i1 to vector<16xi1>
    %reduce_max3A_1713 = tpu.scan <max>, %select_n3A_1710 masked %reduce_max3A_1712 : vector<16xf32>, vector<16xi1> -> vector<16xf32>
    %reduce_max3A_1714 = vector.extract %reduce_max3A_1713[15] : f32 from vector<16xf32>
    %mul3A_1715 = arith.constant 10 : i32
    %mul3A_1716 = vector.broadcast %mul3A_1715 : i32 to vector<16xi32>
    %mul3A_1717 = arith.muli %mul3A_1716, %iota3A : vector<16xi32>
    %add3A_1718 = arith.constant 0 : i32
    %add3A_1719 = vector.broadcast %add3A_1718 : i32 to vector<16xi32>
    %add3A_1720 = arith.addi %add3A_1719, %mul3A_1717 : vector<16xi32>
    %add3A_1721 = arith.constant 3 : i32
    %add3A_1722 = vector.broadcast %add3A_1721 : i32 to vector<16xi32>
    %add3A_1723 = arith.addi %add3A_1720, %add3A_1722 : vector<16xi32>
    %jit3A_1724 = arith.constant 0 : i32
    %broadcast_in_dim3A_1725 = vector.broadcast %jit3A_1724 : i32 to vector<16xi32>
    %select_n3A_1726 = arith.select %lt3A_22, %add3A_1723, %broadcast_in_dim3A_1725 : vector<16xi1>, vector<16xi32>
    %gather3A_1727 = tpu.vector_load_idx %arg9[%select_n3A_1726] : memref<96xf32, #tpu.memory_space<vmem>>[vector<16xi32>], vector<16xf32>,
    %mul3A_1728 = vector.broadcast %reduce_max3A_1714 : f32 to vector<16xf32>
    %mul3A_1729 = arith.mulf %mul3A_1728, %gather3A_1727 : vector<16xf32>
    %add3A_1730 = arith.addf %add3A_1704, %mul3A_1729 : vector<16xf32>
    %eq3A_1731 = arith.constant 4 : i32
    %eq3A_1732 = vector.broadcast %eq3A_1731 : i32 to vector<16xi32>
    %eq3A_1733 = arith.cmpi eq, %iota3A, %eq3A_1732 : vector<16xi32>
    %jit3A_1734 = arith.constant 0xFF800000 : f32
    %broadcast_in_dim3A_1735 = vector.broadcast %jit3A_1734 : f32 to vector<16xf32>
    %select_n3A_1736 = arith.select %eq3A_1733, %scan3A_1617, %broadcast_in_dim3A_1735 : vector<16xi1>, vector<16xf32>
    %reduce_max3A_1737 = arith.constant true
    %reduce_max3A_1738 = vector.broadcast %reduce_max3A_1737 : i1 to vector<16xi1>
    %reduce_max3A_1739 = tpu.scan <max>, %select_n3A_1736 masked %reduce_max3A_1738 : vector<16xf32>, vector<16xi1> -> vector<16xf32>
    %reduce_max3A_1740 = vector.extract %reduce_max3A_1739[15] : f32 from vector<16xf32>
    %mul3A_1741 = arith.constant 10 : i32
    %mul3A_1742 = vector.broadcast %mul3A_1741 : i32 to vector<16xi32>
    %mul3A_1743 = arith.muli %mul3A_1742, %iota3A : vector<16xi32>
    %add3A_1744 = arith.constant 0 : i32
    %add3A_1745 = vector.broadcast %add3A_1744 : i32 to vector<16xi32>
    %add3A_1746 = arith.addi %add3A_1745, %mul3A_1743 : vector<16xi32>
    %add3A_1747 = arith.constant 4 : i32
    %add3A_1748 = vector.broadcast %add3A_1747 : i32 to vector<16xi32>
    %add3A_1749 = arith.addi %add3A_1746, %add3A_1748 : vector<16xi32>
    %jit3A_1750 = arith.constant 0 : i32
    %broadcast_in_dim3A_1751 = vector.broadcast %jit3A_1750 : i32 to vector<16xi32>
    %select_n3A_1752 = arith.select %lt3A_22, %add3A_1749, %broadcast_in_dim3A_1751 : vector<16xi1>, vector<16xi32>
    %gather3A_1753 = tpu.vector_load_idx %arg9[%select_n3A_1752] : memref<96xf32, #tpu.memory_space<vmem>>[vector<16xi32>], vector<16xf32>,
    %mul3A_1754 = vector.broadcast %reduce_max3A_1740 : f32 to vector<16xf32>
    %mul3A_1755 = arith.mulf %mul3A_1754, %gather3A_1753 : vector<16xf32>
    %add3A_1756 = arith.addf %add3A_1730, %mul3A_1755 : vector<16xf32>
    %eq3A_1757 = arith.constant 5 : i32
    %eq3A_1758 = vector.broadcast %eq3A_1757 : i32 to vector<16xi32>
    %eq3A_1759 = arith.cmpi eq, %iota3A, %eq3A_1758 : vector<16xi32>
    %jit3A_1760 = arith.constant 0xFF800000 : f32
    %broadcast_in_dim3A_1761 = vector.broadcast %jit3A_1760 : f32 to vector<16xf32>
    %select_n3A_1762 = arith.select %eq3A_1759, %scan3A_1617, %broadcast_in_dim3A_1761 : vector<16xi1>, vector<16xf32>
    %reduce_max3A_1763 = arith.constant true
    %reduce_max3A_1764 = vector.broadcast %reduce_max3A_1763 : i1 to vector<16xi1>
    %reduce_max3A_1765 = tpu.scan <max>, %select_n3A_1762 masked %reduce_max3A_1764 : vector<16xf32>, vector<16xi1> -> vector<16xf32>
    %reduce_max3A_1766 = vector.extract %reduce_max3A_1765[15] : f32 from vector<16xf32>
    %mul3A_1767 = arith.constant 10 : i32
    %mul3A_1768 = vector.broadcast %mul3A_1767 : i32 to vector<16xi32>
    %mul3A_1769 = arith.muli %mul3A_1768, %iota3A : vector<16xi32>
    %add3A_1770 = arith.constant 0 : i32
    %add3A_1771 = vector.broadcast %add3A_1770 : i32 to vector<16xi32>
    %add3A_1772 = arith.addi %add3A_1771, %mul3A_1769 : vector<16xi32>
    %add3A_1773 = arith.constant 5 : i32
    %add3A_1774 = vector.broadcast %add3A_1773 : i32 to vector<16xi32>
    %add3A_1775 = arith.addi %add3A_1772, %add3A_1774 : vector<16xi32>
    %jit3A_1776 = arith.constant 0 : i32
    %broadcast_in_dim3A_1777 = vector.broadcast %jit3A_1776 : i32 to vector<16xi32>
    %select_n3A_1778 = arith.select %lt3A_22, %add3A_1775, %broadcast_in_dim3A_1777 : vector<16xi1>, vector<16xi32>
    %gather3A_1779 = tpu.vector_load_idx %arg9[%select_n3A_1778] : memref<96xf32, #tpu.memory_space<vmem>>[vector<16xi32>], vector<16xf32>,
    %mul3A_1780 = vector.broadcast %reduce_max3A_1766 : f32 to vector<16xf32>
    %mul3A_1781 = arith.mulf %mul3A_1780, %gather3A_1779 : vector<16xf32>
    %add3A_1782 = arith.addf %add3A_1756, %mul3A_1781 : vector<16xf32>
    %eq3A_1783 = arith.constant 6 : i32
    %eq3A_1784 = vector.broadcast %eq3A_1783 : i32 to vector<16xi32>
    %eq3A_1785 = arith.cmpi eq, %iota3A, %eq3A_1784 : vector<16xi32>
    %jit3A_1786 = arith.constant 0xFF800000 : f32
    %broadcast_in_dim3A_1787 = vector.broadcast %jit3A_1786 : f32 to vector<16xf32>
    %select_n3A_1788 = arith.select %eq3A_1785, %scan3A_1617, %broadcast_in_dim3A_1787 : vector<16xi1>, vector<16xf32>
    %reduce_max3A_1789 = arith.constant true
    %reduce_max3A_1790 = vector.broadcast %reduce_max3A_1789 : i1 to vector<16xi1>
    %reduce_max3A_1791 = tpu.scan <max>, %select_n3A_1788 masked %reduce_max3A_1790 : vector<16xf32>, vector<16xi1> -> vector<16xf32>
    %reduce_max3A_1792 = vector.extract %reduce_max3A_1791[15] : f32 from vector<16xf32>
    %mul3A_1793 = arith.constant 10 : i32
    %mul3A_1794 = vector.broadcast %mul3A_1793 : i32 to vector<16xi32>
    %mul3A_1795 = arith.muli %mul3A_1794, %iota3A : vector<16xi32>
    %add3A_1796 = arith.constant 0 : i32
    %add3A_1797 = vector.broadcast %add3A_1796 : i32 to vector<16xi32>
    %add3A_1798 = arith.addi %add3A_1797, %mul3A_1795 : vector<16xi32>
    %add3A_1799 = arith.constant 6 : i32
    %add3A_1800 = vector.broadcast %add3A_1799 : i32 to vector<16xi32>
    %add3A_1801 = arith.addi %add3A_1798, %add3A_1800 : vector<16xi32>
    %jit3A_1802 = arith.constant 0 : i32
    %broadcast_in_dim3A_1803 = vector.broadcast %jit3A_1802 : i32 to vector<16xi32>
    %select_n3A_1804 = arith.select %lt3A_22, %add3A_1801, %broadcast_in_dim3A_1803 : vector<16xi1>, vector<16xi32>
    %gather3A_1805 = tpu.vector_load_idx %arg9[%select_n3A_1804] : memref<96xf32, #tpu.memory_space<vmem>>[vector<16xi32>], vector<16xf32>,
    %mul3A_1806 = vector.broadcast %reduce_max3A_1792 : f32 to vector<16xf32>
    %mul3A_1807 = arith.mulf %mul3A_1806, %gather3A_1805 : vector<16xf32>
    %add3A_1808 = arith.addf %add3A_1782, %mul3A_1807 : vector<16xf32>
    %eq3A_1809 = arith.constant 7 : i32
    %eq3A_1810 = vector.broadcast %eq3A_1809 : i32 to vector<16xi32>
    %eq3A_1811 = arith.cmpi eq, %iota3A, %eq3A_1810 : vector<16xi32>
    %jit3A_1812 = arith.constant 0xFF800000 : f32
    %broadcast_in_dim3A_1813 = vector.broadcast %jit3A_1812 : f32 to vector<16xf32>
    %select_n3A_1814 = arith.select %eq3A_1811, %scan3A_1617, %broadcast_in_dim3A_1813 : vector<16xi1>, vector<16xf32>
    %reduce_max3A_1815 = arith.constant true
    %reduce_max3A_1816 = vector.broadcast %reduce_max3A_1815 : i1 to vector<16xi1>
    %reduce_max3A_1817 = tpu.scan <max>, %select_n3A_1814 masked %reduce_max3A_1816 : vector<16xf32>, vector<16xi1> -> vector<16xf32>
    %reduce_max3A_1818 = vector.extract %reduce_max3A_1817[15] : f32 from vector<16xf32>
    %mul3A_1819 = arith.constant 10 : i32
    %mul3A_1820 = vector.broadcast %mul3A_1819 : i32 to vector<16xi32>
    %mul3A_1821 = arith.muli %mul3A_1820, %iota3A : vector<16xi32>
    %add3A_1822 = arith.constant 0 : i32
    %add3A_1823 = vector.broadcast %add3A_1822 : i32 to vector<16xi32>
    %add3A_1824 = arith.addi %add3A_1823, %mul3A_1821 : vector<16xi32>
    %add3A_1825 = arith.constant 7 : i32
    %add3A_1826 = vector.broadcast %add3A_1825 : i32 to vector<16xi32>
    %add3A_1827 = arith.addi %add3A_1824, %add3A_1826 : vector<16xi32>
    %jit3A_1828 = arith.constant 0 : i32
    %broadcast_in_dim3A_1829 = vector.broadcast %jit3A_1828 : i32 to vector<16xi32>
    %select_n3A_1830 = arith.select %lt3A_22, %add3A_1827, %broadcast_in_dim3A_1829 : vector<16xi1>, vector<16xi32>
    %gather3A_1831 = tpu.vector_load_idx %arg9[%select_n3A_1830] : memref<96xf32, #tpu.memory_space<vmem>>[vector<16xi32>], vector<16xf32>,
    %mul3A_1832 = vector.broadcast %reduce_max3A_1818 : f32 to vector<16xf32>
    %mul3A_1833 = arith.mulf %mul3A_1832, %gather3A_1831 : vector<16xf32>
    %add3A_1834 = arith.addf %add3A_1808, %mul3A_1833 : vector<16xf32>
    %eq3A_1835 = arith.constant 8 : i32
    %eq3A_1836 = vector.broadcast %eq3A_1835 : i32 to vector<16xi32>
    %eq3A_1837 = arith.cmpi eq, %iota3A, %eq3A_1836 : vector<16xi32>
    %jit3A_1838 = arith.constant 0xFF800000 : f32
    %broadcast_in_dim3A_1839 = vector.broadcast %jit3A_1838 : f32 to vector<16xf32>
    %select_n3A_1840 = arith.select %eq3A_1837, %scan3A_1617, %broadcast_in_dim3A_1839 : vector<16xi1>, vector<16xf32>
    %reduce_max3A_1841 = arith.constant true
    %reduce_max3A_1842 = vector.broadcast %reduce_max3A_1841 : i1 to vector<16xi1>
    %reduce_max3A_1843 = tpu.scan <max>, %select_n3A_1840 masked %reduce_max3A_1842 : vector<16xf32>, vector<16xi1> -> vector<16xf32>
    %reduce_max3A_1844 = vector.extract %reduce_max3A_1843[15] : f32 from vector<16xf32>
    %mul3A_1845 = arith.constant 10 : i32
    %mul3A_1846 = vector.broadcast %mul3A_1845 : i32 to vector<16xi32>
    %mul3A_1847 = arith.muli %mul3A_1846, %iota3A : vector<16xi32>
    %add3A_1848 = arith.constant 0 : i32
    %add3A_1849 = vector.broadcast %add3A_1848 : i32 to vector<16xi32>
    %add3A_1850 = arith.addi %add3A_1849, %mul3A_1847 : vector<16xi32>
    %add3A_1851 = arith.constant 8 : i32
    %add3A_1852 = vector.broadcast %add3A_1851 : i32 to vector<16xi32>
    %add3A_1853 = arith.addi %add3A_1850, %add3A_1852 : vector<16xi32>
    %jit3A_1854 = arith.constant 0 : i32
    %broadcast_in_dim3A_1855 = vector.broadcast %jit3A_1854 : i32 to vector<16xi32>
    %select_n3A_1856 = arith.select %lt3A_22, %add3A_1853, %broadcast_in_dim3A_1855 : vector<16xi1>, vector<16xi32>
    %gather3A_1857 = tpu.vector_load_idx %arg9[%select_n3A_1856] : memref<96xf32, #tpu.memory_space<vmem>>[vector<16xi32>], vector<16xf32>,
    %mul3A_1858 = vector.broadcast %reduce_max3A_1844 : f32 to vector<16xf32>
    %mul3A_1859 = arith.mulf %mul3A_1858, %gather3A_1857 : vector<16xf32>
    %add3A_1860 = arith.addf %add3A_1834, %mul3A_1859 : vector<16xf32>
    %eq3A_1861 = arith.constant 9 : i32
    %eq3A_1862 = vector.broadcast %eq3A_1861 : i32 to vector<16xi32>
    %eq3A_1863 = arith.cmpi eq, %iota3A, %eq3A_1862 : vector<16xi32>
    %jit3A_1864 = arith.constant 0xFF800000 : f32
    %broadcast_in_dim3A_1865 = vector.broadcast %jit3A_1864 : f32 to vector<16xf32>
    %select_n3A_1866 = arith.select %eq3A_1863, %scan3A_1617, %broadcast_in_dim3A_1865 : vector<16xi1>, vector<16xf32>
    %reduce_max3A_1867 = arith.constant true
    %reduce_max3A_1868 = vector.broadcast %reduce_max3A_1867 : i1 to vector<16xi1>
    %reduce_max3A_1869 = tpu.scan <max>, %select_n3A_1866 masked %reduce_max3A_1868 : vector<16xf32>, vector<16xi1> -> vector<16xf32>
    %reduce_max3A_1870 = vector.extract %reduce_max3A_1869[15] : f32 from vector<16xf32>
    %mul3A_1871 = arith.constant 10 : i32
    %mul3A_1872 = vector.broadcast %mul3A_1871 : i32 to vector<16xi32>
    %mul3A_1873 = arith.muli %mul3A_1872, %iota3A : vector<16xi32>
    %add3A_1874 = arith.constant 0 : i32
    %add3A_1875 = vector.broadcast %add3A_1874 : i32 to vector<16xi32>
    %add3A_1876 = arith.addi %add3A_1875, %mul3A_1873 : vector<16xi32>
    %add3A_1877 = arith.constant 9 : i32
    %add3A_1878 = vector.broadcast %add3A_1877 : i32 to vector<16xi32>
    %add3A_1879 = arith.addi %add3A_1876, %add3A_1878 : vector<16xi32>
    %jit3A_1880 = arith.constant 0 : i32
    %broadcast_in_dim3A_1881 = vector.broadcast %jit3A_1880 : i32 to vector<16xi32>
    %select_n3A_1882 = arith.select %lt3A_22, %add3A_1879, %broadcast_in_dim3A_1881 : vector<16xi1>, vector<16xi32>
    %gather3A_1883 = tpu.vector_load_idx %arg9[%select_n3A_1882] : memref<96xf32, #tpu.memory_space<vmem>>[vector<16xi32>], vector<16xf32>,
    %mul3A_1884 = vector.broadcast %reduce_max3A_1870 : f32 to vector<16xf32>
    %mul3A_1885 = arith.mulf %mul3A_1884, %gather3A_1883 : vector<16xf32>
    %add3A_1886 = arith.addf %add3A_1860, %mul3A_1885 : vector<16xf32>
    %jit3A_1887 = arith.constant 0.000000e+00 : f32
    %broadcast_in_dim3A_1888 = vector.broadcast %jit3A_1887 : f32 to vector<16xf32>
    %select_n3A_1889 = arith.select %lt3A_22, %add3A_1886, %broadcast_in_dim3A_1888 : vector<16xi1>, vector<16xf32>
    %max3A_1890 = arith.constant 0.000000e+00 : f32
    %max3A_1891 = vector.broadcast %max3A_1890 : f32 to vector<16xf32>
    %max3A_1892 = arith.maximumf %select_n3A_1889, %max3A_1891 : vector<16xf32>
    %add3A_1893 = arith.constant 80 : i32
    %add3A_1894 = vector.broadcast %add3A_1893 : i32 to vector<16xi32>
    %add3A_1895 = arith.addi %add3A_1894, %iota3A : vector<16xi32>
    %gather3A_1896 = tpu.vector_load_idx %arg9[%add3A_1895] : memref<96xf32, #tpu.memory_space<vmem>>[vector<16xi32>], vector<16xf32>,
    %eq3A_1897 = arith.constant 0 : i32
    %eq3A_1898 = vector.broadcast %eq3A_1897 : i32 to vector<16xi32>
    %eq3A_1899 = arith.cmpi eq, %iota3A, %eq3A_1898 : vector<16xi32>
    %jit3A_1900 = arith.constant 0xFF800000 : f32
    %broadcast_in_dim3A_1901 = vector.broadcast %jit3A_1900 : f32 to vector<16xf32>
    %select_n3A_1902 = arith.select %eq3A_1899, %max3A_1892, %broadcast_in_dim3A_1901 : vector<16xi1>, vector<16xf32>
    %reduce_max3A_1903 = arith.constant true
    %reduce_max3A_1904 = vector.broadcast %reduce_max3A_1903 : i1 to vector<16xi1>
    %reduce_max3A_1905 = tpu.scan <max>, %select_n3A_1902 masked %reduce_max3A_1904 : vector<16xf32>, vector<16xi1> -> vector<16xf32>
    %reduce_max3A_1906 = vector.extract %reduce_max3A_1905[15] : f32 from vector<16xf32>
    %mul3A_1907 = arith.constant 5 : i32
    %mul3A_1908 = vector.broadcast %mul3A_1907 : i32 to vector<16xi32>
    %mul3A_1909 = arith.muli %mul3A_1908, %iota3A : vector<16xi32>
    %add3A_1910 = arith.constant 55 : i32
    %add3A_1911 = vector.broadcast %add3A_1910 : i32 to vector<16xi32>
    %add3A_1912 = arith.addi %add3A_1911, %mul3A_1909 : vector<16xi32>
    %add3A_1913 = arith.constant 0 : i32
    %add3A_1914 = vector.broadcast %add3A_1913 : i32 to vector<16xi32>
    %add3A_1915 = arith.addi %add3A_1912, %add3A_1914 : vector<16xi32>
    %jit3A_1916 = arith.constant 0 : i32
    %broadcast_in_dim3A_1917 = vector.broadcast %jit3A_1916 : i32 to vector<16xi32>
    %select_n3A_1918 = arith.select %lt3A_22, %add3A_1915, %broadcast_in_dim3A_1917 : vector<16xi1>, vector<16xi32>
    %gather3A_1919 = tpu.vector_load_idx %arg9[%select_n3A_1918] : memref<96xf32, #tpu.memory_space<vmem>>[vector<16xi32>], vector<16xf32>,
    %mul3A_1920 = vector.broadcast %reduce_max3A_1906 : f32 to vector<16xf32>
    %mul3A_1921 = arith.mulf %mul3A_1920, %gather3A_1919 : vector<16xf32>
    %add3A_1922 = arith.addf %gather3A_1896, %mul3A_1921 : vector<16xf32>
    %eq3A_1923 = arith.constant 1 : i32
    %eq3A_1924 = vector.broadcast %eq3A_1923 : i32 to vector<16xi32>
    %eq3A_1925 = arith.cmpi eq, %iota3A, %eq3A_1924 : vector<16xi32>
    %jit3A_1926 = arith.constant 0xFF800000 : f32
    %broadcast_in_dim3A_1927 = vector.broadcast %jit3A_1926 : f32 to vector<16xf32>
    %select_n3A_1928 = arith.select %eq3A_1925, %max3A_1892, %broadcast_in_dim3A_1927 : vector<16xi1>, vector<16xf32>
    %reduce_max3A_1929 = arith.constant true
    %reduce_max3A_1930 = vector.broadcast %reduce_max3A_1929 : i1 to vector<16xi1>
    %reduce_max3A_1931 = tpu.scan <max>, %select_n3A_1928 masked %reduce_max3A_1930 : vector<16xf32>, vector<16xi1> -> vector<16xf32>
    %reduce_max3A_1932 = vector.extract %reduce_max3A_1931[15] : f32 from vector<16xf32>
    %mul3A_1933 = arith.constant 5 : i32
    %mul3A_1934 = vector.broadcast %mul3A_1933 : i32 to vector<16xi32>
    %mul3A_1935 = arith.muli %mul3A_1934, %iota3A : vector<16xi32>
    %add3A_1936 = arith.constant 55 : i32
    %add3A_1937 = vector.broadcast %add3A_1936 : i32 to vector<16xi32>
    %add3A_1938 = arith.addi %add3A_1937, %mul3A_1935 : vector<16xi32>
    %add3A_1939 = arith.constant 1 : i32
    %add3A_1940 = vector.broadcast %add3A_1939 : i32 to vector<16xi32>
    %add3A_1941 = arith.addi %add3A_1938, %add3A_1940 : vector<16xi32>
    %jit3A_1942 = arith.constant 0 : i32
    %broadcast_in_dim3A_1943 = vector.broadcast %jit3A_1942 : i32 to vector<16xi32>
    %select_n3A_1944 = arith.select %lt3A_22, %add3A_1941, %broadcast_in_dim3A_1943 : vector<16xi1>, vector<16xi32>
    %gather3A_1945 = tpu.vector_load_idx %arg9[%select_n3A_1944] : memref<96xf32, #tpu.memory_space<vmem>>[vector<16xi32>], vector<16xf32>,
    %mul3A_1946 = vector.broadcast %reduce_max3A_1932 : f32 to vector<16xf32>
    %mul3A_1947 = arith.mulf %mul3A_1946, %gather3A_1945 : vector<16xf32>
    %add3A_1948 = arith.addf %add3A_1922, %mul3A_1947 : vector<16xf32>
    %eq3A_1949 = arith.constant 2 : i32
    %eq3A_1950 = vector.broadcast %eq3A_1949 : i32 to vector<16xi32>
    %eq3A_1951 = arith.cmpi eq, %iota3A, %eq3A_1950 : vector<16xi32>
    %jit3A_1952 = arith.constant 0xFF800000 : f32
    %broadcast_in_dim3A_1953 = vector.broadcast %jit3A_1952 : f32 to vector<16xf32>
    %select_n3A_1954 = arith.select %eq3A_1951, %max3A_1892, %broadcast_in_dim3A_1953 : vector<16xi1>, vector<16xf32>
    %reduce_max3A_1955 = arith.constant true
    %reduce_max3A_1956 = vector.broadcast %reduce_max3A_1955 : i1 to vector<16xi1>
    %reduce_max3A_1957 = tpu.scan <max>, %select_n3A_1954 masked %reduce_max3A_1956 : vector<16xf32>, vector<16xi1> -> vector<16xf32>
    %reduce_max3A_1958 = vector.extract %reduce_max3A_1957[15] : f32 from vector<16xf32>
    %mul3A_1959 = arith.constant 5 : i32
    %mul3A_1960 = vector.broadcast %mul3A_1959 : i32 to vector<16xi32>
    %mul3A_1961 = arith.muli %mul3A_1960, %iota3A : vector<16xi32>
    %add3A_1962 = arith.constant 55 : i32
    %add3A_1963 = vector.broadcast %add3A_1962 : i32 to vector<16xi32>
    %add3A_1964 = arith.addi %add3A_1963, %mul3A_1961 : vector<16xi32>
    %add3A_1965 = arith.constant 2 : i32
    %add3A_1966 = vector.broadcast %add3A_1965 : i32 to vector<16xi32>
    %add3A_1967 = arith.addi %add3A_1964, %add3A_1966 : vector<16xi32>
    %jit3A_1968 = arith.constant 0 : i32
    %broadcast_in_dim3A_1969 = vector.broadcast %jit3A_1968 : i32 to vector<16xi32>
    %select_n3A_1970 = arith.select %lt3A_22, %add3A_1967, %broadcast_in_dim3A_1969 : vector<16xi1>, vector<16xi32>
    %gather3A_1971 = tpu.vector_load_idx %arg9[%select_n3A_1970] : memref<96xf32, #tpu.memory_space<vmem>>[vector<16xi32>], vector<16xf32>,
    %mul3A_1972 = vector.broadcast %reduce_max3A_1958 : f32 to vector<16xf32>
    %mul3A_1973 = arith.mulf %mul3A_1972, %gather3A_1971 : vector<16xf32>
    %add3A_1974 = arith.addf %add3A_1948, %mul3A_1973 : vector<16xf32>
    %eq3A_1975 = arith.constant 3 : i32
    %eq3A_1976 = vector.broadcast %eq3A_1975 : i32 to vector<16xi32>
    %eq3A_1977 = arith.cmpi eq, %iota3A, %eq3A_1976 : vector<16xi32>
    %jit3A_1978 = arith.constant 0xFF800000 : f32
    %broadcast_in_dim3A_1979 = vector.broadcast %jit3A_1978 : f32 to vector<16xf32>
    %select_n3A_1980 = arith.select %eq3A_1977, %max3A_1892, %broadcast_in_dim3A_1979 : vector<16xi1>, vector<16xf32>
    %reduce_max3A_1981 = arith.constant true
    %reduce_max3A_1982 = vector.broadcast %reduce_max3A_1981 : i1 to vector<16xi1>
    %reduce_max3A_1983 = tpu.scan <max>, %select_n3A_1980 masked %reduce_max3A_1982 : vector<16xf32>, vector<16xi1> -> vector<16xf32>
    %reduce_max3A_1984 = vector.extract %reduce_max3A_1983[15] : f32 from vector<16xf32>
    %mul3A_1985 = arith.constant 5 : i32
    %mul3A_1986 = vector.broadcast %mul3A_1985 : i32 to vector<16xi32>
    %mul3A_1987 = arith.muli %mul3A_1986, %iota3A : vector<16xi32>
    %add3A_1988 = arith.constant 55 : i32
    %add3A_1989 = vector.broadcast %add3A_1988 : i32 to vector<16xi32>
    %add3A_1990 = arith.addi %add3A_1989, %mul3A_1987 : vector<16xi32>
    %add3A_1991 = arith.constant 3 : i32
    %add3A_1992 = vector.broadcast %add3A_1991 : i32 to vector<16xi32>
    %add3A_1993 = arith.addi %add3A_1990, %add3A_1992 : vector<16xi32>
    %jit3A_1994 = arith.constant 0 : i32
    %broadcast_in_dim3A_1995 = vector.broadcast %jit3A_1994 : i32 to vector<16xi32>
    %select_n3A_1996 = arith.select %lt3A_22, %add3A_1993, %broadcast_in_dim3A_1995 : vector<16xi1>, vector<16xi32>
    %gather3A_1997 = tpu.vector_load_idx %arg9[%select_n3A_1996] : memref<96xf32, #tpu.memory_space<vmem>>[vector<16xi32>], vector<16xf32>,
    %mul3A_1998 = vector.broadcast %reduce_max3A_1984 : f32 to vector<16xf32>
    %mul3A_1999 = arith.mulf %mul3A_1998, %gather3A_1997 : vector<16xf32>
    %add3A_2000 = arith.addf %add3A_1974, %mul3A_1999 : vector<16xf32>
    %eq3A_2001 = arith.constant 4 : i32
    %eq3A_2002 = vector.broadcast %eq3A_2001 : i32 to vector<16xi32>
    %eq3A_2003 = arith.cmpi eq, %iota3A, %eq3A_2002 : vector<16xi32>
    %jit3A_2004 = arith.constant 0xFF800000 : f32
    %broadcast_in_dim3A_2005 = vector.broadcast %jit3A_2004 : f32 to vector<16xf32>
    %select_n3A_2006 = arith.select %eq3A_2003, %max3A_1892, %broadcast_in_dim3A_2005 : vector<16xi1>, vector<16xf32>
    %reduce_max3A_2007 = arith.constant true
    %reduce_max3A_2008 = vector.broadcast %reduce_max3A_2007 : i1 to vector<16xi1>
    %reduce_max3A_2009 = tpu.scan <max>, %select_n3A_2006 masked %reduce_max3A_2008 : vector<16xf32>, vector<16xi1> -> vector<16xf32>
    %reduce_max3A_2010 = vector.extract %reduce_max3A_2009[15] : f32 from vector<16xf32>
    %mul3A_2011 = arith.constant 5 : i32
    %mul3A_2012 = vector.broadcast %mul3A_2011 : i32 to vector<16xi32>
    %mul3A_2013 = arith.muli %mul3A_2012, %iota3A : vector<16xi32>
    %add3A_2014 = arith.constant 55 : i32
    %add3A_2015 = vector.broadcast %add3A_2014 : i32 to vector<16xi32>
    %add3A_2016 = arith.addi %add3A_2015, %mul3A_2013 : vector<16xi32>
    %add3A_2017 = arith.constant 4 : i32
    %add3A_2018 = vector.broadcast %add3A_2017 : i32 to vector<16xi32>
    %add3A_2019 = arith.addi %add3A_2016, %add3A_2018 : vector<16xi32>
    %jit3A_2020 = arith.constant 0 : i32
    %broadcast_in_dim3A_2021 = vector.broadcast %jit3A_2020 : i32 to vector<16xi32>
    %select_n3A_2022 = arith.select %lt3A_22, %add3A_2019, %broadcast_in_dim3A_2021 : vector<16xi1>, vector<16xi32>
    %gather3A_2023 = tpu.vector_load_idx %arg9[%select_n3A_2022] : memref<96xf32, #tpu.memory_space<vmem>>[vector<16xi32>], vector<16xf32>,
    %mul3A_2024 = vector.broadcast %reduce_max3A_2010 : f32 to vector<16xf32>
    %mul3A_2025 = arith.mulf %mul3A_2024, %gather3A_2023 : vector<16xf32>
    %add3A_2026 = arith.addf %add3A_2000, %mul3A_2025 : vector<16xf32>
    %jit3A_2027 = arith.constant 0.000000e+00 : f32
    %broadcast_in_dim3A_2028 = vector.broadcast %jit3A_2027 : f32 to vector<16xf32>
    %select_n3A_2029 = arith.select %lt3A_22, %add3A_2026, %broadcast_in_dim3A_2028 : vector<16xi1>, vector<16xf32>
    %max3A_2030 = arith.constant 0.000000e+00 : f32
    %max3A_2031 = vector.broadcast %max3A_2030 : f32 to vector<16xf32>
    %max3A_2032 = arith.maximumf %select_n3A_2029, %max3A_2031 : vector<16xf32>
    %add3A_2033 = arith.constant 85 : i32
    %add3A_2034 = vector.broadcast %add3A_2033 : i32 to vector<16xi32>
    %add3A_2035 = arith.addi %add3A_2034, %iota3A : vector<16xi32>
    %jit3A_2036 = arith.constant 0 : i32
    %broadcast_in_dim3A_2037 = vector.broadcast %jit3A_2036 : i32 to vector<16xi32>
    %select_n3A_2038 = arith.select %lt3A_22, %add3A_2035, %broadcast_in_dim3A_2037 : vector<16xi1>, vector<16xi32>
    %gather3A_2039 = tpu.vector_load_idx %arg9[%select_n3A_2038] : memref<96xf32, #tpu.memory_space<vmem>>[vector<16xi32>], vector<16xf32>,
    %mul3A_2040 = arith.mulf %max3A_2032, %gather3A_2039 : vector<16xf32>
    %jit3A_2041 = arith.constant 0.000000e+00 : f32
    %broadcast_in_dim3A_2042 = vector.broadcast %jit3A_2041 : f32 to vector<16xf32>
    %select_n3A_2043 = arith.select %lt3A_22, %mul3A_2040, %broadcast_in_dim3A_2042 : vector<16xi1>, vector<16xf32>
    %reduce_sum3A_2044 = arith.constant true
    %reduce_sum3A_2045 = vector.broadcast %reduce_sum3A_2044 : i1 to vector<16xi1>
    %reduce_sum3A_2046 = tpu.scan <sum>, %select_n3A_2043 masked %reduce_sum3A_2045 : vector<16xf32>, vector<16xi1> -> vector<16xf32>
    %reduce_sum3A_2047 = vector.extract %reduce_sum3A_2046[15] : f32 from vector<16xf32>
    %broadcast_in_dim3A_2048 = arith.constant 90 : i32
    %broadcast_in_dim3A_2049 = vector.broadcast %broadcast_in_dim3A_2048 : i32 to vector<16xi32>
    %gather3A_2050 = tpu.vector_load_idx %arg9[%broadcast_in_dim3A_2049] : memref<96xf32, #tpu.memory_space<vmem>>[vector<16xi32>], vector<16xf32>,
    %add3A_2051 = vector.broadcast %reduce_sum3A_2047 : f32 to vector<16xf32>
    %add3A_2052 = arith.addf %add3A_2051, %gather3A_2050 : vector<16xf32>
    %abs3A_2053 = math.absf %add3A_2052 : vector<16xf32>
    %jit3A_2054 = arith.constant 9.99999993E-9 : f32
    %jit3A_2055 = arith.constant 1.000000e+08 : f32
    %max3A_2056 = vector.broadcast %jit3A_2054 : f32 to vector<16xf32>
    %max3A_2057 = arith.maximumf %max3A_2056, %abs3A_2053 : vector<16xf32>
    %min3A_2058 = vector.broadcast %jit3A_2055 : f32 to vector<16xf32>
    %min3A_2059 = arith.minimumf %min3A_2058, %max3A_2057 : vector<16xf32>
    %div3A_2060 = arith.constant 1.000000e+00 : f32
    %div3A_2061 = vector.broadcast %div3A_2060 : f32 to vector<16xf32>
    %div3A_2062 = arith.divf %div3A_2061, %min3A_2059 : vector<16xf32>
    %jit3A_2063 = arith.constant 4 : i32
    %eq3A_2064 = arith.constant 0 : i32
    %eq3A_2065 = arith.cmpi eq, %jit3A_2063, %eq3A_2064 : i32
    %jit3A_2066 = arith.constant 1 : i32
    %select_n3A_2067 = arith.select %eq3A_2065, %jit3A_2066, %jit3A_2063 : i32
    %rem3A_2068 = arith.remsi %add3A, %select_n3A_2067 : i32
    %ne3A_2069 = arith.constant 0 : i32
    %ne3A_2070 = arith.cmpi ne, %rem3A_2068, %ne3A_2069 : i32
    %lt3A_2071 = arith.constant 0 : i32
    %lt3A_2072 = arith.cmpi slt, %rem3A_2068, %lt3A_2071 : i32
    %lt3A_2073 = arith.constant 0 : i32
    %lt3A_2074 = arith.cmpi slt, %select_n3A_2067, %lt3A_2073 : i32
    %ne3A_2075 = arith.xori %lt3A_2072, %lt3A_2074 : i1
    %and3A_2076 = arith.andi %ne3A_2075, %ne3A_2070 : i1
    %add3A_2077 = arith.addi %rem3A_2068, %select_n3A_2067 : i32
    %select_n3A_2078 = arith.select %and3A_2076, %add3A_2077, %rem3A_2068 : i32
    %mul3A_2079 = arith.constant 4 : i32
    %mul3A_2080 = arith.muli %select_n3A_2078, %mul3A_2079 : i32
    %add3A_2081 = arith.constant 3 : i32
    %add3A_2082 = arith.addi %mul3A_2080, %add3A_2081 : i32
    %broadcast_in_dim3A_2083 = vector.broadcast %add3A_2082 : i32 to vector<16xi32>
    %gather3A_2084 = tpu.vector_load_idx %arg7[%broadcast_in_dim3A_2083] : memref<16xi32, #tpu.memory_space<vmem>>[vector<16xi32>], vector<16xi32>,
    %gather3A_2085 = tpu.vector_load_idx %arg6[%gather3A_2084] : memref<100000xf32, #tpu.memory_space<vmem>>[vector<16xi32>], vector<16xf32>,
    %sub3A_2086 = vector.broadcast %reduce_max3A_1622 : f32 to vector<16xf32>
    %sub3A_2087 = arith.subf %gather3A_2085, %sub3A_2086 : vector<16xf32>
    %mul3A_2088 = arith.mulf %sub3A_2087, %div3A_2062 : vector<16xf32>
    %exp3A_2089 = math.exp %mul3A_2088 : vector<16xf32>
    %broadcast_in_dim3A_2090 = arith.constant 0.000000e+00 : f32
    %broadcast_in_dim3A_2091 = vector.broadcast %broadcast_in_dim3A_2090 : f32 to vector<16xf32>
    %scan3A_2092 = arith.constant 0 : i32
    %scan3A_2093 = arith.constant 625 : i32
    %scan3A_2094 = arith.addi %scan3A_2092, %scan3A_2093 : i32
    %scan3A_2095 = arith.constant 1 : i32
    %scan3A_2096:4 = scf.for %scan3A_2115 = %scan3A_2092 to %scan3A_2094 step %scan3A_2095 iter_args(%scan3A_2116 = %broadcast_in_dim3A_2091, %scan3A_2117 = %broadcast_in_dim3A_2091, %scan3A_2118 = %broadcast_in_dim3A_2091, %scan3A_2119 = %broadcast_in_dim3A_2091) -> (vector<16xf32>, vector<16xf32>, vector<16xf32>, vector<16xf32>)  : i32 {
      %mul3A_2120 = arith.constant 160 : i32
      %mul3A_2121 = arith.muli %scan3A_2115, %mul3A_2120 : i32
      %multiple_of3A = tpu.assume_multiple %mul3A_2121, 16 : i32
      %add3A_2122 = arith.constant 0 : i32
      %add3A_2123 = arith.addi %multiple_of3A, %add3A_2122 : i32
      %get3A = arith.index_cast %add3A_2123 : i32 to index
      %get3A_2124 = tpu.vector_load %arg6[%get3A] {strides = array<i32>} : memref<100000xf32, #tpu.memory_space<vmem>>, vector<16xf32>,
      %sub3A_2125 = vector.broadcast %reduce_max3A_1622 : f32 to vector<16xf32>
      %sub3A_2126 = arith.subf %get3A_2124, %sub3A_2125 : vector<16xf32>
      %mul3A_2127 = arith.mulf %sub3A_2126, %div3A_2062 : vector<16xf32>
      %exp3A_2128 = math.exp %mul3A_2127 : vector<16xf32>
      %add3A_2129 = arith.addf %scan3A_2116, %exp3A_2128 : vector<16xf32>
      %add3A_2130 = arith.constant 16 : i32
      %add3A_2131 = arith.addi %multiple_of3A, %add3A_2130 : i32
      %get3A_2132 = arith.index_cast %add3A_2131 : i32 to index
      %get3A_2133 = tpu.vector_load %arg6[%get3A_2132] {strides = array<i32>} : memref<100000xf32, #tpu.memory_space<vmem>>, vector<16xf32>,
      %sub3A_2134 = vector.broadcast %reduce_max3A_1622 : f32 to vector<16xf32>
      %sub3A_2135 = arith.subf %get3A_2133, %sub3A_2134 : vector<16xf32>
      %mul3A_2136 = arith.mulf %sub3A_2135, %div3A_2062 : vector<16xf32>
      %exp3A_2137 = math.exp %mul3A_2136 : vector<16xf32>
      %add3A_2138 = arith.addf %scan3A_2117, %exp3A_2137 : vector<16xf32>
      %add3A_2139 = arith.constant 32 : i32
      %add3A_2140 = arith.addi %multiple_of3A, %add3A_2139 : i32
      %get3A_2141 = arith.index_cast %add3A_2140 : i32 to index
      %get3A_2142 = tpu.vector_load %arg6[%get3A_2141] {strides = array<i32>} : memref<100000xf32, #tpu.memory_space<vmem>>, vector<16xf32>,
      %sub3A_2143 = vector.broadcast %reduce_max3A_1622 : f32 to vector<16xf32>
      %sub3A_2144 = arith.subf %get3A_2142, %sub3A_2143 : vector<16xf32>
      %mul3A_2145 = arith.mulf %sub3A_2144, %div3A_2062 : vector<16xf32>
      %exp3A_2146 = math.exp %mul3A_2145 : vector<16xf32>
      %add3A_2147 = arith.addf %scan3A_2118, %exp3A_2146 : vector<16xf32>
      %add3A_2148 = arith.constant 48 : i32
      %add3A_2149 = arith.addi %multiple_of3A, %add3A_2148 : i32
      %get3A_2150 = arith.index_cast %add3A_2149 : i32 to index
      %get3A_2151 = tpu.vector_load %arg6[%get3A_2150] {strides = array<i32>} : memref<100000xf32, #tpu.memory_space<vmem>>, vector<16xf32>,
      %sub3A_2152 = vector.broadcast %reduce_max3A_1622 : f32 to vector<16xf32>
      %sub3A_2153 = arith.subf %get3A_2151, %sub3A_2152 : vector<16xf32>
      %mul3A_2154 = arith.mulf %sub3A_2153, %div3A_2062 : vector<16xf32>
      %exp3A_2155 = math.exp %mul3A_2154 : vector<16xf32>
      %add3A_2156 = arith.addf %scan3A_2119, %exp3A_2155 : vector<16xf32>
      %add3A_2157 = arith.constant 64 : i32
      %add3A_2158 = arith.addi %multiple_of3A, %add3A_2157 : i32
      %get3A_2159 = arith.index_cast %add3A_2158 : i32 to index
      %get3A_2160 = tpu.vector_load %arg6[%get3A_2159] {strides = array<i32>} : memref<100000xf32, #tpu.memory_space<vmem>>, vector<16xf32>,
      %sub3A_2161 = vector.broadcast %reduce_max3A_1622 : f32 to vector<16xf32>
      %sub3A_2162 = arith.subf %get3A_2160, %sub3A_2161 : vector<16xf32>
      %mul3A_2163 = arith.mulf %sub3A_2162, %div3A_2062 : vector<16xf32>
      %exp3A_2164 = math.exp %mul3A_2163 : vector<16xf32>
      %add3A_2165 = arith.addf %add3A_2129, %exp3A_2164 : vector<16xf32>
      %add3A_2166 = arith.constant 80 : i32
      %add3A_2167 = arith.addi %multiple_of3A, %add3A_2166 : i32
      %get3A_2168 = arith.index_cast %add3A_2167 : i32 to index
      %get3A_2169 = tpu.vector_load %arg6[%get3A_2168] {strides = array<i32>} : memref<100000xf32, #tpu.memory_space<vmem>>, vector<16xf32>,
      %sub3A_2170 = vector.broadcast %reduce_max3A_1622 : f32 to vector<16xf32>
      %sub3A_2171 = arith.subf %get3A_2169, %sub3A_2170 : vector<16xf32>
      %mul3A_2172 = arith.mulf %sub3A_2171, %div3A_2062 : vector<16xf32>
      %exp3A_2173 = math.exp %mul3A_2172 : vector<16xf32>
      %add3A_2174 = arith.addf %add3A_2138, %exp3A_2173 : vector<16xf32>
      %add3A_2175 = arith.constant 96 : i32
      %add3A_2176 = arith.addi %multiple_of3A, %add3A_2175 : i32
      %get3A_2177 = arith.index_cast %add3A_2176 : i32 to index
      %get3A_2178 = tpu.vector_load %arg6[%get3A_2177] {strides = array<i32>} : memref<100000xf32, #tpu.memory_space<vmem>>, vector<16xf32>,
      %sub3A_2179 = vector.broadcast %reduce_max3A_1622 : f32 to vector<16xf32>
      %sub3A_2180 = arith.subf %get3A_2178, %sub3A_2179 : vector<16xf32>
      %mul3A_2181 = arith.mulf %sub3A_2180, %div3A_2062 : vector<16xf32>
      %exp3A_2182 = math.exp %mul3A_2181 : vector<16xf32>
      %add3A_2183 = arith.addf %add3A_2147, %exp3A_2182 : vector<16xf32>
      %add3A_2184 = arith.constant 112 : i32
      %add3A_2185 = arith.addi %multiple_of3A, %add3A_2184 : i32
      %get3A_2186 = arith.index_cast %add3A_2185 : i32 to index
      %get3A_2187 = tpu.vector_load %arg6[%get3A_2186] {strides = array<i32>} : memref<100000xf32, #tpu.memory_space<vmem>>, vector<16xf32>,
      %sub3A_2188 = vector.broadcast %reduce_max3A_1622 : f32 to vector<16xf32>
      %sub3A_2189 = arith.subf %get3A_2187, %sub3A_2188 : vector<16xf32>
      %mul3A_2190 = arith.mulf %sub3A_2189, %div3A_2062 : vector<16xf32>
      %exp3A_2191 = math.exp %mul3A_2190 : vector<16xf32>
      %add3A_2192 = arith.addf %add3A_2156, %exp3A_2191 : vector<16xf32>
      %add3A_2193 = arith.constant 128 : i32
      %add3A_2194 = arith.addi %multiple_of3A, %add3A_2193 : i32
      %get3A_2195 = arith.index_cast %add3A_2194 : i32 to index
      %get3A_2196 = tpu.vector_load %arg6[%get3A_2195] {strides = array<i32>} : memref<100000xf32, #tpu.memory_space<vmem>>, vector<16xf32>,
      %sub3A_2197 = vector.broadcast %reduce_max3A_1622 : f32 to vector<16xf32>
      %sub3A_2198 = arith.subf %get3A_2196, %sub3A_2197 : vector<16xf32>
      %mul3A_2199 = arith.mulf %sub3A_2198, %div3A_2062 : vector<16xf32>
      %exp3A_2200 = math.exp %mul3A_2199 : vector<16xf32>
      %add3A_2201 = arith.addf %add3A_2165, %exp3A_2200 : vector<16xf32>
      %add3A_2202 = arith.constant 144 : i32
      %add3A_2203 = arith.addi %multiple_of3A, %add3A_2202 : i32
      %get3A_2204 = arith.index_cast %add3A_2203 : i32 to index
      %get3A_2205 = tpu.vector_load %arg6[%get3A_2204] {strides = array<i32>} : memref<100000xf32, #tpu.memory_space<vmem>>, vector<16xf32>,
      %sub3A_2206 = vector.broadcast %reduce_max3A_1622 : f32 to vector<16xf32>
      %sub3A_2207 = arith.subf %get3A_2205, %sub3A_2206 : vector<16xf32>
      %mul3A_2208 = arith.mulf %sub3A_2207, %div3A_2062 : vector<16xf32>
      %exp3A_2209 = math.exp %mul3A_2208 : vector<16xf32>
      %add3A_2210 = arith.addf %add3A_2174, %exp3A_2209 : vector<16xf32>
      scf.yield %add3A_2201, %add3A_2210, %add3A_2183, %add3A_2192 : vector<16xf32>, vector<16xf32>, vector<16xf32>, vector<16xf32>
    }
    %scan3A_2097 = arith.constant 625 : i32
    %add3A_2098 = arith.addf %scan3A_2096#0, %scan3A_2096#1 : vector<16xf32>
    %add3A_2099 = arith.addf %scan3A_2096#2, %scan3A_2096#3 : vector<16xf32>
    %add3A_2100 = arith.addf %add3A_2098, %add3A_2099 : vector<16xf32>
    %reduce_sum3A_2101 = arith.constant true
    %reduce_sum3A_2102 = vector.broadcast %reduce_sum3A_2101 : i1 to vector<16xi1>
    %reduce_sum3A_2103 = tpu.scan <sum>, %add3A_2100 masked %reduce_sum3A_2102 : vector<16xf32>, vector<16xi1> -> vector<16xf32>
    %reduce_sum3A_2104 = vector.extract %reduce_sum3A_2103[15] : f32 from vector<16xf32>
    %eq3A_2105 = arith.constant 0 : i32
    %eq3A_2106 = vector.broadcast %eq3A_2105 : i32 to vector<16xi32>
    %eq3A_2107 = arith.cmpi eq, %iota3A, %eq3A_2106 : vector<16xi32>
    %div3A_2108 = vector.broadcast %reduce_sum3A_2104 : f32 to vector<16xf32>
    %div3A_2109 = arith.divf %exp3A_2089, %div3A_2108 : vector<16xf32>
    %jit3A_2110 = arith.constant 0.000000e+00 : f32
    %broadcast_in_dim3A_2111 = vector.broadcast %jit3A_2110 : f32 to vector<16xf32>
    %select_n3A_2112 = arith.select %eq3A_2107, %div3A_2109, %broadcast_in_dim3A_2111 : vector<16xi1>, vector<16xf32>
    %swap3A_2113 = arith.constant 0 : index
    %swap3A_2114 = tpu.vector_load %arg8[%swap3A_2113] {strides = array<i32>} : memref<16xf32, #tpu.memory_space<vmem>>, vector<16xf32>,
    tpu.vector_store %arg8[%swap3A_2113], %select_n3A_2112 {strides = array<i32>} : memref<16xf32, #tpu.memory_space<vmem>>, vector<16xf32>,
    "tpu.region"() ({
      %run_scoped3A = tpu.sem_alloc : memref<!tpu.dma_semaphore, #tpu.memory_space<semaphore_mem>>
      %dma_start3A = arith.constant 0 : i32
      %dma_start3A_2115 = tpu.memref_slice %arg5[%add3A_1590, %dma_start3A] : memref<128x16xf32, #tpu.memory_space<hbm>> -> memref<1x16xf32, #tpu.memory_space<hbm>>
      %dma_start3A_2116 = tpu.memref_squeeze %dma_start3A_2115 : memref<1x16xf32, #tpu.memory_space<hbm>> -> memref<16xf32, #tpu.memory_space<hbm>>
      %dma_start3A_2117 = arith.constant 0 : i32
      %dma_start3A_2118 = tpu.memref_slice %arg5[%add3A_1590, %dma_start3A_2117] : memref<128x16xf32, #tpu.memory_space<hbm>> -> memref<1x16xf32, #tpu.memory_space<hbm>>
      %dma_start3A_2119 = tpu.memref_squeeze %dma_start3A_2118 : memref<1x16xf32, #tpu.memory_space<hbm>> -> memref<16xf32, #tpu.memory_space<hbm>>
      tpu.enqueue_dma source(%arg8 : memref<16xf32, #tpu.memory_space<vmem>>) target(%dma_start3A_2119 : memref<16xf32, #tpu.memory_space<hbm>>) target_semaphore(%run_scoped3A : memref<!tpu.dma_semaphore, #tpu.memory_space<semaphore_mem>>)
      %dma_wait3A = arith.constant 0 : i32
      %dma_wait3A_2120 = tpu.memref_slice %arg5[%add3A_1590, %dma_wait3A] : memref<128x16xf32, #tpu.memory_space<hbm>> -> memref<1x16xf32, #tpu.memory_space<hbm>>
      %dma_wait3A_2121 = tpu.memref_squeeze %dma_wait3A_2120 : memref<1x16xf32, #tpu.memory_space<hbm>> -> memref<16xf32, #tpu.memory_space<hbm>>
      %dma_wait3A_2122 = arith.constant 0 : i32
      %dma_wait3A_2123 = tpu.memref_slice %arg5[%add3A_1590, %dma_wait3A_2122] : memref<128x16xf32, #tpu.memory_space<hbm>> -> memref<1x16xf32, #tpu.memory_space<hbm>>
      %dma_wait3A_2124 = tpu.memref_squeeze %dma_wait3A_2123 : memref<1x16xf32, #tpu.memory_space<hbm>> -> memref<16xf32, #tpu.memory_space<hbm>>
      tpu.wait_dma2 semaphore(%run_scoped3A : memref<!tpu.dma_semaphore, #tpu.memory_space<semaphore_mem>>) src(%arg8 : memref<16xf32, #tpu.memory_space<vmem>>) dst(%dma_wait3A_2124 : memref<16xf32, #tpu.memory_space<hbm>>)
      tpu.yield
    }) : () -> ()
    return
  }
}

</mosaic_0001>

<sc_bundles>
// kernel: kernel.3.cloned.1.call-start
scs
__scs_entry_jumppad:
0x0: {  	(pc) =	sbr.rel $0x88, $3  }
0x1: {  	(tag) =	ssettag $0x0;
	lr =	simm.s32 $0x1  }
0x2: {  	[smem:$0x3F99] =	sst lr;
	_ =	strace $0xD0000000  }
0x3: {  	_ = 	snop  }
0x4: {  	_ = 	snop  }
0x5: {  	_ = 	snop  }
0x6: {  	_ = 	snop  }
0x7: {  	_ = 	snop  }
__scs_overlays_trampoline_lowered:
0x8: {  	[smem:$0x3FA8] =	sst s0  }
0x9: {  	[smem:$0x3FA9] =	sst s1  }
0xa: {  	[smem:$0x3FAA] =	sst s2  }
0xb: {  	[smem:$0x3FAB] =	sst s3  }
0xc: {  	[smem:$0x3FAC] =	sst s4  }
0xd: {  	[smem:$0x3FAD] =	sst s5  }
0xe: {  	[smem:$0x3FAE] =	sst s6  }
0xf: {  	[smem:$0x3FAF] =	sst s7  }
0x10: {  	[smem:$0x3FB0] =	sst s8  }
0x11: {  	[smem:$0x3FB1] =	sst s9;
	s0 =	simm.s32 @!p0 $0x0  }
0x12: {  	s1 =	sld [smem:$0x3F97];
	s0 =	simm.s32 @p0 $0x1  }
0x13: {  	[smem:$0x3FB2] =	sst s0;
	s0 =	simm.s32 @!p1 $0x0  }
0x14: {  	s2 =	sld [smem:$0x3F96];
	s0 =	simm.s32 @p1 $0x1  }
0x15: {  	[smem:$0x3FB3] =	sst s0;
	s0 =	simm.s32 @!p2 $0x0  }
0x16: {  	s3 =	sld [smem:$0x3FDB];
	s0 =	simm.s32 @p2 $0x1  }
0x17: {  	s4 =	simm.s32 $0x1BF5;
	[smem:$0x3FB5] =	sst s0  }
0x18: {  	s0 =	sld [smem:$0x3F98];
	_ =	swait.ge [sflag:s4], $0x0  }
0x19: {  	s7 =	sld [smem:$0x3F99]  }
0x1a: {  	s8 =	sadd.s32 $0xFFFFE003, lr  }
0x1b: {  	s9 =	sadd.s32 $0xFFFFFEF7, lr;
	s5 =	simm.s32 $0xFFFFFFFF;
	p2 =	slt.u32 s8, $0xFFFFF086  }
0x1c: {  	p1 =	slt.u32 s9, $0xF7A;
	s5 =	simm.s32 @!p2 $0x0  }
0x1d: {  	s5 =	simm.s32 @p1 $0x1;
	p0 =	seq.s32 s7, s2  }
0x1e: {  	s7 =	smul.u32 @!p0 $0xF7A, s2;
	p2 =	seq.s32 @!p0 s5, $0x0  }
0x1f: {  	s9 =	smul.u32 $0xF7A, s1;
	s8 =	simm.s32 @!p0 $0x1BF5;
	p2 =	por !p2, p0  }
0x20: {  	[sflag:s8] =	ssyncset.s32 @!p0 $0xFFFFF086;
	s6 =	sadd.s32 @!p0 s3, s7;
	s7 =	simm.s32 @!p0 $0x108  }
0x21: {  	s3 =	sadd.s32 s3, s9;
	s6 =	sadd.s32 @!p0 $0x88, s6;
	s7 =	simm.s32 @p2 $0x1082  }
0x22: {  	[simem:s7], [sflag:s8] =	dma.local @!p0 [hbm:s6], $0xF7A  }
0x23: {  	s9 =	sor.u32 $0xD0000000, s2;
	s6 =	simm.s32 $0x108;
	_ =	swait.ge @!p0 [sflag:s8], $0x0  }
0x24: {  	s3 =	sadd.s32 $0x88, s3;
	s6 =	simm.s32 @!p1 $0x1082;
	[sflag:s4] =	ssyncset.s32 $0xFFFFF086  }
0x25: {  	[simem:s6], [sflag:s4] =	dma.local [hbm:s3], $0xF7A  }
0x26: {  	[smem:$0x3F99] =	sst s1;
	(tag) =	ssettag s2;
	_ =	strace s9  }
0x27: {  	s1 =	sld [smem:$0x3FA9]  }
0x28: {  	s2 =	sld [smem:$0x3FAA]  }
0x29: {  	s4 =	sld [smem:$0x3FAC]  }
0x2a: {  	p0 =	seq.s32 s5, $0x0;
	s5 =	sld [smem:$0x3FAD]  }
0x2b: {  	s6 =	sld [smem:$0x3FAE]  }
0x2c: {  	s7 =	sld [smem:$0x3FAF]  }
0x2d: {  	s3 =	simm.s32 $0x108;
	s8 =	sld [smem:$0x3FB0]  }
0x2e: {  	s3 =	simm.s32 @!p0 $0x1082;
	s9 =	sld [smem:$0x3FB1]  }
0x2f: {  	lr =	sadd.s32 s0, s3;
	s0 =	sld [smem:$0x3FA8]  }
0x30: {  	s3 =	sld [smem:$0x3FAB]  }
0x31: {  	[smem:$0x3FB4] =	sst s10  }
0x32: {  	s10 =	sld [smem:$0x3FB2];
	_ =	sdelay $0x3  }
0x33: {  	p0 =	seq.s32 s10, $0x1;
	s10 =	sld [smem:$0x3FB4];
	_ =	sdelay $0x3  }
0x34: {  	[smem:$0x3FB4] =	sst s10  }
0x35: {  	s10 =	sld [smem:$0x3FB3];
	_ =	sdelay $0x3  }
0x36: {  	p1 =	seq.s32 s10, $0x1;
	s10 =	sld [smem:$0x3FB4];
	_ =	sdelay $0x3  }
0x37: {  	[smem:$0x3FB4] =	sst s10  }
0x38: {  	s10 =	sld [smem:$0x3FB5]  }
0x39: {  	_ = 	snop;
	(pc) =	sbr.ind lr, $3  }
0x3a: {  	_ = 	snop  }
0x3b: {  	_ = 	snop  }
0x3c: {  	p2 =	seq.s32 s10, $0x1;
	s10 =	sld [smem:$0x3FB4]  }
0x3d: {  	_ =	shalt  }
0x3e: {  	_ =	shalt  }
0x3f: {  	_ =	shalt  }
0x40: {  	_ =	shalt  }
0x41: {  	_ =	shalt  }
0x42: {  	_ =	shalt  }
0x43: {  	_ =	shalt  }
0x44: {  	_ =	shalt  }
0x45: {  	_ =	shalt  }
0x46: {  	_ =	shalt  }
0x47: {  	_ =	shalt  }
0x48: {  	_ =	shalt  }
0x49: {  	_ =	shalt  }
0x4a: {  	_ =	shalt  }
0x4b: {  	_ =	shalt  }
0x4c: {  	_ =	shalt  }
0x4d: {  	_ =	shalt  }
0x4e: {  	_ =	shalt  }
0x4f: {  	_ =	shalt  }
0x50: {  	_ =	shalt  }
0x51: {  	_ =	shalt  }
0x52: {  	_ =	shalt  }
0x53: {  	_ =	shalt  }
0x54: {  	_ =	shalt  }
0x55: {  	_ =	shalt  }
0x56: {  	_ =	shalt  }
0x57: {  	_ =	shalt  }
0x58: {  	_ =	shalt  }
0x59: {  	_ =	shalt  }
0x5a: {  	_ =	shalt  }
0x5b: {  	_ =	shalt  }
0x5c: {  	_ =	shalt  }
0x5d: {  	_ =	shalt  }
0x5e: {  	_ =	shalt  }
0x5f: {  	_ =	shalt  }
0x60: {  	_ =	shalt  }
0x61: {  	_ =	shalt  }
0x62: {  	_ =	shalt  }
0x63: {  	_ =	shalt  }
0x64: {  	_ =	shalt  }
0x65: {  	_ =	shalt  }
0x66: {  	_ =	shalt  }
0x67: {  	_ =	shalt  }
0x68: {  	_ =	shalt  }
0x69: {  	_ =	shalt  }
0x6a: {  	_ =	shalt  }
0x6b: {  	_ =	shalt  }
0x6c: {  	_ =	shalt  }
0x6d: {  	_ =	shalt  }
0x6e: {  	_ =	shalt  }
0x6f: {  	_ =	shalt  }
0x70: {  	_ =	shalt  }
0x71: {  	_ =	shalt  }
0x72: {  	_ =	shalt  }
0x73: {  	_ =	shalt  }
0x74: {  	_ =	shalt  }
0x75: {  	_ =	shalt  }
0x76: {  	_ =	shalt  }
0x77: {  	_ =	shalt  }
0x78: {  	_ =	shalt  }
0x79: {  	_ =	shalt  }
0x7a: {  	_ =	shalt  }
0x7b: {  	_ =	shalt  }
0x7c: {  	_ =	shalt  }
0x7d: {  	_ =	shalt  }
0x7e: {  	_ =	shalt  }
0x7f: {  	_ =	shalt  }
0x80: {  	_ =	shalt  }
0x81: {  	_ =	shalt  }
0x82: {  	_ =	shalt  }
0x83: {  	_ =	shalt  }
0x84: {  	_ =	shalt  }
0x85: {  	_ =	shalt  }
0x86: {  	_ =	shalt  }
0x87: {  	_ =	shalt  }
.Lfunc_end0:
.L_simem_size_0:
called_computation_lowered:
.L_overlay_start_0:
0x88: {  	s2 =	sld [smem:$0x3FD9]  }
0x89: {  	s3 =	sld [smem:$0x3FFE];
	_ =	sdelay $0x1  }
0x8a: {  	s1 =	srdreg.scid  }
0x8b: {  	s0 =	sand.u32 $0x1, s1  }
0x8c: {  	s17 =	sshll.u32 s0, $0xA;
	s2 =	sadd.s32 s3, s2  }
0x8d: {  	s2 =	sadd.s32 s2, s17  }
0x8e: {  	[smem:$0x3FC0] =	sst s2  }
0x8f: {  	_ = 	snop  }
0x90: {  	s2 =	sld [smem:$0x3FC8]  }
0x91: {  	s18 =	sld [smem:$0x3FD0];
	(tm) =	ssettm $0x1  }
0x92: {  	s4 =	sld [smem:$0x3FFB];
	_ =	sdelay $0x3  }
0x93: {  	_ =	strace s4  }
0x94: {  	s4 =	sld [smem:$0x3FFC];
	_ =	sdelay $0x3  }
0x95: {  	_ =	strace s4  }
0x96: {  	s4 =	sld [smem:$0x3FFD];
	_ =	sdelay $0x3  }
0x97: {  	_ =	strace s4  }
0x98: {  	_ =	strace $0x8FFFFFFF  }
0x99: {  	s19 =	sld [smem:$0x3FDB];
	_ =	sdelay $0x1  }
0x9a: {  	s5 =	simm.s32 $_scs_section_size  }
0x9b: {  	s6 =	simm.s32 $_size__tile_overlayer_lowered;
	s7 =	simm.s32 $_tile_overlayer_lowered  }
0x9c: {  	s22 =	simm.s32 $0x1BFF;
	s21 =	sshll.u32 s7, $0x1;
	s4 =	sadd.s32 s5, s19  }
0x9d: {  	s8 =	simm.s32 $0x0;
	s20 =	sshll.u32 s6, $0x1;
	s6 =	sadd.s32 s21, s4  }
0x9e: {  	[timem:s8], [sflag:s22] =	dma.local [hbm:s6], s20  }
0x9f: {  	_ =	swait.ge [sflag:s22], s20  }
0xa0: {  	s5 =	ssub.s32 $0x0, s20;
	[sflag:s22] =	ssyncset.done $0x0  }
0xa1: {  	[sflag:s22] =	ssyncadd.s32 s5;
	_ =	sdelay $0x1  }
0xa2: {  	s23 =	simm.s32 $0x1B8B  }
0xa3: {  	_ =	swait.ge [sflag:s23], $0x1  }
0xa4: {  	[sflag:s23] =	ssyncset.done $0x0  }
0xa5: {  	s25 =	simm.s32 $0x1B8E;
	s24 =	sld [smem:$0x3FFE];
	[sflag:s23] =	ssyncadd.s32 $0xFFFFFFFF  }
0xa6: {  	s26 =	simm.s32 $execute0_lowered;
	[smem:$0x3FD2] =	sst s25  }
0xa7: {  	s6 =	sshll.u32 s26, $0x1;
	_ =	strace $0x80000046;
	[dreg:$0x1] =	wrdreg $0xFFFFFFFF  }
0xa8: {  	s28 =	simm.s32 $_size_execute0_lowered;
	s4 =	sadd.s32 s4, s6;
	[dreg:$0x0] =	wrdreg $0x0  }
0xa9: {  	s6 =	sshll.u32 s28, $0x1;
	[dreg:$0x2] =	wrdreg s4  }
0xaa: {  	[dreg:$0x3] =	wrdreg s6  }
0xab: {  	[dreg:$0x4] =	wrdreg $0xC0  }
0xac: {  	_ =	task [dreg:s8], $0x5FFFF  }
0xad: {  	[dreg:$0x1] =	wrdreg $0xFFFFFFFF  }
0xae: {  	[dreg:$0x0] =	wrdreg $0x60  }
0xaf: {  	[dreg:$0x2] =	wrdreg s24  }
0xb0: {  	[dreg:$0x3] =	wrdreg s2  }
0xb1: {  	[dreg:$0x4] =	wrdreg s18  }
0xb2: {  	[dreg:$0x5] =	wrdreg $0x9  }
0xb3: {  	_ =	task.clear_ibuf [dreg:s8], $0x6FFFF;
	_ =	strace $0x90000046  }
0xb4: {  	s29 =	simm.s32 $0x9;
	_ =	strace $0x80000048  }
0xb5: {  	_ =	swait.ge [sflag:s29], $0x1  }
0xb6: {  	[sflag:s29] =	ssyncadd.s32 $0xFFFFFFFF  }
0xb7: {  	_ =	strace $0x90000048  }
0xb8: {  	_ =	sfence  }
0xb9: {  	s30 =	sld [smem:$0x0];
	_ =	sdelay $0x2  }
0xba: {  	s31 =	sshll.u32 s1, $0xD;
	s1 =	sshrl.u32 s1, $0x2  }
0xbb: {  	s3 =	sand.u32 $0x4000, s31;
	s1 =	sadd.s32 s1, s30  }
0xbc: {  	s0 =	sor.u32 s3, s0;
	s1 =	sshll.u32 s1, $0x11  }
0xbd: {  	s0 =	sor.u32 s1, s0  }
0xbe: {  	s0 =	sadd.s32 $0x8F2B, s0  }
0xbf: {  	[sflag:s0] =	ssyncadd.remote.s32 $0x1  }
0xc0: {  	_ =	sfence.sel $0xFFFF  }
0xc1: {  	[dreg:$0x0] =	wrdreg $0xFFFFFFFF;
	(pc) =	sbr.abs _section_cstart, $3  }
0xc2: {  	[dreg:$0x1] =	wrdreg $0xFFFFFFFF  }
0xc3: {  	_ =	task.clear_ibuf [dreg:s8], $0x2FFFF;
	_ =	strace $0x9FFFFFFF  }
0xc4: {  	(tm) =	ssettm $0x7FFFFFFF  }
0xc5: {  	_ =	shalt  }
tec
execute0_lowered:
.L_overlay_start_1:
0x0: {  	(tag) =	ssettag $0x1  }
0x1: {  	v0 =	vlaneseq.u32;
	v7 =	vimm.s32 $0x1E140A28;
	v8 =	vimm.s32 $0x1F150B01  }
0x2: {  	vm0 =	vmmov $0x1;
	vm1 =	vcmask $0x1304;
	vm11 =	vcmask $0xF00  }
0x3: {  	v9 =	vimm.s32 $0x20160C02;
	vm12 =	vcmask $0x1310;
	v10 =	vimm.s32 $0x21170D03  }
0x4: {  	vm2 =	vcmask $0x70C;
	v11 =	vimm.s32 $0x22180E04;
	vm3 =	vcmask $0xB10  }
0x5: {  	v12 =	vimm.s32 $0x23190F05;
	v13 =	vimm.s32 $0x241A1006;
	vm4 =	vcmask $0xF14  }
0x6: {  	vm5 =	vcmask $0x1318;
	v14 =	vimm.s32 $0x251B1107;
	vm6 =	vcmask $0x171C  }
0x7: {  	v15 =	vimm.s32 $0x261C1208;
	v16 =	vimm.s32 $0x271D1309;
	vm7 =	vcmask $0x1B20  }
0x8: {  	vm8 =	vcmask $0x1F24;
	v17 =	vimm.s32 $0x46413C37;
	vm9 =	vcmask $0x2328  }
0x9: {  	s0 =	stileid.u32;
	s5 =	rddreg [dreg:$0x0];
	v18 =	vimm.s32 $0x47423D38;
	vm10 =	vmmov $0x1f;
	v21 =	vimm.s32 $0x49443F3A  }
0xa: {  	s1 =	srdreg.scid;
	s6 =	rddreg [dreg:$0x1];
	v22 =	vimm.s32 $0x4A45403B;
	v23 =	vimm.s32 $0x58575655;
	s18 =	simm.s32 $0x400;
	v5 =	vmul.u32 $0xFFFFFFFF, v0  }
0xb: {  	s19 =	simm.s32 $0x18780;
	s2 =	sshll.u32 s0, $0x1;
	s4 =	sand.u32 $0x1, s1;
	v6 =	vadd.s32 $0x32, v0;
	v7 =	vunpack.c.0.s8.s32 v7;
	v8 =	vunpack.c.0.s8.s32 v8  }
0xc: {  	v9 =	vunpack.c.0.s8.s32 v9;
	v10 =	vunpack.c.0.s8.s32 v10;
	v11 =	vunpack.c.0.s8.s32 v11;
	s12 =	sadd.s32 $0x187600, s5;
	s11 =	sadd.s32 $0x600, s5;
	s10 =	smul.u32 $0xC3800, s0  }
0xd: {  	v12 =	vunpack.c.0.s8.s32 v12;
	v13 =	vunpack.c.0.s8.s32 v13;
	v14 =	vunpack.c.0.s8.s32 v14;
	s22 =	sand.u32 $0xE, s0;
	s14 =	sshll.u32 s0, $0xA;
	s20 =	sand.u32 $0x2, s2  }
0xe: {  	v15 =	vunpack.c.0.s8.s32 v15;
	v16 =	vunpack.c.0.s8.s32 v16;
	v17 =	vunpack.c.0.s8.s32 v17;
	s7 =	ssub.s32 $0x2, s4;
	s9 =	sshll.u32 s4, $0x9;
	s1 =	sor.u32 s4, s20  }
0xf: {  	v20 =	vunpack.c.0.s8.s32 v18;
	v21 =	vunpack.c.0.s8.s32 v21;
	v22 =	vunpack.c.0.s8.s32 v22;
	s8 =	sshrl.u32 s7, $0x1;
	s4 =	sadd.s32 s6, s22;
	s23 =	sor.u32 s9, s10  }
0x10: {  	v23 =	vunpack.c.0.s8.s32 v23;
	v5 =	vadd.s32 $0xF, v5;
	v7 =	vnsel vm1, $0x0, v7;
	s24 =	sor.u32 s9, s14;
	s25 =	sor.u32 $0x80, s9;
	s16 =	sor.u32 $0x100, s9  }
0x11: {  	v8 =	vnsel vm11, $0x0, v8;
	vm1 =	vcmask $0x308;
	v9 =	vnsel vm11, $0x0, v9;
	s17 =	sor.u32 $0x180, s9;
	s20 =	simm.s32 $0x0;
	s21 =	sshll.u32 s1, $0x2  }
0x12: {  	v10 =	vnsel vm11, $0x0, v10;
	v11 =	vnsel vm11, $0x0, v11;
	v12 =	vnsel vm11, $0x0, v12;
	s1 =	sshllo.u32 s1, $0x2;
	s13 =	ssub.s32 s7, s8;
	s5 =	sshrl.u32 s23, $0x3  }
0x13: {  	v13 =	vnsel vm11, $0x0, v13;
	v14 =	vnsel vm11, $0x0, v14;
	v15 =	vnsel vm11, $0x0, v15;
	s6 =	sshrl.u32 s24, $0x3;
	s26 =	sor.u32 s10, s25;
	s15 =	sor.u32 s14, s25  }
0x14: {  	v16 =	vnsel vm11, $0x0, v16;
	v19 =	vnsel vm11, $0x0, v17;
	v17 =	vor.u32 $0x50, v0;
	s29 =	sor.u32 s10, s16;
	s30 =	sor.u32 s14, s16;
	s10 =	sor.u32 s10, s17  }
0x15: {  	v20 =	vnsel vm11, $0x0, v20;
	v21 =	vnsel vm11, $0x0, v21;
	v22 =	vnsel vm11, $0x0, v22;
	s14 =	sor.u32 s14, s17;
	s16 =	simm.s32 $0x18800;
	s17 =	simm.s32 $0x80  }
0x16: {  	v23 =	vnsel vm11, $0x0, v23;
	v8 =	vsel vm12, $0x29, v8;
	s3 =	sor.u32 $0x1, s21;
	s2 =	sor.u32 $0x2, s21;
	v4 =	vmov s1;
	s1 =	rddreg [dreg:$0x3]  }
0x17: {  	v9 =	vsel vm12, $0x2A, v9;
	v10 =	vsel vm12, $0x2B, v10;
	v11 =	vsel vm12, $0x2C, v11;
	s5 =	sadd.s32 s11, s5;
	s6 =	sadd.s32 s12, s6;
	s8 =	sshrl.u32 s26, $0x3  }
0x18: {  	v12 =	vsel vm12, $0x2D, v12;
	v13 =	vsel vm12, $0x2E, v13;
	v14 =	vsel vm12, $0x2F, v14;
	s28 =	sshrl.u32 s15, $0x3;
	s15 =	sshrl.u32 s29, $0x3;
	s31 =	sshrl.u32 s10, $0x3  }
0x19: {  	v18 =	vsel vm12, $0x4B, v19;
	v19 =	vimm.s32 $0x48433E39;
	s14 =	sshrl.u32 s14, $0x3;
	s13 =	smax.u32 s13, $0x1;
	v3 =	vmov s2;
	s2 =	rddreg [dreg:$0x2]  }
0x1a: {  	v15 =	vsel vm12, $0x30, v15;
	v19 =	vunpack.c.0.s8.s32 v19;
	v2 =	vmov s3;
	s3 =	simm.s32 $0x0;
	s7 =	sadd.s32 s11, s8;
	s8 =	sadd.s32 s12, s28  }
0x1b: {  	v16 =	vsel vm12, $0x31, v16;
	v21 =	vsel vm12, $0x4E, v21;
	v22 =	vsel vm12, $0x4F, v22;
	s9 =	sadd.s32 s11, s15;
	s15 =	sshrl.u32 s30, $0x3;
	s11 =	sadd.s32 s11, s31  }
0x1c: {  	v23 =	vsel vm12, $0x59, v23;
	v1 =	vmov s21;
	[smem:$0x7FF] =	sst s3;
	s10 =	sadd.s32 s12, s15;
	v24 =	vnsel vm11, $0x0, v19;
	s12 =	sadd.s32 s12, s14  }
0x1d: {  	s14 =	simm.s32 $0x18700;
	v19 =	vsel vm12, $0x4C, v20;
	s15 =	simm.s32 $0x1;
	_ =	strace $0x80000047;
	v20 =	vsel vm12, $0x4D, v24;
	v24 =	vimm.s32 $0x5A  }
.LBB2_1:
0x1e: {  	[tilespmem:s14], [sflag:$0x1] =	stream.linear.gather [hbm4b:s4+s3], $0x10, $0x38;
	[tilespmem:$0x18880] =	vst v63  }
0x1f: {  	_ =	swait.ge [sflag:s15], $0x10  }
0x20: {  	[sflag:s15] =	ssyncset.done $0x0  }
0x21: {  	[sflag:s15] =	ssyncadd.s32 $0xFFFFFFF0  }
0x22: {  	[tilespmem:s16], [sflag:$0x1] =	stream.linear.gather [hbm4b:s2+s3], $0x80, $0x38;
	[tilespmem:$0x18880] =	vst v63  }
0x23: {  	_ =	swait.ge [sflag:s15], $0x80  }
0x24: {  	[sflag:s15] =	ssyncset.done $0x0  }
0x25: {  	[sflag:s15] =	ssyncadd.s32 $0xFFFFFF80  }
0x26: {  	[tilespmem:s3], [sflag:$0x1] =	stream.strided.gather [hbm4b:s5+s17], $0x18700, s18, s17, $0x38;
	[tilespmem:$0x18880] =	vst v63  }
0x27: {  	_ =	swait.ge [sflag:s15], $0x18700  }
0x28: {  	[sflag:s15] =	ssyncset.done $0x0  }
0x29: {  	s21 =	simm.s32 $0x190;
	[sflag:s15] =	ssyncadd.s32 $0xFFFE7900  }
0x2a: {  	v25 =	vld [tilespmem:s21+$0xFFFFFE70]  }
0x2b: {  	v26 =	vld [tilespmem:s21+$0xFFFFFE80]  }
0x2c: {  	v27 =	vld [tilespmem:s21+$0xFFFFFE90]  }
0x2d: {  	v28 =	vld [tilespmem:s21+$0xFFFFFEA0]  }
0x2e: {  	v29 =	vld [tilespmem:s21+$0xFFFFFEB0]  }
0x2f: {  	v30 =	vld [tilespmem:s21+$0xFFFFFEC0]  }
0x30: {  	v31 =	vld [tilespmem:s21+$0xFFFFFED0]  }
0x31: {  	s22 =	sand.u32 $0x1FFE0, s3;
	v32 =	vld [tilespmem:s21+$0xFFFFFEE0]  }
0x32: {  	v33 =	vld [tilespmem:s22+$0x80]  }
0x33: {  	v34 =	vld [tilespmem:s21+$0xFFFFFF00]  }
0x34: {  	v35 =	vld [tilespmem:s21+$0xFFFFFF10]  }
0x35: {  	v36 =	vld [tilespmem:s21+$0xFFFFFF20]  }
0x36: {  	v37 =	vld [tilespmem:s21+$0xFFFFFF30]  }
0x37: {  	v38 =	vld [tilespmem:s21+$0xFFFFFF40]  }
0x38: {  	v39 =	vld [tilespmem:s21+$0xFFFFFF50]  }
0x39: {  	v40 =	vld [tilespmem:s21+$0xFFFFFF60]  }
0x3a: {  	v41 =	vld [tilespmem:s22+$0x100]  }
0x3b: {  	v42 =	vld [tilespmem:s21+$0xFFFFFF80]  }
0x3c: {  	v43 =	vld [tilespmem:s21+$0xFFFFFF90]  }
0x3d: {  	v44 =	vld [tilespmem:s21+$0xFFFFFFA0]  }
0x3e: {  	v45 =	vld [tilespmem:s21+$0xFFFFFFB0]  }
0x3f: {  	v48 =	vld [tilespmem:s21+$0x20];
	v25 =	vmax.f32 v25, v26  }
0x40: {  	v49 =	vld [tilespmem:s21+$0x30];
	v25 =	vmax.f32 v25, v27  }
0x41: {  	v50 =	vld [tilespmem:s21+$0x40];
	v25 =	vmax.f32 v25, v28  }
0x42: {  	v51 =	vld [tilespmem:s21+$0x50];
	v25 =	vmax.f32 v25, v29  }
0x43: {  	v52 =	vld [tilespmem:s21+$0x60];
	v25 =	vmax.f32 v25, v30  }
0x44: {  	v53 =	vld [tilespmem:s22+$0x200];
	v25 =	vmax.f32 v25, v31  }
0x45: {  	v54 =	vld [tilespmem:s21+$0x80];
	v25 =	vmax.f32 v25, v32  }
0x46: {  	v55 =	vld [tilespmem:s21+$0x90];
	v25 =	vmax.f32 v25, v33  }
0x47: {  	v56 =	vld [tilespmem:s21+$0xA0];
	v25 =	vmax.f32 v25, v34  }
0x48: {  	v57 =	vld [tilespmem:s21+$0xB0];
	v25 =	vmax.f32 v25, v35  }
0x49: {  	v58 =	vld [tilespmem:s21+$0xC0];
	v25 =	vmax.f32 v25, v36  }
0x4a: {  	v59 =	vld [tilespmem:s21+$0xD0];
	v25 =	vmax.f32 v25, v37  }
0x4b: {  	v60 =	vld [tilespmem:s21+$0xE0];
	v25 =	vmax.f32 v25, v38  }
0x4c: {  	v61 =	vld [tilespmem:s22+$0x280];
	v25 =	vmax.f32 v25, v39  }
0x4d: {  	v62 =	vld [tilespmem:s21+$0x160];
	v25 =	vmax.f32 v25, v40  }
0x4e: {  	v26 =	vld [tilespmem:s21+$0xFFFFFFC0];
	v25 =	vmax.f32 v25, v41  }
0x4f: {  	v27 =	vld [tilespmem:s21+$0xFFFFFFD0];
	v25 =	vmax.f32 v25, v42  }
0x50: {  	v28 =	vld [tilespmem:s21+$0xFFFFFFE0];
	v25 =	vmax.f32 v25, v43  }
0x51: {  	v29 =	vld [tilespmem:s22+$0x180];
	v25 =	vmax.f32 v25, v44  }
0x52: {  	v30 =	vld [tilespmem:s21+$0x0];
	v25 =	vmax.f32 v25, v45  }
0x53: {  	v31 =	vld [tilespmem:s21+$0x10];
	v25 =	vmax.f32 v25, v26  }
0x54: {  	v63 =	vld [tilespmem:s22+$0x300];
	v25 =	vmax.f32 v25, v27  }
0x55: {  	s30 =	simm.s32 $0x4B0;
	v46 =	vld [tilespmem:s21+$0x180];
	v25 =	vmax.f32 v25, v28  }
0x56: {  	v47 =	vld [tilespmem:s30+$0xFFFFFE70];
	v25 =	vmax.f32 v25, v29  }
0x57: {  	v26 =	vld [tilespmem:s21+$0x100];
	v25 =	vmax.f32 v25, v30  }
0x58: {  	v27 =	vld [tilespmem:s21+$0x110];
	v25 =	vmax.f32 v25, v31  }
0x59: {  	v28 =	vld [tilespmem:s21+$0x120];
	v25 =	vmax.f32 v25, v48  }
0x5a: {  	v29 =	vld [tilespmem:s21+$0x130];
	v25 =	vmax.f32 v25, v49  }
0x5b: {  	v30 =	vld [tilespmem:s21+$0x140];
	v25 =	vmax.f32 v25, v50  }
0x5c: {  	v31 =	vld [tilespmem:s21+$0x150];
	v25 =	vmax.f32 v25, v51  }
0x5d: {  	v48 =	vld [tilespmem:s30+$0xFFFFFE80];
	v25 =	vmax.f32 v25, v52  }
0x5e: {  	v49 =	vld [tilespmem:s30+$0xFFFFFE90];
	v25 =	vmax.f32 v25, v53  }
0x5f: {  	v50 =	vld [tilespmem:s30+$0xFFFFFEA0];
	v25 =	vmax.f32 v25, v54  }
0x60: {  	v51 =	vld [tilespmem:s30+$0xFFFFFEB0];
	v25 =	vmax.f32 v25, v55  }
0x61: {  	v52 =	vld [tilespmem:s30+$0xFFFFFEC0];
	v25 =	vmax.f32 v25, v56  }
0x62: {  	s31 =	simm.s32 $0x320;
	v35 =	vmax.f32 v47, v48;
	v53 =	vld [tilespmem:s30+$0xFFFFFED0];
	v25 =	vmax.f32 v25, v57  }
0x63: {  	s22 =	sand.u32 $0x1FFE0, s31;
	v35 =	vmax.f32 v35, v49;
	v54 =	vld [tilespmem:s30+$0xFFFFFEE0];
	v25 =	vmax.f32 v25, v58  }
0x64: {  	v35 =	vmax.f32 v35, v50;
	v55 =	vld [tilespmem:s22+$0x80];
	v25 =	vmax.f32 v25, v59  }
0x65: {  	v35 =	vmax.f32 v35, v51;
	v56 =	vld [tilespmem:s30+$0xFFFFFF00];
	v25 =	vmax.f32 v25, v60  }
0x66: {  	v35 =	vmax.f32 v35, v52;
	v57 =	vld [tilespmem:s30+$0xFFFFFF10];
	v25 =	vmax.f32 v25, v61  }
0x67: {  	v58 =	vld [tilespmem:s30+$0xFFFFFF20];
	v25 =	vmax.f32 v25, v26;
	v26 =	vmax.f32 v35, v53  }
0x68: {  	v25 =	vmax.f32 v25, v27;
	v26 =	vmax.f32 v26, v54;
	v27 =	vld [tilespmem:s30+$0xFFFFFF30]  }
0x69: {  	v25 =	vmax.f32 v25, v28;
	v26 =	vmax.f32 v26, v55;
	v28 =	vld [tilespmem:s30+$0xFFFFFF40]  }
0x6a: {  	v25 =	vmax.f32 v25, v29;
	v26 =	vmax.f32 v26, v56;
	v29 =	vld [tilespmem:s30+$0xFFFFFF50]  }
0x6b: {  	v25 =	vmax.f32 v25, v30;
	v26 =	vmax.f32 v26, v57;
	v30 =	vld [tilespmem:s30+$0xFFFFFF60]  }
0x6c: {  	v25 =	vmax.f32 v25, v31;
	v26 =	vmax.f32 v26, v58;
	v31 =	vld [tilespmem:s22+$0x100]  }
0x6d: {  	v25 =	vmax.f32 v25, v62;
	v26 =	vmax.f32 v26, v27;
	v27 =	vld [tilespmem:s30+$0xFFFFFF80]  }
0x6e: {  	v25 =	vmax.f32 v25, v63;
	v26 =	vmax.f32 v26, v28;
	v28 =	vld [tilespmem:s30+$0xFFFFFF90]  }
0x6f: {  	v59 =	vor.u32 s3, v0;
	v25 =	vmax.f32 v25, v46;
	v26 =	vmax.f32 v26, v29;
	v29 =	vld [tilespmem:s30+$0xFFFFFFA0]  }
0x70: {  	(xrf1) =	vsort.ascd.msk.f32 $0xffff, v25, v59;
	v25 =	vmax.f32 v26, v30;
	v26 =	vld [tilespmem:s30+$0xFFFFFFB0]  }
0x71: {  	v30 =	vld [tilespmem:s30+$0xFFFFFFC0];
	v25 =	vmax.f32 v25, v31  }
0x72: {  	v25 =	vmax.f32 v25, v27;
	v27 =	vld [tilespmem:s30+$0xFFFFFFD0]  }
0x73: {  	v25 =	vmax.f32 v25, v28;
	v28 =	vld [tilespmem:s30+$0xFFFFFFE0]  }
0x74: {  	v25 =	vmax.f32 v25, v29;
	v29 =	vld [tilespmem:s22+$0x180]  }
0x75: {  	v25 =	vmax.f32 v25, v26;
	v26 =	vld [tilespmem:s30+$0x0]  }
0x76: {  	v25 =	vmax.f32 v25, v30;
	v30 =	vld [tilespmem:s30+$0x10]  }
0x77: {  	v25 =	vmax.f32 v25, v27;
	v27 =	vld [tilespmem:s30+$0x20]  }
0x78: {  	v25 =	vmax.f32 v25, v28;
	v28 =	vld [tilespmem:s30+$0x30]  }
0x79: {  	v25 =	vmax.f32 v25, v29;
	v29 =	vld [tilespmem:s30+$0x40]  }
0x7a: {  	v25 =	vmax.f32 v25, v26;
	v26 =	vld [tilespmem:s30+$0x50]  }
0x7b: {  	v25 =	vmax.f32 v25, v30;
	v30 =	vld [tilespmem:s30+$0x60]  }
0x7c: {  	v25 =	vmax.f32 v25, v27;
	v27 =	vld [tilespmem:s22+$0x200]  }
0x7d: {  	v25 =	vmax.f32 v25, v28;
	v28 =	vld [tilespmem:s30+$0x80]  }
0x7e: {  	v25 =	vmax.f32 v25, v29;
	v29 =	vld [tilespmem:s30+$0x90]  }
0x7f: {  	v25 =	vmax.f32 v25, v26;
	v26 =	vld [tilespmem:s30+$0xA0]  }
0x80: {  	v31 =	vimm.f32 $-Inf;
	v32, v60, _ =	vpop (xrf1);
	v25 =	vmax.f32 v25, v30;
	v30 =	vld [tilespmem:s30+$0xB0]  }
0x81: {  	v61 =	vimm.s32 $0x0;
	vm11 =	vge.f32 v31, v32;
	v25 =	vmax.f32 v25, v27;
	v27 =	vld [tilespmem:s30+$0xC0]  }
0x82: {  	v31 =	vsel vm11, v31, v32;
	v62 =	vsel vm11, v61, v60;
	v25 =	vmax.f32 v25, v28;
	v28 =	vld [tilespmem:s30+$0xD0]  }
0x83: {  	(xrf1) =	vsort.dscd.msk.f32 $0xffff, v31, v62;
	v25 =	vmax.f32 v25, v29;
	v29 =	vld [tilespmem:s30+$0xE0]  }
0x84: {  	v25 =	vmax.f32 v25, v26;
	v26 =	vld [tilespmem:s22+$0x280]  }
0x85: {  	v25 =	vmax.f32 v25, v30;
	v30 =	vld [tilespmem:s30+$0x100]  }
0x86: {  	v25 =	vmax.f32 v25, v27;
	v27 =	vld [tilespmem:s30+$0x110]  }
0x87: {  	v25 =	vmax.f32 v25, v28;
	v28 =	vld [tilespmem:s30+$0x120]  }
0x88: {  	v31 =	vld [tilespmem:s30+$0x130];
	v25 =	vmax.f32 v25, v29  }
0x89: {  	v25 =	vmax.f32 v25, v26  }
0x8a: {  	v25 =	vmax.f32 v25, v30  }
0x8b: {  	v26 =	vld [tilespmem:s30+$0x140];
	v25 =	vmax.f32 v25, v27  }
0x8c: {  	v30 =	vld [tilespmem:s30+$0x150];
	v25 =	vmax.f32 v25, v28  }
0x8d: {  	v29 =	vld [tilespmem:s30+$0x160];
	v25 =	vmax.f32 v25, v31  }
0x8e: {  	v28 =	vld [tilespmem:s22+$0x300]  }
0x8f: {  	s21 =	simm.s32 $0x7D0;
	v27 =	vld [tilespmem:s30+$0x180]  }
0x90: {  	v32 =	vld [tilespmem:s21+$0xFFFFFE80];
	v63 =	vmax.f32 v25, v26  }
0x91: {  	s23 =	simm.s32 $0x640;
	s24 =	simm.s32 $0x960;
	s22 =	simm.s32 $0x0;
	v31 =	vld [tilespmem:s21+$0xFFFFFE70];
	v30 =	vmax.f32 v63, v30;
	v26, v25, _ =	vpop (xrf1)  }
.LBB2_2:
0x92: {  	p0 =	sne.s32 s24, $0x18380;
	v33 =	vld [tilespmem:s21+$0xFFFFFE90];
	v29 =	vmax.f32 v30, v29  }
0x93: {  	s22 =	sadd.s32 $0x10, s22;
	v30 =	vld [tilespmem:s21+$0xFFFFFEA0];
	v28 =	vmax.f32 v29, v28  }
0x94: {  	v29 =	vld [tilespmem:s21+$0xFFFFFEB0];
	v27 =	vmax.f32 v28, v27;
	v28 =	vor.u32 s22, v0  }
0x95: {  	v34 =	vld [tilespmem:s21+$0xFFFFFEC0];
	(xrf1) =	vsort.ascd.msk.f32 $0xffff, v27, v28  }
0x96: {  	v27 =	vmax.f32 v31, v32;
	v28 =	vld [tilespmem:s21+$0xFFFFFED0]  }
0x97: {  	s25 =	sand.u32 $0x1FFE0, s23;
	s23 =	smov.u32 s24;
	v27 =	vmax.f32 v27, v33;
	v31 =	vld [tilespmem:s21+$0xFFFFFEE0]  }
0x98: {  	v27 =	vmax.f32 v27, v30;
	v30 =	vld [tilespmem:s25+$0x80]  }
0x99: {  	v27 =	vmax.f32 v27, v29;
	v29 =	vld [tilespmem:s21+$0xFFFFFF00]  }
0x9a: {  	v27 =	vmax.f32 v27, v34;
	v32 =	vld [tilespmem:s21+$0xFFFFFF10]  }
0x9b: {  	v27 =	vmax.f32 v27, v28;
	v28 =	vld [tilespmem:s21+$0xFFFFFF20]  }
0x9c: {  	v27 =	vmax.f32 v27, v31;
	v31 =	vld [tilespmem:s21+$0xFFFFFF30]  }
0x9d: {  	v27 =	vmax.f32 v27, v30;
	v30 =	vld [tilespmem:s21+$0xFFFFFF40]  }
0x9e: {  	v27 =	vmax.f32 v27, v29;
	v29 =	vld [tilespmem:s21+$0xFFFFFF50]  }
0x9f: {  	v27 =	vmax.f32 v27, v32;
	v32 =	vld [tilespmem:s21+$0xFFFFFF60]  }
0xa0: {  	v27 =	vmax.f32 v27, v28;
	v28 =	vld [tilespmem:s25+$0x100]  }
0xa1: {  	v27 =	vmax.f32 v27, v31;
	v31 =	vld [tilespmem:s21+$0xFFFFFF80]  }
0xa2: {  	v27 =	vmax.f32 v27, v30;
	v30 =	vld [tilespmem:s21+$0xFFFFFF90]  }
0xa3: {  	v27 =	vmax.f32 v27, v29;
	v29 =	vld [tilespmem:s21+$0xFFFFFFA0];
	v33, v34, _ =	vpop (xrf1)  }
0xa4: {  	v27 =	vmax.f32 v27, v32;
	v32 =	vld [tilespmem:s21+$0xFFFFFFB0];
	vm11 =	vge.f32 v26, v33  }
0xa5: {  	v27 =	vmax.f32 v27, v28;
	v28 =	vld [tilespmem:s21+$0xFFFFFFC0];
	v26 =	vsel vm11, v26, v33;
	v25 =	vsel vm11, v25, v34  }
0xa6: {  	v27 =	vmax.f32 v27, v31;
	v31 =	vld [tilespmem:s21+$0xFFFFFFD0];
	(xrf1) =	vsort.dscd.msk.f32 $0xffff, v26, v25  }
0xa7: {  	v25 =	vmax.f32 v27, v30;
	v26 =	vld [tilespmem:s21+$0xFFFFFFE0]  }
0xa8: {  	v25 =	vmax.f32 v25, v29;
	v27 =	vld [tilespmem:s25+$0x180]  }
0xa9: {  	v25 =	vmax.f32 v25, v32;
	v29 =	vld [tilespmem:s21+$0x0]  }
0xaa: {  	v25 =	vmax.f32 v25, v28;
	v28 =	vld [tilespmem:s21+$0x10]  }
0xab: {  	v25 =	vmax.f32 v25, v31;
	v30 =	vld [tilespmem:s21+$0x20]  }
0xac: {  	v25 =	vmax.f32 v25, v26;
	v26 =	vld [tilespmem:s21+$0x30]  }
0xad: {  	v25 =	vmax.f32 v25, v27;
	v27 =	vld [tilespmem:s21+$0x40]  }
0xae: {  	v25 =	vmax.f32 v25, v29;
	v29 =	vld [tilespmem:s21+$0x50]  }
0xaf: {  	v25 =	vmax.f32 v25, v28;
	v28 =	vld [tilespmem:s21+$0x60]  }
0xb0: {  	v25 =	vmax.f32 v25, v30;
	v30 =	vld [tilespmem:s25+$0x200]  }
0xb1: {  	v35 =	vmax.f32 v25, v26;
	v31 =	vld [tilespmem:s21+$0x80]  }
0xb2: {  	v34 =	vmax.f32 v35, v27;
	v27 =	vld [tilespmem:s21+$0x90]  }
0xb3: {  	v33 =	vmax.f32 v34, v29;
	v29 =	vld [tilespmem:s21+$0xA0]  }
0xb4: {  	v28 =	vmax.f32 v33, v28;
	v32 =	vld [tilespmem:s21+$0xB0];
	v26, v25, _ =	vpop (xrf1)  }
0xb5: {  	v28 =	vmax.f32 v28, v30;
	v30 =	vld [tilespmem:s21+$0xC0]  }
0xb6: {  	v28 =	vmax.f32 v28, v31;
	v31 =	vld [tilespmem:s21+$0xD0]  }
0xb7: {  	v27 =	vmax.f32 v28, v27;
	v28 =	vld [tilespmem:s21+$0xE0]  }
0xb8: {  	v27 =	vmax.f32 v27, v29;
	v29 =	vld [tilespmem:s25+$0x280]  }
0xb9: {  	v27 =	vmax.f32 v27, v32;
	v32 =	vld [tilespmem:s21+$0x100]  }
0xba: {  	v27 =	vmax.f32 v27, v30;
	v30 =	vld [tilespmem:s21+$0x110]  }
0xbb: {  	v27 =	vmax.f32 v27, v31;
	v31 =	vld [tilespmem:s21+$0x120]  }
0xbc: {  	v27 =	vmax.f32 v27, v28;
	v33 =	vld [tilespmem:s21+$0x130]  }
0xbd: {  	v27 =	vmax.f32 v27, v29;
	v34 =	vld [tilespmem:s21+$0x140]  }
0xbe: {  	v27 =	vmax.f32 v27, v32;
	v35 =	vld [tilespmem:s21+$0x150]  }
.Ltmp0:
0xbf: {  	v27 =	vmax.f32 v27, v30;
	v29 =	vld [tilespmem:s21+$0x160];
	(pc) =	sbr.rel @p0 .LBB2_2-.Ltmp0, $4  }
0xc0: {  	v27 =	vmax.f32 v27, v31;
	v28 =	vld [tilespmem:s25+$0x300]  }
0xc1: {  	v30 =	vmax.f32 v27, v33;
	v27 =	vld [tilespmem:s21+$0x180];
	s21 =	sadd.s32 $0x320, s21  }
0xc2: {  	v31 =	vld [tilespmem:s21+$0xFFFFFE70];
	v30 =	vmax.f32 v30, v34  }
0xc3: {  	s24 =	sadd.s32 $0x320, s24;
	v32 =	vld [tilespmem:s21+$0xFFFFFE80];
	v30 =	vmax.f32 v30, v35  }
0xc4: {  	v33 =	vld [tilespmem:s21+$0xFFFFFE90]  }
0xc5: {  	v34 =	vld [tilespmem:s21+$0xFFFFFEA0]  }
0xc6: {  	v35 =	vld [tilespmem:s21+$0xFFFFFEB0]  }
0xc7: {  	v36 =	vld [tilespmem:s21+$0xFFFFFEC0]  }
0xc8: {  	v63 =	vld [tilespmem:s21+$0xFFFFFED0];
	v31 =	vmax.f32 v31, v32  }
0xc9: {  	v40 =	vld [tilespmem:s21+$0xFFFFFEE0];
	s23 =	sand.u32 $0x1FFE0, s23;
	v31 =	vmax.f32 v31, v33  }
0xca: {  	v41 =	vld [tilespmem:s23+$0x80];
	v31 =	vmax.f32 v31, v34  }
0xcb: {  	v42 =	vld [tilespmem:s21+$0xFFFFFF00];
	v31 =	vmax.f32 v31, v35  }
0xcc: {  	v43 =	vld [tilespmem:s21+$0xFFFFFF10];
	v31 =	vmax.f32 v31, v36  }
0xcd: {  	v44 =	vld [tilespmem:s21+$0xFFFFFF20];
	v31 =	vmax.f32 v31, v63  }
0xce: {  	v45 =	vld [tilespmem:s21+$0xFFFFFF30];
	v31 =	vmax.f32 v31, v40  }
0xcf: {  	v46 =	vld [tilespmem:s21+$0xFFFFFF40];
	v31 =	vmax.f32 v31, v41  }
0xd0: {  	v47 =	vld [tilespmem:s21+$0xFFFFFF50];
	v31 =	vmax.f32 v31, v42  }
0xd1: {  	v48 =	vld [tilespmem:s21+$0xFFFFFF60];
	v31 =	vmax.f32 v31, v43  }
0xd2: {  	v49 =	vld [tilespmem:s23+$0x100];
	v31 =	vmax.f32 v31, v44  }
0xd3: {  	v50 =	vld [tilespmem:s21+$0xFFFFFF80];
	v31 =	vmax.f32 v31, v45  }
0xd4: {  	v51 =	vld [tilespmem:s21+$0xFFFFFF90];
	v31 =	vmax.f32 v31, v46  }
0xd5: {  	v52 =	vld [tilespmem:s21+$0xFFFFFFA0];
	v31 =	vmax.f32 v31, v47  }
0xd6: {  	v53 =	vld [tilespmem:s21+$0xFFFFFFB0];
	v31 =	vmax.f32 v31, v48  }
0xd7: {  	v54 =	vld [tilespmem:s21+$0xFFFFFFC0];
	v31 =	vmax.f32 v31, v49  }
0xd8: {  	v55 =	vld [tilespmem:s21+$0xFFFFFFD0];
	v31 =	vmax.f32 v31, v50  }
0xd9: {  	v56 =	vld [tilespmem:s21+$0xFFFFFFE0];
	v31 =	vmax.f32 v31, v51  }
0xda: {  	v57 =	vld [tilespmem:s23+$0x180];
	v31 =	vmax.f32 v31, v52  }
0xdb: {  	v58 =	vld [tilespmem:s21+$0x0];
	v31 =	vmax.f32 v31, v53  }
0xdc: {  	v59 =	vld [tilespmem:s21+$0x10];
	v31 =	vmax.f32 v31, v54  }
0xdd: {  	v60 =	vld [tilespmem:s21+$0x20];
	v31 =	vmax.f32 v31, v55  }
0xde: {  	v61 =	vld [tilespmem:s21+$0x30];
	v31 =	vmax.f32 v31, v56  }
0xdf: {  	v62 =	vld [tilespmem:s21+$0x40];
	v31 =	vmax.f32 v31, v57  }
0xe0: {  	v63 =	vld [tilespmem:s21+$0x50];
	v31 =	vmax.f32 v31, v58  }
0xe1: {  	v38 =	vld [tilespmem:s21+$0x60];
	v31 =	vmax.f32 v31, v59  }
0xe2: {  	v39 =	vld [tilespmem:s23+$0x200];
	v31 =	vmax.f32 v31, v60  }
0xe3: {  	v40 =	vld [tilespmem:s21+$0x80];
	v31 =	vmax.f32 v31, v61  }
0xe4: {  	v29 =	vmax.f32 v30, v29;
	v42 =	vld [tilespmem:s21+$0x90];
	v41 =	vmax.f32 v31, v62  }
0xe5: {  	s22 =	sadd.s32 $0x10, s22;
	v28 =	vmax.f32 v29, v28;
	v44 =	vld [tilespmem:s21+$0xA0];
	v43 =	vmax.f32 v41, v63  }
0xe6: {  	v27 =	vmax.f32 v28, v27;
	v45 =	vor.u32 s22, v0;
	v46 =	vld [tilespmem:s21+$0xB0];
	v29 =	vmax.f32 v43, v38  }
0xe7: {  	(xrf1) =	vsort.ascd.msk.f32 $0xffff, v27, v45;
	v47 =	vld [tilespmem:s21+$0xC0];
	v27 =	vmax.f32 v29, v39  }
0xe8: {  	v48 =	vld [tilespmem:s21+$0xD0];
	v27 =	vmax.f32 v27, v40  }
0xe9: {  	v49 =	vld [tilespmem:s21+$0xE0];
	v27 =	vmax.f32 v27, v42  }
0xea: {  	v50 =	vld [tilespmem:s23+$0x280];
	v27 =	vmax.f32 v27, v44  }
0xeb: {  	v51 =	vld [tilespmem:s21+$0x100];
	v27 =	vmax.f32 v27, v46  }
0xec: {  	v52 =	vld [tilespmem:s21+$0x110];
	v27 =	vmax.f32 v27, v47  }
0xed: {  	v53 =	vld [tilespmem:s21+$0x120];
	v27 =	vmax.f32 v27, v48  }
0xee: {  	v54 =	vld [tilespmem:s21+$0x130];
	v27 =	vmax.f32 v27, v49  }
0xef: {  	v55 =	vld [tilespmem:s21+$0x140];
	v27 =	vmax.f32 v27, v50  }
0xf0: {  	v56 =	vld [tilespmem:s21+$0x150];
	v27 =	vmax.f32 v27, v51  }
0xf1: {  	v57 =	vld [tilespmem:s21+$0x160];
	v27 =	vmax.f32 v27, v52  }
0xf2: {  	v58 =	vld [tilespmem:s23+$0x300];
	v27 =	vmax.f32 v27, v53  }
0xf3: {  	v59 =	vld [tilespmem:s21+$0x180];
	v27 =	vmax.f32 v27, v54  }
0xf4: {  	v27 =	vmax.f32 v27, v55  }
0xf5: {  	v61, v60, _ =	vpop (xrf1);
	v27 =	vmax.f32 v27, v56  }
0xf6: {  	vm11 =	vge.f32 v26, v61;
	v27 =	vmax.f32 v27, v57  }
0xf7: {  	s28 =	sadd.s32 $0x10, s22;
	v26 =	vsel vm11, v26, v61;
	v25 =	vsel vm11, v25, v60;
	v27 =	vmax.f32 v27, v58  }
0xf8: {  	(xrf1) =	vsort.dscd.msk.f32 $0xffff, v26, v25;
	v26 =	vor.u32 s28, v0;
	v25 =	vmax.f32 v27, v59  }
0xf9: {  	(xrf1) =	vsort.ascd.msk.f32 $0xffff, v25, v26;
	_ =	sdelay $0xc  }
0xfa: {  	v25, v26, _ =	vpop (xrf1)  }
0xfb: {  	v27, v62, _ =	vpop (xrf1)  }
0xfc: {  	vm11 =	vge.f32 v25, v27  }
0xfd: {  	v25 =	vsel vm11, v25, v27;
	v26 =	vsel vm11, v26, v62  }
0xfe: {  	(xrf1) =	vsort.dscd.msk.f32 $0xffff, v25, v26;
	_ =	sdelay $0xd  }
0xff: {  	v25, v26, _ =	vpop (xrf1)  }
0x100: {  	v25 =	vshrl.u32 v26, $0x4  }
0x101: {  	v25 =	vmul.u32 $0x320, v25  }
0x102: {  	v26 =	vand.u32 $0xF, v26  }
0x103: {  	s29 =	simm.s32 $0x0;
	v25 =	vor.u32 v26, v25  }
0x104: {  	v26 =	vadd.s32 s29, v25;
	_ =	sdelay $0x4  }
0x105: {  	v26 =	vld.idx.msk [tilespmem:v26+s3+$0x0], $0xffff;
	_ =	sdelay $0x4  }
0x106: {  	(xrf1) =	vsort.ascd.msk.f32 $0xffff, v26, v26;
	_ =	sdelay $0x6  }
0x107: {  	s30 =	simm.s32 $0x10  }
0x108: {  	v26 =	vadd.s32 s30, v25;
	_ =	sdelay $0x4  }
0x109: {  	v26 =	vld.idx.msk [tilespmem:v26+s3+$0x0], $0xffff  }
0x10a: {  	v27 =	vimm.f32 $-Inf;
	v63, _, _ =	vpop (xrf1)  }
0x10b: {  	v27 =	vmax.f32 v27, v63  }
0x10c: {  	(xrf1) =	vsort.ascd.msk.f32 $0xffff, v27, v27;
	_ =	sdelay $0x1  }
0x10d: {  	(xrf1) =	vsort.ascd.msk.f32 $0xffff, v26, v26;
	_ =	sdelay $0x5  }
0x10e: {  	s31 =	simm.s32 $0x20  }
0x10f: {  	s21 =	simm.s32 $0x30;
	v26 =	vadd.s32 s31, v25  }
.LBB2_4:
0x110: {  	p0 =	sne.s32 s21, $0x310;
	_ =	sdelay $0x3  }
0x111: {  	v26 =	vld.idx.msk [tilespmem:v26+s3+$0x0], $0xffff;
	v27, _, _ =	vpop (xrf1)  }
0x112: {  	v27 =	vperm.xlane v27, v5  }
0x113: {  	v28, _, _ =	vpop (xrf1)  }
0x114: {  	v27 =	vmax.f32 v27, v28  }
0x115: {  	(xrf1) =	vsort.ascd.msk.f32 $0xffff, v27, v27;
	_ =	sdelay $0x1  }
0x116: {  	(xrf1) =	vsort.ascd.msk.f32 $0xffff, v26, v26;
	_ =	sdelay $0x2  }
.Ltmp1:
0x117: {  	(pc) =	sbr.rel @p0 .LBB2_4-.Ltmp1, $2  }
0x118: {  	_ =	sdelay $0x2  }
0x119: {  	v26 =	vadd.s32 s21, v25;
	s21 =	sadd.s32 $0x10, s21  }
0x11a: {  	_ =	sdelay $0x3  }
0x11b: {  	v25, _, _ =	vpop (xrf1)  }
0x11c: {  	v26 =	vld.idx.msk [tilespmem:v26+s3+$0x0], $0xffff;
	v25 =	vperm.xlane v25, v5  }
0x11d: {  	v27, _, _ =	vpop (xrf1)  }
0x11e: {  	v25 =	vmax.f32 v25, v27  }
0x11f: {  	(xrf1) =	vsort.ascd.msk.f32 $0xffff, v25, v25;
	_ =	sdelay $0x1  }
0x120: {  	(xrf1) =	vsort.ascd.msk.f32 $0xffff, v26, v26;
	_ =	sdelay $0xb  }
0x121: {  	v25, _, _ =	vpop (xrf1)  }
0x122: {  	v25 =	vperm.xlane v25, v5  }
0x123: {  	v26, _, _ =	vpop (xrf1)  }
0x124: {  	v25 =	vmax.f32 v25, v26  }
0x125: {  	(xrf1) =	vsort.ascd.msk.f32 $0xffff, v25, v25;
	_ =	sdelay $0xd  }
0x126: {  	v25, _, _ =	vpop (xrf1)  }
0x127: {  	v25 =	vperm.xlane v25, v5;
	_ =	sdelay $0x1  }
0x128: {  	(xrf0) =	vmax.scan.msk.f32 $0xffff, v25;
	v26 =	vnsel vm0, $0xFF800000, v25  }
0x129: {  	(xrf0) =	vmax.scan.msk.f32 $0xffff, v26  }
0x12a: {  	v26 =	vsel vm1, $0xFF800000, v25  }
0x12b: {  	(xrf0) =	vmax.scan.msk.f32 $0xffff, v26;
	v26 =	vsel vm2, $0xFF800000, v25;
	_ =	sdelay $0x1  }
0x12c: {  	v27 =	vld.idx.msk [tilespmem:v7+s16+$0x0], $0xffff;
	(xrf0) =	vmax.scan.msk.f32 $0xffff, v26  }
0x12d: {  	v28 =	vld.idx.msk [tilespmem:v6+s16+$0x0], $0xffff;
	v29 =	vsel vm3, $0xFF800000, v25;
	v26, _, _ =	vpop (xrf0)  }
0x12e: {  	v31 =	vld.idx.msk [tilespmem:v8+s16+$0x0], $0xffff;
	(xrf0) =	vmax.scan.msk.f32 $0xffff, v29;
	v30, _, _ =	vpop (xrf0)  }
0x12f: {  	v29 =	vbroadcast v30, $0xF  }
0x130: {  	v32 =	vld.idx.msk [tilespmem:v9+s16+$0x0], $0xffff;
	v30, _, _ =	vpop (xrf0)  }
0x131: {  	v27 =	vmul.f32 v27, v29;
	v29 =	vbroadcast v30, $0xF  }
0x132: {  	v33 =	vsel vm4, $0xFF800000, v25;
	v30, _, _ =	vpop (xrf0)  }
0x133: {  	v43 =	vld.idx.msk [tilespmem:v10+s16+$0x0], $0xffff;
	(xrf0) =	vmax.scan.msk.f32 $0xffff, v33;
	v27 =	vadd.f32 v27, v28;
	v28 =	vmul.f32 v31, v29;
	v29 =	vbroadcast v30, $0xF  }
0x134: {  	v34 =	vsel vm5, $0xFF800000, v25;
	v30, _, _ =	vpop (xrf0)  }
0x135: {  	v27 =	vadd.f32 v28, v27;
	v28 =	vmul.f32 v32, v29;
	v29 =	vbroadcast v30, $0xF  }
0x136: {  	(xrf0) =	vmax.scan.msk.f32 $0xffff, v34  }
0x137: {  	v31 =	vsel vm6, $0xFF800000, v25;
	v30 =	vld.idx.msk [tilespmem:v11+s16+$0x0], $0xffff  }
0x138: {  	(xrf0) =	vmax.scan.msk.f32 $0xffff, v31;
	v27 =	vadd.f32 v28, v27;
	v28 =	vmul.f32 v43, v29  }
0x139: {  	v31 =	vsel vm7, $0xFF800000, v25;
	v29, _, _ =	vpop (xrf0)  }
0x13a: {  	v44 =	vld.idx.msk [tilespmem:v12+s16+$0x0], $0xffff;
	(xrf0) =	vmax.scan.msk.f32 $0xffff, v31;
	v29 =	vbroadcast v29, $0xF  }
0x13b: {  	v31 =	vsel vm8, $0xFF800000, v25  }
0x13c: {  	v45 =	vld.idx.msk [tilespmem:v13+s16+$0x0], $0xffff;
	v27 =	vadd.f32 v28, v27;
	v28, _, _ =	vpop (xrf0);
	(xrf0) =	vmax.scan.msk.f32 $0xffff, v31;
	v29 =	vmul.f32 v30, v29  }
0x13d: {  	v25 =	vsel vm9, $0xFF800000, v25;
	v28 =	vbroadcast v28, $0xF  }
0x13e: {  	v31 =	vld.idx.msk [tilespmem:v14+s16+$0x0], $0xffff;
	v30, _, _ =	vpop (xrf0);
	(xrf0) =	vmax.scan.msk.f32 $0xffff, v25  }
0x13f: {  	v25 =	vadd.f32 v29, v27;
	v27 =	vmul.f32 v44, v28;
	v28 =	vbroadcast v30, $0xF  }
0x140: {  	v30 =	vld.idx.msk [tilespmem:v15+s16+$0x0], $0xffff;
	v29, _, _ =	vpop (xrf0)  }
0x141: {  	v25 =	vadd.f32 v27, v25;
	v27 =	vmul.f32 v45, v28;
	v28 =	vbroadcast v29, $0xF  }
0x142: {  	v46 =	vld.idx.msk [tilespmem:v16+s16+$0x0], $0xffff;
	v29, _, _ =	vpop (xrf0)  }
0x143: {  	v25 =	vadd.f32 v27, v25;
	v27 =	vmul.f32 v31, v28;
	v28 =	vbroadcast v29, $0xF  }
0x144: {  	v29, _, _ =	vpop (xrf0)  }
0x145: {  	v25 =	vadd.f32 v27, v25;
	v27 =	vmul.f32 v30, v28;
	v28 =	vbroadcast v29, $0xF;
	_ =	sdelay $0x1  }
0x146: {  	v25 =	vadd.f32 v27, v25;
	v27 =	vmul.f32 v46, v28;
	_ =	sdelay $0x1  }
0x147: {  	v25 =	vadd.f32 v27, v25;
	_ =	sdelay $0x1  }
0x148: {  	v25 =	vnsel vm10, $0x0, v25  }
0x149: {  	v25 =	vmax.f32 v25, $0.0e+00  }
0x14a: {  	v27 =	vnsel vm0, $0xFF800000, v25  }
0x14b: {  	(xrf0) =	vmax.scan.msk.f32 $0xffff, v27;
	_ =	sdelay $0x1  }
0x14c: {  	v27 =	vsel vm1, $0xFF800000, v25  }
0x14d: {  	(xrf0) =	vmax.scan.msk.f32 $0xffff, v27  }
0x14e: {  	v27 =	vsel vm2, $0xFF800000, v25  }
0x14f: {  	v28 =	vld.idx.msk [tilespmem:v18+s16+$0x0], $0xffff;
	(xrf0) =	vmax.scan.msk.f32 $0xffff, v27  }
0x150: {  	v31 =	vld.idx.msk [tilespmem:v19+s16+$0x0], $0xffff;
	v29 =	vsel vm3, $0xFF800000, v25;
	v30, _, _ =	vpop (xrf0)  }
0x151: {  	v27 =	vld.idx.msk [tilespmem:v17+s16+$0x0], $0xffff;
	(xrf0) =	vmax.scan.msk.f32 $0xffff, v29;
	v29 =	vbroadcast v30, $0xF  }
0x152: {  	v25 =	vsel vm4, $0xFF800000, v25  }
0x153: {  	v47 =	vld.idx.msk [tilespmem:v20+s16+$0x0], $0xffff;
	v30, _, _ =	vpop (xrf0);
	(xrf0) =	vmax.scan.msk.f32 $0xffff, v25  }
0x154: {  	v25 =	vmul.f32 v29, v28;
	v28 =	vbroadcast v30, $0xF  }
0x155: {  	v30 =	vld.idx.msk [tilespmem:v21+s16+$0x0], $0xffff;
	v29, _, _ =	vpop (xrf0)  }
0x156: {  	v25 =	vadd.f32 v25, v27;
	v27 =	vmul.f32 v28, v31;
	v28 =	vbroadcast v29, $0xF  }
0x157: {  	v31 =	vld.idx.msk [tilespmem:v22+s16+$0x0], $0xffff;
	v29, _, _ =	vpop (xrf0)  }
0x158: {  	v25 =	vadd.f32 v25, v27;
	v27 =	vmul.f32 v28, v47;
	v28 =	vbroadcast v29, $0xF  }
0x159: {  	v29, _, _ =	vpop (xrf0)  }
0x15a: {  	v25 =	vadd.f32 v25, v27;
	v27 =	vmul.f32 v28, v30;
	v28 =	vbroadcast v29, $0xF;
	_ =	sdelay $0x1  }
0x15b: {  	v25 =	vadd.f32 v25, v27;
	v27 =	vmul.f32 v28, v31  }
0x15c: {  	v28 =	vld.idx.msk [tilespmem:v23+s16+$0x0], $0xffff  }
0x15d: {  	v25 =	vadd.f32 v25, v27;
	_ =	sdelay $0x1  }
0x15e: {  	v25 =	vnsel vm10, $0x0, v25  }
0x15f: {  	v25 =	vmax.f32 v25, $0.0e+00  }
0x160: {  	v25 =	vmul.f32 v25, v28;
	_ =	sdelay $0x1  }
0x161: {  	v25 =	vnsel vm10, $0x0, v25  }
0x162: {  	(xrf2) =	vadd.scan.msk.f32 $0xffff, v25;
	_ =	sdelay $0x7  }
0x163: {  	v25 =	vld.idx.msk [tilespmem:v24+s16+$0x0], $0xffff;
	_ =	sdelay $0x1  }
0x164: {  	v27, _, _ =	vpop (xrf2)  }
0x165: {  	v27 =	vbroadcast v27, $0xF;
	_ =	sdelay $0x1  }
0x166: {  	v25 =	vadd.f32 v27, v25;
	_ =	sdelay $0x1  }
0x167: {  	v25 =	vand.u32 $0x7FFFFFFF, v25  }
0x168: {  	s21 =	simm.s32 $0x0;
	v25 =	vmax.f32 v25, $9.999999930e-09  }
0x169: {  	s23 =	sand.u32 $0x3FFE0, s21;
	v25 =	vmin.f32 v25, $1.000000000e+08  }
0x16a: {  	s22 =	simm.s32 $0x50;
	v48 =	vld [tilespmem:s23+$0x80];
	(erf) = vrcp.f32 v25  }
0x16b: {  	v29 =	vld [tilespmem:s22+$0x20]  }
0x16c: {  	v28 =	vld [tilespmem:s22+$0x10]  }
0x16d: {  	v27 =	vld [tilespmem:s22+$0xFFFFFFC0]  }
0x16e: {  	v31 =	vld [tilespmem:s22+$0xFFFFFFE0]  }
0x16f: {  	v30 =	vld [tilespmem:s22+$0xFFFFFFD0]  }
0x170: {  	v49 =	vld [tilespmem:s22+$0xFFFFFFB0];
	v25 =	vbroadcast v26, $0xF  }
0x171: {  	v35 =	vld [tilespmem:s22+$0xFFFFFFF0]  }
0x172: {  	v27 =	vsub.f32 v27, v25;
	v28 =	vsub.f32 v28, v25  }
0x173: {  	v29 =	vsub.f32 v29, v25;
	v31 =	vsub.f32 v31, v25;
	v26 =	vpop (erf)  }
0x174: {  	v32 =	vsub.f32 v48, v25;
	v30 =	vsub.f32 v30, v25;
	v27 =	vmul.f32 v27, v26  }
0x175: {  	v33 =	vsub.f32 v49, v25;
	v28 =	vmul.f32 v28, v26;
	v29 =	vmul.f32 v29, v26  }
0x176: {  	v50 =	vld [tilespmem:s22+$0x0];
	v51 =	vsub.f32 v35, v25;
	v31 =	vmul.f32 v31, v26;
	v32 =	vmul.f32 v32, v26  }
0x177: {  	s30 =	simm.s32 $0xF0;
	v36 =	vld [tilespmem:s22+$0x40];
	v30 =	vmul.f32 v30, v26;
	v33 =	vmul.f32 v33, v26  }
0x178: {  	v57 =	vld [tilespmem:s30+$0xFFFFFFD0];
	v34 =	vmul.f32 v51, v26;
	v27 =	vmul.f32 $1.442695020e+00, v27  }
0x179: {  	v40 =	vld [tilespmem:s30+$0x0];
	v32 =	vmul.f32 $1.442695020e+00, v32;
	v33 =	vmul.f32 $1.442695020e+00, v33  }
0x17a: {  	v37 =	vld [tilespmem:s30+$0x10];
	v30 =	vmul.f32 $1.442695020e+00, v30;
	(erf) = vpow2.f32 v27  }
0x17b: {  	v34 =	vmul.f32 $1.442695020e+00, v34;
	v27 =	vsub.f32 v50, v25;
	(erf) = vpow2.f32 v33  }
0x17c: {  	v36 =	vsub.f32 v36, v25;
	v31 =	vmul.f32 $1.442695020e+00, v31;
	(erf) = vpow2.f32 v30  }
0x17d: {  	v52 =	vld [tilespmem:s30+$0xFFFFFFC0];
	v35 =	vsub.f32 v57, v25;
	v27 =	vmul.f32 v27, v26;
	(erf) = vpow2.f32 v34  }
0x17e: {  	v54 =	vld [tilespmem:s30+$0xFFFFFFE0];
	v41 =	vsub.f32 v40, v25;
	v30 =	vmul.f32 v36, v26;
	(erf) = vpow2.f32 v32  }
0x17f: {  	v39 =	vld.idx.msk [tilespmem:v1+s14+$0x0], $0xffff;
	s31 =	simm.s32 $0xA0;
	v27 =	vmul.f32 $1.442695020e+00, v27;
	(erf) = vpow2.f32 v31;
	v31 =	vsub.f32 v37, v25  }
0x180: {  	v53 =	vld [tilespmem:s30+$0x20];
	s23 =	sand.u32 $0x3FFE0, s31;
	v35 =	vmul.f32 v35, v26;
	v30 =	vmul.f32 $1.442695020e+00, v30  }
0x181: {  	v56 =	vld [tilespmem:s23+$0x80];
	v41 =	vmul.f32 v41, v26;
	(erf) = vpow2.f32 v27  }
0x182: {  	v55 =	vmul.f32 $1.442695020e+00, v28;
	v28 =	vsub.f32 v52, v25;
	v27 =	vld [tilespmem:s30+$0xFFFFFFB0];
	(erf) = vpow2.f32 v30  }
0x183: {  	v59 =	vsub.f32 v54, v25;
	v58 =	vmul.f32 $1.442695020e+00, v29;
	v30 =	vmul.f32 v31, v26;
	v31 =	vpop (erf)  }
0x184: {  	v60 =	vld [tilespmem:s30+$0xFFFFFFF0];
	v38 =	vmul.f32 v28, v26;
	v28 =	vimm.f32 $0.0e+00;
	(erf) = vpow2.f32 v55;
	v62 =	vpop (erf)  }
0x185: {  	v29 =	vsub.f32 v53, v25;
	(erf) = vpow2.f32 v58;
	v37 =	vadd.f32 v62, v28;
	v42 =	vpop (erf)  }
0x186: {  	v40 =	vmul.f32 $1.442695020e+00, v35;
	v61 =	vmul.f32 $1.442695020e+00, v38;
	v32 =	vsub.f32 v56, v25;
	v63 =	vpop (erf)  }
0x187: {  	v29 =	vmul.f32 v29, v26;
	v27 =	vsub.f32 v27, v25;
	v37 =	vadd.f32 v63, v37  }
0x188: {  	v36 =	vld [tilespmem:s30+$0x40];
	v32 =	vmul.f32 v32, v26;
	(erf) = vpow2.f32 v61;
	v44 =	vpop (erf)  }
0x189: {  	v45 =	vsub.f32 v60, v25;
	v33 =	vmul.f32 v59, v26;
	v43 =	vmul.f32 v27, v26;
	v38 =	vpop (erf)  }
0x18a: {  	v34 =	vmul.f32 $1.442695020e+00, v32;
	v31 =	vadd.f32 v31, v28;
	v35 =	vadd.f32 v42, v28;
	v27 =	vld.idx.msk [tilespmem:v39+s21+$0x0], $0xffff;
	v39 =	vpop (erf)  }
0x18b: {  	s23 =	simm.s32 $0x140;
	s21 =	simm.s32 $0x190;
	v42 =	vmul.f32 $1.442695020e+00, v43;
	v43 =	vmul.f32 v45, v26;
	v32 =	vadd.f32 v44, v37;
	v37 =	vpop (erf)  }
.LBB2_6:
0x18c: {  	s22 =	smov.u32 s23  }
0x18d: {  	v44 =	vld [tilespmem:s21+$0xFFFFFFC0];
	s24 =	sand.u32 $0x3FFE0, s23;
	v41 =	vmul.f32 $1.442695020e+00, v41;
	v36 =	vsub.f32 v36, v25;
	v28 =	vadd.f32 v38, v28;
	v38 =	vpop (erf);
	s22 =	sadd.s32 $0xA0, s23  }
0x18e: {  	p0 =	sne.s32 s23, $0x18600;
	v31 =	vadd.f32 v39, v31;
	v46 =	vmul.f32 $1.442695020e+00, v43;
	v45 =	vld [tilespmem:s21+$0x10];
	(erf) = vpow2.f32 v42;
	v39 =	vpop (erf)  }
0x18f: {  	v33 =	vmul.f32 $1.442695020e+00, v33;
	v35 =	vadd.f32 v38, v35;
	v42 =	vld [tilespmem:s21+$0x20];
	(erf) = vpow2.f32 v40  }
0x190: {  	v36 =	vmul.f32 v36, v26;
	v28 =	vadd.f32 v39, v28;
	v38 =	vld [tilespmem:s21+$0xFFFFFFD0];
	(erf) = vpow2.f32 v46  }
0x191: {  	v31 =	vadd.f32 v37, v31;
	v40 =	vmul.f32 $1.442695020e+00, v30;
	v39 =	vld [tilespmem:s21+$0xFFFFFFE0];
	v43 =	vpop (erf);
	(erf) = vpow2.f32 v34  }
0x192: {  	v37 =	vmul.f32 $1.442695020e+00, v36;
	v30 =	vsub.f32 v44, v25;
	v34 =	vld [tilespmem:s24+$0x80];
	(erf) = vpow2.f32 v33  }
0x193: {  	v44 =	vmul.f32 $1.442695020e+00, v29;
	v33 =	vsub.f32 v45, v25;
	v36 =	vld [tilespmem:s21+$0x40];
	(erf) = vpow2.f32 v41  }
0x194: {  	v45 =	vmul.f32 v30, v26;
	v41 =	vld [tilespmem:s21+$0xFFFFFFB0];
	v29 =	vsub.f32 v42, v25;
	(erf) = vpow2.f32 v37  }
0x195: {  	v37 =	vld [tilespmem:s21+$0x0];
	v30 =	vmul.f32 v33, v26;
	(erf) = vpow2.f32 v40  }
0x196: {  	v33 =	vsub.f32 v39, v25;
	v39 =	vld [tilespmem:s21+$0xFFFFFFF0];
	v29 =	vmul.f32 v29, v26;
	(erf) = vpow2.f32 v44  }
0x197: {  	v31 =	vadd.f32 v43, v31;
	v45 =	vmul.f32 $1.442695020e+00, v45;
	v34 =	vsub.f32 v34, v25;
	v42 =	vpop (erf)  }
0x198: {  	v47 =	vsub.f32 v38, v25;
	v33 =	vmul.f32 v33, v26;
	v32 =	vadd.f32 v42, v32;
	v42 =	vpop (erf)  }
.Ltmp2:
0x199: {  	v41 =	vsub.f32 v41, v25;
	v34 =	vmul.f32 v34, v26;
	(erf) = vpow2.f32 v45;
	v40 =	vpop (erf);
	(pc) =	sbr.rel @p0 .LBB2_6-.Ltmp2, $4  }
0x19a: {  	v43 =	vmul.f32 v47, v26;
	v47 =	vsub.f32 v37, v25;
	v32 =	vadd.f32 v40, v32;
	v44 =	vpop (erf)  }
0x19b: {  	v45 =	vmul.f32 v41, v26;
	v46 =	vsub.f32 v39, v25;
	v34 =	vmul.f32 $1.442695020e+00, v34;
	v38 =	vpop (erf)  }
0x19c: {  	v35 =	vadd.f32 v42, v35;
	v40 =	vmul.f32 $1.442695020e+00, v43;
	v41 =	vmul.f32 v47, v26;
	v39 =	vpop (erf)  }
0x19d: {  	s23 =	smov.u32 s22;
	s21 =	sadd.s32 $0xA0, s21;
	v32 =	vadd.f32 v44, v32;
	v42 =	vmul.f32 $1.442695020e+00, v45;
	v43 =	vmul.f32 v46, v26;
	v37 =	vpop (erf)  }
0x19e: {  	v33 =	vmul.f32 $1.442695020e+00, v33  }
0x19f: {  	v36 =	vsub.f32 v36, v25;
	v43 =	vmul.f32 $1.442695020e+00, v43;
	(erf) = vpow2.f32 v42  }
0x1a0: {  	v63 =	vmul.f32 $1.442695020e+00, v41;
	(erf) = vpow2.f32 v40  }
0x1a1: {  	v36 =	vmul.f32 v36, v26;
	(erf) = vpow2.f32 v43  }
0x1a2: {  	v30 =	vmul.f32 $1.442695020e+00, v30;
	(erf) = vpow2.f32 v34  }
0x1a3: {  	v43 =	vmul.f32 $1.442695020e+00, v36;
	(erf) = vpow2.f32 v33  }
0x1a4: {  	v29 =	vmul.f32 $1.442695020e+00, v29;
	(erf) = vpow2.f32 v63  }
0x1a5: {  	v44 =	vpop (erf);
	(erf) = vpow2.f32 v43  }
0x1a6: {  	v45 =	vpop (erf);
	(erf) = vpow2.f32 v30  }
0x1a7: {  	v31 =	vadd.f32 v39, v31;
	v30 =	vpop (erf);
	(erf) = vpow2.f32 v29  }
0x1a8: {  	v29 =	vpop (erf)  }
0x1a9: {  	v31 =	vadd.f32 v37, v31;
	v46 =	vpop (erf)  }
0x1aa: {  	v47 =	vpop (erf)  }
0x1ab: {  	v28 =	vadd.f32 v38, v28;
	v48 =	vpop (erf)  }
0x1ac: {  	v33 =	vadd.f32 v44, v35;
	v29 =	vadd.f32 v29, v32;
	v49 =	vpop (erf)  }
0x1ad: {  	v28 =	vadd.f32 v45, v28;
	v30 =	vadd.f32 v30, v31;
	v31 =	vpop (erf)  }
0x1ae: {  	v33 =	vadd.f32 v46, v33;
	v29 =	vadd.f32 v47, v29;
	v50 =	vpop (erf)  }
0x1af: {  	v28 =	vadd.f32 v49, v28;
	v30 =	vadd.f32 v31, v30;
	v51 =	vpop (erf)  }
0x1b0: {  	v29 =	vadd.f32 v48, v29;
	v31 =	vpop (erf);
	v32 =	vadd.f32 v51, v33  }
0x1b1: {  	v30 =	vadd.f32 v50, v30;
	v28 =	vadd.f32 v31, v28;
	_ =	sdelay $0x1  }
0x1b2: {  	v29 =	vadd.f32 v30, v29;
	v28 =	vadd.f32 v28, v32;
	_ =	sdelay $0x1  }
0x1b3: {  	v28 =	vadd.f32 v28, v29;
	_ =	sdelay $0x1  }
0x1b4: {  	(xrf2) =	vadd.scan.msk.f32 $0xffff, v28;
	_ =	sdelay $0x5  }
0x1b5: {  	v25 =	vsub.f32 v27, v25;
	_ =	sdelay $0x1  }
0x1b6: {  	v25 =	vmul.f32 v26, v25;
	_ =	sdelay $0x1  }
0x1b7: {  	v25 =	vmul.f32 $1.442695020e+00, v25;
	v26, _, _ =	vpop (xrf2)  }
0x1b8: {  	v26 =	vbroadcast v26, $0xF  }
0x1b9: {  	(erf) = vpow2.f32 v25  }
0x1ba: {  	(erf) = vrcp.f32 v26;
	_ =	sdelay $0x7  }
0x1bb: {  	v25 =	vpop (erf)  }
0x1bc: {  	v26 =	vpop (erf)  }
0x1bd: {  	v25 =	vmul.f32 v26, v25;
	_ =	sdelay $0x1  }
0x1be: {  	v25 =	vnsel vm0, $0x0, v25  }
0x1bf: {  	s21 =	simm.s32 $0x0;
	[tilespmem:$0x18780] =	vst v25  }
0x1c0: {  	[hbm4b:s6+s21] =	stream.linear.scatter [tilespmem:s19], [sflag:$0x1], $0x80, $0x38;
	[tilespmem:$0x18880] =	vst v63  }
0x1c1: {  	_ =	swait.ge [sflag:s15], $0x80  }
0x1c2: {  	[sflag:s15] =	ssyncset.done $0x0  }
0x1c3: {  	[sflag:s15] =	ssyncadd.s32 $0xFFFFFF80  }
0x1c4: {  	[tilespmem:s21], [sflag:$0x1] =	stream.strided.gather [hbm4b:s7+s17], $0x18700, s18, s17, $0x38;
	[tilespmem:$0x18880] =	vst v63  }
0x1c5: {  	_ =	swait.ge [sflag:s15], $0x18700  }
0x1c6: {  	[sflag:s15] =	ssyncset.done $0x0  }
0x1c7: {  	s22 =	simm.s32 $0x190;
	[sflag:s15] =	ssyncadd.s32 $0xFFFE7900  }
0x1c8: {  	v25 =	vld [tilespmem:s22+$0xFFFFFE70]  }
0x1c9: {  	v26 =	vld [tilespmem:s22+$0xFFFFFE80]  }
0x1ca: {  	v27 =	vld [tilespmem:s22+$0xFFFFFE90]  }
0x1cb: {  	v28 =	vld [tilespmem:s22+$0xFFFFFEA0]  }
0x1cc: {  	v29 =	vld [tilespmem:s22+$0xFFFFFEB0]  }
0x1cd: {  	v30 =	vld [tilespmem:s22+$0xFFFFFEC0]  }
0x1ce: {  	v31 =	vld [tilespmem:s22+$0xFFFFFED0]  }
0x1cf: {  	s23 =	sand.u32 $0x1FFE0, s21;
	v52 =	vld [tilespmem:s22+$0xFFFFFEE0]  }
0x1d0: {  	v53 =	vld [tilespmem:s23+$0x80]  }
0x1d1: {  	v54 =	vld [tilespmem:s22+$0xFFFFFF00]  }
0x1d2: {  	v55 =	vld [tilespmem:s22+$0xFFFFFF10]  }
0x1d3: {  	v56 =	vld [tilespmem:s22+$0xFFFFFF20]  }
0x1d4: {  	v57 =	vld [tilespmem:s22+$0xFFFFFF30]  }
0x1d5: {  	v58 =	vld [tilespmem:s22+$0xFFFFFF40]  }
0x1d6: {  	v59 =	vld [tilespmem:s22+$0xFFFFFF50]  }
0x1d7: {  	v60 =	vld [tilespmem:s22+$0xFFFFFF60]  }
0x1d8: {  	v61 =	vld [tilespmem:s23+$0x100]  }
0x1d9: {  	v62 =	vld [tilespmem:s22+$0xFFFFFF80]  }
0x1da: {  	v63 =	vld [tilespmem:s22+$0xFFFFFF90]  }
0x1db: {  	v44 =	vld [tilespmem:s22+$0xFFFFFFA0]  }
0x1dc: {  	v45 =	vld [tilespmem:s22+$0xFFFFFFB0]  }
0x1dd: {  	v48 =	vld [tilespmem:s22+$0x20];
	v25 =	vmax.f32 v25, v26  }
0x1de: {  	v49 =	vld [tilespmem:s22+$0x30];
	v25 =	vmax.f32 v25, v27  }
0x1df: {  	v50 =	vld [tilespmem:s22+$0x40];
	v25 =	vmax.f32 v25, v28  }
0x1e0: {  	v51 =	vld [tilespmem:s22+$0x50];
	v25 =	vmax.f32 v25, v29  }
0x1e1: {  	s30 =	simm.s32 $0x4B0;
	v46 =	vld [tilespmem:s22+$0x180];
	v25 =	vmax.f32 v25, v30  }
0x1e2: {  	v47 =	vld [tilespmem:s30+$0xFFFFFE70];
	v25 =	vmax.f32 v25, v31  }
0x1e3: {  	v26 =	vld [tilespmem:s22+$0xFFFFFFC0];
	v25 =	vmax.f32 v25, v52  }
0x1e4: {  	v27 =	vld [tilespmem:s22+$0xFFFFFFD0];
	v25 =	vmax.f32 v25, v53  }
0x1e5: {  	v28 =	vld [tilespmem:s22+$0xFFFFFFE0];
	v25 =	vmax.f32 v25, v54  }
0x1e6: {  	v29 =	vld [tilespmem:s23+$0x180];
	v25 =	vmax.f32 v25, v55  }
0x1e7: {  	v30 =	vld [tilespmem:s22+$0x0];
	v25 =	vmax.f32 v25, v56  }
0x1e8: {  	v31 =	vld [tilespmem:s22+$0x10];
	v25 =	vmax.f32 v25, v57  }
0x1e9: {  	v52 =	vld [tilespmem:s22+$0x60];
	v25 =	vmax.f32 v25, v58  }
0x1ea: {  	v53 =	vld [tilespmem:s23+$0x200];
	v25 =	vmax.f32 v25, v59  }
0x1eb: {  	v54 =	vld [tilespmem:s22+$0x80];
	v25 =	vmax.f32 v25, v60  }
0x1ec: {  	v55 =	vld [tilespmem:s22+$0x90];
	v25 =	vmax.f32 v25, v61  }
0x1ed: {  	v56 =	vld [tilespmem:s22+$0xA0];
	v25 =	vmax.f32 v25, v62  }
0x1ee: {  	v57 =	vld [tilespmem:s22+$0xB0];
	v25 =	vmax.f32 v25, v63  }
0x1ef: {  	v58 =	vld [tilespmem:s22+$0xC0];
	v25 =	vmax.f32 v25, v44  }
0x1f0: {  	v59 =	vld [tilespmem:s22+$0xD0];
	v25 =	vmax.f32 v25, v45  }
0x1f1: {  	v60 =	vld [tilespmem:s22+$0xE0];
	v25 =	vmax.f32 v25, v26  }
0x1f2: {  	v61 =	vld [tilespmem:s23+$0x280];
	v25 =	vmax.f32 v25, v27  }
0x1f3: {  	v62 =	vld [tilespmem:s22+$0x160];
	v25 =	vmax.f32 v25, v28  }
0x1f4: {  	v63 =	vld [tilespmem:s23+$0x300];
	v25 =	vmax.f32 v25, v29  }
0x1f5: {  	v26 =	vld [tilespmem:s22+$0x100];
	v25 =	vmax.f32 v25, v30  }
0x1f6: {  	v27 =	vld [tilespmem:s22+$0x110];
	v25 =	vmax.f32 v25, v31  }
0x1f7: {  	v28 =	vld [tilespmem:s22+$0x120];
	v25 =	vmax.f32 v25, v48  }
0x1f8: {  	v29 =	vld [tilespmem:s22+$0x130];
	v25 =	vmax.f32 v25, v49  }
0x1f9: {  	v30 =	vld [tilespmem:s22+$0x140];
	v25 =	vmax.f32 v25, v50  }
0x1fa: {  	v31 =	vld [tilespmem:s22+$0x150];
	v25 =	vmax.f32 v25, v51  }
0x1fb: {  	v48 =	vld [tilespmem:s30+$0xFFFFFE80];
	v25 =	vmax.f32 v25, v52  }
0x1fc: {  	v49 =	vld [tilespmem:s30+$0xFFFFFE90];
	v25 =	vmax.f32 v25, v53  }
0x1fd: {  	v50 =	vld [tilespmem:s30+$0xFFFFFEA0];
	v25 =	vmax.f32 v25, v54  }
0x1fe: {  	v51 =	vld [tilespmem:s30+$0xFFFFFEB0];
	v25 =	vmax.f32 v25, v55  }
0x1ff: {  	v52 =	vld [tilespmem:s30+$0xFFFFFEC0];
	v25 =	vmax.f32 v25, v56  }
0x200: {  	s31 =	simm.s32 $0x320;
	v35 =	vmax.f32 v47, v48;
	v53 =	vld [tilespmem:s30+$0xFFFFFED0];
	v25 =	vmax.f32 v25, v57  }
0x201: {  	s23 =	sand.u32 $0x1FFE0, s31;
	v35 =	vmax.f32 v35, v49;
	v54 =	vld [tilespmem:s30+$0xFFFFFEE0];
	v25 =	vmax.f32 v25, v58  }
0x202: {  	v35 =	vmax.f32 v35, v50;
	v55 =	vld [tilespmem:s23+$0x80];
	v25 =	vmax.f32 v25, v59  }
0x203: {  	v35 =	vmax.f32 v35, v51;
	v56 =	vld [tilespmem:s30+$0xFFFFFF00];
	v25 =	vmax.f32 v25, v60  }
0x204: {  	v35 =	vmax.f32 v35, v52;
	v57 =	vld [tilespmem:s30+$0xFFFFFF10];
	v25 =	vmax.f32 v25, v61  }
0x205: {  	v58 =	vld [tilespmem:s30+$0xFFFFFF20];
	v25 =	vmax.f32 v25, v26;
	v26 =	vmax.f32 v35, v53  }
0x206: {  	v25 =	vmax.f32 v25, v27;
	v26 =	vmax.f32 v26, v54;
	v27 =	vld [tilespmem:s30+$0xFFFFFF30]  }
0x207: {  	v25 =	vmax.f32 v25, v28;
	v26 =	vmax.f32 v26, v55;
	v28 =	vld [tilespmem:s30+$0xFFFFFF40]  }
0x208: {  	v25 =	vmax.f32 v25, v29;
	v26 =	vmax.f32 v26, v56;
	v29 =	vld [tilespmem:s30+$0xFFFFFF50]  }
0x209: {  	v25 =	vmax.f32 v25, v30;
	v26 =	vmax.f32 v26, v57;
	v30 =	vld [tilespmem:s30+$0xFFFFFF60]  }
0x20a: {  	v25 =	vmax.f32 v25, v31;
	v26 =	vmax.f32 v26, v58;
	v31 =	vld [tilespmem:s23+$0x100]  }
0x20b: {  	v25 =	vmax.f32 v25, v62;
	v26 =	vmax.f32 v26, v27;
	v27 =	vld [tilespmem:s30+$0xFFFFFF80]  }
0x20c: {  	v25 =	vmax.f32 v25, v63;
	v26 =	vmax.f32 v26, v28;
	v28 =	vld [tilespmem:s30+$0xFFFFFF90]  }
0x20d: {  	v59 =	vor.u32 s21, v0;
	v25 =	vmax.f32 v25, v46;
	v26 =	vmax.f32 v26, v29;
	v29 =	vld [tilespmem:s30+$0xFFFFFFA0]  }
0x20e: {  	(xrf1) =	vsort.ascd.msk.f32 $0xffff, v25, v59;
	v25 =	vmax.f32 v26, v30;
	v26 =	vld [tilespmem:s30+$0xFFFFFFB0]  }
0x20f: {  	v30 =	vld [tilespmem:s30+$0xFFFFFFC0];
	v25 =	vmax.f32 v25, v31  }
0x210: {  	v25 =	vmax.f32 v25, v27;
	v27 =	vld [tilespmem:s30+$0xFFFFFFD0]  }
0x211: {  	v25 =	vmax.f32 v25, v28;
	v28 =	vld [tilespmem:s30+$0xFFFFFFE0]  }
0x212: {  	v25 =	vmax.f32 v25, v29;
	v29 =	vld [tilespmem:s23+$0x180]  }
0x213: {  	v25 =	vmax.f32 v25, v26;
	v26 =	vld [tilespmem:s30+$0x0]  }
0x214: {  	v25 =	vmax.f32 v25, v30;
	v30 =	vld [tilespmem:s30+$0x10]  }
0x215: {  	v25 =	vmax.f32 v25, v27;
	v27 =	vld [tilespmem:s30+$0x20]  }
0x216: {  	v25 =	vmax.f32 v25, v28;
	v28 =	vld [tilespmem:s30+$0x30]  }
0x217: {  	v25 =	vmax.f32 v25, v29;
	v29 =	vld [tilespmem:s30+$0x40]  }
0x218: {  	v25 =	vmax.f32 v25, v26;
	v26 =	vld [tilespmem:s30+$0x50]  }
0x219: {  	v25 =	vmax.f32 v25, v30;
	v30 =	vld [tilespmem:s30+$0x60]  }
0x21a: {  	v25 =	vmax.f32 v25, v27;
	v27 =	vld [tilespmem:s23+$0x200]  }
0x21b: {  	v25 =	vmax.f32 v25, v28;
	v28 =	vld [tilespmem:s30+$0x80]  }
0x21c: {  	v25 =	vmax.f32 v25, v29;
	v29 =	vld [tilespmem:s30+$0x90]  }
0x21d: {  	v25 =	vmax.f32 v25, v26;
	v26 =	vld [tilespmem:s30+$0xA0]  }
0x21e: {  	v31 =	vimm.f32 $-Inf;
	v32, v60, _ =	vpop (xrf1);
	v25 =	vmax.f32 v25, v30;
	v30 =	vld [tilespmem:s30+$0xB0]  }
0x21f: {  	v61 =	vimm.s32 $0x0;
	vm11 =	vge.f32 v31, v32;
	v25 =	vmax.f32 v25, v27;
	v27 =	vld [tilespmem:s30+$0xC0]  }
0x220: {  	v31 =	vsel vm11, v31, v32;
	v62 =	vsel vm11, v61, v60;
	v25 =	vmax.f32 v25, v28;
	v28 =	vld [tilespmem:s30+$0xD0]  }
0x221: {  	(xrf1) =	vsort.dscd.msk.f32 $0xffff, v31, v62;
	v25 =	vmax.f32 v25, v29;
	v29 =	vld [tilespmem:s30+$0xE0]  }
0x222: {  	v25 =	vmax.f32 v25, v26;
	v26 =	vld [tilespmem:s23+$0x280]  }
0x223: {  	v25 =	vmax.f32 v25, v30;
	v30 =	vld [tilespmem:s30+$0x100]  }
0x224: {  	v25 =	vmax.f32 v25, v27;
	v27 =	vld [tilespmem:s30+$0x110]  }
0x225: {  	v25 =	vmax.f32 v25, v28;
	v28 =	vld [tilespmem:s30+$0x120]  }
0x226: {  	v31 =	vld [tilespmem:s30+$0x130];
	v25 =	vmax.f32 v25, v29  }
0x227: {  	v25 =	vmax.f32 v25, v26  }
0x228: {  	v25 =	vmax.f32 v25, v30  }
0x229: {  	v26 =	vld [tilespmem:s30+$0x140];
	v25 =	vmax.f32 v25, v27  }
0x22a: {  	v30 =	vld [tilespmem:s30+$0x150];
	v25 =	vmax.f32 v25, v28  }
0x22b: {  	v29 =	vld [tilespmem:s30+$0x160];
	v25 =	vmax.f32 v25, v31  }
0x22c: {  	v28 =	vld [tilespmem:s23+$0x300]  }
0x22d: {  	s22 =	simm.s32 $0x7D0;
	v27 =	vld [tilespmem:s30+$0x180]  }
0x22e: {  	v32 =	vld [tilespmem:s22+$0xFFFFFE80];
	v63 =	vmax.f32 v25, v26  }
0x22f: {  	s24 =	simm.s32 $0x960;
	s23 =	simm.s32 $0x640;
	v31 =	vld [tilespmem:s22+$0xFFFFFE70];
	v30 =	vmax.f32 v63, v30;
	v26, v25, _ =	vpop (xrf1)  }
.LBB2_8:
0x230: {  	p0 =	sne.s32 s24, $0x18380;
	v33 =	vld [tilespmem:s22+$0xFFFFFE90];
	v29 =	vmax.f32 v30, v29  }
0x231: {  	s21 =	sadd.s32 $0x10, s21;
	v30 =	vld [tilespmem:s22+$0xFFFFFEA0];
	v28 =	vmax.f32 v29, v28  }
0x232: {  	v29 =	vld [tilespmem:s22+$0xFFFFFEB0];
	v27 =	vmax.f32 v28, v27;
	v28 =	vor.u32 s21, v0  }
0x233: {  	v34 =	vld [tilespmem:s22+$0xFFFFFEC0];
	(xrf1) =	vsort.ascd.msk.f32 $0xffff, v27, v28  }
0x234: {  	v27 =	vmax.f32 v31, v32;
	v28 =	vld [tilespmem:s22+$0xFFFFFED0]  }
0x235: {  	s25 =	sand.u32 $0x1FFE0, s23;
	s23 =	smov.u32 s24;
	v27 =	vmax.f32 v27, v33;
	v31 =	vld [tilespmem:s22+$0xFFFFFEE0]  }
0x236: {  	v27 =	vmax.f32 v27, v30;
	v30 =	vld [tilespmem:s25+$0x80]  }
0x237: {  	v27 =	vmax.f32 v27, v29;
	v29 =	vld [tilespmem:s22+$0xFFFFFF00]  }
0x238: {  	v27 =	vmax.f32 v27, v34;
	v32 =	vld [tilespmem:s22+$0xFFFFFF10]  }
0x239: {  	v27 =	vmax.f32 v27, v28;
	v28 =	vld [tilespmem:s22+$0xFFFFFF20]  }
0x23a: {  	v27 =	vmax.f32 v27, v31;
	v31 =	vld [tilespmem:s22+$0xFFFFFF30]  }
0x23b: {  	v27 =	vmax.f32 v27, v30;
	v30 =	vld [tilespmem:s22+$0xFFFFFF40]  }
0x23c: {  	v27 =	vmax.f32 v27, v29;
	v29 =	vld [tilespmem:s22+$0xFFFFFF50]  }
0x23d: {  	v27 =	vmax.f32 v27, v32;
	v32 =	vld [tilespmem:s22+$0xFFFFFF60]  }
0x23e: {  	v27 =	vmax.f32 v27, v28;
	v28 =	vld [tilespmem:s25+$0x100]  }
0x23f: {  	v27 =	vmax.f32 v27, v31;
	v31 =	vld [tilespmem:s22+$0xFFFFFF80]  }
0x240: {  	v27 =	vmax.f32 v27, v30;
	v30 =	vld [tilespmem:s22+$0xFFFFFF90]  }
0x241: {  	v27 =	vmax.f32 v27, v29;
	v29 =	vld [tilespmem:s22+$0xFFFFFFA0];
	v33, v34, _ =	vpop (xrf1)  }
0x242: {  	v27 =	vmax.f32 v27, v32;
	v32 =	vld [tilespmem:s22+$0xFFFFFFB0];
	vm11 =	vge.f32 v26, v33  }
0x243: {  	v27 =	vmax.f32 v27, v28;
	v28 =	vld [tilespmem:s22+$0xFFFFFFC0];
	v26 =	vsel vm11, v26, v33;
	v25 =	vsel vm11, v25, v34  }
0x244: {  	v27 =	vmax.f32 v27, v31;
	v31 =	vld [tilespmem:s22+$0xFFFFFFD0];
	(xrf1) =	vsort.dscd.msk.f32 $0xffff, v26, v25  }
0x245: {  	v25 =	vmax.f32 v27, v30;
	v26 =	vld [tilespmem:s22+$0xFFFFFFE0]  }
0x246: {  	v25 =	vmax.f32 v25, v29;
	v27 =	vld [tilespmem:s25+$0x180]  }
0x247: {  	v25 =	vmax.f32 v25, v32;
	v29 =	vld [tilespmem:s22+$0x0]  }
0x248: {  	v25 =	vmax.f32 v25, v28;
	v28 =	vld [tilespmem:s22+$0x10]  }
0x249: {  	v25 =	vmax.f32 v25, v31;
	v30 =	vld [tilespmem:s22+$0x20]  }
0x24a: {  	v25 =	vmax.f32 v25, v26;
	v26 =	vld [tilespmem:s22+$0x30]  }
0x24b: {  	v25 =	vmax.f32 v25, v27;
	v27 =	vld [tilespmem:s22+$0x40]  }
0x24c: {  	v25 =	vmax.f32 v25, v29;
	v29 =	vld [tilespmem:s22+$0x50]  }
0x24d: {  	v25 =	vmax.f32 v25, v28;
	v28 =	vld [tilespmem:s22+$0x60]  }
0x24e: {  	v25 =	vmax.f32 v25, v30;
	v30 =	vld [tilespmem:s25+$0x200]  }
0x24f: {  	v35 =	vmax.f32 v25, v26;
	v31 =	vld [tilespmem:s22+$0x80]  }
0x250: {  	v34 =	vmax.f32 v35, v27;
	v27 =	vld [tilespmem:s22+$0x90]  }
0x251: {  	v33 =	vmax.f32 v34, v29;
	v29 =	vld [tilespmem:s22+$0xA0]  }
0x252: {  	v28 =	vmax.f32 v33, v28;
	v32 =	vld [tilespmem:s22+$0xB0];
	v26, v25, _ =	vpop (xrf1)  }
0x253: {  	v28 =	vmax.f32 v28, v30;
	v30 =	vld [tilespmem:s22+$0xC0]  }
0x254: {  	v28 =	vmax.f32 v28, v31;
	v31 =	vld [tilespmem:s22+$0xD0]  }
0x255: {  	v27 =	vmax.f32 v28, v27;
	v28 =	vld [tilespmem:s22+$0xE0]  }
0x256: {  	v27 =	vmax.f32 v27, v29;
	v29 =	vld [tilespmem:s25+$0x280]  }
0x257: {  	v27 =	vmax.f32 v27, v32;
	v32 =	vld [tilespmem:s22+$0x100]  }
0x258: {  	v27 =	vmax.f32 v27, v30;
	v30 =	vld [tilespmem:s22+$0x110]  }
0x259: {  	v27 =	vmax.f32 v27, v31;
	v31 =	vld [tilespmem:s22+$0x120]  }
0x25a: {  	v27 =	vmax.f32 v27, v28;
	v33 =	vld [tilespmem:s22+$0x130]  }
0x25b: {  	v27 =	vmax.f32 v27, v29;
	v34 =	vld [tilespmem:s22+$0x140]  }
0x25c: {  	v27 =	vmax.f32 v27, v32;
	v35 =	vld [tilespmem:s22+$0x150]  }
.Ltmp3:
0x25d: {  	v27 =	vmax.f32 v27, v30;
	v29 =	vld [tilespmem:s22+$0x160];
	(pc) =	sbr.rel @p0 .LBB2_8-.Ltmp3, $4  }
0x25e: {  	v27 =	vmax.f32 v27, v31;
	v28 =	vld [tilespmem:s25+$0x300]  }
0x25f: {  	v30 =	vmax.f32 v27, v33;
	v27 =	vld [tilespmem:s22+$0x180];
	s22 =	sadd.s32 $0x320, s22  }
0x260: {  	v31 =	vld [tilespmem:s22+$0xFFFFFE70];
	v30 =	vmax.f32 v30, v34  }
0x261: {  	s24 =	sadd.s32 $0x320, s24;
	v32 =	vld [tilespmem:s22+$0xFFFFFE80];
	v30 =	vmax.f32 v30, v35  }
0x262: {  	v33 =	vld [tilespmem:s22+$0xFFFFFE90]  }
0x263: {  	v34 =	vld [tilespmem:s22+$0xFFFFFEA0]  }
0x264: {  	v35 =	vld [tilespmem:s22+$0xFFFFFEB0]  }
0x265: {  	v36 =	vld [tilespmem:s22+$0xFFFFFEC0]  }
0x266: {  	v63 =	vld [tilespmem:s22+$0xFFFFFED0];
	v31 =	vmax.f32 v31, v32  }
0x267: {  	v40 =	vld [tilespmem:s22+$0xFFFFFEE0];
	s23 =	sand.u32 $0x1FFE0, s23;
	v31 =	vmax.f32 v31, v33  }
0x268: {  	v41 =	vld [tilespmem:s23+$0x80];
	v31 =	vmax.f32 v31, v34  }
0x269: {  	v42 =	vld [tilespmem:s22+$0xFFFFFF00];
	v31 =	vmax.f32 v31, v35  }
0x26a: {  	v43 =	vld [tilespmem:s22+$0xFFFFFF10];
	v31 =	vmax.f32 v31, v36  }
0x26b: {  	v44 =	vld [tilespmem:s22+$0xFFFFFF20];
	v31 =	vmax.f32 v31, v63  }
0x26c: {  	v45 =	vld [tilespmem:s22+$0xFFFFFF30];
	v31 =	vmax.f32 v31, v40  }
0x26d: {  	v46 =	vld [tilespmem:s22+$0xFFFFFF40];
	v31 =	vmax.f32 v31, v41  }
0x26e: {  	v47 =	vld [tilespmem:s22+$0xFFFFFF50];
	v31 =	vmax.f32 v31, v42  }
0x26f: {  	v48 =	vld [tilespmem:s22+$0xFFFFFF60];
	v31 =	vmax.f32 v31, v43  }
0x270: {  	v49 =	vld [tilespmem:s23+$0x100];
	v31 =	vmax.f32 v31, v44  }
0x271: {  	v50 =	vld [tilespmem:s22+$0xFFFFFF80];
	v31 =	vmax.f32 v31, v45  }
0x272: {  	v51 =	vld [tilespmem:s22+$0xFFFFFF90];
	v31 =	vmax.f32 v31, v46  }
0x273: {  	v52 =	vld [tilespmem:s22+$0xFFFFFFA0];
	v31 =	vmax.f32 v31, v47  }
0x274: {  	v53 =	vld [tilespmem:s22+$0xFFFFFFB0];
	v31 =	vmax.f32 v31, v48  }
0x275: {  	v54 =	vld [tilespmem:s22+$0xFFFFFFC0];
	v31 =	vmax.f32 v31, v49  }
0x276: {  	v55 =	vld [tilespmem:s22+$0xFFFFFFD0];
	v31 =	vmax.f32 v31, v50  }
0x277: {  	v56 =	vld [tilespmem:s22+$0xFFFFFFE0];
	v31 =	vmax.f32 v31, v51  }
0x278: {  	v57 =	vld [tilespmem:s23+$0x180];
	v31 =	vmax.f32 v31, v52  }
0x279: {  	v58 =	vld [tilespmem:s22+$0x0];
	v31 =	vmax.f32 v31, v53  }
0x27a: {  	v59 =	vld [tilespmem:s22+$0x10];
	v31 =	vmax.f32 v31, v54  }
0x27b: {  	v60 =	vld [tilespmem:s22+$0x20];
	v31 =	vmax.f32 v31, v55  }
0x27c: {  	v61 =	vld [tilespmem:s22+$0x30];
	v31 =	vmax.f32 v31, v56  }
0x27d: {  	v62 =	vld [tilespmem:s22+$0x40];
	v31 =	vmax.f32 v31, v57  }
0x27e: {  	v63 =	vld [tilespmem:s22+$0x50];
	v31 =	vmax.f32 v31, v58  }
0x27f: {  	v38 =	vld [tilespmem:s22+$0x60];
	v31 =	vmax.f32 v31, v59  }
0x280: {  	v39 =	vld [tilespmem:s23+$0x200];
	v31 =	vmax.f32 v31, v60  }
0x281: {  	v40 =	vld [tilespmem:s22+$0x80];
	v31 =	vmax.f32 v31, v61  }
0x282: {  	v29 =	vmax.f32 v30, v29;
	v42 =	vld [tilespmem:s22+$0x90];
	v41 =	vmax.f32 v31, v62  }
0x283: {  	s21 =	sadd.s32 $0x10, s21;
	v28 =	vmax.f32 v29, v28;
	v44 =	vld [tilespmem:s22+$0xA0];
	v43 =	vmax.f32 v41, v63  }
0x284: {  	v27 =	vmax.f32 v28, v27;
	v45 =	vor.u32 s21, v0;
	v46 =	vld [tilespmem:s22+$0xB0];
	v29 =	vmax.f32 v43, v38  }
0x285: {  	(xrf1) =	vsort.ascd.msk.f32 $0xffff, v27, v45;
	v47 =	vld [tilespmem:s22+$0xC0];
	v27 =	vmax.f32 v29, v39  }
0x286: {  	v48 =	vld [tilespmem:s22+$0xD0];
	v27 =	vmax.f32 v27, v40  }
0x287: {  	v49 =	vld [tilespmem:s22+$0xE0];
	v27 =	vmax.f32 v27, v42  }
0x288: {  	v50 =	vld [tilespmem:s23+$0x280];
	v27 =	vmax.f32 v27, v44  }
0x289: {  	v51 =	vld [tilespmem:s22+$0x100];
	v27 =	vmax.f32 v27, v46  }
0x28a: {  	v52 =	vld [tilespmem:s22+$0x110];
	v27 =	vmax.f32 v27, v47  }
0x28b: {  	v53 =	vld [tilespmem:s22+$0x120];
	v27 =	vmax.f32 v27, v48  }
0x28c: {  	v54 =	vld [tilespmem:s22+$0x130];
	v27 =	vmax.f32 v27, v49  }
0x28d: {  	v55 =	vld [tilespmem:s22+$0x140];
	v27 =	vmax.f32 v27, v50  }
0x28e: {  	v56 =	vld [tilespmem:s22+$0x150];
	v27 =	vmax.f32 v27, v51  }
0x28f: {  	v57 =	vld [tilespmem:s22+$0x160];
	v27 =	vmax.f32 v27, v52  }
0x290: {  	v58 =	vld [tilespmem:s23+$0x300];
	v27 =	vmax.f32 v27, v53  }
0x291: {  	v59 =	vld [tilespmem:s22+$0x180];
	v27 =	vmax.f32 v27, v54  }
0x292: {  	v27 =	vmax.f32 v27, v55  }
0x293: {  	v61, v60, _ =	vpop (xrf1);
	v27 =	vmax.f32 v27, v56  }
0x294: {  	vm11 =	vge.f32 v26, v61;
	v27 =	vmax.f32 v27, v57  }
0x295: {  	s21 =	sadd.s32 $0x10, s21;
	v26 =	vsel vm11, v26, v61;
	v25 =	vsel vm11, v25, v60;
	v27 =	vmax.f32 v27, v58  }
0x296: {  	(xrf1) =	vsort.dscd.msk.f32 $0xffff, v26, v25;
	v26 =	vor.u32 s21, v0;
	v25 =	vmax.f32 v27, v59  }
0x297: {  	(xrf1) =	vsort.ascd.msk.f32 $0xffff, v25, v26;
	_ =	sdelay $0xc  }
0x298: {  	v25, v26, _ =	vpop (xrf1)  }
0x299: {  	v27, v62, _ =	vpop (xrf1)  }
0x29a: {  	vm11 =	vge.f32 v25, v27  }
0x29b: {  	v25 =	vsel vm11, v25, v27;
	v26 =	vsel vm11, v26, v62  }
0x29c: {  	(xrf1) =	vsort.dscd.msk.f32 $0xffff, v25, v26;
	_ =	sdelay $0xd  }
0x29d: {  	v25, v26, _ =	vpop (xrf1)  }
0x29e: {  	v25 =	vshrl.u32 v26, $0x4  }
0x29f: {  	v25 =	vmul.u32 $0x320, v25  }
0x2a0: {  	v26 =	vand.u32 $0xF, v26  }
0x2a1: {  	s29 =	simm.s32 $0x0;
	v25 =	vor.u32 v26, v25  }
0x2a2: {  	v26 =	vadd.s32 s29, v25;
	_ =	sdelay $0x4  }
0x2a3: {  	v26 =	vld.idx.msk [tilespmem:v26+s3+$0x0], $0xffff;
	_ =	sdelay $0x4  }
0x2a4: {  	(xrf1) =	vsort.ascd.msk.f32 $0xffff, v26, v26;
	_ =	sdelay $0x6  }
0x2a5: {  	s30 =	simm.s32 $0x10  }
0x2a6: {  	v26 =	vadd.s32 s30, v25;
	_ =	sdelay $0x4  }
0x2a7: {  	v26 =	vld.idx.msk [tilespmem:v26+s3+$0x0], $0xffff  }
0x2a8: {  	v27 =	vimm.f32 $-Inf;
	v63, _, _ =	vpop (xrf1)  }
0x2a9: {  	v27 =	vmax.f32 v27, v63  }
0x2aa: {  	(xrf1) =	vsort.ascd.msk.f32 $0xffff, v27, v27;
	_ =	sdelay $0x1  }
0x2ab: {  	(xrf1) =	vsort.ascd.msk.f32 $0xffff, v26, v26;
	_ =	sdelay $0x5  }
0x2ac: {  	s31 =	simm.s32 $0x20  }
0x2ad: {  	s21 =	simm.s32 $0x30;
	v26 =	vadd.s32 s31, v25  }
.LBB2_10:
0x2ae: {  	p0 =	sne.s32 s21, $0x310;
	_ =	sdelay $0x3  }
0x2af: {  	v26 =	vld.idx.msk [tilespmem:v26+s3+$0x0], $0xffff;
	v27, _, _ =	vpop (xrf1)  }
0x2b0: {  	v27 =	vperm.xlane v27, v5  }
0x2b1: {  	v28, _, _ =	vpop (xrf1)  }
0x2b2: {  	v27 =	vmax.f32 v27, v28  }
0x2b3: {  	(xrf1) =	vsort.ascd.msk.f32 $0xffff, v27, v27;
	_ =	sdelay $0x1  }
0x2b4: {  	(xrf1) =	vsort.ascd.msk.f32 $0xffff, v26, v26;
	_ =	sdelay $0x2  }
.Ltmp4:
0x2b5: {  	(pc) =	sbr.rel @p0 .LBB2_10-.Ltmp4, $2  }
0x2b6: {  	_ =	sdelay $0x2  }
0x2b7: {  	v26 =	vadd.s32 s21, v25;
	s21 =	sadd.s32 $0x10, s21  }
0x2b8: {  	_ =	sdelay $0x3  }
0x2b9: {  	v25, _, _ =	vpop (xrf1)  }
0x2ba: {  	v26 =	vld.idx.msk [tilespmem:v26+s3+$0x0], $0xffff;
	v25 =	vperm.xlane v25, v5  }
0x2bb: {  	v27, _, _ =	vpop (xrf1)  }
0x2bc: {  	v25 =	vmax.f32 v25, v27  }
0x2bd: {  	(xrf1) =	vsort.ascd.msk.f32 $0xffff, v25, v25;
	_ =	sdelay $0x1  }
0x2be: {  	(xrf1) =	vsort.ascd.msk.f32 $0xffff, v26, v26;
	_ =	sdelay $0xb  }
0x2bf: {  	v25, _, _ =	vpop (xrf1)  }
0x2c0: {  	v25 =	vperm.xlane v25, v5  }
0x2c1: {  	v26, _, _ =	vpop (xrf1)  }
0x2c2: {  	v25 =	vmax.f32 v25, v26  }
0x2c3: {  	(xrf1) =	vsort.ascd.msk.f32 $0xffff, v25, v25;
	_ =	sdelay $0xd  }
0x2c4: {  	v25, _, _ =	vpop (xrf1)  }
0x2c5: {  	v25 =	vperm.xlane v25, v5;
	_ =	sdelay $0x1  }
0x2c6: {  	(xrf0) =	vmax.scan.msk.f32 $0xffff, v25;
	v26 =	vnsel vm0, $0xFF800000, v25  }
0x2c7: {  	(xrf0) =	vmax.scan.msk.f32 $0xffff, v26  }
0x2c8: {  	v26 =	vsel vm1, $0xFF800000, v25  }
0x2c9: {  	(xrf0) =	vmax.scan.msk.f32 $0xffff, v26;
	v26 =	vsel vm2, $0xFF800000, v25;
	_ =	sdelay $0x1  }
0x2ca: {  	v27 =	vld.idx.msk [tilespmem:v7+s16+$0x0], $0xffff;
	(xrf0) =	vmax.scan.msk.f32 $0xffff, v26  }
0x2cb: {  	v28 =	vld.idx.msk [tilespmem:v6+s16+$0x0], $0xffff;
	v29 =	vsel vm3, $0xFF800000, v25;
	v26, _, _ =	vpop (xrf0)  }
0x2cc: {  	v31 =	vld.idx.msk [tilespmem:v8+s16+$0x0], $0xffff;
	(xrf0) =	vmax.scan.msk.f32 $0xffff, v29;
	v30, _, _ =	vpop (xrf0)  }
0x2cd: {  	v29 =	vbroadcast v30, $0xF  }
0x2ce: {  	v32 =	vld.idx.msk [tilespmem:v9+s16+$0x0], $0xffff;
	v30, _, _ =	vpop (xrf0)  }
0x2cf: {  	v27 =	vmul.f32 v27, v29;
	v29 =	vbroadcast v30, $0xF  }
0x2d0: {  	v33 =	vsel vm4, $0xFF800000, v25;
	v30, _, _ =	vpop (xrf0)  }
0x2d1: {  	v43 =	vld.idx.msk [tilespmem:v10+s16+$0x0], $0xffff;
	(xrf0) =	vmax.scan.msk.f32 $0xffff, v33;
	v27 =	vadd.f32 v27, v28;
	v28 =	vmul.f32 v31, v29;
	v29 =	vbroadcast v30, $0xF  }
0x2d2: {  	v34 =	vsel vm5, $0xFF800000, v25;
	v30, _, _ =	vpop (xrf0)  }
0x2d3: {  	v27 =	vadd.f32 v28, v27;
	v28 =	vmul.f32 v32, v29;
	v29 =	vbroadcast v30, $0xF  }
0x2d4: {  	(xrf0) =	vmax.scan.msk.f32 $0xffff, v34  }
0x2d5: {  	v31 =	vsel vm6, $0xFF800000, v25;
	v30 =	vld.idx.msk [tilespmem:v11+s16+$0x0], $0xffff  }
0x2d6: {  	(xrf0) =	vmax.scan.msk.f32 $0xffff, v31;
	v27 =	vadd.f32 v28, v27;
	v28 =	vmul.f32 v43, v29  }
0x2d7: {  	v31 =	vsel vm7, $0xFF800000, v25;
	v29, _, _ =	vpop (xrf0)  }
0x2d8: {  	v44 =	vld.idx.msk [tilespmem:v12+s16+$0x0], $0xffff;
	(xrf0) =	vmax.scan.msk.f32 $0xffff, v31;
	v29 =	vbroadcast v29, $0xF  }
0x2d9: {  	v31 =	vsel vm8, $0xFF800000, v25  }
0x2da: {  	v45 =	vld.idx.msk [tilespmem:v13+s16+$0x0], $0xffff;
	v27 =	vadd.f32 v28, v27;
	v28, _, _ =	vpop (xrf0);
	(xrf0) =	vmax.scan.msk.f32 $0xffff, v31;
	v29 =	vmul.f32 v30, v29  }
0x2db: {  	v25 =	vsel vm9, $0xFF800000, v25;
	v28 =	vbroadcast v28, $0xF  }
0x2dc: {  	v31 =	vld.idx.msk [tilespmem:v14+s16+$0x0], $0xffff;
	v30, _, _ =	vpop (xrf0);
	(xrf0) =	vmax.scan.msk.f32 $0xffff, v25  }
0x2dd: {  	v25 =	vadd.f32 v29, v27;
	v27 =	vmul.f32 v44, v28;
	v28 =	vbroadcast v30, $0xF  }
0x2de: {  	v30 =	vld.idx.msk [tilespmem:v15+s16+$0x0], $0xffff;
	v29, _, _ =	vpop (xrf0)  }
0x2df: {  	v25 =	vadd.f32 v27, v25;
	v27 =	vmul.f32 v45, v28;
	v28 =	vbroadcast v29, $0xF  }
0x2e0: {  	v46 =	vld.idx.msk [tilespmem:v16+s16+$0x0], $0xffff;
	v29, _, _ =	vpop (xrf0)  }
0x2e1: {  	v25 =	vadd.f32 v27, v25;
	v27 =	vmul.f32 v31, v28;
	v28 =	vbroadcast v29, $0xF  }
0x2e2: {  	v29, _, _ =	vpop (xrf0)  }
0x2e3: {  	v25 =	vadd.f32 v27, v25;
	v27 =	vmul.f32 v30, v28;
	v28 =	vbroadcast v29, $0xF;
	_ =	sdelay $0x1  }
0x2e4: {  	v25 =	vadd.f32 v27, v25;
	v27 =	vmul.f32 v46, v28;
	_ =	sdelay $0x1  }
0x2e5: {  	v25 =	vadd.f32 v27, v25;
	_ =	sdelay $0x1  }
0x2e6: {  	v25 =	vnsel vm10, $0x0, v25  }
0x2e7: {  	v25 =	vmax.f32 v25, $0.0e+00  }
0x2e8: {  	v27 =	vnsel vm0, $0xFF800000, v25  }
0x2e9: {  	(xrf0) =	vmax.scan.msk.f32 $0xffff, v27;
	_ =	sdelay $0x1  }
0x2ea: {  	v27 =	vsel vm1, $0xFF800000, v25  }
0x2eb: {  	(xrf0) =	vmax.scan.msk.f32 $0xffff, v27  }
0x2ec: {  	v27 =	vsel vm2, $0xFF800000, v25  }
0x2ed: {  	v28 =	vld.idx.msk [tilespmem:v18+s16+$0x0], $0xffff;
	(xrf0) =	vmax.scan.msk.f32 $0xffff, v27  }
0x2ee: {  	v31 =	vld.idx.msk [tilespmem:v19+s16+$0x0], $0xffff;
	v29 =	vsel vm3, $0xFF800000, v25;
	v30, _, _ =	vpop (xrf0)  }
0x2ef: {  	v27 =	vld.idx.msk [tilespmem:v17+s16+$0x0], $0xffff;
	(xrf0) =	vmax.scan.msk.f32 $0xffff, v29;
	v29 =	vbroadcast v30, $0xF  }
0x2f0: {  	v25 =	vsel vm4, $0xFF800000, v25  }
0x2f1: {  	v47 =	vld.idx.msk [tilespmem:v20+s16+$0x0], $0xffff;
	v30, _, _ =	vpop (xrf0);
	(xrf0) =	vmax.scan.msk.f32 $0xffff, v25  }
0x2f2: {  	v25 =	vmul.f32 v29, v28;
	v28 =	vbroadcast v30, $0xF  }
0x2f3: {  	v30 =	vld.idx.msk [tilespmem:v21+s16+$0x0], $0xffff;
	v29, _, _ =	vpop (xrf0)  }
0x2f4: {  	v25 =	vadd.f32 v25, v27;
	v27 =	vmul.f32 v28, v31;
	v28 =	vbroadcast v29, $0xF  }
0x2f5: {  	v31 =	vld.idx.msk [tilespmem:v22+s16+$0x0], $0xffff;
	v29, _, _ =	vpop (xrf0)  }
0x2f6: {  	v25 =	vadd.f32 v25, v27;
	v27 =	vmul.f32 v28, v47;
	v28 =	vbroadcast v29, $0xF  }
0x2f7: {  	v29, _, _ =	vpop (xrf0)  }
0x2f8: {  	v25 =	vadd.f32 v25, v27;
	v27 =	vmul.f32 v28, v30;
	v28 =	vbroadcast v29, $0xF;
	_ =	sdelay $0x1  }
0x2f9: {  	v25 =	vadd.f32 v25, v27;
	v27 =	vmul.f32 v28, v31  }
0x2fa: {  	v28 =	vld.idx.msk [tilespmem:v23+s16+$0x0], $0xffff  }
0x2fb: {  	v25 =	vadd.f32 v25, v27;
	_ =	sdelay $0x1  }
0x2fc: {  	v25 =	vnsel vm10, $0x0, v25  }
0x2fd: {  	v25 =	vmax.f32 v25, $0.0e+00  }
0x2fe: {  	v25 =	vmul.f32 v25, v28;
	_ =	sdelay $0x1  }
0x2ff: {  	v25 =	vnsel vm10, $0x0, v25  }
0x300: {  	(xrf2) =	vadd.scan.msk.f32 $0xffff, v25;
	_ =	sdelay $0x7  }
0x301: {  	v25 =	vld.idx.msk [tilespmem:v24+s16+$0x0], $0xffff;
	_ =	sdelay $0x1  }
0x302: {  	v27, _, _ =	vpop (xrf2)  }
0x303: {  	v27 =	vbroadcast v27, $0xF;
	_ =	sdelay $0x1  }
0x304: {  	v25 =	vadd.f32 v27, v25;
	_ =	sdelay $0x1  }
0x305: {  	v25 =	vand.u32 $0x7FFFFFFF, v25  }
0x306: {  	s21 =	simm.s32 $0x0;
	v25 =	vmax.f32 v25, $9.999999930e-09  }
0x307: {  	s23 =	sand.u32 $0x3FFE0, s21;
	v25 =	vmin.f32 v25, $1.000000000e+08  }
0x308: {  	s22 =	simm.s32 $0x50;
	v48 =	vld [tilespmem:s23+$0x80];
	(erf) = vrcp.f32 v25  }
0x309: {  	v29 =	vld [tilespmem:s22+$0x20]  }
0x30a: {  	v28 =	vld [tilespmem:s22+$0x10]  }
0x30b: {  	v27 =	vld [tilespmem:s22+$0xFFFFFFC0]  }
0x30c: {  	v31 =	vld [tilespmem:s22+$0xFFFFFFE0]  }
0x30d: {  	v30 =	vld [tilespmem:s22+$0xFFFFFFD0]  }
0x30e: {  	v49 =	vld [tilespmem:s22+$0xFFFFFFB0];
	v25 =	vbroadcast v26, $0xF  }
0x30f: {  	v35 =	vld [tilespmem:s22+$0xFFFFFFF0]  }
0x310: {  	v27 =	vsub.f32 v27, v25;
	v28 =	vsub.f32 v28, v25  }
0x311: {  	v29 =	vsub.f32 v29, v25;
	v31 =	vsub.f32 v31, v25;
	v26 =	vpop (erf)  }
0x312: {  	v32 =	vsub.f32 v48, v25;
	v30 =	vsub.f32 v30, v25;
	v27 =	vmul.f32 v27, v26  }
0x313: {  	v33 =	vsub.f32 v49, v25;
	v28 =	vmul.f32 v28, v26;
	v29 =	vmul.f32 v29, v26  }
0x314: {  	v50 =	vld [tilespmem:s22+$0x0];
	v51 =	vsub.f32 v35, v25;
	v31 =	vmul.f32 v31, v26;
	v32 =	vmul.f32 v32, v26  }
0x315: {  	s30 =	simm.s32 $0xF0;
	v36 =	vld [tilespmem:s22+$0x40];
	v30 =	vmul.f32 v30, v26;
	v33 =	vmul.f32 v33, v26  }
0x316: {  	v57 =	vld [tilespmem:s30+$0xFFFFFFD0];
	v34 =	vmul.f32 v51, v26;
	v27 =	vmul.f32 $1.442695020e+00, v27  }
0x317: {  	v40 =	vld [tilespmem:s30+$0x0];
	v32 =	vmul.f32 $1.442695020e+00, v32;
	v33 =	vmul.f32 $1.442695020e+00, v33  }
0x318: {  	v37 =	vld [tilespmem:s30+$0x10];
	v30 =	vmul.f32 $1.442695020e+00, v30;
	(erf) = vpow2.f32 v27  }
0x319: {  	v34 =	vmul.f32 $1.442695020e+00, v34;
	v27 =	vsub.f32 v50, v25;
	(erf) = vpow2.f32 v33  }
0x31a: {  	v36 =	vsub.f32 v36, v25;
	v31 =	vmul.f32 $1.442695020e+00, v31;
	(erf) = vpow2.f32 v30  }
0x31b: {  	v52 =	vld [tilespmem:s30+$0xFFFFFFC0];
	v35 =	vsub.f32 v57, v25;
	v27 =	vmul.f32 v27, v26;
	(erf) = vpow2.f32 v34  }
0x31c: {  	v54 =	vld [tilespmem:s30+$0xFFFFFFE0];
	v41 =	vsub.f32 v40, v25;
	v30 =	vmul.f32 v36, v26;
	(erf) = vpow2.f32 v32  }
0x31d: {  	v39 =	vld.idx.msk [tilespmem:v2+s14+$0x0], $0xffff;
	s31 =	simm.s32 $0xA0;
	v27 =	vmul.f32 $1.442695020e+00, v27;
	(erf) = vpow2.f32 v31;
	v31 =	vsub.f32 v37, v25  }
0x31e: {  	v53 =	vld [tilespmem:s30+$0x20];
	s23 =	sand.u32 $0x3FFE0, s31;
	v35 =	vmul.f32 v35, v26;
	v30 =	vmul.f32 $1.442695020e+00, v30  }
0x31f: {  	v56 =	vld [tilespmem:s23+$0x80];
	v41 =	vmul.f32 v41, v26;
	(erf) = vpow2.f32 v27  }
0x320: {  	v55 =	vmul.f32 $1.442695020e+00, v28;
	v28 =	vsub.f32 v52, v25;
	v27 =	vld [tilespmem:s30+$0xFFFFFFB0];
	(erf) = vpow2.f32 v30  }
0x321: {  	v59 =	vsub.f32 v54, v25;
	v58 =	vmul.f32 $1.442695020e+00, v29;
	v30 =	vmul.f32 v31, v26;
	v31 =	vpop (erf)  }
0x322: {  	v60 =	vld [tilespmem:s30+$0xFFFFFFF0];
	v38 =	vmul.f32 v28, v26;
	v28 =	vimm.f32 $0.0e+00;
	(erf) = vpow2.f32 v55;
	v62 =	vpop (erf)  }
0x323: {  	v29 =	vsub.f32 v53, v25;
	(erf) = vpow2.f32 v58;
	v37 =	vadd.f32 v62, v28;
	v42 =	vpop (erf)  }
0x324: {  	v40 =	vmul.f32 $1.442695020e+00, v35;
	v61 =	vmul.f32 $1.442695020e+00, v38;
	v32 =	vsub.f32 v56, v25;
	v63 =	vpop (erf)  }
0x325: {  	v29 =	vmul.f32 v29, v26;
	v27 =	vsub.f32 v27, v25;
	v37 =	vadd.f32 v63, v37  }
0x326: {  	v36 =	vld [tilespmem:s30+$0x40];
	v32 =	vmul.f32 v32, v26;
	(erf) = vpow2.f32 v61;
	v44 =	vpop (erf)  }
0x327: {  	v45 =	vsub.f32 v60, v25;
	v33 =	vmul.f32 v59, v26;
	v43 =	vmul.f32 v27, v26;
	v38 =	vpop (erf)  }
0x328: {  	v34 =	vmul.f32 $1.442695020e+00, v32;
	v31 =	vadd.f32 v31, v28;
	v35 =	vadd.f32 v42, v28;
	v27 =	vld.idx.msk [tilespmem:v39+s21+$0x0], $0xffff;
	v39 =	vpop (erf)  }
0x329: {  	s23 =	simm.s32 $0x140;
	s21 =	simm.s32 $0x190;
	v42 =	vmul.f32 $1.442695020e+00, v43;
	v43 =	vmul.f32 v45, v26;
	v32 =	vadd.f32 v44, v37;
	v37 =	vpop (erf)  }
.LBB2_12:
0x32a: {  	s22 =	smov.u32 s23  }
0x32b: {  	v44 =	vld [tilespmem:s21+$0xFFFFFFC0];
	s24 =	sand.u32 $0x3FFE0, s23;
	v41 =	vmul.f32 $1.442695020e+00, v41;
	v36 =	vsub.f32 v36, v25;
	v28 =	vadd.f32 v38, v28;
	v38 =	vpop (erf);
	s22 =	sadd.s32 $0xA0, s23  }
0x32c: {  	p0 =	sne.s32 s23, $0x18600;
	v31 =	vadd.f32 v39, v31;
	v46 =	vmul.f32 $1.442695020e+00, v43;
	v45 =	vld [tilespmem:s21+$0x10];
	(erf) = vpow2.f32 v42;
	v39 =	vpop (erf)  }
0x32d: {  	v33 =	vmul.f32 $1.442695020e+00, v33;
	v35 =	vadd.f32 v38, v35;
	v42 =	vld [tilespmem:s21+$0x20];
	(erf) = vpow2.f32 v40  }
0x32e: {  	v36 =	vmul.f32 v36, v26;
	v28 =	vadd.f32 v39, v28;
	v38 =	vld [tilespmem:s21+$0xFFFFFFD0];
	(erf) = vpow2.f32 v46  }
0x32f: {  	v31 =	vadd.f32 v37, v31;
	v40 =	vmul.f32 $1.442695020e+00, v30;
	v39 =	vld [tilespmem:s21+$0xFFFFFFE0];
	v43 =	vpop (erf);
	(erf) = vpow2.f32 v34  }
0x330: {  	v37 =	vmul.f32 $1.442695020e+00, v36;
	v30 =	vsub.f32 v44, v25;
	v34 =	vld [tilespmem:s24+$0x80];
	(erf) = vpow2.f32 v33  }
0x331: {  	v44 =	vmul.f32 $1.442695020e+00, v29;
	v33 =	vsub.f32 v45, v25;
	v36 =	vld [tilespmem:s21+$0x40];
	(erf) = vpow2.f32 v41  }
0x332: {  	v45 =	vmul.f32 v30, v26;
	v41 =	vld [tilespmem:s21+$0xFFFFFFB0];
	v29 =	vsub.f32 v42, v25;
	(erf) = vpow2.f32 v37  }
0x333: {  	v37 =	vld [tilespmem:s21+$0x0];
	v30 =	vmul.f32 v33, v26;
	(erf) = vpow2.f32 v40  }
0x334: {  	v33 =	vsub.f32 v39, v25;
	v39 =	vld [tilespmem:s21+$0xFFFFFFF0];
	v29 =	vmul.f32 v29, v26;
	(erf) = vpow2.f32 v44  }
0x335: {  	v31 =	vadd.f32 v43, v31;
	v45 =	vmul.f32 $1.442695020e+00, v45;
	v34 =	vsub.f32 v34, v25;
	v42 =	vpop (erf)  }
0x336: {  	v47 =	vsub.f32 v38, v25;
	v33 =	vmul.f32 v33, v26;
	v32 =	vadd.f32 v42, v32;
	v42 =	vpop (erf)  }
.Ltmp5:
0x337: {  	v41 =	vsub.f32 v41, v25;
	v34 =	vmul.f32 v34, v26;
	(erf) = vpow2.f32 v45;
	v40 =	vpop (erf);
	(pc) =	sbr.rel @p0 .LBB2_12-.Ltmp5, $4  }
0x338: {  	v43 =	vmul.f32 v47, v26;
	v47 =	vsub.f32 v37, v25;
	v32 =	vadd.f32 v40, v32;
	v44 =	vpop (erf)  }
0x339: {  	v45 =	vmul.f32 v41, v26;
	v46 =	vsub.f32 v39, v25;
	v34 =	vmul.f32 $1.442695020e+00, v34;
	v38 =	vpop (erf)  }
0x33a: {  	v35 =	vadd.f32 v42, v35;
	v40 =	vmul.f32 $1.442695020e+00, v43;
	v41 =	vmul.f32 v47, v26;
	v39 =	vpop (erf)  }
0x33b: {  	s23 =	smov.u32 s22;
	s21 =	sadd.s32 $0xA0, s21;
	v32 =	vadd.f32 v44, v32;
	v42 =	vmul.f32 $1.442695020e+00, v45;
	v43 =	vmul.f32 v46, v26;
	v37 =	vpop (erf)  }
0x33c: {  	v33 =	vmul.f32 $1.442695020e+00, v33  }
0x33d: {  	v36 =	vsub.f32 v36, v25;
	v43 =	vmul.f32 $1.442695020e+00, v43;
	(erf) = vpow2.f32 v42  }
0x33e: {  	v63 =	vmul.f32 $1.442695020e+00, v41;
	(erf) = vpow2.f32 v40  }
0x33f: {  	v36 =	vmul.f32 v36, v26;
	(erf) = vpow2.f32 v43  }
0x340: {  	v30 =	vmul.f32 $1.442695020e+00, v30;
	(erf) = vpow2.f32 v34  }
0x341: {  	v43 =	vmul.f32 $1.442695020e+00, v36;
	(erf) = vpow2.f32 v33  }
0x342: {  	v29 =	vmul.f32 $1.442695020e+00, v29;
	(erf) = vpow2.f32 v63  }
0x343: {  	v44 =	vpop (erf);
	(erf) = vpow2.f32 v43  }
0x344: {  	v45 =	vpop (erf);
	(erf) = vpow2.f32 v30  }
0x345: {  	v31 =	vadd.f32 v39, v31;
	v30 =	vpop (erf);
	(erf) = vpow2.f32 v29  }
0x346: {  	v29 =	vpop (erf)  }
0x347: {  	v31 =	vadd.f32 v37, v31;
	v46 =	vpop (erf)  }
0x348: {  	v47 =	vpop (erf)  }
0x349: {  	v28 =	vadd.f32 v38, v28;
	v48 =	vpop (erf)  }
0x34a: {  	v33 =	vadd.f32 v44, v35;
	v29 =	vadd.f32 v29, v32;
	v49 =	vpop (erf)  }
0x34b: {  	v28 =	vadd.f32 v45, v28;
	v30 =	vadd.f32 v30, v31;
	v31 =	vpop (erf)  }
0x34c: {  	v33 =	vadd.f32 v46, v33;
	v29 =	vadd.f32 v47, v29;
	v50 =	vpop (erf)  }
0x34d: {  	v28 =	vadd.f32 v49, v28;
	v30 =	vadd.f32 v31, v30;
	v51 =	vpop (erf)  }
0x34e: {  	v29 =	vadd.f32 v48, v29;
	v31 =	vpop (erf);
	v32 =	vadd.f32 v51, v33  }
0x34f: {  	v30 =	vadd.f32 v50, v30;
	v28 =	vadd.f32 v31, v28;
	_ =	sdelay $0x1  }
0x350: {  	v29 =	vadd.f32 v30, v29;
	v28 =	vadd.f32 v28, v32;
	_ =	sdelay $0x1  }
0x351: {  	v28 =	vadd.f32 v28, v29;
	_ =	sdelay $0x1  }
0x352: {  	(xrf2) =	vadd.scan.msk.f32 $0xffff, v28;
	_ =	sdelay $0x5  }
0x353: {  	v25 =	vsub.f32 v27, v25;
	_ =	sdelay $0x1  }
0x354: {  	v25 =	vmul.f32 v26, v25;
	_ =	sdelay $0x1  }
0x355: {  	v25 =	vmul.f32 $1.442695020e+00, v25;
	v26, _, _ =	vpop (xrf2)  }
0x356: {  	v26 =	vbroadcast v26, $0xF  }
0x357: {  	(erf) = vpow2.f32 v25  }
0x358: {  	(erf) = vrcp.f32 v26;
	_ =	sdelay $0x7  }
0x359: {  	v25 =	vpop (erf)  }
0x35a: {  	v26 =	vpop (erf)  }
0x35b: {  	v25 =	vmul.f32 v26, v25;
	_ =	sdelay $0x1  }
0x35c: {  	v25 =	vnsel vm0, $0x0, v25  }
0x35d: {  	s21 =	simm.s32 $0x0;
	[tilespmem:$0x18780] =	vst v25  }
0x35e: {  	[hbm4b:s8+s21] =	stream.linear.scatter [tilespmem:s19], [sflag:$0x1], $0x80, $0x38;
	[tilespmem:$0x18880] =	vst v63  }
0x35f: {  	_ =	swait.ge [sflag:s15], $0x80  }
0x360: {  	[sflag:s15] =	ssyncset.done $0x0  }
0x361: {  	[sflag:s15] =	ssyncadd.s32 $0xFFFFFF80  }
0x362: {  	[tilespmem:s21], [sflag:$0x1] =	stream.strided.gather [hbm4b:s9+s17], $0x18700, s18, s17, $0x38;
	[tilespmem:$0x18880] =	vst v63  }
0x363: {  	_ =	swait.ge [sflag:s15], $0x18700  }
0x364: {  	[sflag:s15] =	ssyncset.done $0x0  }
0x365: {  	s22 =	simm.s32 $0x190;
	[sflag:s15] =	ssyncadd.s32 $0xFFFE7900  }
0x366: {  	v25 =	vld [tilespmem:s22+$0xFFFFFE70]  }
0x367: {  	v26 =	vld [tilespmem:s22+$0xFFFFFE80]  }
0x368: {  	v27 =	vld [tilespmem:s22+$0xFFFFFE90]  }
0x369: {  	v28 =	vld [tilespmem:s22+$0xFFFFFEA0]  }
0x36a: {  	v29 =	vld [tilespmem:s22+$0xFFFFFEB0]  }
0x36b: {  	v30 =	vld [tilespmem:s22+$0xFFFFFEC0]  }
0x36c: {  	v31 =	vld [tilespmem:s22+$0xFFFFFED0]  }
0x36d: {  	s23 =	sand.u32 $0x1FFE0, s21;
	v52 =	vld [tilespmem:s22+$0xFFFFFEE0]  }
0x36e: {  	v53 =	vld [tilespmem:s23+$0x80]  }
0x36f: {  	v54 =	vld [tilespmem:s22+$0xFFFFFF00]  }
0x370: {  	v55 =	vld [tilespmem:s22+$0xFFFFFF10]  }
0x371: {  	v56 =	vld [tilespmem:s22+$0xFFFFFF20]  }
0x372: {  	v57 =	vld [tilespmem:s22+$0xFFFFFF30]  }
0x373: {  	v58 =	vld [tilespmem:s22+$0xFFFFFF40]  }
0x374: {  	v59 =	vld [tilespmem:s22+$0xFFFFFF50]  }
0x375: {  	v60 =	vld [tilespmem:s22+$0xFFFFFF60]  }
0x376: {  	v61 =	vld [tilespmem:s23+$0x100]  }
0x377: {  	v62 =	vld [tilespmem:s22+$0xFFFFFF80]  }
0x378: {  	v63 =	vld [tilespmem:s22+$0xFFFFFF90]  }
0x379: {  	v44 =	vld [tilespmem:s22+$0xFFFFFFA0]  }
0x37a: {  	v45 =	vld [tilespmem:s22+$0xFFFFFFB0]  }
0x37b: {  	v48 =	vld [tilespmem:s22+$0x20];
	v25 =	vmax.f32 v25, v26  }
0x37c: {  	v49 =	vld [tilespmem:s22+$0x30];
	v25 =	vmax.f32 v25, v27  }
0x37d: {  	v50 =	vld [tilespmem:s22+$0x40];
	v25 =	vmax.f32 v25, v28  }
0x37e: {  	v51 =	vld [tilespmem:s22+$0x50];
	v25 =	vmax.f32 v25, v29  }
0x37f: {  	s30 =	simm.s32 $0x4B0;
	v46 =	vld [tilespmem:s22+$0x180];
	v25 =	vmax.f32 v25, v30  }
0x380: {  	v47 =	vld [tilespmem:s30+$0xFFFFFE70];
	v25 =	vmax.f32 v25, v31  }
0x381: {  	v26 =	vld [tilespmem:s22+$0xFFFFFFC0];
	v25 =	vmax.f32 v25, v52  }
0x382: {  	v27 =	vld [tilespmem:s22+$0xFFFFFFD0];
	v25 =	vmax.f32 v25, v53  }
0x383: {  	v28 =	vld [tilespmem:s22+$0xFFFFFFE0];
	v25 =	vmax.f32 v25, v54  }
0x384: {  	v29 =	vld [tilespmem:s23+$0x180];
	v25 =	vmax.f32 v25, v55  }
0x385: {  	v30 =	vld [tilespmem:s22+$0x0];
	v25 =	vmax.f32 v25, v56  }
0x386: {  	v31 =	vld [tilespmem:s22+$0x10];
	v25 =	vmax.f32 v25, v57  }
0x387: {  	v52 =	vld [tilespmem:s22+$0x60];
	v25 =	vmax.f32 v25, v58  }
0x388: {  	v53 =	vld [tilespmem:s23+$0x200];
	v25 =	vmax.f32 v25, v59  }
0x389: {  	v54 =	vld [tilespmem:s22+$0x80];
	v25 =	vmax.f32 v25, v60  }
0x38a: {  	v55 =	vld [tilespmem:s22+$0x90];
	v25 =	vmax.f32 v25, v61  }
0x38b: {  	v56 =	vld [tilespmem:s22+$0xA0];
	v25 =	vmax.f32 v25, v62  }
0x38c: {  	v57 =	vld [tilespmem:s22+$0xB0];
	v25 =	vmax.f32 v25, v63  }
0x38d: {  	v58 =	vld [tilespmem:s22+$0xC0];
	v25 =	vmax.f32 v25, v44  }
0x38e: {  	v59 =	vld [tilespmem:s22+$0xD0];
	v25 =	vmax.f32 v25, v45  }
0x38f: {  	v60 =	vld [tilespmem:s22+$0xE0];
	v25 =	vmax.f32 v25, v26  }
0x390: {  	v61 =	vld [tilespmem:s23+$0x280];
	v25 =	vmax.f32 v25, v27  }
0x391: {  	v62 =	vld [tilespmem:s22+$0x160];
	v25 =	vmax.f32 v25, v28  }
0x392: {  	v63 =	vld [tilespmem:s23+$0x300];
	v25 =	vmax.f32 v25, v29  }
0x393: {  	v26 =	vld [tilespmem:s22+$0x100];
	v25 =	vmax.f32 v25, v30  }
0x394: {  	v27 =	vld [tilespmem:s22+$0x110];
	v25 =	vmax.f32 v25, v31  }
0x395: {  	v28 =	vld [tilespmem:s22+$0x120];
	v25 =	vmax.f32 v25, v48  }
0x396: {  	v29 =	vld [tilespmem:s22+$0x130];
	v25 =	vmax.f32 v25, v49  }
0x397: {  	v30 =	vld [tilespmem:s22+$0x140];
	v25 =	vmax.f32 v25, v50  }
0x398: {  	v31 =	vld [tilespmem:s22+$0x150];
	v25 =	vmax.f32 v25, v51  }
0x399: {  	v48 =	vld [tilespmem:s30+$0xFFFFFE80];
	v25 =	vmax.f32 v25, v52  }
0x39a: {  	v49 =	vld [tilespmem:s30+$0xFFFFFE90];
	v25 =	vmax.f32 v25, v53  }
0x39b: {  	v50 =	vld [tilespmem:s30+$0xFFFFFEA0];
	v25 =	vmax.f32 v25, v54  }
0x39c: {  	v51 =	vld [tilespmem:s30+$0xFFFFFEB0];
	v25 =	vmax.f32 v25, v55  }
0x39d: {  	v52 =	vld [tilespmem:s30+$0xFFFFFEC0];
	v25 =	vmax.f32 v25, v56  }
0x39e: {  	s31 =	simm.s32 $0x320;
	v35 =	vmax.f32 v47, v48;
	v53 =	vld [tilespmem:s30+$0xFFFFFED0];
	v25 =	vmax.f32 v25, v57  }
0x39f: {  	s23 =	sand.u32 $0x1FFE0, s31;
	v35 =	vmax.f32 v35, v49;
	v54 =	vld [tilespmem:s30+$0xFFFFFEE0];
	v25 =	vmax.f32 v25, v58  }
0x3a0: {  	v35 =	vmax.f32 v35, v50;
	v55 =	vld [tilespmem:s23+$0x80];
	v25 =	vmax.f32 v25, v59  }
0x3a1: {  	v35 =	vmax.f32 v35, v51;
	v56 =	vld [tilespmem:s30+$0xFFFFFF00];
	v25 =	vmax.f32 v25, v60  }
0x3a2: {  	v35 =	vmax.f32 v35, v52;
	v57 =	vld [tilespmem:s30+$0xFFFFFF10];
	v25 =	vmax.f32 v25, v61  }
0x3a3: {  	v58 =	vld [tilespmem:s30+$0xFFFFFF20];
	v25 =	vmax.f32 v25, v26;
	v26 =	vmax.f32 v35, v53  }
0x3a4: {  	v25 =	vmax.f32 v25, v27;
	v26 =	vmax.f32 v26, v54;
	v27 =	vld [tilespmem:s30+$0xFFFFFF30]  }
0x3a5: {  	v25 =	vmax.f32 v25, v28;
	v26 =	vmax.f32 v26, v55;
	v28 =	vld [tilespmem:s30+$0xFFFFFF40]  }
0x3a6: {  	v25 =	vmax.f32 v25, v29;
	v26 =	vmax.f32 v26, v56;
	v29 =	vld [tilespmem:s30+$0xFFFFFF50]  }
0x3a7: {  	v25 =	vmax.f32 v25, v30;
	v26 =	vmax.f32 v26, v57;
	v30 =	vld [tilespmem:s30+$0xFFFFFF60]  }
0x3a8: {  	v25 =	vmax.f32 v25, v31;
	v26 =	vmax.f32 v26, v58;
	v31 =	vld [tilespmem:s23+$0x100]  }
0x3a9: {  	v25 =	vmax.f32 v25, v62;
	v26 =	vmax.f32 v26, v27;
	v27 =	vld [tilespmem:s30+$0xFFFFFF80]  }
0x3aa: {  	v25 =	vmax.f32 v25, v63;
	v26 =	vmax.f32 v26, v28;
	v28 =	vld [tilespmem:s30+$0xFFFFFF90]  }
0x3ab: {  	v59 =	vor.u32 s21, v0;
	v25 =	vmax.f32 v25, v46;
	v26 =	vmax.f32 v26, v29;
	v29 =	vld [tilespmem:s30+$0xFFFFFFA0]  }
0x3ac: {  	(xrf1) =	vsort.ascd.msk.f32 $0xffff, v25, v59;
	v25 =	vmax.f32 v26, v30;
	v26 =	vld [tilespmem:s30+$0xFFFFFFB0]  }
0x3ad: {  	v30 =	vld [tilespmem:s30+$0xFFFFFFC0];
	v25 =	vmax.f32 v25, v31  }
0x3ae: {  	v25 =	vmax.f32 v25, v27;
	v27 =	vld [tilespmem:s30+$0xFFFFFFD0]  }
0x3af: {  	v25 =	vmax.f32 v25, v28;
	v28 =	vld [tilespmem:s30+$0xFFFFFFE0]  }
0x3b0: {  	v25 =	vmax.f32 v25, v29;
	v29 =	vld [tilespmem:s23+$0x180]  }
0x3b1: {  	v25 =	vmax.f32 v25, v26;
	v26 =	vld [tilespmem:s30+$0x0]  }
0x3b2: {  	v25 =	vmax.f32 v25, v30;
	v30 =	vld [tilespmem:s30+$0x10]  }
0x3b3: {  	v25 =	vmax.f32 v25, v27;
	v27 =	vld [tilespmem:s30+$0x20]  }
0x3b4: {  	v25 =	vmax.f32 v25, v28;
	v28 =	vld [tilespmem:s30+$0x30]  }
0x3b5: {  	v25 =	vmax.f32 v25, v29;
	v29 =	vld [tilespmem:s30+$0x40]  }
0x3b6: {  	v25 =	vmax.f32 v25, v26;
	v26 =	vld [tilespmem:s30+$0x50]  }
0x3b7: {  	v25 =	vmax.f32 v25, v30;
	v30 =	vld [tilespmem:s30+$0x60]  }
0x3b8: {  	v25 =	vmax.f32 v25, v27;
	v27 =	vld [tilespmem:s23+$0x200]  }
0x3b9: {  	v25 =	vmax.f32 v25, v28;
	v28 =	vld [tilespmem:s30+$0x80]  }
0x3ba: {  	v25 =	vmax.f32 v25, v29;
	v29 =	vld [tilespmem:s30+$0x90]  }
0x3bb: {  	v25 =	vmax.f32 v25, v26;
	v26 =	vld [tilespmem:s30+$0xA0]  }
0x3bc: {  	v31 =	vimm.f32 $-Inf;
	v32, v60, _ =	vpop (xrf1);
	v25 =	vmax.f32 v25, v30;
	v30 =	vld [tilespmem:s30+$0xB0]  }
0x3bd: {  	v61 =	vimm.s32 $0x0;
	vm11 =	vge.f32 v31, v32;
	v25 =	vmax.f32 v25, v27;
	v27 =	vld [tilespmem:s30+$0xC0]  }
0x3be: {  	v31 =	vsel vm11, v31, v32;
	v62 =	vsel vm11, v61, v60;
	v25 =	vmax.f32 v25, v28;
	v28 =	vld [tilespmem:s30+$0xD0]  }
0x3bf: {  	(xrf1) =	vsort.dscd.msk.f32 $0xffff, v31, v62;
	v25 =	vmax.f32 v25, v29;
	v29 =	vld [tilespmem:s30+$0xE0]  }
0x3c0: {  	v25 =	vmax.f32 v25, v26;
	v26 =	vld [tilespmem:s23+$0x280]  }
0x3c1: {  	v25 =	vmax.f32 v25, v30;
	v30 =	vld [tilespmem:s30+$0x100]  }
0x3c2: {  	v25 =	vmax.f32 v25, v27;
	v27 =	vld [tilespmem:s30+$0x110]  }
0x3c3: {  	v25 =	vmax.f32 v25, v28;
	v28 =	vld [tilespmem:s30+$0x120]  }
0x3c4: {  	v31 =	vld [tilespmem:s30+$0x130];
	v25 =	vmax.f32 v25, v29  }
0x3c5: {  	v25 =	vmax.f32 v25, v26  }
0x3c6: {  	v25 =	vmax.f32 v25, v30  }
0x3c7: {  	v26 =	vld [tilespmem:s30+$0x140];
	v25 =	vmax.f32 v25, v27  }
0x3c8: {  	v30 =	vld [tilespmem:s30+$0x150];
	v25 =	vmax.f32 v25, v28  }
0x3c9: {  	v29 =	vld [tilespmem:s30+$0x160];
	v25 =	vmax.f32 v25, v31  }
0x3ca: {  	v28 =	vld [tilespmem:s23+$0x300]  }
0x3cb: {  	s22 =	simm.s32 $0x7D0;
	v27 =	vld [tilespmem:s30+$0x180]  }
0x3cc: {  	v32 =	vld [tilespmem:s22+$0xFFFFFE80];
	v63 =	vmax.f32 v25, v26  }
0x3cd: {  	s24 =	simm.s32 $0x960;
	s23 =	simm.s32 $0x640;
	v31 =	vld [tilespmem:s22+$0xFFFFFE70];
	v30 =	vmax.f32 v63, v30;
	v26, v25, _ =	vpop (xrf1)  }
.LBB2_14:
0x3ce: {  	p0 =	sne.s32 s24, $0x18380;
	v33 =	vld [tilespmem:s22+$0xFFFFFE90];
	v29 =	vmax.f32 v30, v29  }
0x3cf: {  	s21 =	sadd.s32 $0x10, s21;
	v30 =	vld [tilespmem:s22+$0xFFFFFEA0];
	v28 =	vmax.f32 v29, v28  }
0x3d0: {  	v29 =	vld [tilespmem:s22+$0xFFFFFEB0];
	v27 =	vmax.f32 v28, v27;
	v28 =	vor.u32 s21, v0  }
0x3d1: {  	v34 =	vld [tilespmem:s22+$0xFFFFFEC0];
	(xrf1) =	vsort.ascd.msk.f32 $0xffff, v27, v28  }
0x3d2: {  	v27 =	vmax.f32 v31, v32;
	v28 =	vld [tilespmem:s22+$0xFFFFFED0]  }
0x3d3: {  	s25 =	sand.u32 $0x1FFE0, s23;
	s23 =	smov.u32 s24;
	v27 =	vmax.f32 v27, v33;
	v31 =	vld [tilespmem:s22+$0xFFFFFEE0]  }
0x3d4: {  	v27 =	vmax.f32 v27, v30;
	v30 =	vld [tilespmem:s25+$0x80]  }
0x3d5: {  	v27 =	vmax.f32 v27, v29;
	v29 =	vld [tilespmem:s22+$0xFFFFFF00]  }
0x3d6: {  	v27 =	vmax.f32 v27, v34;
	v32 =	vld [tilespmem:s22+$0xFFFFFF10]  }
0x3d7: {  	v27 =	vmax.f32 v27, v28;
	v28 =	vld [tilespmem:s22+$0xFFFFFF20]  }
0x3d8: {  	v27 =	vmax.f32 v27, v31;
	v31 =	vld [tilespmem:s22+$0xFFFFFF30]  }
0x3d9: {  	v27 =	vmax.f32 v27, v30;
	v30 =	vld [tilespmem:s22+$0xFFFFFF40]  }
0x3da: {  	v27 =	vmax.f32 v27, v29;
	v29 =	vld [tilespmem:s22+$0xFFFFFF50]  }
0x3db: {  	v27 =	vmax.f32 v27, v32;
	v32 =	vld [tilespmem:s22+$0xFFFFFF60]  }
0x3dc: {  	v27 =	vmax.f32 v27, v28;
	v28 =	vld [tilespmem:s25+$0x100]  }
0x3dd: {  	v27 =	vmax.f32 v27, v31;
	v31 =	vld [tilespmem:s22+$0xFFFFFF80]  }
0x3de: {  	v27 =	vmax.f32 v27, v30;
	v30 =	vld [tilespmem:s22+$0xFFFFFF90]  }
0x3df: {  	v27 =	vmax.f32 v27, v29;
	v29 =	vld [tilespmem:s22+$0xFFFFFFA0];
	v33, v34, _ =	vpop (xrf1)  }
0x3e0: {  	v27 =	vmax.f32 v27, v32;
	v32 =	vld [tilespmem:s22+$0xFFFFFFB0];
	vm11 =	vge.f32 v26, v33  }
0x3e1: {  	v27 =	vmax.f32 v27, v28;
	v28 =	vld [tilespmem:s22+$0xFFFFFFC0];
	v26 =	vsel vm11, v26, v33;
	v25 =	vsel vm11, v25, v34  }
0x3e2: {  	v27 =	vmax.f32 v27, v31;
	v31 =	vld [tilespmem:s22+$0xFFFFFFD0];
	(xrf1) =	vsort.dscd.msk.f32 $0xffff, v26, v25  }
0x3e3: {  	v25 =	vmax.f32 v27, v30;
	v26 =	vld [tilespmem:s22+$0xFFFFFFE0]  }
0x3e4: {  	v25 =	vmax.f32 v25, v29;
	v27 =	vld [tilespmem:s25+$0x180]  }
0x3e5: {  	v25 =	vmax.f32 v25, v32;
	v29 =	vld [tilespmem:s22+$0x0]  }
0x3e6: {  	v25 =	vmax.f32 v25, v28;
	v28 =	vld [tilespmem:s22+$0x10]  }
0x3e7: {  	v25 =	vmax.f32 v25, v31;
	v30 =	vld [tilespmem:s22+$0x20]  }
0x3e8: {  	v25 =	vmax.f32 v25, v26;
	v26 =	vld [tilespmem:s22+$0x30]  }
0x3e9: {  	v25 =	vmax.f32 v25, v27;
	v27 =	vld [tilespmem:s22+$0x40]  }
0x3ea: {  	v25 =	vmax.f32 v25, v29;
	v29 =	vld [tilespmem:s22+$0x50]  }
0x3eb: {  	v25 =	vmax.f32 v25, v28;
	v28 =	vld [tilespmem:s22+$0x60]  }
0x3ec: {  	v25 =	vmax.f32 v25, v30;
	v30 =	vld [tilespmem:s25+$0x200]  }
0x3ed: {  	v35 =	vmax.f32 v25, v26;
	v31 =	vld [tilespmem:s22+$0x80]  }
0x3ee: {  	v34 =	vmax.f32 v35, v27;
	v27 =	vld [tilespmem:s22+$0x90]  }
0x3ef: {  	v33 =	vmax.f32 v34, v29;
	v29 =	vld [tilespmem:s22+$0xA0]  }
0x3f0: {  	v28 =	vmax.f32 v33, v28;
	v32 =	vld [tilespmem:s22+$0xB0];
	v26, v25, _ =	vpop (xrf1)  }
0x3f1: {  	v28 =	vmax.f32 v28, v30;
	v30 =	vld [tilespmem:s22+$0xC0]  }
0x3f2: {  	v28 =	vmax.f32 v28, v31;
	v31 =	vld [tilespmem:s22+$0xD0]  }
0x3f3: {  	v27 =	vmax.f32 v28, v27;
	v28 =	vld [tilespmem:s22+$0xE0]  }
0x3f4: {  	v27 =	vmax.f32 v27, v29;
	v29 =	vld [tilespmem:s25+$0x280]  }
0x3f5: {  	v27 =	vmax.f32 v27, v32;
	v32 =	vld [tilespmem:s22+$0x100]  }
0x3f6: {  	v27 =	vmax.f32 v27, v30;
	v30 =	vld [tilespmem:s22+$0x110]  }
0x3f7: {  	v27 =	vmax.f32 v27, v31;
	v31 =	vld [tilespmem:s22+$0x120]  }
0x3f8: {  	v27 =	vmax.f32 v27, v28;
	v33 =	vld [tilespmem:s22+$0x130]  }
0x3f9: {  	v27 =	vmax.f32 v27, v29;
	v34 =	vld [tilespmem:s22+$0x140]  }
0x3fa: {  	v27 =	vmax.f32 v27, v32;
	v35 =	vld [tilespmem:s22+$0x150]  }
.Ltmp6:
0x3fb: {  	v27 =	vmax.f32 v27, v30;
	v29 =	vld [tilespmem:s22+$0x160];
	(pc) =	sbr.rel @p0 .LBB2_14-.Ltmp6, $4  }
0x3fc: {  	v27 =	vmax.f32 v27, v31;
	v28 =	vld [tilespmem:s25+$0x300]  }
0x3fd: {  	v30 =	vmax.f32 v27, v33;
	v27 =	vld [tilespmem:s22+$0x180];
	s22 =	sadd.s32 $0x320, s22  }
0x3fe: {  	v31 =	vld [tilespmem:s22+$0xFFFFFE70];
	v30 =	vmax.f32 v30, v34  }
0x3ff: {  	s24 =	sadd.s32 $0x320, s24;
	v32 =	vld [tilespmem:s22+$0xFFFFFE80];
	v30 =	vmax.f32 v30, v35  }
0x400: {  	v33 =	vld [tilespmem:s22+$0xFFFFFE90]  }
0x401: {  	v34 =	vld [tilespmem:s22+$0xFFFFFEA0]  }
0x402: {  	v35 =	vld [tilespmem:s22+$0xFFFFFEB0]  }
0x403: {  	v36 =	vld [tilespmem:s22+$0xFFFFFEC0]  }
0x404: {  	v63 =	vld [tilespmem:s22+$0xFFFFFED0];
	v31 =	vmax.f32 v31, v32  }
0x405: {  	v40 =	vld [tilespmem:s22+$0xFFFFFEE0];
	s23 =	sand.u32 $0x1FFE0, s23;
	v31 =	vmax.f32 v31, v33  }
0x406: {  	v41 =	vld [tilespmem:s23+$0x80];
	v31 =	vmax.f32 v31, v34  }
0x407: {  	v42 =	vld [tilespmem:s22+$0xFFFFFF00];
	v31 =	vmax.f32 v31, v35  }
0x408: {  	v43 =	vld [tilespmem:s22+$0xFFFFFF10];
	v31 =	vmax.f32 v31, v36  }
0x409: {  	v44 =	vld [tilespmem:s22+$0xFFFFFF20];
	v31 =	vmax.f32 v31, v63  }
0x40a: {  	v45 =	vld [tilespmem:s22+$0xFFFFFF30];
	v31 =	vmax.f32 v31, v40  }
0x40b: {  	v46 =	vld [tilespmem:s22+$0xFFFFFF40];
	v31 =	vmax.f32 v31, v41  }
0x40c: {  	v47 =	vld [tilespmem:s22+$0xFFFFFF50];
	v31 =	vmax.f32 v31, v42  }
0x40d: {  	v48 =	vld [tilespmem:s22+$0xFFFFFF60];
	v31 =	vmax.f32 v31, v43  }
0x40e: {  	v49 =	vld [tilespmem:s23+$0x100];
	v31 =	vmax.f32 v31, v44  }
0x40f: {  	v50 =	vld [tilespmem:s22+$0xFFFFFF80];
	v31 =	vmax.f32 v31, v45  }
0x410: {  	v51 =	vld [tilespmem:s22+$0xFFFFFF90];
	v31 =	vmax.f32 v31, v46  }
0x411: {  	v52 =	vld [tilespmem:s22+$0xFFFFFFA0];
	v31 =	vmax.f32 v31, v47  }
0x412: {  	v53 =	vld [tilespmem:s22+$0xFFFFFFB0];
	v31 =	vmax.f32 v31, v48  }
0x413: {  	v54 =	vld [tilespmem:s22+$0xFFFFFFC0];
	v31 =	vmax.f32 v31, v49  }
0x414: {  	v55 =	vld [tilespmem:s22+$0xFFFFFFD0];
	v31 =	vmax.f32 v31, v50  }
0x415: {  	v56 =	vld [tilespmem:s22+$0xFFFFFFE0];
	v31 =	vmax.f32 v31, v51  }
0x416: {  	v57 =	vld [tilespmem:s23+$0x180];
	v31 =	vmax.f32 v31, v52  }
0x417: {  	v58 =	vld [tilespmem:s22+$0x0];
	v31 =	vmax.f32 v31, v53  }
0x418: {  	v59 =	vld [tilespmem:s22+$0x10];
	v31 =	vmax.f32 v31, v54  }
0x419: {  	v60 =	vld [tilespmem:s22+$0x20];
	v31 =	vmax.f32 v31, v55  }
0x41a: {  	v61 =	vld [tilespmem:s22+$0x30];
	v31 =	vmax.f32 v31, v56  }
0x41b: {  	v62 =	vld [tilespmem:s22+$0x40];
	v31 =	vmax.f32 v31, v57  }
0x41c: {  	v63 =	vld [tilespmem:s22+$0x50];
	v31 =	vmax.f32 v31, v58  }
0x41d: {  	v38 =	vld [tilespmem:s22+$0x60];
	v31 =	vmax.f32 v31, v59  }
0x41e: {  	v39 =	vld [tilespmem:s23+$0x200];
	v31 =	vmax.f32 v31, v60  }
0x41f: {  	v40 =	vld [tilespmem:s22+$0x80];
	v31 =	vmax.f32 v31, v61  }
0x420: {  	v29 =	vmax.f32 v30, v29;
	v42 =	vld [tilespmem:s22+$0x90];
	v41 =	vmax.f32 v31, v62  }
0x421: {  	s21 =	sadd.s32 $0x10, s21;
	v28 =	vmax.f32 v29, v28;
	v44 =	vld [tilespmem:s22+$0xA0];
	v43 =	vmax.f32 v41, v63  }
0x422: {  	v27 =	vmax.f32 v28, v27;
	v45 =	vor.u32 s21, v0;
	v46 =	vld [tilespmem:s22+$0xB0];
	v29 =	vmax.f32 v43, v38  }
0x423: {  	(xrf1) =	vsort.ascd.msk.f32 $0xffff, v27, v45;
	v47 =	vld [tilespmem:s22+$0xC0];
	v27 =	vmax.f32 v29, v39  }
0x424: {  	v48 =	vld [tilespmem:s22+$0xD0];
	v27 =	vmax.f32 v27, v40  }
0x425: {  	v49 =	vld [tilespmem:s22+$0xE0];
	v27 =	vmax.f32 v27, v42  }
0x426: {  	v50 =	vld [tilespmem:s23+$0x280];
	v27 =	vmax.f32 v27, v44  }
0x427: {  	v51 =	vld [tilespmem:s22+$0x100];
	v27 =	vmax.f32 v27, v46  }
0x428: {  	v52 =	vld [tilespmem:s22+$0x110];
	v27 =	vmax.f32 v27, v47  }
0x429: {  	v53 =	vld [tilespmem:s22+$0x120];
	v27 =	vmax.f32 v27, v48  }
0x42a: {  	v54 =	vld [tilespmem:s22+$0x130];
	v27 =	vmax.f32 v27, v49  }
0x42b: {  	v55 =	vld [tilespmem:s22+$0x140];
	v27 =	vmax.f32 v27, v50  }
0x42c: {  	v56 =	vld [tilespmem:s22+$0x150];
	v27 =	vmax.f32 v27, v51  }
0x42d: {  	v57 =	vld [tilespmem:s22+$0x160];
	v27 =	vmax.f32 v27, v52  }
0x42e: {  	v58 =	vld [tilespmem:s23+$0x300];
	v27 =	vmax.f32 v27, v53  }
0x42f: {  	v59 =	vld [tilespmem:s22+$0x180];
	v27 =	vmax.f32 v27, v54  }
0x430: {  	v27 =	vmax.f32 v27, v55  }
0x431: {  	v61, v60, _ =	vpop (xrf1);
	v27 =	vmax.f32 v27, v56  }
0x432: {  	vm11 =	vge.f32 v26, v61;
	v27 =	vmax.f32 v27, v57  }
0x433: {  	s21 =	sadd.s32 $0x10, s21;
	v26 =	vsel vm11, v26, v61;
	v25 =	vsel vm11, v25, v60;
	v27 =	vmax.f32 v27, v58  }
0x434: {  	(xrf1) =	vsort.dscd.msk.f32 $0xffff, v26, v25;
	v26 =	vor.u32 s21, v0;
	v25 =	vmax.f32 v27, v59  }
0x435: {  	(xrf1) =	vsort.ascd.msk.f32 $0xffff, v25, v26;
	_ =	sdelay $0xc  }
0x436: {  	v25, v26, _ =	vpop (xrf1)  }
0x437: {  	v27, v62, _ =	vpop (xrf1)  }
0x438: {  	vm11 =	vge.f32 v25, v27  }
0x439: {  	v25 =	vsel vm11, v25, v27;
	v26 =	vsel vm11, v26, v62  }
0x43a: {  	(xrf1) =	vsort.dscd.msk.f32 $0xffff, v25, v26;
	_ =	sdelay $0xd  }
0x43b: {  	v25, v26, _ =	vpop (xrf1)  }
0x43c: {  	v25 =	vshrl.u32 v26, $0x4  }
0x43d: {  	v25 =	vmul.u32 $0x320, v25  }
0x43e: {  	v26 =	vand.u32 $0xF, v26  }
0x43f: {  	s29 =	simm.s32 $0x0;
	v25 =	vor.u32 v26, v25  }
0x440: {  	v26 =	vadd.s32 s29, v25;
	_ =	sdelay $0x4  }
0x441: {  	v26 =	vld.idx.msk [tilespmem:v26+s3+$0x0], $0xffff;
	_ =	sdelay $0x4  }
0x442: {  	(xrf1) =	vsort.ascd.msk.f32 $0xffff, v26, v26;
	_ =	sdelay $0x6  }
0x443: {  	s30 =	simm.s32 $0x10  }
0x444: {  	v26 =	vadd.s32 s30, v25;
	_ =	sdelay $0x4  }
0x445: {  	v26 =	vld.idx.msk [tilespmem:v26+s3+$0x0], $0xffff  }
0x446: {  	v27 =	vimm.f32 $-Inf;
	v63, _, _ =	vpop (xrf1)  }
0x447: {  	v27 =	vmax.f32 v27, v63  }
0x448: {  	(xrf1) =	vsort.ascd.msk.f32 $0xffff, v27, v27;
	_ =	sdelay $0x1  }
0x449: {  	(xrf1) =	vsort.ascd.msk.f32 $0xffff, v26, v26;
	_ =	sdelay $0x5  }
0x44a: {  	s31 =	simm.s32 $0x20  }
0x44b: {  	s21 =	simm.s32 $0x30;
	v26 =	vadd.s32 s31, v25  }
.LBB2_16:
0x44c: {  	p0 =	sne.s32 s21, $0x310;
	_ =	sdelay $0x3  }
0x44d: {  	v26 =	vld.idx.msk [tilespmem:v26+s3+$0x0], $0xffff;
	v27, _, _ =	vpop (xrf1)  }
0x44e: {  	v27 =	vperm.xlane v27, v5  }
0x44f: {  	v28, _, _ =	vpop (xrf1)  }
0x450: {  	v27 =	vmax.f32 v27, v28  }
0x451: {  	(xrf1) =	vsort.ascd.msk.f32 $0xffff, v27, v27;
	_ =	sdelay $0x1  }
0x452: {  	(xrf1) =	vsort.ascd.msk.f32 $0xffff, v26, v26;
	_ =	sdelay $0x2  }
.Ltmp7:
0x453: {  	(pc) =	sbr.rel @p0 .LBB2_16-.Ltmp7, $2  }
0x454: {  	_ =	sdelay $0x2  }
0x455: {  	v26 =	vadd.s32 s21, v25;
	s21 =	sadd.s32 $0x10, s21  }
0x456: {  	_ =	sdelay $0x3  }
0x457: {  	v25, _, _ =	vpop (xrf1)  }
0x458: {  	v26 =	vld.idx.msk [tilespmem:v26+s3+$0x0], $0xffff;
	v25 =	vperm.xlane v25, v5  }
0x459: {  	v27, _, _ =	vpop (xrf1)  }
0x45a: {  	v25 =	vmax.f32 v25, v27  }
0x45b: {  	(xrf1) =	vsort.ascd.msk.f32 $0xffff, v25, v25;
	_ =	sdelay $0x1  }
0x45c: {  	(xrf1) =	vsort.ascd.msk.f32 $0xffff, v26, v26;
	_ =	sdelay $0xb  }
0x45d: {  	v25, _, _ =	vpop (xrf1)  }
0x45e: {  	v25 =	vperm.xlane v25, v5  }
0x45f: {  	v26, _, _ =	vpop (xrf1)  }
0x460: {  	v25 =	vmax.f32 v25, v26  }
0x461: {  	(xrf1) =	vsort.ascd.msk.f32 $0xffff, v25, v25;
	_ =	sdelay $0xd  }
0x462: {  	v25, _, _ =	vpop (xrf1)  }
0x463: {  	v25 =	vperm.xlane v25, v5;
	_ =	sdelay $0x1  }
0x464: {  	(xrf0) =	vmax.scan.msk.f32 $0xffff, v25;
	v26 =	vnsel vm0, $0xFF800000, v25  }
0x465: {  	(xrf0) =	vmax.scan.msk.f32 $0xffff, v26  }
0x466: {  	v26 =	vsel vm1, $0xFF800000, v25  }
0x467: {  	(xrf0) =	vmax.scan.msk.f32 $0xffff, v26;
	v26 =	vsel vm2, $0xFF800000, v25;
	_ =	sdelay $0x1  }
0x468: {  	v27 =	vld.idx.msk [tilespmem:v7+s16+$0x0], $0xffff;
	(xrf0) =	vmax.scan.msk.f32 $0xffff, v26  }
0x469: {  	v28 =	vld.idx.msk [tilespmem:v6+s16+$0x0], $0xffff;
	v29 =	vsel vm3, $0xFF800000, v25;
	v26, _, _ =	vpop (xrf0)  }
0x46a: {  	v31 =	vld.idx.msk [tilespmem:v8+s16+$0x0], $0xffff;
	(xrf0) =	vmax.scan.msk.f32 $0xffff, v29;
	v30, _, _ =	vpop (xrf0)  }
0x46b: {  	v29 =	vbroadcast v30, $0xF  }
0x46c: {  	v32 =	vld.idx.msk [tilespmem:v9+s16+$0x0], $0xffff;
	v30, _, _ =	vpop (xrf0)  }
0x46d: {  	v27 =	vmul.f32 v27, v29;
	v29 =	vbroadcast v30, $0xF  }
0x46e: {  	v33 =	vsel vm4, $0xFF800000, v25;
	v30, _, _ =	vpop (xrf0)  }
0x46f: {  	v43 =	vld.idx.msk [tilespmem:v10+s16+$0x0], $0xffff;
	(xrf0) =	vmax.scan.msk.f32 $0xffff, v33;
	v27 =	vadd.f32 v27, v28;
	v28 =	vmul.f32 v31, v29;
	v29 =	vbroadcast v30, $0xF  }
0x470: {  	v34 =	vsel vm5, $0xFF800000, v25;
	v30, _, _ =	vpop (xrf0)  }
0x471: {  	v27 =	vadd.f32 v28, v27;
	v28 =	vmul.f32 v32, v29;
	v29 =	vbroadcast v30, $0xF  }
0x472: {  	(xrf0) =	vmax.scan.msk.f32 $0xffff, v34  }
0x473: {  	v31 =	vsel vm6, $0xFF800000, v25;
	v30 =	vld.idx.msk [tilespmem:v11+s16+$0x0], $0xffff  }
0x474: {  	(xrf0) =	vmax.scan.msk.f32 $0xffff, v31;
	v27 =	vadd.f32 v28, v27;
	v28 =	vmul.f32 v43, v29  }
0x475: {  	v31 =	vsel vm7, $0xFF800000, v25;
	v29, _, _ =	vpop (xrf0)  }
0x476: {  	v44 =	vld.idx.msk [tilespmem:v12+s16+$0x0], $0xffff;
	(xrf0) =	vmax.scan.msk.f32 $0xffff, v31;
	v29 =	vbroadcast v29, $0xF  }
0x477: {  	v31 =	vsel vm8, $0xFF800000, v25  }
0x478: {  	v45 =	vld.idx.msk [tilespmem:v13+s16+$0x0], $0xffff;
	v27 =	vadd.f32 v28, v27;
	v28, _, _ =	vpop (xrf0);
	(xrf0) =	vmax.scan.msk.f32 $0xffff, v31;
	v29 =	vmul.f32 v30, v29  }
0x479: {  	v25 =	vsel vm9, $0xFF800000, v25;
	v28 =	vbroadcast v28, $0xF  }
0x47a: {  	v31 =	vld.idx.msk [tilespmem:v14+s16+$0x0], $0xffff;
	v30, _, _ =	vpop (xrf0);
	(xrf0) =	vmax.scan.msk.f32 $0xffff, v25  }
0x47b: {  	v25 =	vadd.f32 v29, v27;
	v27 =	vmul.f32 v44, v28;
	v28 =	vbroadcast v30, $0xF  }
0x47c: {  	v30 =	vld.idx.msk [tilespmem:v15+s16+$0x0], $0xffff;
	v29, _, _ =	vpop (xrf0)  }
0x47d: {  	v25 =	vadd.f32 v27, v25;
	v27 =	vmul.f32 v45, v28;
	v28 =	vbroadcast v29, $0xF  }
0x47e: {  	v46 =	vld.idx.msk [tilespmem:v16+s16+$0x0], $0xffff;
	v29, _, _ =	vpop (xrf0)  }
0x47f: {  	v25 =	vadd.f32 v27, v25;
	v27 =	vmul.f32 v31, v28;
	v28 =	vbroadcast v29, $0xF  }
0x480: {  	v29, _, _ =	vpop (xrf0)  }
0x481: {  	v25 =	vadd.f32 v27, v25;
	v27 =	vmul.f32 v30, v28;
	v28 =	vbroadcast v29, $0xF;
	_ =	sdelay $0x1  }
0x482: {  	v25 =	vadd.f32 v27, v25;
	v27 =	vmul.f32 v46, v28;
	_ =	sdelay $0x1  }
0x483: {  	v25 =	vadd.f32 v27, v25;
	_ =	sdelay $0x1  }
0x484: {  	v25 =	vnsel vm10, $0x0, v25  }
0x485: {  	v25 =	vmax.f32 v25, $0.0e+00  }
0x486: {  	v27 =	vnsel vm0, $0xFF800000, v25  }
0x487: {  	(xrf0) =	vmax.scan.msk.f32 $0xffff, v27;
	_ =	sdelay $0x1  }
0x488: {  	v27 =	vsel vm1, $0xFF800000, v25  }
0x489: {  	(xrf0) =	vmax.scan.msk.f32 $0xffff, v27  }
0x48a: {  	v27 =	vsel vm2, $0xFF800000, v25  }
0x48b: {  	v28 =	vld.idx.msk [tilespmem:v18+s16+$0x0], $0xffff;
	(xrf0) =	vmax.scan.msk.f32 $0xffff, v27  }
0x48c: {  	v31 =	vld.idx.msk [tilespmem:v19+s16+$0x0], $0xffff;
	v29 =	vsel vm3, $0xFF800000, v25;
	v30, _, _ =	vpop (xrf0)  }
0x48d: {  	v27 =	vld.idx.msk [tilespmem:v17+s16+$0x0], $0xffff;
	(xrf0) =	vmax.scan.msk.f32 $0xffff, v29;
	v29 =	vbroadcast v30, $0xF  }
0x48e: {  	v25 =	vsel vm4, $0xFF800000, v25  }
0x48f: {  	v47 =	vld.idx.msk [tilespmem:v20+s16+$0x0], $0xffff;
	v30, _, _ =	vpop (xrf0);
	(xrf0) =	vmax.scan.msk.f32 $0xffff, v25  }
0x490: {  	v25 =	vmul.f32 v29, v28;
	v28 =	vbroadcast v30, $0xF  }
0x491: {  	v30 =	vld.idx.msk [tilespmem:v21+s16+$0x0], $0xffff;
	v29, _, _ =	vpop (xrf0)  }
0x492: {  	v25 =	vadd.f32 v25, v27;
	v27 =	vmul.f32 v28, v31;
	v28 =	vbroadcast v29, $0xF  }
0x493: {  	v31 =	vld.idx.msk [tilespmem:v22+s16+$0x0], $0xffff;
	v29, _, _ =	vpop (xrf0)  }
0x494: {  	v25 =	vadd.f32 v25, v27;
	v27 =	vmul.f32 v28, v47;
	v28 =	vbroadcast v29, $0xF  }
0x495: {  	v29, _, _ =	vpop (xrf0)  }
0x496: {  	v25 =	vadd.f32 v25, v27;
	v27 =	vmul.f32 v28, v30;
	v28 =	vbroadcast v29, $0xF;
	_ =	sdelay $0x1  }
0x497: {  	v25 =	vadd.f32 v25, v27;
	v27 =	vmul.f32 v28, v31  }
0x498: {  	v28 =	vld.idx.msk [tilespmem:v23+s16+$0x0], $0xffff  }
0x499: {  	v25 =	vadd.f32 v25, v27;
	_ =	sdelay $0x1  }
0x49a: {  	v25 =	vnsel vm10, $0x0, v25  }
0x49b: {  	v25 =	vmax.f32 v25, $0.0e+00  }
0x49c: {  	v25 =	vmul.f32 v25, v28;
	_ =	sdelay $0x1  }
0x49d: {  	v25 =	vnsel vm10, $0x0, v25  }
0x49e: {  	(xrf2) =	vadd.scan.msk.f32 $0xffff, v25;
	_ =	sdelay $0x7  }
0x49f: {  	v25 =	vld.idx.msk [tilespmem:v24+s16+$0x0], $0xffff;
	_ =	sdelay $0x1  }
0x4a0: {  	v27, _, _ =	vpop (xrf2)  }
0x4a1: {  	v27 =	vbroadcast v27, $0xF;
	_ =	sdelay $0x1  }
0x4a2: {  	v25 =	vadd.f32 v27, v25;
	_ =	sdelay $0x1  }
0x4a3: {  	v25 =	vand.u32 $0x7FFFFFFF, v25  }
0x4a4: {  	s21 =	simm.s32 $0x0;
	v25 =	vmax.f32 v25, $9.999999930e-09  }
0x4a5: {  	s23 =	sand.u32 $0x3FFE0, s21;
	v25 =	vmin.f32 v25, $1.000000000e+08  }
0x4a6: {  	s22 =	simm.s32 $0x50;
	v48 =	vld [tilespmem:s23+$0x80];
	(erf) = vrcp.f32 v25  }
0x4a7: {  	v29 =	vld [tilespmem:s22+$0x20]  }
0x4a8: {  	v28 =	vld [tilespmem:s22+$0x10]  }
0x4a9: {  	v27 =	vld [tilespmem:s22+$0xFFFFFFC0]  }
0x4aa: {  	v31 =	vld [tilespmem:s22+$0xFFFFFFE0]  }
0x4ab: {  	v30 =	vld [tilespmem:s22+$0xFFFFFFD0]  }
0x4ac: {  	v49 =	vld [tilespmem:s22+$0xFFFFFFB0];
	v25 =	vbroadcast v26, $0xF  }
0x4ad: {  	v35 =	vld [tilespmem:s22+$0xFFFFFFF0]  }
0x4ae: {  	v27 =	vsub.f32 v27, v25;
	v28 =	vsub.f32 v28, v25  }
0x4af: {  	v29 =	vsub.f32 v29, v25;
	v31 =	vsub.f32 v31, v25;
	v26 =	vpop (erf)  }
0x4b0: {  	v32 =	vsub.f32 v48, v25;
	v30 =	vsub.f32 v30, v25;
	v27 =	vmul.f32 v27, v26  }
0x4b1: {  	v33 =	vsub.f32 v49, v25;
	v28 =	vmul.f32 v28, v26;
	v29 =	vmul.f32 v29, v26  }
0x4b2: {  	v50 =	vld [tilespmem:s22+$0x0];
	v51 =	vsub.f32 v35, v25;
	v31 =	vmul.f32 v31, v26;
	v32 =	vmul.f32 v32, v26  }
0x4b3: {  	s30 =	simm.s32 $0xF0;
	v36 =	vld [tilespmem:s22+$0x40];
	v30 =	vmul.f32 v30, v26;
	v33 =	vmul.f32 v33, v26  }
0x4b4: {  	v57 =	vld [tilespmem:s30+$0xFFFFFFD0];
	v34 =	vmul.f32 v51, v26;
	v27 =	vmul.f32 $1.442695020e+00, v27  }
0x4b5: {  	v40 =	vld [tilespmem:s30+$0x0];
	v32 =	vmul.f32 $1.442695020e+00, v32;
	v33 =	vmul.f32 $1.442695020e+00, v33  }
0x4b6: {  	v37 =	vld [tilespmem:s30+$0x10];
	v30 =	vmul.f32 $1.442695020e+00, v30;
	(erf) = vpow2.f32 v27  }
0x4b7: {  	v34 =	vmul.f32 $1.442695020e+00, v34;
	v27 =	vsub.f32 v50, v25;
	(erf) = vpow2.f32 v33  }
0x4b8: {  	v36 =	vsub.f32 v36, v25;
	v31 =	vmul.f32 $1.442695020e+00, v31;
	(erf) = vpow2.f32 v30  }
0x4b9: {  	v52 =	vld [tilespmem:s30+$0xFFFFFFC0];
	v35 =	vsub.f32 v57, v25;
	v27 =	vmul.f32 v27, v26;
	(erf) = vpow2.f32 v34  }
0x4ba: {  	v54 =	vld [tilespmem:s30+$0xFFFFFFE0];
	v41 =	vsub.f32 v40, v25;
	v30 =	vmul.f32 v36, v26;
	(erf) = vpow2.f32 v32  }
0x4bb: {  	v39 =	vld.idx.msk [tilespmem:v3+s14+$0x0], $0xffff;
	s31 =	simm.s32 $0xA0;
	v27 =	vmul.f32 $1.442695020e+00, v27;
	(erf) = vpow2.f32 v31;
	v31 =	vsub.f32 v37, v25  }
0x4bc: {  	v53 =	vld [tilespmem:s30+$0x20];
	s23 =	sand.u32 $0x3FFE0, s31;
	v35 =	vmul.f32 v35, v26;
	v30 =	vmul.f32 $1.442695020e+00, v30  }
0x4bd: {  	v56 =	vld [tilespmem:s23+$0x80];
	v41 =	vmul.f32 v41, v26;
	(erf) = vpow2.f32 v27  }
0x4be: {  	v55 =	vmul.f32 $1.442695020e+00, v28;
	v28 =	vsub.f32 v52, v25;
	v27 =	vld [tilespmem:s30+$0xFFFFFFB0];
	(erf) = vpow2.f32 v30  }
0x4bf: {  	v59 =	vsub.f32 v54, v25;
	v58 =	vmul.f32 $1.442695020e+00, v29;
	v30 =	vmul.f32 v31, v26;
	v31 =	vpop (erf)  }
0x4c0: {  	v60 =	vld [tilespmem:s30+$0xFFFFFFF0];
	v38 =	vmul.f32 v28, v26;
	v28 =	vimm.f32 $0.0e+00;
	(erf) = vpow2.f32 v55;
	v62 =	vpop (erf)  }
0x4c1: {  	v29 =	vsub.f32 v53, v25;
	(erf) = vpow2.f32 v58;
	v37 =	vadd.f32 v62, v28;
	v42 =	vpop (erf)  }
0x4c2: {  	v40 =	vmul.f32 $1.442695020e+00, v35;
	v61 =	vmul.f32 $1.442695020e+00, v38;
	v32 =	vsub.f32 v56, v25;
	v63 =	vpop (erf)  }
0x4c3: {  	v29 =	vmul.f32 v29, v26;
	v27 =	vsub.f32 v27, v25;
	v37 =	vadd.f32 v63, v37  }
0x4c4: {  	v36 =	vld [tilespmem:s30+$0x40];
	v32 =	vmul.f32 v32, v26;
	(erf) = vpow2.f32 v61;
	v44 =	vpop (erf)  }
0x4c5: {  	v45 =	vsub.f32 v60, v25;
	v33 =	vmul.f32 v59, v26;
	v43 =	vmul.f32 v27, v26;
	v38 =	vpop (erf)  }
0x4c6: {  	v34 =	vmul.f32 $1.442695020e+00, v32;
	v31 =	vadd.f32 v31, v28;
	v35 =	vadd.f32 v42, v28;
	v27 =	vld.idx.msk [tilespmem:v39+s21+$0x0], $0xffff;
	v39 =	vpop (erf)  }
0x4c7: {  	s23 =	simm.s32 $0x140;
	s21 =	simm.s32 $0x190;
	v42 =	vmul.f32 $1.442695020e+00, v43;
	v43 =	vmul.f32 v45, v26;
	v32 =	vadd.f32 v44, v37;
	v37 =	vpop (erf)  }
.LBB2_18:
0x4c8: {  	s22 =	smov.u32 s23  }
0x4c9: {  	v44 =	vld [tilespmem:s21+$0xFFFFFFC0];
	s24 =	sand.u32 $0x3FFE0, s23;
	v41 =	vmul.f32 $1.442695020e+00, v41;
	v36 =	vsub.f32 v36, v25;
	v28 =	vadd.f32 v38, v28;
	v38 =	vpop (erf);
	s22 =	sadd.s32 $0xA0, s23  }
0x4ca: {  	p0 =	sne.s32 s23, $0x18600;
	v31 =	vadd.f32 v39, v31;
	v46 =	vmul.f32 $1.442695020e+00, v43;
	v45 =	vld [tilespmem:s21+$0x10];
	(erf) = vpow2.f32 v42;
	v39 =	vpop (erf)  }
0x4cb: {  	v33 =	vmul.f32 $1.442695020e+00, v33;
	v35 =	vadd.f32 v38, v35;
	v42 =	vld [tilespmem:s21+$0x20];
	(erf) = vpow2.f32 v40  }
0x4cc: {  	v36 =	vmul.f32 v36, v26;
	v28 =	vadd.f32 v39, v28;
	v38 =	vld [tilespmem:s21+$0xFFFFFFD0];
	(erf) = vpow2.f32 v46  }
0x4cd: {  	v31 =	vadd.f32 v37, v31;
	v40 =	vmul.f32 $1.442695020e+00, v30;
	v39 =	vld [tilespmem:s21+$0xFFFFFFE0];
	v43 =	vpop (erf);
	(erf) = vpow2.f32 v34  }
0x4ce: {  	v37 =	vmul.f32 $1.442695020e+00, v36;
	v30 =	vsub.f32 v44, v25;
	v34 =	vld [tilespmem:s24+$0x80];
	(erf) = vpow2.f32 v33  }
0x4cf: {  	v44 =	vmul.f32 $1.442695020e+00, v29;
	v33 =	vsub.f32 v45, v25;
	v36 =	vld [tilespmem:s21+$0x40];
	(erf) = vpow2.f32 v41  }
0x4d0: {  	v45 =	vmul.f32 v30, v26;
	v41 =	vld [tilespmem:s21+$0xFFFFFFB0];
	v29 =	vsub.f32 v42, v25;
	(erf) = vpow2.f32 v37  }
0x4d1: {  	v37 =	vld [tilespmem:s21+$0x0];
	v30 =	vmul.f32 v33, v26;
	(erf) = vpow2.f32 v40  }
0x4d2: {  	v33 =	vsub.f32 v39, v25;
	v39 =	vld [tilespmem:s21+$0xFFFFFFF0];
	v29 =	vmul.f32 v29, v26;
	(erf) = vpow2.f32 v44  }
0x4d3: {  	v31 =	vadd.f32 v43, v31;
	v45 =	vmul.f32 $1.442695020e+00, v45;
	v34 =	vsub.f32 v34, v25;
	v42 =	vpop (erf)  }
0x4d4: {  	v47 =	vsub.f32 v38, v25;
	v33 =	vmul.f32 v33, v26;
	v32 =	vadd.f32 v42, v32;
	v42 =	vpop (erf)  }
.Ltmp8:
0x4d5: {  	v41 =	vsub.f32 v41, v25;
	v34 =	vmul.f32 v34, v26;
	(erf) = vpow2.f32 v45;
	v40 =	vpop (erf);
	(pc) =	sbr.rel @p0 .LBB2_18-.Ltmp8, $4  }
0x4d6: {  	v43 =	vmul.f32 v47, v26;
	v47 =	vsub.f32 v37, v25;
	v32 =	vadd.f32 v40, v32;
	v44 =	vpop (erf)  }
0x4d7: {  	v45 =	vmul.f32 v41, v26;
	v46 =	vsub.f32 v39, v25;
	v34 =	vmul.f32 $1.442695020e+00, v34;
	v38 =	vpop (erf)  }
0x4d8: {  	v35 =	vadd.f32 v42, v35;
	v40 =	vmul.f32 $1.442695020e+00, v43;
	v41 =	vmul.f32 v47, v26;
	v39 =	vpop (erf)  }
0x4d9: {  	s23 =	smov.u32 s22;
	s21 =	sadd.s32 $0xA0, s21;
	v32 =	vadd.f32 v44, v32;
	v42 =	vmul.f32 $1.442695020e+00, v45;
	v43 =	vmul.f32 v46, v26;
	v37 =	vpop (erf)  }
0x4da: {  	v33 =	vmul.f32 $1.442695020e+00, v33  }
0x4db: {  	v36 =	vsub.f32 v36, v25;
	v43 =	vmul.f32 $1.442695020e+00, v43;
	(erf) = vpow2.f32 v42  }
0x4dc: {  	v63 =	vmul.f32 $1.442695020e+00, v41;
	(erf) = vpow2.f32 v40  }
0x4dd: {  	v36 =	vmul.f32 v36, v26;
	(erf) = vpow2.f32 v43  }
0x4de: {  	v30 =	vmul.f32 $1.442695020e+00, v30;
	(erf) = vpow2.f32 v34  }
0x4df: {  	v43 =	vmul.f32 $1.442695020e+00, v36;
	(erf) = vpow2.f32 v33  }
0x4e0: {  	v29 =	vmul.f32 $1.442695020e+00, v29;
	(erf) = vpow2.f32 v63  }
0x4e1: {  	v44 =	vpop (erf);
	(erf) = vpow2.f32 v43  }
0x4e2: {  	v45 =	vpop (erf);
	(erf) = vpow2.f32 v30  }
0x4e3: {  	v31 =	vadd.f32 v39, v31;
	v30 =	vpop (erf);
	(erf) = vpow2.f32 v29  }
0x4e4: {  	v29 =	vpop (erf)  }
0x4e5: {  	v31 =	vadd.f32 v37, v31;
	v46 =	vpop (erf)  }
0x4e6: {  	v47 =	vpop (erf)  }
0x4e7: {  	v28 =	vadd.f32 v38, v28;
	v48 =	vpop (erf)  }
0x4e8: {  	v33 =	vadd.f32 v44, v35;
	v29 =	vadd.f32 v29, v32;
	v49 =	vpop (erf)  }
0x4e9: {  	v28 =	vadd.f32 v45, v28;
	v30 =	vadd.f32 v30, v31;
	v31 =	vpop (erf)  }
0x4ea: {  	v33 =	vadd.f32 v46, v33;
	v29 =	vadd.f32 v47, v29;
	v50 =	vpop (erf)  }
0x4eb: {  	v28 =	vadd.f32 v49, v28;
	v30 =	vadd.f32 v31, v30;
	v51 =	vpop (erf)  }
0x4ec: {  	v29 =	vadd.f32 v48, v29;
	v31 =	vpop (erf);
	v32 =	vadd.f32 v51, v33  }
0x4ed: {  	v30 =	vadd.f32 v50, v30;
	v28 =	vadd.f32 v31, v28;
	_ =	sdelay $0x1  }
0x4ee: {  	v29 =	vadd.f32 v30, v29;
	v28 =	vadd.f32 v28, v32;
	_ =	sdelay $0x1  }
0x4ef: {  	v28 =	vadd.f32 v28, v29;
	_ =	sdelay $0x1  }
0x4f0: {  	(xrf2) =	vadd.scan.msk.f32 $0xffff, v28;
	_ =	sdelay $0x5  }
0x4f1: {  	v25 =	vsub.f32 v27, v25;
	_ =	sdelay $0x1  }
0x4f2: {  	v25 =	vmul.f32 v26, v25;
	_ =	sdelay $0x1  }
0x4f3: {  	v25 =	vmul.f32 $1.442695020e+00, v25;
	v26, _, _ =	vpop (xrf2)  }
0x4f4: {  	v26 =	vbroadcast v26, $0xF  }
0x4f5: {  	(erf) = vpow2.f32 v25  }
0x4f6: {  	(erf) = vrcp.f32 v26;
	_ =	sdelay $0x7  }
0x4f7: {  	v25 =	vpop (erf)  }
0x4f8: {  	v26 =	vpop (erf)  }
0x4f9: {  	v25 =	vmul.f32 v26, v25;
	_ =	sdelay $0x1  }
0x4fa: {  	v25 =	vnsel vm0, $0x0, v25  }
0x4fb: {  	s21 =	simm.s32 $0x0;
	[tilespmem:$0x18780] =	vst v25  }
0x4fc: {  	[hbm4b:s10+s21] =	stream.linear.scatter [tilespmem:s19], [sflag:$0x1], $0x80, $0x38;
	[tilespmem:$0x18880] =	vst v63  }
0x4fd: {  	_ =	swait.ge [sflag:s15], $0x80  }
0x4fe: {  	[sflag:s15] =	ssyncset.done $0x0  }
0x4ff: {  	[sflag:s15] =	ssyncadd.s32 $0xFFFFFF80  }
0x500: {  	[tilespmem:s21], [sflag:$0x1] =	stream.strided.gather [hbm4b:s11+s17], $0x18700, s18, s17, $0x38;
	[tilespmem:$0x18880] =	vst v63  }
0x501: {  	_ =	swait.ge [sflag:s15], $0x18700  }
0x502: {  	[sflag:s15] =	ssyncset.done $0x0  }
0x503: {  	s22 =	simm.s32 $0x190;
	[sflag:s15] =	ssyncadd.s32 $0xFFFE7900  }
0x504: {  	v25 =	vld [tilespmem:s22+$0xFFFFFE70]  }
0x505: {  	v26 =	vld [tilespmem:s22+$0xFFFFFE80]  }
0x506: {  	v27 =	vld [tilespmem:s22+$0xFFFFFE90]  }
0x507: {  	v28 =	vld [tilespmem:s22+$0xFFFFFEA0]  }
0x508: {  	v29 =	vld [tilespmem:s22+$0xFFFFFEB0]  }
0x509: {  	v30 =	vld [tilespmem:s22+$0xFFFFFEC0]  }
0x50a: {  	v31 =	vld [tilespmem:s22+$0xFFFFFED0]  }
0x50b: {  	s23 =	sand.u32 $0x1FFE0, s21;
	v52 =	vld [tilespmem:s22+$0xFFFFFEE0]  }
0x50c: {  	v53 =	vld [tilespmem:s23+$0x80]  }
0x50d: {  	v54 =	vld [tilespmem:s22+$0xFFFFFF00]  }
0x50e: {  	v55 =	vld [tilespmem:s22+$0xFFFFFF10]  }
0x50f: {  	v56 =	vld [tilespmem:s22+$0xFFFFFF20]  }
0x510: {  	v57 =	vld [tilespmem:s22+$0xFFFFFF30]  }
0x511: {  	v58 =	vld [tilespmem:s22+$0xFFFFFF40]  }
0x512: {  	v59 =	vld [tilespmem:s22+$0xFFFFFF50]  }
0x513: {  	v60 =	vld [tilespmem:s22+$0xFFFFFF60]  }
0x514: {  	v61 =	vld [tilespmem:s23+$0x100]  }
0x515: {  	v62 =	vld [tilespmem:s22+$0xFFFFFF80]  }
0x516: {  	v63 =	vld [tilespmem:s22+$0xFFFFFF90]  }
0x517: {  	v44 =	vld [tilespmem:s22+$0xFFFFFFA0]  }
0x518: {  	v45 =	vld [tilespmem:s22+$0xFFFFFFB0]  }
0x519: {  	v48 =	vld [tilespmem:s22+$0x20];
	v25 =	vmax.f32 v25, v26  }
0x51a: {  	v49 =	vld [tilespmem:s22+$0x30];
	v25 =	vmax.f32 v25, v27  }
0x51b: {  	v50 =	vld [tilespmem:s22+$0x40];
	v25 =	vmax.f32 v25, v28  }
0x51c: {  	v51 =	vld [tilespmem:s22+$0x50];
	v25 =	vmax.f32 v25, v29  }
0x51d: {  	s30 =	simm.s32 $0x4B0;
	v46 =	vld [tilespmem:s22+$0x180];
	v25 =	vmax.f32 v25, v30  }
0x51e: {  	v47 =	vld [tilespmem:s30+$0xFFFFFE70];
	v25 =	vmax.f32 v25, v31  }
0x51f: {  	v26 =	vld [tilespmem:s22+$0xFFFFFFC0];
	v25 =	vmax.f32 v25, v52  }
0x520: {  	v27 =	vld [tilespmem:s22+$0xFFFFFFD0];
	v25 =	vmax.f32 v25, v53  }
0x521: {  	v28 =	vld [tilespmem:s22+$0xFFFFFFE0];
	v25 =	vmax.f32 v25, v54  }
0x522: {  	v29 =	vld [tilespmem:s23+$0x180];
	v25 =	vmax.f32 v25, v55  }
0x523: {  	v30 =	vld [tilespmem:s22+$0x0];
	v25 =	vmax.f32 v25, v56  }
0x524: {  	v31 =	vld [tilespmem:s22+$0x10];
	v25 =	vmax.f32 v25, v57  }
0x525: {  	v52 =	vld [tilespmem:s22+$0x60];
	v25 =	vmax.f32 v25, v58  }
0x526: {  	v53 =	vld [tilespmem:s23+$0x200];
	v25 =	vmax.f32 v25, v59  }
0x527: {  	v54 =	vld [tilespmem:s22+$0x80];
	v25 =	vmax.f32 v25, v60  }
0x528: {  	v55 =	vld [tilespmem:s22+$0x90];
	v25 =	vmax.f32 v25, v61  }
0x529: {  	v56 =	vld [tilespmem:s22+$0xA0];
	v25 =	vmax.f32 v25, v62  }
0x52a: {  	v57 =	vld [tilespmem:s22+$0xB0];
	v25 =	vmax.f32 v25, v63  }
0x52b: {  	v58 =	vld [tilespmem:s22+$0xC0];
	v25 =	vmax.f32 v25, v44  }
0x52c: {  	v59 =	vld [tilespmem:s22+$0xD0];
	v25 =	vmax.f32 v25, v45  }
0x52d: {  	v60 =	vld [tilespmem:s22+$0xE0];
	v25 =	vmax.f32 v25, v26  }
0x52e: {  	v61 =	vld [tilespmem:s23+$0x280];
	v25 =	vmax.f32 v25, v27  }
0x52f: {  	v62 =	vld [tilespmem:s22+$0x160];
	v25 =	vmax.f32 v25, v28  }
0x530: {  	v63 =	vld [tilespmem:s23+$0x300];
	v25 =	vmax.f32 v25, v29  }
0x531: {  	v26 =	vld [tilespmem:s22+$0x100];
	v25 =	vmax.f32 v25, v30  }
0x532: {  	v27 =	vld [tilespmem:s22+$0x110];
	v25 =	vmax.f32 v25, v31  }
0x533: {  	v28 =	vld [tilespmem:s22+$0x120];
	v25 =	vmax.f32 v25, v48  }
0x534: {  	v29 =	vld [tilespmem:s22+$0x130];
	v25 =	vmax.f32 v25, v49  }
0x535: {  	v30 =	vld [tilespmem:s22+$0x140];
	v25 =	vmax.f32 v25, v50  }
0x536: {  	v31 =	vld [tilespmem:s22+$0x150];
	v25 =	vmax.f32 v25, v51  }
0x537: {  	v48 =	vld [tilespmem:s30+$0xFFFFFE80];
	v25 =	vmax.f32 v25, v52  }
0x538: {  	v49 =	vld [tilespmem:s30+$0xFFFFFE90];
	v25 =	vmax.f32 v25, v53  }
0x539: {  	v50 =	vld [tilespmem:s30+$0xFFFFFEA0];
	v25 =	vmax.f32 v25, v54  }
0x53a: {  	v51 =	vld [tilespmem:s30+$0xFFFFFEB0];
	v25 =	vmax.f32 v25, v55  }
0x53b: {  	v52 =	vld [tilespmem:s30+$0xFFFFFEC0];
	v25 =	vmax.f32 v25, v56  }
0x53c: {  	s31 =	simm.s32 $0x320;
	v35 =	vmax.f32 v47, v48;
	v53 =	vld [tilespmem:s30+$0xFFFFFED0];
	v25 =	vmax.f32 v25, v57  }
0x53d: {  	s23 =	sand.u32 $0x1FFE0, s31;
	v35 =	vmax.f32 v35, v49;
	v54 =	vld [tilespmem:s30+$0xFFFFFEE0];
	v25 =	vmax.f32 v25, v58  }
0x53e: {  	v35 =	vmax.f32 v35, v50;
	v55 =	vld [tilespmem:s23+$0x80];
	v25 =	vmax.f32 v25, v59  }
0x53f: {  	v35 =	vmax.f32 v35, v51;
	v56 =	vld [tilespmem:s30+$0xFFFFFF00];
	v25 =	vmax.f32 v25, v60  }
0x540: {  	v35 =	vmax.f32 v35, v52;
	v57 =	vld [tilespmem:s30+$0xFFFFFF10];
	v25 =	vmax.f32 v25, v61  }
0x541: {  	v58 =	vld [tilespmem:s30+$0xFFFFFF20];
	v25 =	vmax.f32 v25, v26;
	v26 =	vmax.f32 v35, v53  }
0x542: {  	v25 =	vmax.f32 v25, v27;
	v26 =	vmax.f32 v26, v54;
	v27 =	vld [tilespmem:s30+$0xFFFFFF30]  }
0x543: {  	v25 =	vmax.f32 v25, v28;
	v26 =	vmax.f32 v26, v55;
	v28 =	vld [tilespmem:s30+$0xFFFFFF40]  }
0x544: {  	v25 =	vmax.f32 v25, v29;
	v26 =	vmax.f32 v26, v56;
	v29 =	vld [tilespmem:s30+$0xFFFFFF50]  }
0x545: {  	v25 =	vmax.f32 v25, v30;
	v26 =	vmax.f32 v26, v57;
	v30 =	vld [tilespmem:s30+$0xFFFFFF60]  }
0x546: {  	v25 =	vmax.f32 v25, v31;
	v26 =	vmax.f32 v26, v58;
	v31 =	vld [tilespmem:s23+$0x100]  }
0x547: {  	v25 =	vmax.f32 v25, v62;
	v26 =	vmax.f32 v26, v27;
	v27 =	vld [tilespmem:s30+$0xFFFFFF80]  }
0x548: {  	v25 =	vmax.f32 v25, v63;
	v26 =	vmax.f32 v26, v28;
	v28 =	vld [tilespmem:s30+$0xFFFFFF90]  }
0x549: {  	v59 =	vor.u32 s21, v0;
	v25 =	vmax.f32 v25, v46;
	v26 =	vmax.f32 v26, v29;
	v29 =	vld [tilespmem:s30+$0xFFFFFFA0]  }
0x54a: {  	(xrf1) =	vsort.ascd.msk.f32 $0xffff, v25, v59;
	v25 =	vmax.f32 v26, v30;
	v26 =	vld [tilespmem:s30+$0xFFFFFFB0]  }
0x54b: {  	v30 =	vld [tilespmem:s30+$0xFFFFFFC0];
	v25 =	vmax.f32 v25, v31  }
0x54c: {  	v25 =	vmax.f32 v25, v27;
	v27 =	vld [tilespmem:s30+$0xFFFFFFD0]  }
0x54d: {  	v25 =	vmax.f32 v25, v28;
	v28 =	vld [tilespmem:s30+$0xFFFFFFE0]  }
0x54e: {  	v25 =	vmax.f32 v25, v29;
	v29 =	vld [tilespmem:s23+$0x180]  }
0x54f: {  	v25 =	vmax.f32 v25, v26;
	v26 =	vld [tilespmem:s30+$0x0]  }
0x550: {  	v25 =	vmax.f32 v25, v30;
	v30 =	vld [tilespmem:s30+$0x10]  }
0x551: {  	v25 =	vmax.f32 v25, v27;
	v27 =	vld [tilespmem:s30+$0x20]  }
0x552: {  	v25 =	vmax.f32 v25, v28;
	v28 =	vld [tilespmem:s30+$0x30]  }
0x553: {  	v25 =	vmax.f32 v25, v29;
	v29 =	vld [tilespmem:s30+$0x40]  }
0x554: {  	v25 =	vmax.f32 v25, v26;
	v26 =	vld [tilespmem:s30+$0x50]  }
0x555: {  	v25 =	vmax.f32 v25, v30;
	v30 =	vld [tilespmem:s30+$0x60]  }
0x556: {  	v25 =	vmax.f32 v25, v27;
	v27 =	vld [tilespmem:s23+$0x200]  }
0x557: {  	v25 =	vmax.f32 v25, v28;
	v28 =	vld [tilespmem:s30+$0x80]  }
0x558: {  	v25 =	vmax.f32 v25, v29;
	v29 =	vld [tilespmem:s30+$0x90]  }
0x559: {  	v25 =	vmax.f32 v25, v26;
	v26 =	vld [tilespmem:s30+$0xA0]  }
0x55a: {  	v31 =	vimm.f32 $-Inf;
	v32, v60, _ =	vpop (xrf1);
	v25 =	vmax.f32 v25, v30;
	v30 =	vld [tilespmem:s30+$0xB0]  }
0x55b: {  	v61 =	vimm.s32 $0x0;
	vm11 =	vge.f32 v31, v32;
	v25 =	vmax.f32 v25, v27;
	v27 =	vld [tilespmem:s30+$0xC0]  }
0x55c: {  	v31 =	vsel vm11, v31, v32;
	v62 =	vsel vm11, v61, v60;
	v25 =	vmax.f32 v25, v28;
	v28 =	vld [tilespmem:s30+$0xD0]  }
0x55d: {  	(xrf1) =	vsort.dscd.msk.f32 $0xffff, v31, v62;
	v25 =	vmax.f32 v25, v29;
	v29 =	vld [tilespmem:s30+$0xE0]  }
0x55e: {  	v25 =	vmax.f32 v25, v26;
	v26 =	vld [tilespmem:s23+$0x280]  }
0x55f: {  	v25 =	vmax.f32 v25, v30;
	v30 =	vld [tilespmem:s30+$0x100]  }
0x560: {  	v25 =	vmax.f32 v25, v27;
	v27 =	vld [tilespmem:s30+$0x110]  }
0x561: {  	v25 =	vmax.f32 v25, v28;
	v28 =	vld [tilespmem:s30+$0x120]  }
0x562: {  	v31 =	vld [tilespmem:s30+$0x130];
	v25 =	vmax.f32 v25, v29  }
0x563: {  	v25 =	vmax.f32 v25, v26  }
0x564: {  	v25 =	vmax.f32 v25, v30  }
0x565: {  	v26 =	vld [tilespmem:s30+$0x140];
	v25 =	vmax.f32 v25, v27  }
0x566: {  	v30 =	vld [tilespmem:s30+$0x150];
	v25 =	vmax.f32 v25, v28  }
0x567: {  	v29 =	vld [tilespmem:s30+$0x160];
	v25 =	vmax.f32 v25, v31  }
0x568: {  	v28 =	vld [tilespmem:s23+$0x300]  }
0x569: {  	s22 =	simm.s32 $0x7D0;
	v27 =	vld [tilespmem:s30+$0x180]  }
0x56a: {  	v32 =	vld [tilespmem:s22+$0xFFFFFE80];
	v63 =	vmax.f32 v25, v26  }
0x56b: {  	s24 =	simm.s32 $0x960;
	s23 =	simm.s32 $0x640;
	v31 =	vld [tilespmem:s22+$0xFFFFFE70];
	v30 =	vmax.f32 v63, v30;
	v26, v25, _ =	vpop (xrf1)  }
.LBB2_20:
0x56c: {  	p0 =	sne.s32 s24, $0x18380;
	v33 =	vld [tilespmem:s22+$0xFFFFFE90];
	v29 =	vmax.f32 v30, v29  }
0x56d: {  	s21 =	sadd.s32 $0x10, s21;
	v30 =	vld [tilespmem:s22+$0xFFFFFEA0];
	v28 =	vmax.f32 v29, v28  }
0x56e: {  	v29 =	vld [tilespmem:s22+$0xFFFFFEB0];
	v27 =	vmax.f32 v28, v27;
	v28 =	vor.u32 s21, v0  }
0x56f: {  	v34 =	vld [tilespmem:s22+$0xFFFFFEC0];
	(xrf1) =	vsort.ascd.msk.f32 $0xffff, v27, v28  }
0x570: {  	v27 =	vmax.f32 v31, v32;
	v28 =	vld [tilespmem:s22+$0xFFFFFED0]  }
0x571: {  	s25 =	sand.u32 $0x1FFE0, s23;
	s23 =	smov.u32 s24;
	v27 =	vmax.f32 v27, v33;
	v31 =	vld [tilespmem:s22+$0xFFFFFEE0]  }
0x572: {  	v27 =	vmax.f32 v27, v30;
	v30 =	vld [tilespmem:s25+$0x80]  }
0x573: {  	v27 =	vmax.f32 v27, v29;
	v29 =	vld [tilespmem:s22+$0xFFFFFF00]  }
0x574: {  	v27 =	vmax.f32 v27, v34;
	v32 =	vld [tilespmem:s22+$0xFFFFFF10]  }
0x575: {  	v27 =	vmax.f32 v27, v28;
	v28 =	vld [tilespmem:s22+$0xFFFFFF20]  }
0x576: {  	v27 =	vmax.f32 v27, v31;
	v31 =	vld [tilespmem:s22+$0xFFFFFF30]  }
0x577: {  	v27 =	vmax.f32 v27, v30;
	v30 =	vld [tilespmem:s22+$0xFFFFFF40]  }
0x578: {  	v27 =	vmax.f32 v27, v29;
	v29 =	vld [tilespmem:s22+$0xFFFFFF50]  }
0x579: {  	v27 =	vmax.f32 v27, v32;
	v32 =	vld [tilespmem:s22+$0xFFFFFF60]  }
0x57a: {  	v27 =	vmax.f32 v27, v28;
	v28 =	vld [tilespmem:s25+$0x100]  }
0x57b: {  	v27 =	vmax.f32 v27, v31;
	v31 =	vld [tilespmem:s22+$0xFFFFFF80]  }
0x57c: {  	v27 =	vmax.f32 v27, v30;
	v30 =	vld [tilespmem:s22+$0xFFFFFF90]  }
0x57d: {  	v27 =	vmax.f32 v27, v29;
	v29 =	vld [tilespmem:s22+$0xFFFFFFA0];
	v33, v34, _ =	vpop (xrf1)  }
0x57e: {  	v27 =	vmax.f32 v27, v32;
	v32 =	vld [tilespmem:s22+$0xFFFFFFB0];
	vm11 =	vge.f32 v26, v33  }
0x57f: {  	v27 =	vmax.f32 v27, v28;
	v28 =	vld [tilespmem:s22+$0xFFFFFFC0];
	v26 =	vsel vm11, v26, v33;
	v25 =	vsel vm11, v25, v34  }
0x580: {  	v27 =	vmax.f32 v27, v31;
	v31 =	vld [tilespmem:s22+$0xFFFFFFD0];
	(xrf1) =	vsort.dscd.msk.f32 $0xffff, v26, v25  }
0x581: {  	v25 =	vmax.f32 v27, v30;
	v26 =	vld [tilespmem:s22+$0xFFFFFFE0]  }
0x582: {  	v25 =	vmax.f32 v25, v29;
	v27 =	vld [tilespmem:s25+$0x180]  }
0x583: {  	v25 =	vmax.f32 v25, v32;
	v29 =	vld [tilespmem:s22+$0x0]  }
0x584: {  	v25 =	vmax.f32 v25, v28;
	v28 =	vld [tilespmem:s22+$0x10]  }
0x585: {  	v25 =	vmax.f32 v25, v31;
	v30 =	vld [tilespmem:s22+$0x20]  }
0x586: {  	v25 =	vmax.f32 v25, v26;
	v26 =	vld [tilespmem:s22+$0x30]  }
0x587: {  	v25 =	vmax.f32 v25, v27;
	v27 =	vld [tilespmem:s22+$0x40]  }
0x588: {  	v25 =	vmax.f32 v25, v29;
	v29 =	vld [tilespmem:s22+$0x50]  }
0x589: {  	v25 =	vmax.f32 v25, v28;
	v28 =	vld [tilespmem:s22+$0x60]  }
0x58a: {  	v25 =	vmax.f32 v25, v30;
	v30 =	vld [tilespmem:s25+$0x200]  }
0x58b: {  	v35 =	vmax.f32 v25, v26;
	v31 =	vld [tilespmem:s22+$0x80]  }
0x58c: {  	v34 =	vmax.f32 v35, v27;
	v27 =	vld [tilespmem:s22+$0x90]  }
0x58d: {  	v33 =	vmax.f32 v34, v29;
	v29 =	vld [tilespmem:s22+$0xA0]  }
0x58e: {  	v28 =	vmax.f32 v33, v28;
	v32 =	vld [tilespmem:s22+$0xB0];
	v26, v25, _ =	vpop (xrf1)  }
0x58f: {  	v28 =	vmax.f32 v28, v30;
	v30 =	vld [tilespmem:s22+$0xC0]  }
0x590: {  	v28 =	vmax.f32 v28, v31;
	v31 =	vld [tilespmem:s22+$0xD0]  }
0x591: {  	v27 =	vmax.f32 v28, v27;
	v28 =	vld [tilespmem:s22+$0xE0]  }
0x592: {  	v27 =	vmax.f32 v27, v29;
	v29 =	vld [tilespmem:s25+$0x280]  }
0x593: {  	v27 =	vmax.f32 v27, v32;
	v32 =	vld [tilespmem:s22+$0x100]  }
0x594: {  	v27 =	vmax.f32 v27, v30;
	v30 =	vld [tilespmem:s22+$0x110]  }
0x595: {  	v27 =	vmax.f32 v27, v31;
	v31 =	vld [tilespmem:s22+$0x120]  }
0x596: {  	v27 =	vmax.f32 v27, v28;
	v33 =	vld [tilespmem:s22+$0x130]  }
0x597: {  	v27 =	vmax.f32 v27, v29;
	v34 =	vld [tilespmem:s22+$0x140]  }
0x598: {  	v27 =	vmax.f32 v27, v32;
	v35 =	vld [tilespmem:s22+$0x150]  }
.Ltmp9:
0x599: {  	v27 =	vmax.f32 v27, v30;
	v29 =	vld [tilespmem:s22+$0x160];
	(pc) =	sbr.rel @p0 .LBB2_20-.Ltmp9, $4  }
0x59a: {  	v27 =	vmax.f32 v27, v31;
	v28 =	vld [tilespmem:s25+$0x300]  }
0x59b: {  	v30 =	vmax.f32 v27, v33;
	v27 =	vld [tilespmem:s22+$0x180];
	s22 =	sadd.s32 $0x320, s22  }
0x59c: {  	v31 =	vld [tilespmem:s22+$0xFFFFFE70];
	v30 =	vmax.f32 v30, v34  }
0x59d: {  	s24 =	sadd.s32 $0x320, s24;
	v32 =	vld [tilespmem:s22+$0xFFFFFE80];
	v30 =	vmax.f32 v30, v35  }
0x59e: {  	v33 =	vld [tilespmem:s22+$0xFFFFFE90]  }
0x59f: {  	v34 =	vld [tilespmem:s22+$0xFFFFFEA0]  }
0x5a0: {  	v35 =	vld [tilespmem:s22+$0xFFFFFEB0]  }
0x5a1: {  	v36 =	vld [tilespmem:s22+$0xFFFFFEC0]  }
0x5a2: {  	v63 =	vld [tilespmem:s22+$0xFFFFFED0];
	v31 =	vmax.f32 v31, v32  }
0x5a3: {  	v40 =	vld [tilespmem:s22+$0xFFFFFEE0];
	s23 =	sand.u32 $0x1FFE0, s23;
	v31 =	vmax.f32 v31, v33  }
0x5a4: {  	v41 =	vld [tilespmem:s23+$0x80];
	v31 =	vmax.f32 v31, v34  }
0x5a5: {  	v42 =	vld [tilespmem:s22+$0xFFFFFF00];
	v31 =	vmax.f32 v31, v35  }
0x5a6: {  	v43 =	vld [tilespmem:s22+$0xFFFFFF10];
	v31 =	vmax.f32 v31, v36  }
0x5a7: {  	v44 =	vld [tilespmem:s22+$0xFFFFFF20];
	v31 =	vmax.f32 v31, v63  }
0x5a8: {  	v45 =	vld [tilespmem:s22+$0xFFFFFF30];
	v31 =	vmax.f32 v31, v40  }
0x5a9: {  	v46 =	vld [tilespmem:s22+$0xFFFFFF40];
	v31 =	vmax.f32 v31, v41  }
0x5aa: {  	v47 =	vld [tilespmem:s22+$0xFFFFFF50];
	v31 =	vmax.f32 v31, v42  }
0x5ab: {  	v48 =	vld [tilespmem:s22+$0xFFFFFF60];
	v31 =	vmax.f32 v31, v43  }
0x5ac: {  	v49 =	vld [tilespmem:s23+$0x100];
	v31 =	vmax.f32 v31, v44  }
0x5ad: {  	v50 =	vld [tilespmem:s22+$0xFFFFFF80];
	v31 =	vmax.f32 v31, v45  }
0x5ae: {  	v51 =	vld [tilespmem:s22+$0xFFFFFF90];
	v31 =	vmax.f32 v31, v46  }
0x5af: {  	v52 =	vld [tilespmem:s22+$0xFFFFFFA0];
	v31 =	vmax.f32 v31, v47  }
0x5b0: {  	v53 =	vld [tilespmem:s22+$0xFFFFFFB0];
	v31 =	vmax.f32 v31, v48  }
0x5b1: {  	v54 =	vld [tilespmem:s22+$0xFFFFFFC0];
	v31 =	vmax.f32 v31, v49  }
0x5b2: {  	v55 =	vld [tilespmem:s22+$0xFFFFFFD0];
	v31 =	vmax.f32 v31, v50  }
0x5b3: {  	v56 =	vld [tilespmem:s22+$0xFFFFFFE0];
	v31 =	vmax.f32 v31, v51  }
0x5b4: {  	v57 =	vld [tilespmem:s23+$0x180];
	v31 =	vmax.f32 v31, v52  }
0x5b5: {  	v58 =	vld [tilespmem:s22+$0x0];
	v31 =	vmax.f32 v31, v53  }
0x5b6: {  	v59 =	vld [tilespmem:s22+$0x10];
	v31 =	vmax.f32 v31, v54  }
0x5b7: {  	v60 =	vld [tilespmem:s22+$0x20];
	v31 =	vmax.f32 v31, v55  }
0x5b8: {  	v61 =	vld [tilespmem:s22+$0x30];
	v31 =	vmax.f32 v31, v56  }
0x5b9: {  	v62 =	vld [tilespmem:s22+$0x40];
	v31 =	vmax.f32 v31, v57  }
0x5ba: {  	v63 =	vld [tilespmem:s22+$0x50];
	v31 =	vmax.f32 v31, v58  }
0x5bb: {  	v38 =	vld [tilespmem:s22+$0x60];
	v31 =	vmax.f32 v31, v59  }
0x5bc: {  	v39 =	vld [tilespmem:s23+$0x200];
	v31 =	vmax.f32 v31, v60  }
0x5bd: {  	v40 =	vld [tilespmem:s22+$0x80];
	v31 =	vmax.f32 v31, v61  }
0x5be: {  	v29 =	vmax.f32 v30, v29;
	v42 =	vld [tilespmem:s22+$0x90];
	v41 =	vmax.f32 v31, v62  }
0x5bf: {  	s21 =	sadd.s32 $0x10, s21;
	v28 =	vmax.f32 v29, v28;
	v44 =	vld [tilespmem:s22+$0xA0];
	v43 =	vmax.f32 v41, v63  }
0x5c0: {  	v27 =	vmax.f32 v28, v27;
	v45 =	vor.u32 s21, v0;
	v46 =	vld [tilespmem:s22+$0xB0];
	v29 =	vmax.f32 v43, v38  }
0x5c1: {  	(xrf1) =	vsort.ascd.msk.f32 $0xffff, v27, v45;
	v47 =	vld [tilespmem:s22+$0xC0];
	v27 =	vmax.f32 v29, v39  }
0x5c2: {  	v48 =	vld [tilespmem:s22+$0xD0];
	v27 =	vmax.f32 v27, v40  }
0x5c3: {  	v49 =	vld [tilespmem:s22+$0xE0];
	v27 =	vmax.f32 v27, v42  }
0x5c4: {  	v50 =	vld [tilespmem:s23+$0x280];
	v27 =	vmax.f32 v27, v44  }
0x5c5: {  	v51 =	vld [tilespmem:s22+$0x100];
	v27 =	vmax.f32 v27, v46  }
0x5c6: {  	v52 =	vld [tilespmem:s22+$0x110];
	v27 =	vmax.f32 v27, v47  }
0x5c7: {  	v53 =	vld [tilespmem:s22+$0x120];
	v27 =	vmax.f32 v27, v48  }
0x5c8: {  	v54 =	vld [tilespmem:s22+$0x130];
	v27 =	vmax.f32 v27, v49  }
0x5c9: {  	v55 =	vld [tilespmem:s22+$0x140];
	v27 =	vmax.f32 v27, v50  }
0x5ca: {  	v56 =	vld [tilespmem:s22+$0x150];
	v27 =	vmax.f32 v27, v51  }
0x5cb: {  	v57 =	vld [tilespmem:s22+$0x160];
	v27 =	vmax.f32 v27, v52  }
0x5cc: {  	v58 =	vld [tilespmem:s23+$0x300];
	v27 =	vmax.f32 v27, v53  }
0x5cd: {  	v59 =	vld [tilespmem:s22+$0x180];
	v27 =	vmax.f32 v27, v54  }
0x5ce: {  	v27 =	vmax.f32 v27, v55  }
0x5cf: {  	v61, v60, _ =	vpop (xrf1);
	v27 =	vmax.f32 v27, v56  }
0x5d0: {  	vm11 =	vge.f32 v26, v61;
	v27 =	vmax.f32 v27, v57  }
0x5d1: {  	s21 =	sadd.s32 $0x10, s21;
	v26 =	vsel vm11, v26, v61;
	v25 =	vsel vm11, v25, v60;
	v27 =	vmax.f32 v27, v58  }
0x5d2: {  	(xrf1) =	vsort.dscd.msk.f32 $0xffff, v26, v25;
	v26 =	vor.u32 s21, v0;
	v25 =	vmax.f32 v27, v59  }
0x5d3: {  	(xrf1) =	vsort.ascd.msk.f32 $0xffff, v25, v26;
	_ =	sdelay $0xc  }
0x5d4: {  	v25, v26, _ =	vpop (xrf1)  }
0x5d5: {  	v27, v62, _ =	vpop (xrf1)  }
0x5d6: {  	vm11 =	vge.f32 v25, v27  }
0x5d7: {  	v25 =	vsel vm11, v25, v27;
	v26 =	vsel vm11, v26, v62  }
0x5d8: {  	(xrf1) =	vsort.dscd.msk.f32 $0xffff, v25, v26;
	_ =	sdelay $0xd  }
0x5d9: {  	v25, v26, _ =	vpop (xrf1)  }
0x5da: {  	v25 =	vshrl.u32 v26, $0x4  }
0x5db: {  	v25 =	vmul.u32 $0x320, v25  }
0x5dc: {  	v26 =	vand.u32 $0xF, v26  }
0x5dd: {  	s29 =	simm.s32 $0x0;
	v25 =	vor.u32 v26, v25  }
0x5de: {  	v26 =	vadd.s32 s29, v25;
	_ =	sdelay $0x4  }
0x5df: {  	v26 =	vld.idx.msk [tilespmem:v26+s3+$0x0], $0xffff;
	_ =	sdelay $0x4  }
0x5e0: {  	(xrf1) =	vsort.ascd.msk.f32 $0xffff, v26, v26;
	_ =	sdelay $0x6  }
0x5e1: {  	s30 =	simm.s32 $0x10  }
0x5e2: {  	v26 =	vadd.s32 s30, v25;
	_ =	sdelay $0x4  }
0x5e3: {  	v26 =	vld.idx.msk [tilespmem:v26+s3+$0x0], $0xffff  }
0x5e4: {  	v27 =	vimm.f32 $-Inf;
	v63, _, _ =	vpop (xrf1)  }
0x5e5: {  	v27 =	vmax.f32 v27, v63  }
0x5e6: {  	(xrf1) =	vsort.ascd.msk.f32 $0xffff, v27, v27;
	_ =	sdelay $0x1  }
0x5e7: {  	(xrf1) =	vsort.ascd.msk.f32 $0xffff, v26, v26;
	_ =	sdelay $0x5  }
0x5e8: {  	s31 =	simm.s32 $0x20  }
0x5e9: {  	s21 =	simm.s32 $0x30;
	v26 =	vadd.s32 s31, v25  }
.LBB2_22:
0x5ea: {  	p0 =	sne.s32 s21, $0x310;
	_ =	sdelay $0x3  }
0x5eb: {  	v26 =	vld.idx.msk [tilespmem:v26+s3+$0x0], $0xffff;
	v27, _, _ =	vpop (xrf1)  }
0x5ec: {  	v27 =	vperm.xlane v27, v5  }
0x5ed: {  	v28, _, _ =	vpop (xrf1)  }
0x5ee: {  	v27 =	vmax.f32 v27, v28  }
0x5ef: {  	(xrf1) =	vsort.ascd.msk.f32 $0xffff, v27, v27;
	_ =	sdelay $0x1  }
0x5f0: {  	(xrf1) =	vsort.ascd.msk.f32 $0xffff, v26, v26;
	_ =	sdelay $0x2  }
.Ltmp10:
0x5f1: {  	(pc) =	sbr.rel @p0 .LBB2_22-.Ltmp10, $2  }
0x5f2: {  	_ =	sdelay $0x2  }
0x5f3: {  	v26 =	vadd.s32 s21, v25;
	s21 =	sadd.s32 $0x10, s21  }
0x5f4: {  	_ =	sdelay $0x3  }
0x5f5: {  	v25, _, _ =	vpop (xrf1)  }
0x5f6: {  	v26 =	vld.idx.msk [tilespmem:v26+s3+$0x0], $0xffff;
	v25 =	vperm.xlane v25, v5  }
0x5f7: {  	v27, _, _ =	vpop (xrf1)  }
0x5f8: {  	v25 =	vmax.f32 v25, v27  }
0x5f9: {  	(xrf1) =	vsort.ascd.msk.f32 $0xffff, v25, v25;
	_ =	sdelay $0x1  }
0x5fa: {  	(xrf1) =	vsort.ascd.msk.f32 $0xffff, v26, v26;
	_ =	sdelay $0xb  }
0x5fb: {  	v25, _, _ =	vpop (xrf1)  }
0x5fc: {  	v25 =	vperm.xlane v25, v5  }
0x5fd: {  	v26, _, _ =	vpop (xrf1)  }
0x5fe: {  	v25 =	vmax.f32 v25, v26  }
0x5ff: {  	(xrf1) =	vsort.ascd.msk.f32 $0xffff, v25, v25;
	_ =	sdelay $0xd  }
0x600: {  	v25, _, _ =	vpop (xrf1)  }
0x601: {  	v25 =	vperm.xlane v25, v5;
	_ =	sdelay $0x1  }
0x602: {  	(xrf0) =	vmax.scan.msk.f32 $0xffff, v25;
	v26 =	vnsel vm0, $0xFF800000, v25  }
0x603: {  	(xrf0) =	vmax.scan.msk.f32 $0xffff, v26  }
0x604: {  	v26 =	vsel vm1, $0xFF800000, v25  }
0x605: {  	(xrf0) =	vmax.scan.msk.f32 $0xffff, v26;
	v26 =	vsel vm2, $0xFF800000, v25;
	_ =	sdelay $0x1  }
0x606: {  	v27 =	vld.idx.msk [tilespmem:v7+s16+$0x0], $0xffff;
	(xrf0) =	vmax.scan.msk.f32 $0xffff, v26  }
0x607: {  	v28 =	vld.idx.msk [tilespmem:v6+s16+$0x0], $0xffff;
	v29 =	vsel vm3, $0xFF800000, v25;
	v26, _, _ =	vpop (xrf0)  }
0x608: {  	v31 =	vld.idx.msk [tilespmem:v8+s16+$0x0], $0xffff;
	(xrf0) =	vmax.scan.msk.f32 $0xffff, v29;
	v30, _, _ =	vpop (xrf0)  }
0x609: {  	v29 =	vbroadcast v30, $0xF  }
0x60a: {  	v32 =	vld.idx.msk [tilespmem:v9+s16+$0x0], $0xffff;
	v30, _, _ =	vpop (xrf0)  }
0x60b: {  	v27 =	vmul.f32 v27, v29;
	v29 =	vbroadcast v30, $0xF  }
0x60c: {  	v33 =	vsel vm4, $0xFF800000, v25;
	v30, _, _ =	vpop (xrf0)  }
0x60d: {  	v43 =	vld.idx.msk [tilespmem:v10+s16+$0x0], $0xffff;
	(xrf0) =	vmax.scan.msk.f32 $0xffff, v33;
	v27 =	vadd.f32 v27, v28;
	v28 =	vmul.f32 v31, v29;
	v29 =	vbroadcast v30, $0xF  }
0x60e: {  	v34 =	vsel vm5, $0xFF800000, v25;
	v30, _, _ =	vpop (xrf0)  }
0x60f: {  	v27 =	vadd.f32 v28, v27;
	v28 =	vmul.f32 v32, v29;
	v29 =	vbroadcast v30, $0xF  }
0x610: {  	(xrf0) =	vmax.scan.msk.f32 $0xffff, v34  }
0x611: {  	v31 =	vsel vm6, $0xFF800000, v25;
	v30 =	vld.idx.msk [tilespmem:v11+s16+$0x0], $0xffff  }
0x612: {  	(xrf0) =	vmax.scan.msk.f32 $0xffff, v31;
	v27 =	vadd.f32 v28, v27;
	v28 =	vmul.f32 v43, v29  }
0x613: {  	v31 =	vsel vm7, $0xFF800000, v25;
	v29, _, _ =	vpop (xrf0)  }
0x614: {  	v44 =	vld.idx.msk [tilespmem:v12+s16+$0x0], $0xffff;
	(xrf0) =	vmax.scan.msk.f32 $0xffff, v31;
	v29 =	vbroadcast v29, $0xF  }
0x615: {  	v31 =	vsel vm8, $0xFF800000, v25  }
0x616: {  	v45 =	vld.idx.msk [tilespmem:v13+s16+$0x0], $0xffff;
	v27 =	vadd.f32 v28, v27;
	v28, _, _ =	vpop (xrf0);
	(xrf0) =	vmax.scan.msk.f32 $0xffff, v31;
	v29 =	vmul.f32 v30, v29  }
0x617: {  	v25 =	vsel vm9, $0xFF800000, v25;
	v28 =	vbroadcast v28, $0xF  }
0x618: {  	v31 =	vld.idx.msk [tilespmem:v14+s16+$0x0], $0xffff;
	v30, _, _ =	vpop (xrf0);
	(xrf0) =	vmax.scan.msk.f32 $0xffff, v25  }
0x619: {  	v25 =	vadd.f32 v29, v27;
	v27 =	vmul.f32 v44, v28;
	v28 =	vbroadcast v30, $0xF  }
0x61a: {  	v30 =	vld.idx.msk [tilespmem:v15+s16+$0x0], $0xffff;
	v29, _, _ =	vpop (xrf0)  }
0x61b: {  	v25 =	vadd.f32 v27, v25;
	v27 =	vmul.f32 v45, v28;
	v28 =	vbroadcast v29, $0xF  }
0x61c: {  	v46 =	vld.idx.msk [tilespmem:v16+s16+$0x0], $0xffff;
	v29, _, _ =	vpop (xrf0)  }
0x61d: {  	v25 =	vadd.f32 v27, v25;
	v27 =	vmul.f32 v31, v28;
	v28 =	vbroadcast v29, $0xF  }
0x61e: {  	v29, _, _ =	vpop (xrf0)  }
0x61f: {  	v25 =	vadd.f32 v27, v25;
	v27 =	vmul.f32 v30, v28;
	v28 =	vbroadcast v29, $0xF;
	_ =	sdelay $0x1  }
0x620: {  	v25 =	vadd.f32 v27, v25;
	v27 =	vmul.f32 v46, v28;
	_ =	sdelay $0x1  }
0x621: {  	v25 =	vadd.f32 v27, v25;
	_ =	sdelay $0x1  }
0x622: {  	v25 =	vnsel vm10, $0x0, v25  }
0x623: {  	v25 =	vmax.f32 v25, $0.0e+00  }
0x624: {  	v27 =	vnsel vm0, $0xFF800000, v25  }
0x625: {  	(xrf0) =	vmax.scan.msk.f32 $0xffff, v27;
	_ =	sdelay $0x1  }
0x626: {  	v27 =	vsel vm1, $0xFF800000, v25  }
0x627: {  	(xrf0) =	vmax.scan.msk.f32 $0xffff, v27  }
0x628: {  	v27 =	vsel vm2, $0xFF800000, v25  }
0x629: {  	v28 =	vld.idx.msk [tilespmem:v18+s16+$0x0], $0xffff;
	(xrf0) =	vmax.scan.msk.f32 $0xffff, v27  }
0x62a: {  	v31 =	vld.idx.msk [tilespmem:v19+s16+$0x0], $0xffff;
	v29 =	vsel vm3, $0xFF800000, v25;
	v30, _, _ =	vpop (xrf0)  }
0x62b: {  	v27 =	vld.idx.msk [tilespmem:v17+s16+$0x0], $0xffff;
	(xrf0) =	vmax.scan.msk.f32 $0xffff, v29;
	v29 =	vbroadcast v30, $0xF  }
0x62c: {  	v25 =	vsel vm4, $0xFF800000, v25  }
0x62d: {  	v47 =	vld.idx.msk [tilespmem:v20+s16+$0x0], $0xffff;
	v30, _, _ =	vpop (xrf0);
	(xrf0) =	vmax.scan.msk.f32 $0xffff, v25  }
0x62e: {  	v25 =	vmul.f32 v29, v28;
	v28 =	vbroadcast v30, $0xF  }
0x62f: {  	v30 =	vld.idx.msk [tilespmem:v21+s16+$0x0], $0xffff;
	v29, _, _ =	vpop (xrf0)  }
0x630: {  	v25 =	vadd.f32 v25, v27;
	v27 =	vmul.f32 v28, v31;
	v28 =	vbroadcast v29, $0xF  }
0x631: {  	v31 =	vld.idx.msk [tilespmem:v22+s16+$0x0], $0xffff;
	v29, _, _ =	vpop (xrf0)  }
0x632: {  	v25 =	vadd.f32 v25, v27;
	v27 =	vmul.f32 v28, v47;
	v28 =	vbroadcast v29, $0xF  }
0x633: {  	v29, _, _ =	vpop (xrf0)  }
0x634: {  	v25 =	vadd.f32 v25, v27;
	v27 =	vmul.f32 v28, v30;
	v28 =	vbroadcast v29, $0xF;
	_ =	sdelay $0x1  }
0x635: {  	v25 =	vadd.f32 v25, v27;
	v27 =	vmul.f32 v28, v31  }
0x636: {  	v28 =	vld.idx.msk [tilespmem:v23+s16+$0x0], $0xffff  }
0x637: {  	v25 =	vadd.f32 v25, v27;
	_ =	sdelay $0x1  }
0x638: {  	v25 =	vnsel vm10, $0x0, v25  }
0x639: {  	v25 =	vmax.f32 v25, $0.0e+00  }
0x63a: {  	v25 =	vmul.f32 v25, v28;
	_ =	sdelay $0x1  }
0x63b: {  	v25 =	vnsel vm10, $0x0, v25  }
0x63c: {  	(xrf2) =	vadd.scan.msk.f32 $0xffff, v25;
	_ =	sdelay $0x7  }
0x63d: {  	v25 =	vld.idx.msk [tilespmem:v24+s16+$0x0], $0xffff;
	_ =	sdelay $0x1  }
0x63e: {  	v27, _, _ =	vpop (xrf2)  }
0x63f: {  	v27 =	vbroadcast v27, $0xF;
	_ =	sdelay $0x1  }
0x640: {  	v25 =	vadd.f32 v27, v25;
	_ =	sdelay $0x1  }
0x641: {  	v25 =	vand.u32 $0x7FFFFFFF, v25  }
0x642: {  	s21 =	simm.s32 $0x0;
	v25 =	vmax.f32 v25, $9.999999930e-09  }
0x643: {  	s23 =	sand.u32 $0x3FFE0, s21;
	v25 =	vmin.f32 v25, $1.000000000e+08  }
0x644: {  	s22 =	simm.s32 $0x50;
	v48 =	vld [tilespmem:s23+$0x80];
	(erf) = vrcp.f32 v25  }
0x645: {  	v29 =	vld [tilespmem:s22+$0x20]  }
0x646: {  	v28 =	vld [tilespmem:s22+$0x10]  }
0x647: {  	v27 =	vld [tilespmem:s22+$0xFFFFFFC0]  }
0x648: {  	v31 =	vld [tilespmem:s22+$0xFFFFFFE0]  }
0x649: {  	v30 =	vld [tilespmem:s22+$0xFFFFFFD0]  }
0x64a: {  	v49 =	vld [tilespmem:s22+$0xFFFFFFB0];
	v25 =	vbroadcast v26, $0xF  }
0x64b: {  	v35 =	vld [tilespmem:s22+$0xFFFFFFF0]  }
0x64c: {  	v27 =	vsub.f32 v27, v25;
	v28 =	vsub.f32 v28, v25  }
0x64d: {  	v29 =	vsub.f32 v29, v25;
	v31 =	vsub.f32 v31, v25;
	v26 =	vpop (erf)  }
0x64e: {  	v32 =	vsub.f32 v48, v25;
	v30 =	vsub.f32 v30, v25;
	v27 =	vmul.f32 v27, v26  }
0x64f: {  	v33 =	vsub.f32 v49, v25;
	v28 =	vmul.f32 v28, v26;
	v29 =	vmul.f32 v29, v26  }
0x650: {  	v50 =	vld [tilespmem:s22+$0x0];
	v51 =	vsub.f32 v35, v25;
	v31 =	vmul.f32 v31, v26;
	v32 =	vmul.f32 v32, v26  }
0x651: {  	s30 =	simm.s32 $0xF0;
	v36 =	vld [tilespmem:s22+$0x40];
	v30 =	vmul.f32 v30, v26;
	v33 =	vmul.f32 v33, v26  }
0x652: {  	v57 =	vld [tilespmem:s30+$0xFFFFFFD0];
	v34 =	vmul.f32 v51, v26;
	v27 =	vmul.f32 $1.442695020e+00, v27  }
0x653: {  	v40 =	vld [tilespmem:s30+$0x0];
	v32 =	vmul.f32 $1.442695020e+00, v32;
	v33 =	vmul.f32 $1.442695020e+00, v33  }
0x654: {  	v37 =	vld [tilespmem:s30+$0x10];
	v30 =	vmul.f32 $1.442695020e+00, v30;
	(erf) = vpow2.f32 v27  }
0x655: {  	v34 =	vmul.f32 $1.442695020e+00, v34;
	v27 =	vsub.f32 v50, v25;
	(erf) = vpow2.f32 v33  }
0x656: {  	v36 =	vsub.f32 v36, v25;
	v31 =	vmul.f32 $1.442695020e+00, v31;
	(erf) = vpow2.f32 v30  }
0x657: {  	v52 =	vld [tilespmem:s30+$0xFFFFFFC0];
	v35 =	vsub.f32 v57, v25;
	v27 =	vmul.f32 v27, v26;
	(erf) = vpow2.f32 v34  }
0x658: {  	v54 =	vld [tilespmem:s30+$0xFFFFFFE0];
	v41 =	vsub.f32 v40, v25;
	v30 =	vmul.f32 v36, v26;
	(erf) = vpow2.f32 v32  }
0x659: {  	v39 =	vld.idx.msk [tilespmem:v4+s14+$0x0], $0xffff;
	s31 =	simm.s32 $0xA0;
	v27 =	vmul.f32 $1.442695020e+00, v27;
	(erf) = vpow2.f32 v31;
	v31 =	vsub.f32 v37, v25  }
0x65a: {  	v53 =	vld [tilespmem:s30+$0x20];
	s23 =	sand.u32 $0x3FFE0, s31;
	v35 =	vmul.f32 v35, v26;
	v30 =	vmul.f32 $1.442695020e+00, v30  }
0x65b: {  	v56 =	vld [tilespmem:s23+$0x80];
	v41 =	vmul.f32 v41, v26;
	(erf) = vpow2.f32 v27  }
0x65c: {  	v55 =	vmul.f32 $1.442695020e+00, v28;
	v28 =	vsub.f32 v52, v25;
	v27 =	vld [tilespmem:s30+$0xFFFFFFB0];
	(erf) = vpow2.f32 v30  }
0x65d: {  	v59 =	vsub.f32 v54, v25;
	v58 =	vmul.f32 $1.442695020e+00, v29;
	v30 =	vmul.f32 v31, v26;
	v31 =	vpop (erf)  }
0x65e: {  	v60 =	vld [tilespmem:s30+$0xFFFFFFF0];
	v38 =	vmul.f32 v28, v26;
	v28 =	vimm.f32 $0.0e+00;
	(erf) = vpow2.f32 v55;
	v62 =	vpop (erf)  }
0x65f: {  	v29 =	vsub.f32 v53, v25;
	(erf) = vpow2.f32 v58;
	v37 =	vadd.f32 v62, v28;
	v42 =	vpop (erf)  }
0x660: {  	v40 =	vmul.f32 $1.442695020e+00, v35;
	v61 =	vmul.f32 $1.442695020e+00, v38;
	v32 =	vsub.f32 v56, v25;
	v63 =	vpop (erf)  }
0x661: {  	v29 =	vmul.f32 v29, v26;
	v27 =	vsub.f32 v27, v25;
	v37 =	vadd.f32 v63, v37  }
0x662: {  	v36 =	vld [tilespmem:s30+$0x40];
	v32 =	vmul.f32 v32, v26;
	(erf) = vpow2.f32 v61;
	v44 =	vpop (erf)  }
0x663: {  	v45 =	vsub.f32 v60, v25;
	v33 =	vmul.f32 v59, v26;
	v43 =	vmul.f32 v27, v26;
	v38 =	vpop (erf)  }
0x664: {  	v34 =	vmul.f32 $1.442695020e+00, v32;
	v31 =	vadd.f32 v31, v28;
	v35 =	vadd.f32 v42, v28;
	v27 =	vld.idx.msk [tilespmem:v39+s21+$0x0], $0xffff;
	v39 =	vpop (erf)  }
0x665: {  	s23 =	simm.s32 $0x140;
	s21 =	simm.s32 $0x190;
	v42 =	vmul.f32 $1.442695020e+00, v43;
	v43 =	vmul.f32 v45, v26;
	v32 =	vadd.f32 v44, v37;
	v37 =	vpop (erf)  }
.LBB2_24:
0x666: {  	s22 =	smov.u32 s23  }
0x667: {  	v44 =	vld [tilespmem:s21+$0xFFFFFFC0];
	s24 =	sand.u32 $0x3FFE0, s23;
	v41 =	vmul.f32 $1.442695020e+00, v41;
	v36 =	vsub.f32 v36, v25;
	v28 =	vadd.f32 v38, v28;
	v38 =	vpop (erf);
	s22 =	sadd.s32 $0xA0, s23  }
0x668: {  	p0 =	sne.s32 s23, $0x18600;
	v31 =	vadd.f32 v39, v31;
	v46 =	vmul.f32 $1.442695020e+00, v43;
	v45 =	vld [tilespmem:s21+$0x10];
	(erf) = vpow2.f32 v42;
	v39 =	vpop (erf)  }
0x669: {  	v33 =	vmul.f32 $1.442695020e+00, v33;
	v35 =	vadd.f32 v38, v35;
	v42 =	vld [tilespmem:s21+$0x20];
	(erf) = vpow2.f32 v40  }
0x66a: {  	v36 =	vmul.f32 v36, v26;
	v28 =	vadd.f32 v39, v28;
	v38 =	vld [tilespmem:s21+$0xFFFFFFD0];
	(erf) = vpow2.f32 v46  }
0x66b: {  	v31 =	vadd.f32 v37, v31;
	v40 =	vmul.f32 $1.442695020e+00, v30;
	v39 =	vld [tilespmem:s21+$0xFFFFFFE0];
	v43 =	vpop (erf);
	(erf) = vpow2.f32 v34  }
0x66c: {  	v37 =	vmul.f32 $1.442695020e+00, v36;
	v30 =	vsub.f32 v44, v25;
	v34 =	vld [tilespmem:s24+$0x80];
	(erf) = vpow2.f32 v33  }
0x66d: {  	v44 =	vmul.f32 $1.442695020e+00, v29;
	v33 =	vsub.f32 v45, v25;
	v36 =	vld [tilespmem:s21+$0x40];
	(erf) = vpow2.f32 v41  }
0x66e: {  	v45 =	vmul.f32 v30, v26;
	v41 =	vld [tilespmem:s21+$0xFFFFFFB0];
	v29 =	vsub.f32 v42, v25;
	(erf) = vpow2.f32 v37  }
0x66f: {  	v37 =	vld [tilespmem:s21+$0x0];
	v30 =	vmul.f32 v33, v26;
	(erf) = vpow2.f32 v40  }
0x670: {  	v33 =	vsub.f32 v39, v25;
	v39 =	vld [tilespmem:s21+$0xFFFFFFF0];
	v29 =	vmul.f32 v29, v26;
	(erf) = vpow2.f32 v44  }
0x671: {  	v31 =	vadd.f32 v43, v31;
	v45 =	vmul.f32 $1.442695020e+00, v45;
	v34 =	vsub.f32 v34, v25;
	v42 =	vpop (erf)  }
0x672: {  	v47 =	vsub.f32 v38, v25;
	v33 =	vmul.f32 v33, v26;
	v32 =	vadd.f32 v42, v32;
	v42 =	vpop (erf)  }
.Ltmp11:
0x673: {  	v41 =	vsub.f32 v41, v25;
	v34 =	vmul.f32 v34, v26;
	(erf) = vpow2.f32 v45;
	v40 =	vpop (erf);
	(pc) =	sbr.rel @p0 .LBB2_24-.Ltmp11, $4  }
0x674: {  	v43 =	vmul.f32 v47, v26;
	v47 =	vsub.f32 v37, v25;
	v32 =	vadd.f32 v40, v32;
	v44 =	vpop (erf)  }
0x675: {  	v45 =	vmul.f32 v41, v26;
	v46 =	vsub.f32 v39, v25;
	v34 =	vmul.f32 $1.442695020e+00, v34;
	v38 =	vpop (erf)  }
0x676: {  	v35 =	vadd.f32 v42, v35;
	v40 =	vmul.f32 $1.442695020e+00, v43;
	v41 =	vmul.f32 v47, v26;
	v39 =	vpop (erf)  }
0x677: {  	s23 =	smov.u32 s22;
	s21 =	sadd.s32 $0xA0, s21;
	v32 =	vadd.f32 v44, v32;
	v42 =	vmul.f32 $1.442695020e+00, v45;
	v43 =	vmul.f32 v46, v26;
	v37 =	vpop (erf)  }
0x678: {  	_ = 	snop  }
0x679: {  	v36 =	vsub.f32 v36, v25;
	v43 =	vmul.f32 $1.442695020e+00, v43;
	(erf) = vpow2.f32 v42  }
0x67a: {  	v33 =	vmul.f32 $1.442695020e+00, v33;
	(erf) = vpow2.f32 v40  }
0x67b: {  	v36 =	vmul.f32 v36, v26;
	(erf) = vpow2.f32 v43  }
0x67c: {  	v50 =	vmul.f32 $1.442695020e+00, v41;
	(erf) = vpow2.f32 v34  }
0x67d: {  	v51 =	vmul.f32 $1.442695020e+00, v36;
	(erf) = vpow2.f32 v33  }
0x67e: {  	v30 =	vmul.f32 $1.442695020e+00, v30;
	(erf) = vpow2.f32 v50  }
0x67f: {  	v52 =	vpop (erf);
	v29 =	vmul.f32 $1.442695020e+00, v29;
	(erf) = vpow2.f32 v51  }
0x680: {  	v53 =	vpop (erf);
	(erf) = vpow2.f32 v30  }
0x681: {  	v54 =	vpop (erf);
	(erf) = vpow2.f32 v29  }
0x682: {  	v55 =	vpop (erf)  }
0x683: {  	v31 =	vadd.f32 v39, v31;
	v56 =	vpop (erf)  }
0x684: {  	v57 =	vpop (erf)  }
0x685: {  	v28 =	vadd.f32 v38, v28;
	v31 =	vadd.f32 v37, v31;
	v58 =	vpop (erf)  }
0x686: {  	v33 =	vadd.f32 v52, v35;
	v29 =	vadd.f32 v55, v32;
	v59 =	vpop (erf)  }
0x687: {  	v28 =	vadd.f32 v53, v28;
	v30 =	vadd.f32 v54, v31;
	v60 =	vpop (erf)  }
0x688: {  	v33 =	vadd.f32 v56, v33;
	v29 =	vadd.f32 v57, v29;
	v61 =	vpop (erf)  }
0x689: {  	v28 =	vadd.f32 v59, v28;
	v30 =	vadd.f32 v60, v30;
	v62 =	vpop (erf)  }
0x68a: {  	v29 =	vadd.f32 v58, v29;
	v63 =	vpop (erf);
	v32 =	vadd.f32 v62, v33  }
0x68b: {  	v30 =	vadd.f32 v61, v30;
	v28 =	vadd.f32 v63, v28;
	_ =	sdelay $0x1  }
0x68c: {  	v29 =	vadd.f32 v30, v29;
	v28 =	vadd.f32 v28, v32;
	_ =	sdelay $0x1  }
0x68d: {  	v28 =	vadd.f32 v28, v29;
	_ =	sdelay $0x1  }
0x68e: {  	(xrf2) =	vadd.scan.msk.f32 $0xffff, v28;
	_ =	sdelay $0x5  }
0x68f: {  	v25 =	vsub.f32 v27, v25;
	_ =	sdelay $0x1  }
0x690: {  	v25 =	vmul.f32 v26, v25;
	_ =	sdelay $0x1  }
0x691: {  	v25 =	vmul.f32 $1.442695020e+00, v25;
	v26, _, _ =	vpop (xrf2)  }
0x692: {  	v26 =	vbroadcast v26, $0xF  }
0x693: {  	(erf) = vpow2.f32 v25  }
0x694: {  	(erf) = vrcp.f32 v26;
	_ =	sdelay $0x7  }
0x695: {  	v25 =	vpop (erf)  }
0x696: {  	v26 =	vpop (erf)  }
0x697: {  	v25 =	vmul.f32 v26, v25  }
0x698: {  	s20 =	sadd.s32 $0x1, s20  }
0x699: {  	p0 =	sne.s32 s20, s13;
	v25 =	vnsel vm0, $0x0, v25  }
.Ltmp12:
0x69a: {  	[tilespmem:$0x18780] =	vst v25;
	(pc) =	sbr.rel @p0 .LBB2_1-.Ltmp12, $4  }
0x69b: {  	[hbm4b:s12+s3] =	stream.linear.scatter [tilespmem:s19], [sflag:$0x1], $0x80, $0x38;
	[tilespmem:$0x18880] =	vst v63  }
0x69c: {  	_ =	swait.ge [sflag:s15], $0x80  }
0x69d: {  	[sflag:s15] =	ssyncset.done $0x0  }
0x69e: {  	[sflag:s15] =	ssyncadd.s32 $0xFFFFFF80  }
0x69f: {  	_ =	sfence.sel $0x180000  }
0x6a0: {  	[bflag:$0x0] =	sbarrier.arrive $0xFFFF  }
0x6a1: {  	p0 =	sne.s32 s0, $0x0;
	_ =	strace $0x90000047  }
0x6a2: {  	s0 =	sadd.s32 @!p0 $0x100000, s1;
	[bflag:$0x2] =	sbarrier.arrive $0xFFFF  }
0x6a3: {  	[sflag:s0] =	ssyncadd.tile.s32 @!p0 $0x1;
	_ =	shalt  }
.Lfunc_end2:
_tile_overlayer_lowered:
.L_overlay_start_2:
0x6a4: {  	(tag) =	ssettag $0x2  }
0x6a5: {  	s0 =	rddreg [dreg:$0x0];
	s2 =	stileid.u32  }
0x6a6: {  	s1 =	rddreg [dreg:$0x1];
	p0 =	sne.s32 s2, $0x0  }
0x6a7: {  	s3 =	rddreg [dreg:$0x2];
	[bflag:$0x3] =	sbarrier.arrive $0xFFFF;
	s2 =	simm.s32 @!p0 $0x1C01  }
0x6a8: {  	[timem:s3], [sflag:s2] =	dma.local @!p0 [hbm:s0], s1  }
0x6a9: {  	s0 =	simm.s32 @!p0 $0x1  }
0x6aa: {  	_ =	swait.ge @!p0 [sflag:s0], s1  }
0x6ab: {  	s1 =	ssub.s32 @!p0 $0x0, s1;
	[sflag:s0] =	ssyncset.done @!p0 $0x0  }
0x6ac: {  	[sflag:s0] =	ssyncadd.s32 @!p0 s1  }
0x6ad: {  	[bflag:$0x3] =	sbarrier.arrive $0xFFFF  }
0x6ae: {  	_ =	shalt  }

</sc_bundles>
